<compile_context>
chip_gen: v7x
topology: tpu7x:2x2x1
jax: 0.10.2.dev20260603
libtpu: 0.0.44.dev20260713+nightly
codegen_flags: <defaults>
</compile_context>

<pallas_src>
import functools

import jax
import jax.numpy as jnp
from jax import lax
from jax.experimental import pallas as pl
from jax.experimental.pallas import tpu as pltpu
from jax.experimental.pallas import tpu_sc as plsc

_NC = 2
_NS = 16
_NW = _NC * _NS
_CH = 128
_NBUF = 8


def _sc_mesh():
    return plsc.VectorSubcoreMesh(
        core_axis_name="c", subcore_axis_name="s",
        num_cores=_NC, num_subcores=_NS)


def _make_deg_kernel(nrows, k):
    rpt = nrows // _NS

    @functools.partial(
        pl.kernel,
        mesh=_sc_mesh(),
        compiler_params=pltpu.CompilerParams(use_tc_tiling_on_sc=False),
        out_type=jax.ShapeDtypeStruct((_NC, nrows, 16), jnp.float32),
        scratch_types=[
            pltpu.VMEM((k, _CH), jnp.int32),
            pltpu.VMEM((_CH, 16), jnp.float32),
            pltpu.VMEM_SHARED((nrows, 16), jnp.float32),
        ],
    )
    def deg_kernel(dst_hbm, ones_hbm, zeros_hbm, out_hbm, didx, ones_v, acc):
        c = lax.axis_index("c")
        s = lax.axis_index("s")
        w = c * _NS + s
        pltpu.sync_copy(zeros_hbm, acc.at[pl.ds(s * rpt, rpt)])
        pltpu.sync_copy(dst_hbm.at[w], didx)
        pltpu.sync_copy(ones_hbm, ones_v)
        plsc.subcore_barrier()

        def body(j, carry):
            pltpu.sync_copy(ones_v, acc.at[didx.at[j]], add=True)
            return carry

        lax.fori_loop(0, k, body, 0)
        plsc.subcore_barrier()
        pltpu.sync_copy(acc.at[pl.ds(s * rpt, rpt)],
                        out_hbm.at[c, pl.ds(s * rpt, rpt)])

    return deg_kernel


def _edge_phase(htab, acc, sidx, didx, msgs, sems, k):
    nb = len(msgs)
    for b in range(nb):
        pltpu.make_async_copy(htab.at[sidx.at[b]], msgs[b], sems[b]).start()

    def body(t, carry):
        for b in range(nb):
            j = t * nb + b
            pltpu.make_async_copy(
                htab.at[sidx.at[j]], msgs[b], sems[b]).wait()
            pltpu.sync_copy(msgs[b], acc.at[didx.at[j]], add=True)

            @pl.when(j + nb < k)
            def _():
                pltpu.make_async_copy(
                    htab.at[sidx.at[j + nb]], msgs[b], sems[b]).start()
        return carry

    lax.fori_loop(0, k // nb, body, 0)


def _make_edge_kernel(nrows, f, k):
    rpt = nrows // _NS

    @functools.partial(
        pl.kernel,
        mesh=_sc_mesh(),
        compiler_params=pltpu.CompilerParams(use_tc_tiling_on_sc=False),
        out_type=jax.ShapeDtypeStruct((_NC, nrows, f), jnp.float32),
        scratch_types=[
            pltpu.VMEM((k, _CH), jnp.int32),
            pltpu.VMEM((k, _CH), jnp.int32),
            [pltpu.VMEM((_CH, f), jnp.float32) for _ in range(_NBUF)],
            pltpu.VMEM((rpt, f), jnp.float32),
            pltpu.VMEM((rpt // _CH, _CH), jnp.int32),
            pltpu.VMEM_SHARED((nrows, f), jnp.float32),
            pltpu.VMEM_SHARED((nrows, f), jnp.float32),
            [pltpu.SemaphoreType.DMA for _ in range(_NBUF)],
        ],
    )
    def edge_kernel(src_hbm, dst_hbm, h_hbm, zeros_hbm, iota_hbm, out_hbm,
                    sidx, didx, msgs, ubuf, iv, htab, acc, sems):
        c = lax.axis_index("c")
        s = lax.axis_index("s")
        w = c * _NS + s
        slab = pl.ds(s * rpt, rpt)
        pltpu.sync_copy(zeros_hbm, acc.at[slab])
        pltpu.sync_copy(h_hbm.at[slab], ubuf)
        pltpu.sync_copy(src_hbm.at[w], sidx)
        pltpu.sync_copy(dst_hbm.at[w], didx)
        pltpu.sync_copy(iota_hbm.at[pl.ds(s * (rpt // _CH), rpt // _CH)], iv)
        pltpu.sync_copy(ubuf, htab.at[slab])

        @pl.when(c == 0)
        def _():
            for q in range(rpt // _CH):
                pltpu.sync_copy(ubuf.at[pl.ds(q * _CH, _CH)],
                                acc.at[iv.at[q]], add=True)

        plsc.subcore_barrier()
        _edge_phase(htab, acc, sidx, didx, msgs, sems, k)
        plsc.subcore_barrier()
        pltpu.sync_copy(acc.at[slab], out_hbm.at[c, slab])

    return edge_kernel


def _make_edge_kernel_featsplit(nrows, fh, k2):
    rpt = nrows // _NS

    @functools.partial(
        pl.kernel,
        mesh=_sc_mesh(),
        compiler_params=pltpu.CompilerParams(use_tc_tiling_on_sc=False),
        out_type=jax.ShapeDtypeStruct((_NC, nrows, fh), jnp.float32),
        scratch_types=[
            pltpu.VMEM((k2, _CH), jnp.int32),
            pltpu.VMEM((k2, _CH), jnp.int32),
            [pltpu.VMEM((_CH, fh), jnp.float32) for _ in range(_NBUF)],
            pltpu.VMEM_SHARED((nrows, fh), jnp.float32),
            pltpu.VMEM_SHARED((nrows, fh), jnp.float32),
            [pltpu.SemaphoreType.DMA for _ in range(_NBUF)],
        ],
    )
    def edge_kernel(src_hbm, dst_hbm, h2_hbm, zeros_hbm, out_hbm,
                    sidx, didx, msgs, htab, acc, sems):
        c = lax.axis_index("c")
        s = lax.axis_index("s")
        slab = pl.ds(s * rpt, rpt)
        pltpu.sync_copy(zeros_hbm, acc.at[slab])
        pltpu.sync_copy(h2_hbm.at[c, slab], htab.at[slab])
        pltpu.sync_copy(src_hbm.at[s], sidx)
        pltpu.sync_copy(dst_hbm.at[s], didx)
        plsc.subcore_barrier()
        _edge_phase(htab, acc, sidx, didx, msgs, sems, k2)
        plsc.subcore_barrier()
        pltpu.sync_copy(acc.at[slab], out_hbm.at[c, slab])

    return edge_kernel


def _tc_prep(x_pad, w1, degp, n_real, bs=2048):
    nrows = x_pad.shape[0]
    d_in, f = w1.shape
    fh = f // 2

    def body(x_ref, w_ref, degp_ref, s1_ref, dinv_ref):
        deg = degp_ref[0] + degp_ref[1] + 1.0
        rid = (pl.program_id(0) * bs
               + lax.broadcasted_iota(jnp.int32, (bs, 16), 0))
        dinv = jnp.where(rid < n_real, lax.rsqrt(deg), 0.0)
        dinv_ref[...] = dinv
        mm = jnp.dot(x_ref[...], w_ref[...],
                     preferred_element_type=jnp.float32) * dinv[:, :1]
        s1_ref[0] = mm[:, :fh]
        s1_ref[1] = mm[:, fh:]

    return pl.pallas_call(
        body,
        grid=(nrows // bs,),
        in_specs=[
            pl.BlockSpec((bs, d_in), lambda i: (i, 0)),
            pl.BlockSpec((d_in, f), lambda i: (0, 0)),
            pl.BlockSpec((_NC, bs, 16), lambda i: (0, i, 0)),
        ],
        out_specs=[
            pl.BlockSpec((_NC, bs, fh), lambda i: (0, i, 0)),
            pl.BlockSpec((bs, 16), lambda i: (i, 0)),
        ],
        out_shape=[
            jax.ShapeDtypeStruct((_NC, nrows, fh), jnp.float32),
            jax.ShapeDtypeStruct((nrows, 16), jnp.float32),
        ],
    )(x_pad, w1, degp)


def _tc_combine(p, dinv, b_row, w_next, bs=2048, sprev=None):
    _, nrows, fp = p.shape
    feat_split = sprev is not None
    f = 2 * fp if feat_split else fp
    fn = w_next.shape[1]

    def body(*refs):
        if feat_split:
            p_ref, sp_ref, dinv_ref, b_ref, w_ref, out_ref = refs
            tot = (jnp.concatenate([p_ref[0], p_ref[1]], axis=1)
                   + jnp.concatenate([sp_ref[0], sp_ref[1]], axis=1))
        else:
            p_ref, dinv_ref, b_ref, w_ref, out_ref = refs
            tot = p_ref[0] + p_ref[1]
        dv = dinv_ref[...][:, :1]
        h = jnp.maximum(tot * dv + b_ref[...], 0.0)
        mm = jnp.dot(h, w_ref[...], preferred_element_type=jnp.float32)
        out_ref[...] = mm * dv

    specs = [pl.BlockSpec((_NC, bs, fp), lambda i: (0, i, 0))]
    args = [p]
    if feat_split:
        specs.append(pl.BlockSpec((_NC, bs, fp), lambda i: (0, i, 0)))
        args.append(sprev)
    specs += [
        pl.BlockSpec((bs, 16), lambda i: (i, 0)),
        pl.BlockSpec((1, f), lambda i: (0, 0)),
        pl.BlockSpec((f, fn), lambda i: (0, 0)),
    ]
    args += [dinv, b_row, w_next]
    return pl.pallas_call(
        body,
        grid=(nrows // bs,),
        in_specs=specs,
        out_specs=pl.BlockSpec((bs, fn), lambda i: (i, 0)),
        out_shape=jax.ShapeDtypeStruct((nrows, fn), jnp.float32),
    )(*args)


def _tc_final(p, dinv, b_row, bs=2048):
    _, nrows, f = p.shape

    def body(p_ref, dinv_ref, b_ref, out_ref):
        tot = p_ref[0] + p_ref[1]
        dv = dinv_ref[...][:, :1]
        z = tot * dv + b_ref[...]
        z0 = z[:, 0:1]
        z1 = z[:, 1:2]
        m = jnp.maximum(z0, z1)
        lse = m + jnp.log(jnp.exp(z0 - m) + jnp.exp(z1 - m))
        out_ref[...] = jnp.concatenate([z0 - lse, z1 - lse], axis=1)

    return pl.pallas_call(
        body,
        grid=(nrows // bs,),
        in_specs=[
            pl.BlockSpec((_NC, bs, f), lambda i: (0, i, 0)),
            pl.BlockSpec((bs, 16), lambda i: (i, 0)),
            pl.BlockSpec((1, f), lambda i: (0, 0)),
        ],
        out_specs=pl.BlockSpec((bs, 2), lambda i: (i, 0)),
        out_shape=jax.ShapeDtypeStruct((nrows, 2), jnp.float32),
    )(p, dinv, b_row)


def kernel(x, edge_index, W1, b1, W2, b2, W3, b3):
    n, d_in = x.shape
    e = edge_index.shape[1]

    nrows = ((n + 1 + 2047) // 2048) * 2048
    k = -(-e // (_NW * _CH))
    k = -(-k // _NBUF) * _NBUF
    epad = _NW * _CH * k

    srcflat = jnp.concatenate(
        [edge_index[0], jnp.full((epad - e,), n, jnp.int32)])
    dstflat = jnp.concatenate(
        [edge_index[1], jnp.full((epad - e,), n, jnp.int32)])
    srcp = srcflat.reshape(_NW, k, _CH)
    dstp = dstflat.reshape(_NW, k, _CH)
    k2 = 2 * k
    src2 = srcflat.reshape(_NS, k2, _CH)
    dst2 = dstflat.reshape(_NS, k2, _CH)
    x_pad = jnp.pad(x, ((0, nrows - n), (0, 0)))
    w3p = jnp.pad(W3, ((0, 0), (0, 16 - W3.shape[1])))
    b1r = b1.reshape(1, -1)
    b2r = b2.reshape(1, -1)
    b3r = jnp.pad(b3, (0, 16 - b3.shape[0])).reshape(1, 16)

    rpt = nrows // _NS
    ones16 = jnp.ones((_CH, 16), jnp.float32)
    z16 = jnp.zeros((rpt, 16), jnp.float32)
    z32 = jnp.zeros((rpt, 32), jnp.float32)
    iota = jnp.arange(nrows, dtype=jnp.int32).reshape(nrows // _CH, _CH)

    degp = _make_deg_kernel(nrows, k)(dstp, ones16, z16)
    s1s, dinv = _tc_prep(x_pad, W1, degp, n)

    p1 = _make_edge_kernel_featsplit(nrows, 32, k2)(
        src2, dst2, s1s, z32)
    s2 = _tc_combine(p1, dinv, b1r, W2, sprev=s1s)

    p2 = _make_edge_kernel(nrows, 16, k)(srcp, dstp, s2, z16, iota)
    s3 = _tc_combine(p2, dinv, b2r, w3p)

    p3 = _make_edge_kernel(nrows, 16, k)(srcp, dstp, s3, z16, iota)
    out = _tc_final(p3, dinv, b3r)

    return out[:n]

# --- scband reference (transcript-rebuilt; emitter-appended) ---
"""Pipeline reference for scband-gcn-32306744000869 (READ-ONLY COPY).

The authoritative reference and input builder live on the scoring server;
editing this copy changes nothing except your own understanding.
"""

import jax, jax.numpy as jnp
import numpy as np

N = 10000
E = 320000
D_IN = 128


def setup_inputs(seed: int = 0) -> dict:
    key = jax.random.key(seed)
    ks = jax.random.split(key, 8)
    x = jax.random.normal(ks[0], (N, D_IN), dtype=jnp.float32)
    edge_index = jax.random.randint(ks[1], (2, E), 0, N, dtype=jnp.int32)
    W1 = jax.random.normal(ks[2], (D_IN, 64), dtype=jnp.float32) * (1.0 / np.sqrt(D_IN))
    b1 = jnp.zeros((64,), dtype=jnp.float32)
    W2 = jax.random.normal(ks[3], (64, 16), dtype=jnp.float32) * (1.0 / np.sqrt(64))
    b2 = jnp.zeros((16,), dtype=jnp.float32)
    W3 = jax.random.normal(ks[4], (16, 2), dtype=jnp.float32) * (1.0 / np.sqrt(16))
    b3 = jnp.zeros((2,), dtype=jnp.float32)
    return {"x": x, "edge_index": edge_index, "W1": W1, "b1": b1, "W2": W2, "b2": b2, "W3": W3, "b3": b3}


def _gcn_layer(h, src, dst, norm, W, b, num_nodes):
    # GCNConv: x' = D^{-1/2} (A + I) D^{-1/2} X W + b
    h = h @ W
    msg = h[src] * norm[:, None]
    out = jax.ops.segment_sum(msg, dst, num_segments=num_nodes)
    return out + b


def _build_graph(edge_index, num_nodes):
    loop = jnp.arange(num_nodes, dtype=edge_index.dtype)
    src = jnp.concatenate([edge_index[0], loop])
    dst = jnp.concatenate([edge_index[1], loop])
    deg = jax.ops.segment_sum(jnp.ones(src.shape[0], dtype=jnp.float32), dst, num_segments=num_nodes)
    deg_inv_sqrt = jnp.where(deg > 0, jax.lax.rsqrt(jnp.maximum(deg, 1e-12)), 0.0)
    norm = deg_inv_sqrt[src] * deg_inv_sqrt[dst]
    return src, dst, norm


def reference(x, edge_index, W1, b1, W2, b2, W3, b3):
    num_nodes = x.shape[0]
    src, dst, norm = _build_graph(edge_index, num_nodes)
    h = _gcn_layer(x, src, dst, norm, W1, b1, num_nodes)
    h = jax.nn.relu(h)
    h = _gcn_layer(h, src, dst, norm, W2, b2, num_nodes)
    h = jax.nn.relu(h)
    h = _gcn_layer(h, src, dst, norm, W3, b3, num_nodes)
    return jax.nn.log_softmax(h, axis=1)

if __name__ == "__main__":
    import jax
    _d = setup_inputs()
    print(jax.jit(kernel)(*tuple(_d.values())))

</pallas_src>

<mosaic_0001>
#map = affine_map<(d0, d1) -> (0, 0, 0)>
#map1 = affine_map<(d0, d1) -> (0, 0)>
module attributes {stable_mosaic.version = 14 : i64} {
  func.func @deg_kernel(%arg0: i32, %arg1: i32, %arg2: memref<32x80x128xi32, #tpu.memory_space<hbm>>, %arg3: memref<128x16xf32, #tpu.memory_space<hbm>>, %arg4: memref<640x16xf32, #tpu.memory_space<hbm>>, %arg5: memref<2x10240x16xf32, #tpu.memory_space<hbm>>, %arg6: memref<80x128xi32, #tpu.memory_space<vmem>>, %arg7: memref<128x16xf32, #tpu.memory_space<vmem>>, %arg8: memref<10240x16xf32, #tpu.memory_space<vmem_shared>>) attributes {dimension_semantics = [#tpu.dimension_semantics<core_parallel>, #tpu.dimension_semantics<subcore_parallel>], iteration_bounds = array<i64: 2, 16>, scalar_prefetch = 0 : i64, scratch_operands = 3 : i64, tpu.core_type = #tpu.core_type<sc_vector_subcore>, window_params = [{transform_indices = #map}, {transform_indices = #map1}, {transform_indices = #map1}, {transform_indices = #map}]} {
    %mul3A = arith.constant 16 : i32
    %mul3A_0 = arith.muli %arg0, %mul3A : i32
    %add3A = arith.addi %mul3A_0, %arg1 : i32
    %mul3A_1 = arith.constant 640 : i32
    %mul3A_2 = arith.muli %arg1, %mul3A_1 : i32
    "tpu.region"() ({
      %run_scoped3A = tpu.sem_alloc : memref<!tpu.dma_semaphore, #tpu.memory_space<semaphore_mem>>
      %dma_start3A = arith.constant 0 : i32
      %dma_start3A_13 = tpu.memref_slice %arg8[%mul3A_2, %dma_start3A] : memref<10240x16xf32, #tpu.memory_space<vmem_shared>> -> memref<640x16xf32, #tpu.memory_space<vmem_shared>>
      tpu.enqueue_dma source(%arg4 : memref<640x16xf32, #tpu.memory_space<hbm>>) target(%dma_start3A_13 : memref<640x16xf32, #tpu.memory_space<vmem_shared>>) target_semaphore(%run_scoped3A : memref<!tpu.dma_semaphore, #tpu.memory_space<semaphore_mem>>)
      %dma_wait3A = arith.constant 0 : i32
      %dma_wait3A_14 = tpu.memref_slice %arg8[%mul3A_2, %dma_wait3A] : memref<10240x16xf32, #tpu.memory_space<vmem_shared>> -> memref<640x16xf32, #tpu.memory_space<vmem_shared>>
      tpu.wait_dma2 semaphore(%run_scoped3A : memref<!tpu.dma_semaphore, #tpu.memory_space<semaphore_mem>>) src(%arg4 : memref<640x16xf32, #tpu.memory_space<hbm>>) dst(%dma_wait3A_14 : memref<640x16xf32, #tpu.memory_space<vmem_shared>>)
      tpu.yield
    }) : () -> ()
    "tpu.region"() ({
      %run_scoped3A = tpu.sem_alloc : memref<!tpu.dma_semaphore, #tpu.memory_space<semaphore_mem>>
      %dma_start3A = arith.constant 0 : i32
      %dma_start3A_13 = arith.constant 0 : i32
      %dma_start3A_14 = tpu.memref_slice %arg2[%add3A, %dma_start3A, %dma_start3A_13] : memref<32x80x128xi32, #tpu.memory_space<hbm>> -> memref<1x80x128xi32, #tpu.memory_space<hbm>>
      %dma_start3A_15 = tpu.memref_squeeze %dma_start3A_14 : memref<1x80x128xi32, #tpu.memory_space<hbm>> -> memref<80x128xi32, #tpu.memory_space<hbm>>
      %dma_start3A_16 = arith.constant 0 : i32
      %dma_start3A_17 = arith.constant 0 : i32
      %dma_start3A_18 = tpu.memref_slice %arg2[%add3A, %dma_start3A_16, %dma_start3A_17] : memref<32x80x128xi32, #tpu.memory_space<hbm>> -> memref<1x80x128xi32, #tpu.memory_space<hbm>>
      %dma_start3A_19 = tpu.memref_squeeze %dma_start3A_18 : memref<1x80x128xi32, #tpu.memory_space<hbm>> -> memref<80x128xi32, #tpu.memory_space<hbm>>
      tpu.enqueue_dma source(%dma_start3A_19 : memref<80x128xi32, #tpu.memory_space<hbm>>) target(%arg6 : memref<80x128xi32, #tpu.memory_space<vmem>>) target_semaphore(%run_scoped3A : memref<!tpu.dma_semaphore, #tpu.memory_space<semaphore_mem>>)
      %dma_wait3A = arith.constant 0 : i32
      %dma_wait3A_20 = arith.constant 0 : i32
      %dma_wait3A_21 = tpu.memref_slice %arg2[%add3A, %dma_wait3A, %dma_wait3A_20] : memref<32x80x128xi32, #tpu.memory_space<hbm>> -> memref<1x80x128xi32, #tpu.memory_space<hbm>>
      %dma_wait3A_22 = tpu.memref_squeeze %dma_wait3A_21 : memref<1x80x128xi32, #tpu.memory_space<hbm>> -> memref<80x128xi32, #tpu.memory_space<hbm>>
      %dma_wait3A_23 = arith.constant 0 : i32
      %dma_wait3A_24 = arith.constant 0 : i32
      %dma_wait3A_25 = tpu.memref_slice %arg2[%add3A, %dma_wait3A_23, %dma_wait3A_24] : memref<32x80x128xi32, #tpu.memory_space<hbm>> -> memref<1x80x128xi32, #tpu.memory_space<hbm>>
      %dma_wait3A_26 = tpu.memref_squeeze %dma_wait3A_25 : memref<1x80x128xi32, #tpu.memory_space<hbm>> -> memref<80x128xi32, #tpu.memory_space<hbm>>
      tpu.wait_dma2 semaphore(%run_scoped3A : memref<!tpu.dma_semaphore, #tpu.memory_space<semaphore_mem>>) src(%dma_wait3A_26 : memref<80x128xi32, #tpu.memory_space<hbm>>) dst(%arg6 : memref<80x128xi32, #tpu.memory_space<vmem>>)
      tpu.yield
    }) : () -> ()
    "tpu.region"() ({
      %run_scoped3A = tpu.sem_alloc : memref<!tpu.dma_semaphore, #tpu.memory_space<semaphore_mem>>
      tpu.enqueue_dma source(%arg3 : memref<128x16xf32, #tpu.memory_space<hbm>>) target(%arg7 : memref<128x16xf32, #tpu.memory_space<vmem>>) target_semaphore(%run_scoped3A : memref<!tpu.dma_semaphore, #tpu.memory_space<semaphore_mem>>)
      tpu.wait_dma2 semaphore(%run_scoped3A : memref<!tpu.dma_semaphore, #tpu.memory_space<semaphore_mem>>) src(%arg3 : memref<128x16xf32, #tpu.memory_space<hbm>>) dst(%arg7 : memref<128x16xf32, #tpu.memory_space<vmem>>)
      tpu.yield
    }) : () -> ()
    %barrier3A = arith.constant 0 : index
    tpu.barrier barrier_id(%barrier3A)
    %scan3A = arith.constant 0 : i32
    %scan3A_3 = arith.constant 0 : i32
    %scan3A_4 = arith.constant 80 : i32
    %scan3A_5 = arith.addi %scan3A_3, %scan3A_4 : i32
    %scan3A_6 = arith.constant 1 : i32
    scf.for %scan3A_13 = %scan3A_3 to %scan3A_5 step %scan3A_6  : i32 {
      "tpu.region"() ({
        %run_scoped3A = tpu.sem_alloc : memref<!tpu.dma_semaphore, #tpu.memory_space<semaphore_mem>>
        %dma_start3A = arith.constant 0 : i32
        %dma_start3A_14 = tpu.memref_slice %arg6[%scan3A_13, %dma_start3A] : memref<80x128xi32, #tpu.memory_space<vmem>> -> memref<1x128xi32, #tpu.memory_space<vmem>>
        %dma_start3A_15 = tpu.memref_squeeze %dma_start3A_14 : memref<1x128xi32, #tpu.memory_space<vmem>> -> memref<128xi32, #tpu.memory_space<vmem>>
        %dma_start3A_16 = arith.constant 0 : i32
        %dma_start3A_17 = arith.constant 0 : i32
        %dma_start3A_18 = tpu.memref_slice %arg8[%dma_start3A_16, %dma_start3A_17] : memref<10240x16xf32, #tpu.memory_space<vmem_shared>> -> memref<10240x16xf32, #tpu.memory_space<vmem_shared>>
        tpu.enqueue_indirect_dma source(%arg7 : memref<128x16xf32, #tpu.memory_space<vmem>>) target(%dma_start3A_18 : memref<10240x16xf32, #tpu.memory_space<vmem_shared>>) offsets(%dma_start3A_15 : memref<128xi32, #tpu.memory_space<vmem>>) semaphore(%run_scoped3A : memref<!tpu.dma_semaphore, #tpu.memory_space<semaphore_mem>>) {add = true}
        %dma_wait3A = arith.constant 0 : i32
        %dma_wait3A_19 = tpu.memref_slice %arg6[%scan3A_13, %dma_wait3A] : memref<80x128xi32, #tpu.memory_space<vmem>> -> memref<1x128xi32, #tpu.memory_space<vmem>>
        %dma_wait3A_20 = tpu.memref_squeeze %dma_wait3A_19 : memref<1x128xi32, #tpu.memory_space<vmem>> -> memref<128xi32, #tpu.memory_space<vmem>>
        %dma_wait3A_21 = arith.constant 0 : i32
        %dma_wait3A_22 = arith.constant 0 : i32
        %dma_wait3A_23 = tpu.memref_slice %arg8[%dma_wait3A_21, %dma_wait3A_22] : memref<10240x16xf32, #tpu.memory_space<vmem_shared>> -> memref<10240x16xf32, #tpu.memory_space<vmem_shared>>
        tpu.wait_indirect_dma semaphore(%run_scoped3A : memref<!tpu.dma_semaphore, #tpu.memory_space<semaphore_mem>>) src(%arg7 : memref<128x16xf32, #tpu.memory_space<vmem>>) dst(%dma_wait3A_23 : memref<10240x16xf32, #tpu.memory_space<vmem_shared>>)
        tpu.yield
      }) : () -> ()
    }
    %scan3A_7 = arith.constant 80 : i32
    %barrier3A_8 = arith.constant 0 : index
    tpu.barrier barrier_id(%barrier3A_8)
    %mul3A_9 = arith.constant 640 : i32
    %mul3A_10 = arith.muli %arg1, %mul3A_9 : i32
    %mul3A_11 = arith.constant 640 : i32
    %mul3A_12 = arith.muli %arg1, %mul3A_11 : i32
    "tpu.region"() ({
      %run_scoped3A = tpu.sem_alloc : memref<!tpu.dma_semaphore, #tpu.memory_space<semaphore_mem>>
      %dma_start3A = arith.constant 0 : i32
      %dma_start3A_13 = tpu.memref_slice %arg5[%arg0, %mul3A_12, %dma_start3A] : memref<2x10240x16xf32, #tpu.memory_space<hbm>> -> memref<1x640x16xf32, #tpu.memory_space<hbm>>
      %dma_start3A_14 = tpu.memref_squeeze %dma_start3A_13 : memref<1x640x16xf32, #tpu.memory_space<hbm>> -> memref<640x16xf32, #tpu.memory_space<hbm>>
      %dma_start3A_15 = arith.constant 0 : i32
      %dma_start3A_16 = tpu.memref_slice %arg8[%mul3A_10, %dma_start3A_15] : memref<10240x16xf32, #tpu.memory_space<vmem_shared>> -> memref<640x16xf32, #tpu.memory_space<vmem_shared>>
      tpu.enqueue_dma source(%dma_start3A_16 : memref<640x16xf32, #tpu.memory_space<vmem_shared>>) target(%dma_start3A_14 : memref<640x16xf32, #tpu.memory_space<hbm>>) target_semaphore(%run_scoped3A : memref<!tpu.dma_semaphore, #tpu.memory_space<semaphore_mem>>)
      %dma_wait3A = arith.constant 0 : i32
      %dma_wait3A_17 = tpu.memref_slice %arg5[%arg0, %mul3A_12, %dma_wait3A] : memref<2x10240x16xf32, #tpu.memory_space<hbm>> -> memref<1x640x16xf32, #tpu.memory_space<hbm>>
      %dma_wait3A_18 = tpu.memref_squeeze %dma_wait3A_17 : memref<1x640x16xf32, #tpu.memory_space<hbm>> -> memref<640x16xf32, #tpu.memory_space<hbm>>
      %dma_wait3A_19 = arith.constant 0 : i32
      %dma_wait3A_20 = tpu.memref_slice %arg8[%mul3A_10, %dma_wait3A_19] : memref<10240x16xf32, #tpu.memory_space<vmem_shared>> -> memref<640x16xf32, #tpu.memory_space<vmem_shared>>
      tpu.wait_dma2 semaphore(%run_scoped3A : memref<!tpu.dma_semaphore, #tpu.memory_space<semaphore_mem>>) src(%dma_wait3A_20 : memref<640x16xf32, #tpu.memory_space<vmem_shared>>) dst(%dma_wait3A_18 : memref<640x16xf32, #tpu.memory_space<hbm>>)
      tpu.yield
    }) : () -> ()
    return
  }
}

#map = affine_map<(d0, d1) -> (0, 0, 0)>
#map1 = affine_map<(d0, d1) -> (0, 0)>
module attributes {stable_mosaic.version = 14 : i64} {
  func.func @edge_kernel(%arg0: i32, %arg1: i32, %arg2: memref<32x80x128xi32, #tpu.memory_space<hbm>>, %arg3: memref<32x80x128xi32, #tpu.memory_space<hbm>>, %arg4: memref<10240x16xf32, #tpu.memory_space<hbm>>, %arg5: memref<640x16xf32, #tpu.memory_space<hbm>>, %arg6: memref<80x128xi32, #tpu.memory_space<hbm>>, %arg7: memref<2x10240x16xf32, #tpu.memory_space<hbm>>, %arg8: memref<80x128xi32, #tpu.memory_space<vmem>>, %arg9: memref<80x128xi32, #tpu.memory_space<vmem>>, %arg10: memref<128x16xf32, #tpu.memory_space<vmem>>, %arg11: memref<128x16xf32, #tpu.memory_space<vmem>>, %arg12: memref<128x16xf32, #tpu.memory_space<vmem>>, %arg13: memref<128x16xf32, #tpu.memory_space<vmem>>, %arg14: memref<128x16xf32, #tpu.memory_space<vmem>>, %arg15: memref<128x16xf32, #tpu.memory_space<vmem>>, %arg16: memref<128x16xf32, #tpu.memory_space<vmem>>, %arg17: memref<128x16xf32, #tpu.memory_space<vmem>>, %arg18: memref<640x16xf32, #tpu.memory_space<vmem>>, %arg19: memref<5x128xi32, #tpu.memory_space<vmem>>, %arg20: memref<10240x16xf32, #tpu.memory_space<vmem_shared>>, %arg21: memref<10240x16xf32, #tpu.memory_space<vmem_shared>>, %arg22: memref<!tpu.dma_semaphore, #tpu.memory_space<semaphore_mem>>, %arg23: memref<!tpu.dma_semaphore, #tpu.memory_space<semaphore_mem>>, %arg24: memref<!tpu.dma_semaphore, #tpu.memory_space<semaphore_mem>>, %arg25: memref<!tpu.dma_semaphore, #tpu.memory_space<semaphore_mem>>, %arg26: memref<!tpu.dma_semaphore, #tpu.memory_space<semaphore_mem>>, %arg27: memref<!tpu.dma_semaphore, #tpu.memory_space<semaphore_mem>>, %arg28: memref<!tpu.dma_semaphore, #tpu.memory_space<semaphore_mem>>, %arg29: memref<!tpu.dma_semaphore, #tpu.memory_space<semaphore_mem>>) attributes {dimension_semantics = [#tpu.dimension_semantics<core_parallel>, #tpu.dimension_semantics<subcore_parallel>], iteration_bounds = array<i64: 2, 16>, scalar_prefetch = 0 : i64, scratch_operands = 22 : i64, tpu.core_type = #tpu.core_type<sc_vector_subcore>, window_params = [{transform_indices = #map}, {transform_indices = #map}, {transform_indices = #map1}, {transform_indices = #map1}, {transform_indices = #map1}, {transform_indices = #map}]} {
    %mul3A = arith.constant 16 : i32
    %mul3A_0 = arith.muli %arg0, %mul3A : i32
    %add3A = arith.addi %mul3A_0, %arg1 : i32
    %mul3A_1 = arith.constant 640 : i32
    %mul3A_2 = arith.muli %arg1, %mul3A_1 : i32
    "tpu.region"() ({
      %run_scoped3A = tpu.sem_alloc : memref<!tpu.dma_semaphore, #tpu.memory_space<semaphore_mem>>
      %dma_start3A_68 = arith.constant 0 : i32
      %dma_start3A_69 = tpu.memref_slice %arg21[%mul3A_2, %dma_start3A_68] : memref<10240x16xf32, #tpu.memory_space<vmem_shared>> -> memref<640x16xf32, #tpu.memory_space<vmem_shared>>
      tpu.enqueue_dma source(%arg5 : memref<640x16xf32, #tpu.memory_space<hbm>>) target(%dma_start3A_69 : memref<640x16xf32, #tpu.memory_space<vmem_shared>>) target_semaphore(%run_scoped3A : memref<!tpu.dma_semaphore, #tpu.memory_space<semaphore_mem>>)
      %dma_wait3A = arith.constant 0 : i32
      %dma_wait3A_70 = tpu.memref_slice %arg21[%mul3A_2, %dma_wait3A] : memref<10240x16xf32, #tpu.memory_space<vmem_shared>> -> memref<640x16xf32, #tpu.memory_space<vmem_shared>>
      tpu.wait_dma2 semaphore(%run_scoped3A : memref<!tpu.dma_semaphore, #tpu.memory_space<semaphore_mem>>) src(%arg5 : memref<640x16xf32, #tpu.memory_space<hbm>>) dst(%dma_wait3A_70 : memref<640x16xf32, #tpu.memory_space<vmem_shared>>)
      tpu.yield
    }) : () -> ()
    "tpu.region"() ({
      %run_scoped3A = tpu.sem_alloc : memref<!tpu.dma_semaphore, #tpu.memory_space<semaphore_mem>>
      %dma_start3A_68 = arith.constant 0 : i32
      %dma_start3A_69 = tpu.memref_slice %arg4[%mul3A_2, %dma_start3A_68] : memref<10240x16xf32, #tpu.memory_space<hbm>> -> memref<640x16xf32, #tpu.memory_space<hbm>>
      %dma_start3A_70 = arith.constant 0 : i32
      %dma_start3A_71 = tpu.memref_slice %arg4[%mul3A_2, %dma_start3A_70] : memref<10240x16xf32, #tpu.memory_space<hbm>> -> memref<640x16xf32, #tpu.memory_space<hbm>>
      tpu.enqueue_dma source(%dma_start3A_71 : memref<640x16xf32, #tpu.memory_space<hbm>>) target(%arg18 : memref<640x16xf32, #tpu.memory_space<vmem>>) target_semaphore(%run_scoped3A : memref<!tpu.dma_semaphore, #tpu.memory_space<semaphore_mem>>)
      %dma_wait3A = arith.constant 0 : i32
      %dma_wait3A_72 = tpu.memref_slice %arg4[%mul3A_2, %dma_wait3A] : memref<10240x16xf32, #tpu.memory_space<hbm>> -> memref<640x16xf32, #tpu.memory_space<hbm>>
      %dma_wait3A_73 = arith.constant 0 : i32
      %dma_wait3A_74 = tpu.memref_slice %arg4[%mul3A_2, %dma_wait3A_73] : memref<10240x16xf32, #tpu.memory_space<hbm>> -> memref<640x16xf32, #tpu.memory_space<hbm>>
      tpu.wait_dma2 semaphore(%run_scoped3A : memref<!tpu.dma_semaphore, #tpu.memory_space<semaphore_mem>>) src(%dma_wait3A_74 : memref<640x16xf32, #tpu.memory_space<hbm>>) dst(%arg18 : memref<640x16xf32, #tpu.memory_space<vmem>>)
      tpu.yield
    }) : () -> ()
    "tpu.region"() ({
      %run_scoped3A = tpu.sem_alloc : memref<!tpu.dma_semaphore, #tpu.memory_space<semaphore_mem>>
      %dma_start3A_68 = arith.constant 0 : i32
      %dma_start3A_69 = arith.constant 0 : i32
      %dma_start3A_70 = tpu.memref_slice %arg2[%add3A, %dma_start3A_68, %dma_start3A_69] : memref<32x80x128xi32, #tpu.memory_space<hbm>> -> memref<1x80x128xi32, #tpu.memory_space<hbm>>
      %dma_start3A_71 = tpu.memref_squeeze %dma_start3A_70 : memref<1x80x128xi32, #tpu.memory_space<hbm>> -> memref<80x128xi32, #tpu.memory_space<hbm>>
      %dma_start3A_72 = arith.constant 0 : i32
      %dma_start3A_73 = arith.constant 0 : i32
      %dma_start3A_74 = tpu.memref_slice %arg2[%add3A, %dma_start3A_72, %dma_start3A_73] : memref<32x80x128xi32, #tpu.memory_space<hbm>> -> memref<1x80x128xi32, #tpu.memory_space<hbm>>
      %dma_start3A_75 = tpu.memref_squeeze %dma_start3A_74 : memref<1x80x128xi32, #tpu.memory_space<hbm>> -> memref<80x128xi32, #tpu.memory_space<hbm>>
      tpu.enqueue_dma source(%dma_start3A_75 : memref<80x128xi32, #tpu.memory_space<hbm>>) target(%arg8 : memref<80x128xi32, #tpu.memory_space<vmem>>) target_semaphore(%run_scoped3A : memref<!tpu.dma_semaphore, #tpu.memory_space<semaphore_mem>>)
      %dma_wait3A = arith.constant 0 : i32
      %dma_wait3A_76 = arith.constant 0 : i32
      %dma_wait3A_77 = tpu.memref_slice %arg2[%add3A, %dma_wait3A, %dma_wait3A_76] : memref<32x80x128xi32, #tpu.memory_space<hbm>> -> memref<1x80x128xi32, #tpu.memory_space<hbm>>
      %dma_wait3A_78 = tpu.memref_squeeze %dma_wait3A_77 : memref<1x80x128xi32, #tpu.memory_space<hbm>> -> memref<80x128xi32, #tpu.memory_space<hbm>>
      %dma_wait3A_79 = arith.constant 0 : i32
      %dma_wait3A_80 = arith.constant 0 : i32
      %dma_wait3A_81 = tpu.memref_slice %arg2[%add3A, %dma_wait3A_79, %dma_wait3A_80] : memref<32x80x128xi32, #tpu.memory_space<hbm>> -> memref<1x80x128xi32, #tpu.memory_space<hbm>>
      %dma_wait3A_82 = tpu.memref_squeeze %dma_wait3A_81 : memref<1x80x128xi32, #tpu.memory_space<hbm>> -> memref<80x128xi32, #tpu.memory_space<hbm>>
      tpu.wait_dma2 semaphore(%run_scoped3A : memref<!tpu.dma_semaphore, #tpu.memory_space<semaphore_mem>>) src(%dma_wait3A_82 : memref<80x128xi32, #tpu.memory_space<hbm>>) dst(%arg8 : memref<80x128xi32, #tpu.memory_space<vmem>>)
      tpu.yield
    }) : () -> ()
    "tpu.region"() ({
      %run_scoped3A = tpu.sem_alloc : memref<!tpu.dma_semaphore, #tpu.memory_space<semaphore_mem>>
      %dma_start3A_68 = arith.constant 0 : i32
      %dma_start3A_69 = arith.constant 0 : i32
      %dma_start3A_70 = tpu.memref_slice %arg3[%add3A, %dma_start3A_68, %dma_start3A_69] : memref<32x80x128xi32, #tpu.memory_space<hbm>> -> memref<1x80x128xi32, #tpu.memory_space<hbm>>
      %dma_start3A_71 = tpu.memref_squeeze %dma_start3A_70 : memref<1x80x128xi32, #tpu.memory_space<hbm>> -> memref<80x128xi32, #tpu.memory_space<hbm>>
      %dma_start3A_72 = arith.constant 0 : i32
      %dma_start3A_73 = arith.constant 0 : i32
      %dma_start3A_74 = tpu.memref_slice %arg3[%add3A, %dma_start3A_72, %dma_start3A_73] : memref<32x80x128xi32, #tpu.memory_space<hbm>> -> memref<1x80x128xi32, #tpu.memory_space<hbm>>
      %dma_start3A_75 = tpu.memref_squeeze %dma_start3A_74 : memref<1x80x128xi32, #tpu.memory_space<hbm>> -> memref<80x128xi32, #tpu.memory_space<hbm>>
      tpu.enqueue_dma source(%dma_start3A_75 : memref<80x128xi32, #tpu.memory_space<hbm>>) target(%arg9 : memref<80x128xi32, #tpu.memory_space<vmem>>) target_semaphore(%run_scoped3A : memref<!tpu.dma_semaphore, #tpu.memory_space<semaphore_mem>>)
      %dma_wait3A = arith.constant 0 : i32
      %dma_wait3A_76 = arith.constant 0 : i32
      %dma_wait3A_77 = tpu.memref_slice %arg3[%add3A, %dma_wait3A, %dma_wait3A_76] : memref<32x80x128xi32, #tpu.memory_space<hbm>> -> memref<1x80x128xi32, #tpu.memory_space<hbm>>
      %dma_wait3A_78 = tpu.memref_squeeze %dma_wait3A_77 : memref<1x80x128xi32, #tpu.memory_space<hbm>> -> memref<80x128xi32, #tpu.memory_space<hbm>>
      %dma_wait3A_79 = arith.constant 0 : i32
      %dma_wait3A_80 = arith.constant 0 : i32
      %dma_wait3A_81 = tpu.memref_slice %arg3[%add3A, %dma_wait3A_79, %dma_wait3A_80] : memref<32x80x128xi32, #tpu.memory_space<hbm>> -> memref<1x80x128xi32, #tpu.memory_space<hbm>>
      %dma_wait3A_82 = tpu.memref_squeeze %dma_wait3A_81 : memref<1x80x128xi32, #tpu.memory_space<hbm>> -> memref<80x128xi32, #tpu.memory_space<hbm>>
      tpu.wait_dma2 semaphore(%run_scoped3A : memref<!tpu.dma_semaphore, #tpu.memory_space<semaphore_mem>>) src(%dma_wait3A_82 : memref<80x128xi32, #tpu.memory_space<hbm>>) dst(%arg9 : memref<80x128xi32, #tpu.memory_space<vmem>>)
      tpu.yield
    }) : () -> ()
    %mul3A_3 = arith.constant 5 : i32
    %mul3A_4 = arith.muli %arg1, %mul3A_3 : i32
    "tpu.region"() ({
      %run_scoped3A = tpu.sem_alloc : memref<!tpu.dma_semaphore, #tpu.memory_space<semaphore_mem>>
      %dma_start3A_68 = arith.constant 0 : i32
      %dma_start3A_69 = tpu.memref_slice %arg6[%mul3A_4, %dma_start3A_68] : memref<80x128xi32, #tpu.memory_space<hbm>> -> memref<5x128xi32, #tpu.memory_space<hbm>>
      %dma_start3A_70 = arith.constant 0 : i32
      %dma_start3A_71 = tpu.memref_slice %arg6[%mul3A_4, %dma_start3A_70] : memref<80x128xi32, #tpu.memory_space<hbm>> -> memref<5x128xi32, #tpu.memory_space<hbm>>
      tpu.enqueue_dma source(%dma_start3A_71 : memref<5x128xi32, #tpu.memory_space<hbm>>) target(%arg19 : memref<5x128xi32, #tpu.memory_space<vmem>>) target_semaphore(%run_scoped3A : memref<!tpu.dma_semaphore, #tpu.memory_space<semaphore_mem>>)
      %dma_wait3A = arith.constant 0 : i32
      %dma_wait3A_72 = tpu.memref_slice %arg6[%mul3A_4, %dma_wait3A] : memref<80x128xi32, #tpu.memory_space<hbm>> -> memref<5x128xi32, #tpu.memory_space<hbm>>
      %dma_wait3A_73 = arith.constant 0 : i32
      %dma_wait3A_74 = tpu.memref_slice %arg6[%mul3A_4, %dma_wait3A_73] : memref<80x128xi32, #tpu.memory_space<hbm>> -> memref<5x128xi32, #tpu.memory_space<hbm>>
      tpu.wait_dma2 semaphore(%run_scoped3A : memref<!tpu.dma_semaphore, #tpu.memory_space<semaphore_mem>>) src(%dma_wait3A_74 : memref<5x128xi32, #tpu.memory_space<hbm>>) dst(%arg19 : memref<5x128xi32, #tpu.memory_space<vmem>>)
      tpu.yield
    }) : () -> ()
    "tpu.region"() ({
      %run_scoped3A = tpu.sem_alloc : memref<!tpu.dma_semaphore, #tpu.memory_space<semaphore_mem>>
      %dma_start3A_68 = arith.constant 0 : i32
      %dma_start3A_69 = tpu.memref_slice %arg20[%mul3A_2, %dma_start3A_68] : memref<10240x16xf32, #tpu.memory_space<vmem_shared>> -> memref<640x16xf32, #tpu.memory_space<vmem_shared>>
      %dma_start3A_70 = arith.constant 0 : i32
      %dma_start3A_71 = tpu.memref_slice %arg20[%mul3A_2, %dma_start3A_70] : memref<10240x16xf32, #tpu.memory_space<vmem_shared>> -> memref<640x16xf32, #tpu.memory_space<vmem_shared>>
      tpu.enqueue_dma source(%arg18 : memref<640x16xf32, #tpu.memory_space<vmem>>) target(%dma_start3A_71 : memref<640x16xf32, #tpu.memory_space<vmem_shared>>) target_semaphore(%run_scoped3A : memref<!tpu.dma_semaphore, #tpu.memory_space<semaphore_mem>>)
      %dma_wait3A = arith.constant 0 : i32
      %dma_wait3A_72 = tpu.memref_slice %arg20[%mul3A_2, %dma_wait3A] : memref<10240x16xf32, #tpu.memory_space<vmem_shared>> -> memref<640x16xf32, #tpu.memory_space<vmem_shared>>
      %dma_wait3A_73 = arith.constant 0 : i32
      %dma_wait3A_74 = tpu.memref_slice %arg20[%mul3A_2, %dma_wait3A_73] : memref<10240x16xf32, #tpu.memory_space<vmem_shared>> -> memref<640x16xf32, #tpu.memory_space<vmem_shared>>
      tpu.wait_dma2 semaphore(%run_scoped3A : memref<!tpu.dma_semaphore, #tpu.memory_space<semaphore_mem>>) src(%arg18 : memref<640x16xf32, #tpu.memory_space<vmem>>) dst(%dma_wait3A_74 : memref<640x16xf32, #tpu.memory_space<vmem_shared>>)
      tpu.yield
    }) : () -> ()
    %eq3A = arith.constant 0 : i32
    %eq3A_5 = arith.cmpi eq, %arg0, %eq3A : i32
    %convert_element_type3A = arith.extui %eq3A_5 : i1 to i32
    %cond3A = arith.constant 0 : i32
    %cond3A_6 = arith.cmpi ne, %convert_element_type3A, %cond3A : i32
    scf.if %cond3A_6 {
      %run_scoped3A = arith.constant 0 : i32
      "tpu.region"() ({
        %run_scoped3A_72 = tpu.sem_alloc : memref<!tpu.dma_semaphore, #tpu.memory_space<semaphore_mem>>
        %dma_start3A_73 = arith.constant 0 : i32
        %dma_start3A_74 = arith.constant 0 : i32
        %dma_start3A_75 = tpu.memref_slice %arg18[%dma_start3A_73, %dma_start3A_74] : memref<640x16xf32, #tpu.memory_space<vmem>> -> memref<128x16xf32, #tpu.memory_space<vmem>>
        %dma_start3A_76 = arith.constant 0 : i32
        %dma_start3A_77 = tpu.memref_slice %arg19[%run_scoped3A, %dma_start3A_76] : memref<5x128xi32, #tpu.memory_space<vmem>> -> memref<1x128xi32, #tpu.memory_space<vmem>>
        %dma_start3A_78 = tpu.memref_squeeze %dma_start3A_77 : memref<1x128xi32, #tpu.memory_space<vmem>> -> memref<128xi32, #tpu.memory_space<vmem>>
        %dma_start3A_79 = arith.constant 0 : i32
        %dma_start3A_80 = arith.constant 0 : i32
        %dma_start3A_81 = tpu.memref_slice %arg21[%dma_start3A_79, %dma_start3A_80] : memref<10240x16xf32, #tpu.memory_space<vmem_shared>> -> memref<10240x16xf32, #tpu.memory_space<vmem_shared>>
        tpu.enqueue_indirect_dma source(%dma_start3A_75 : memref<128x16xf32, #tpu.memory_space<vmem>>) target(%dma_start3A_81 : memref<10240x16xf32, #tpu.memory_space<vmem_shared>>) offsets(%dma_start3A_78 : memref<128xi32, #tpu.memory_space<vmem>>) semaphore(%run_scoped3A_72 : memref<!tpu.dma_semaphore, #tpu.memory_space<semaphore_mem>>) {add = true}
        %dma_wait3A = arith.constant 0 : i32
        %dma_wait3A_82 = arith.constant 0 : i32
        %dma_wait3A_83 = tpu.memref_slice %arg18[%dma_wait3A, %dma_wait3A_82] : memref<640x16xf32, #tpu.memory_space<vmem>> -> memref<128x16xf32, #tpu.memory_space<vmem>>
        %dma_wait3A_84 = arith.constant 0 : i32
        %dma_wait3A_85 = tpu.memref_slice %arg19[%run_scoped3A, %dma_wait3A_84] : memref<5x128xi32, #tpu.memory_space<vmem>> -> memref<1x128xi32, #tpu.memory_space<vmem>>
        %dma_wait3A_86 = tpu.memref_squeeze %dma_wait3A_85 : memref<1x128xi32, #tpu.memory_space<vmem>> -> memref<128xi32, #tpu.memory_space<vmem>>
        %dma_wait3A_87 = arith.constant 0 : i32
        %dma_wait3A_88 = arith.constant 0 : i32
        %dma_wait3A_89 = tpu.memref_slice %arg21[%dma_wait3A_87, %dma_wait3A_88] : memref<10240x16xf32, #tpu.memory_space<vmem_shared>> -> memref<10240x16xf32, #tpu.memory_space<vmem_shared>>
        tpu.wait_indirect_dma semaphore(%run_scoped3A_72 : memref<!tpu.dma_semaphore, #tpu.memory_space<semaphore_mem>>) src(%dma_wait3A_83 : memref<128x16xf32, #tpu.memory_space<vmem>>) dst(%dma_wait3A_89 : memref<10240x16xf32, #tpu.memory_space<vmem_shared>>)
        tpu.yield
      }) : () -> ()
      %run_scoped3A_68 = arith.constant 1 : i32
      "tpu.region"() ({
        %run_scoped3A_72 = tpu.sem_alloc : memref<!tpu.dma_semaphore, #tpu.memory_space<semaphore_mem>>
        %dma_start3A_73 = arith.constant 128 : i32
        %dma_start3A_74 = arith.constant 0 : i32
        %dma_start3A_75 = tpu.memref_slice %arg18[%dma_start3A_73, %dma_start3A_74] : memref<640x16xf32, #tpu.memory_space<vmem>> -> memref<128x16xf32, #tpu.memory_space<vmem>>
        %dma_start3A_76 = arith.constant 0 : i32
        %dma_start3A_77 = tpu.memref_slice %arg19[%run_scoped3A_68, %dma_start3A_76] : memref<5x128xi32, #tpu.memory_space<vmem>> -> memref<1x128xi32, #tpu.memory_space<vmem>>
        %dma_start3A_78 = tpu.memref_squeeze %dma_start3A_77 : memref<1x128xi32, #tpu.memory_space<vmem>> -> memref<128xi32, #tpu.memory_space<vmem>>
        %dma_start3A_79 = arith.constant 0 : i32
        %dma_start3A_80 = arith.constant 0 : i32
        %dma_start3A_81 = tpu.memref_slice %arg21[%dma_start3A_79, %dma_start3A_80] : memref<10240x16xf32, #tpu.memory_space<vmem_shared>> -> memref<10240x16xf32, #tpu.memory_space<vmem_shared>>
        tpu.enqueue_indirect_dma source(%dma_start3A_75 : memref<128x16xf32, #tpu.memory_space<vmem>>) target(%dma_start3A_81 : memref<10240x16xf32, #tpu.memory_space<vmem_shared>>) offsets(%dma_start3A_78 : memref<128xi32, #tpu.memory_space<vmem>>) semaphore(%run_scoped3A_72 : memref<!tpu.dma_semaphore, #tpu.memory_space<semaphore_mem>>) {add = true}
        %dma_wait3A = arith.constant 128 : i32
        %dma_wait3A_82 = arith.constant 0 : i32
        %dma_wait3A_83 = tpu.memref_slice %arg18[%dma_wait3A, %dma_wait3A_82] : memref<640x16xf32, #tpu.memory_space<vmem>> -> memref<128x16xf32, #tpu.memory_space<vmem>>
        %dma_wait3A_84 = arith.constant 0 : i32
        %dma_wait3A_85 = tpu.memref_slice %arg19[%run_scoped3A_68, %dma_wait3A_84] : memref<5x128xi32, #tpu.memory_space<vmem>> -> memref<1x128xi32, #tpu.memory_space<vmem>>
        %dma_wait3A_86 = tpu.memref_squeeze %dma_wait3A_85 : memref<1x128xi32, #tpu.memory_space<vmem>> -> memref<128xi32, #tpu.memory_space<vmem>>
        %dma_wait3A_87 = arith.constant 0 : i32
        %dma_wait3A_88 = arith.constant 0 : i32
        %dma_wait3A_89 = tpu.memref_slice %arg21[%dma_wait3A_87, %dma_wait3A_88] : memref<10240x16xf32, #tpu.memory_space<vmem_shared>> -> memref<10240x16xf32, #tpu.memory_space<vmem_shared>>
        tpu.wait_indirect_dma semaphore(%run_scoped3A_72 : memref<!tpu.dma_semaphore, #tpu.memory_space<semaphore_mem>>) src(%dma_wait3A_83 : memref<128x16xf32, #tpu.memory_space<vmem>>) dst(%dma_wait3A_89 : memref<10240x16xf32, #tpu.memory_space<vmem_shared>>)
        tpu.yield
      }) : () -> ()
      %run_scoped3A_69 = arith.constant 2 : i32
      "tpu.region"() ({
        %run_scoped3A_72 = tpu.sem_alloc : memref<!tpu.dma_semaphore, #tpu.memory_space<semaphore_mem>>
        %dma_start3A_73 = arith.constant 256 : i32
        %dma_start3A_74 = arith.constant 0 : i32
        %dma_start3A_75 = tpu.memref_slice %arg18[%dma_start3A_73, %dma_start3A_74] : memref<640x16xf32, #tpu.memory_space<vmem>> -> memref<128x16xf32, #tpu.memory_space<vmem>>
        %dma_start3A_76 = arith.constant 0 : i32
        %dma_start3A_77 = tpu.memref_slice %arg19[%run_scoped3A_69, %dma_start3A_76] : memref<5x128xi32, #tpu.memory_space<vmem>> -> memref<1x128xi32, #tpu.memory_space<vmem>>
        %dma_start3A_78 = tpu.memref_squeeze %dma_start3A_77 : memref<1x128xi32, #tpu.memory_space<vmem>> -> memref<128xi32, #tpu.memory_space<vmem>>
        %dma_start3A_79 = arith.constant 0 : i32
        %dma_start3A_80 = arith.constant 0 : i32
        %dma_start3A_81 = tpu.memref_slice %arg21[%dma_start3A_79, %dma_start3A_80] : memref<10240x16xf32, #tpu.memory_space<vmem_shared>> -> memref<10240x16xf32, #tpu.memory_space<vmem_shared>>
        tpu.enqueue_indirect_dma source(%dma_start3A_75 : memref<128x16xf32, #tpu.memory_space<vmem>>) target(%dma_start3A_81 : memref<10240x16xf32, #tpu.memory_space<vmem_shared>>) offsets(%dma_start3A_78 : memref<128xi32, #tpu.memory_space<vmem>>) semaphore(%run_scoped3A_72 : memref<!tpu.dma_semaphore, #tpu.memory_space<semaphore_mem>>) {add = true}
        %dma_wait3A = arith.constant 256 : i32
        %dma_wait3A_82 = arith.constant 0 : i32
        %dma_wait3A_83 = tpu.memref_slice %arg18[%dma_wait3A, %dma_wait3A_82] : memref<640x16xf32, #tpu.memory_space<vmem>> -> memref<128x16xf32, #tpu.memory_space<vmem>>
        %dma_wait3A_84 = arith.constant 0 : i32
        %dma_wait3A_85 = tpu.memref_slice %arg19[%run_scoped3A_69, %dma_wait3A_84] : memref<5x128xi32, #tpu.memory_space<vmem>> -> memref<1x128xi32, #tpu.memory_space<vmem>>
        %dma_wait3A_86 = tpu.memref_squeeze %dma_wait3A_85 : memref<1x128xi32, #tpu.memory_space<vmem>> -> memref<128xi32, #tpu.memory_space<vmem>>
        %dma_wait3A_87 = arith.constant 0 : i32
        %dma_wait3A_88 = arith.constant 0 : i32
        %dma_wait3A_89 = tpu.memref_slice %arg21[%dma_wait3A_87, %dma_wait3A_88] : memref<10240x16xf32, #tpu.memory_space<vmem_shared>> -> memref<10240x16xf32, #tpu.memory_space<vmem_shared>>
        tpu.wait_indirect_dma semaphore(%run_scoped3A_72 : memref<!tpu.dma_semaphore, #tpu.memory_space<semaphore_mem>>) src(%dma_wait3A_83 : memref<128x16xf32, #tpu.memory_space<vmem>>) dst(%dma_wait3A_89 : memref<10240x16xf32, #tpu.memory_space<vmem_shared>>)
        tpu.yield
      }) : () -> ()
      %run_scoped3A_70 = arith.constant 3 : i32
      "tpu.region"() ({
        %run_scoped3A_72 = tpu.sem_alloc : memref<!tpu.dma_semaphore, #tpu.memory_space<semaphore_mem>>
        %dma_start3A_73 = arith.constant 384 : i32
        %dma_start3A_74 = arith.constant 0 : i32
        %dma_start3A_75 = tpu.memref_slice %arg18[%dma_start3A_73, %dma_start3A_74] : memref<640x16xf32, #tpu.memory_space<vmem>> -> memref<128x16xf32, #tpu.memory_space<vmem>>
        %dma_start3A_76 = arith.constant 0 : i32
        %dma_start3A_77 = tpu.memref_slice %arg19[%run_scoped3A_70, %dma_start3A_76] : memref<5x128xi32, #tpu.memory_space<vmem>> -> memref<1x128xi32, #tpu.memory_space<vmem>>
        %dma_start3A_78 = tpu.memref_squeeze %dma_start3A_77 : memref<1x128xi32, #tpu.memory_space<vmem>> -> memref<128xi32, #tpu.memory_space<vmem>>
        %dma_start3A_79 = arith.constant 0 : i32
        %dma_start3A_80 = arith.constant 0 : i32
        %dma_start3A_81 = tpu.memref_slice %arg21[%dma_start3A_79, %dma_start3A_80] : memref<10240x16xf32, #tpu.memory_space<vmem_shared>> -> memref<10240x16xf32, #tpu.memory_space<vmem_shared>>
        tpu.enqueue_indirect_dma source(%dma_start3A_75 : memref<128x16xf32, #tpu.memory_space<vmem>>) target(%dma_start3A_81 : memref<10240x16xf32, #tpu.memory_space<vmem_shared>>) offsets(%dma_start3A_78 : memref<128xi32, #tpu.memory_space<vmem>>) semaphore(%run_scoped3A_72 : memref<!tpu.dma_semaphore, #tpu.memory_space<semaphore_mem>>) {add = true}
        %dma_wait3A = arith.constant 384 : i32
        %dma_wait3A_82 = arith.constant 0 : i32
        %dma_wait3A_83 = tpu.memref_slice %arg18[%dma_wait3A, %dma_wait3A_82] : memref<640x16xf32, #tpu.memory_space<vmem>> -> memref<128x16xf32, #tpu.memory_space<vmem>>
        %dma_wait3A_84 = arith.constant 0 : i32
        %dma_wait3A_85 = tpu.memref_slice %arg19[%run_scoped3A_70, %dma_wait3A_84] : memref<5x128xi32, #tpu.memory_space<vmem>> -> memref<1x128xi32, #tpu.memory_space<vmem>>
        %dma_wait3A_86 = tpu.memref_squeeze %dma_wait3A_85 : memref<1x128xi32, #tpu.memory_space<vmem>> -> memref<128xi32, #tpu.memory_space<vmem>>
        %dma_wait3A_87 = arith.constant 0 : i32
        %dma_wait3A_88 = arith.constant 0 : i32
        %dma_wait3A_89 = tpu.memref_slice %arg21[%dma_wait3A_87, %dma_wait3A_88] : memref<10240x16xf32, #tpu.memory_space<vmem_shared>> -> memref<10240x16xf32, #tpu.memory_space<vmem_shared>>
        tpu.wait_indirect_dma semaphore(%run_scoped3A_72 : memref<!tpu.dma_semaphore, #tpu.memory_space<semaphore_mem>>) src(%dma_wait3A_83 : memref<128x16xf32, #tpu.memory_space<vmem>>) dst(%dma_wait3A_89 : memref<10240x16xf32, #tpu.memory_space<vmem_shared>>)
        tpu.yield
      }) : () -> ()
      %run_scoped3A_71 = arith.constant 4 : i32
      "tpu.region"() ({
        %run_scoped3A_72 = tpu.sem_alloc : memref<!tpu.dma_semaphore, #tpu.memory_space<semaphore_mem>>
        %dma_start3A_73 = arith.constant 512 : i32
        %dma_start3A_74 = arith.constant 0 : i32
        %dma_start3A_75 = tpu.memref_slice %arg18[%dma_start3A_73, %dma_start3A_74] : memref<640x16xf32, #tpu.memory_space<vmem>> -> memref<128x16xf32, #tpu.memory_space<vmem>>
        %dma_start3A_76 = arith.constant 0 : i32
        %dma_start3A_77 = tpu.memref_slice %arg19[%run_scoped3A_71, %dma_start3A_76] : memref<5x128xi32, #tpu.memory_space<vmem>> -> memref<1x128xi32, #tpu.memory_space<vmem>>
        %dma_start3A_78 = tpu.memref_squeeze %dma_start3A_77 : memref<1x128xi32, #tpu.memory_space<vmem>> -> memref<128xi32, #tpu.memory_space<vmem>>
        %dma_start3A_79 = arith.constant 0 : i32
        %dma_start3A_80 = arith.constant 0 : i32
        %dma_start3A_81 = tpu.memref_slice %arg21[%dma_start3A_79, %dma_start3A_80] : memref<10240x16xf32, #tpu.memory_space<vmem_shared>> -> memref<10240x16xf32, #tpu.memory_space<vmem_shared>>
        tpu.enqueue_indirect_dma source(%dma_start3A_75 : memref<128x16xf32, #tpu.memory_space<vmem>>) target(%dma_start3A_81 : memref<10240x16xf32, #tpu.memory_space<vmem_shared>>) offsets(%dma_start3A_78 : memref<128xi32, #tpu.memory_space<vmem>>) semaphore(%run_scoped3A_72 : memref<!tpu.dma_semaphore, #tpu.memory_space<semaphore_mem>>) {add = true}
        %dma_wait3A = arith.constant 512 : i32
        %dma_wait3A_82 = arith.constant 0 : i32
        %dma_wait3A_83 = tpu.memref_slice %arg18[%dma_wait3A, %dma_wait3A_82] : memref<640x16xf32, #tpu.memory_space<vmem>> -> memref<128x16xf32, #tpu.memory_space<vmem>>
        %dma_wait3A_84 = arith.constant 0 : i32
        %dma_wait3A_85 = tpu.memref_slice %arg19[%run_scoped3A_71, %dma_wait3A_84] : memref<5x128xi32, #tpu.memory_space<vmem>> -> memref<1x128xi32, #tpu.memory_space<vmem>>
        %dma_wait3A_86 = tpu.memref_squeeze %dma_wait3A_85 : memref<1x128xi32, #tpu.memory_space<vmem>> -> memref<128xi32, #tpu.memory_space<vmem>>
        %dma_wait3A_87 = arith.constant 0 : i32
        %dma_wait3A_88 = arith.constant 0 : i32
        %dma_wait3A_89 = tpu.memref_slice %arg21[%dma_wait3A_87, %dma_wait3A_88] : memref<10240x16xf32, #tpu.memory_space<vmem_shared>> -> memref<10240x16xf32, #tpu.memory_space<vmem_shared>>
        tpu.wait_indirect_dma semaphore(%run_scoped3A_72 : memref<!tpu.dma_semaphore, #tpu.memory_space<semaphore_mem>>) src(%dma_wait3A_83 : memref<128x16xf32, #tpu.memory_space<vmem>>) dst(%dma_wait3A_89 : memref<10240x16xf32, #tpu.memory_space<vmem_shared>>)
        tpu.yield
      }) : () -> ()
    } else {
    }
    %barrier3A = arith.constant 0 : index
    tpu.barrier barrier_id(%barrier3A)
    %dma_start3A = arith.constant 0 : i32
    %dma_start3A_7 = arith.constant 0 : i32
    %dma_start3A_8 = tpu.memref_slice %arg8[%dma_start3A, %dma_start3A_7] : memref<80x128xi32, #tpu.memory_space<vmem>> -> memref<1x128xi32, #tpu.memory_space<vmem>>
    %dma_start3A_9 = tpu.memref_squeeze %dma_start3A_8 : memref<1x128xi32, #tpu.memory_space<vmem>> -> memref<128xi32, #tpu.memory_space<vmem>>
    %dma_start3A_10 = arith.constant 0 : i32
    %dma_start3A_11 = arith.constant 0 : i32
    %dma_start3A_12 = tpu.memref_slice %arg20[%dma_start3A_10, %dma_start3A_11] : memref<10240x16xf32, #tpu.memory_space<vmem_shared>> -> memref<10240x16xf32, #tpu.memory_space<vmem_shared>>
    tpu.enqueue_indirect_dma source(%dma_start3A_12 : memref<10240x16xf32, #tpu.memory_space<vmem_shared>>) target(%arg10 : memref<128x16xf32, #tpu.memory_space<vmem>>) offsets(%dma_start3A_9 : memref<128xi32, #tpu.memory_space<vmem>>) semaphore(%arg22 : memref<!tpu.dma_semaphore, #tpu.memory_space<semaphore_mem>>)
    %dma_start3A_13 = arith.constant 1 : i32
    %dma_start3A_14 = arith.constant 0 : i32
    %dma_start3A_15 = tpu.memref_slice %arg8[%dma_start3A_13, %dma_start3A_14] : memref<80x128xi32, #tpu.memory_space<vmem>> -> memref<1x128xi32, #tpu.memory_space<vmem>>
    %dma_start3A_16 = tpu.memref_squeeze %dma_start3A_15 : memref<1x128xi32, #tpu.memory_space<vmem>> -> memref<128xi32, #tpu.memory_space<vmem>>
    %dma_start3A_17 = arith.constant 0 : i32
    %dma_start3A_18 = arith.constant 0 : i32
    %dma_start3A_19 = tpu.memref_slice %arg20[%dma_start3A_17, %dma_start3A_18] : memref<10240x16xf32, #tpu.memory_space<vmem_shared>> -> memref<10240x16xf32, #tpu.memory_space<vmem_shared>>
    tpu.enqueue_indirect_dma source(%dma_start3A_19 : memref<10240x16xf32, #tpu.memory_space<vmem_shared>>) target(%arg11 : memref<128x16xf32, #tpu.memory_space<vmem>>) offsets(%dma_start3A_16 : memref<128xi32, #tpu.memory_space<vmem>>) semaphore(%arg23 : memref<!tpu.dma_semaphore, #tpu.memory_space<semaphore_mem>>)
    %dma_start3A_20 = arith.constant 2 : i32
    %dma_start3A_21 = arith.constant 0 : i32
    %dma_start3A_22 = tpu.memref_slice %arg8[%dma_start3A_20, %dma_start3A_21] : memref<80x128xi32, #tpu.memory_space<vmem>> -> memref<1x128xi32, #tpu.memory_space<vmem>>
    %dma_start3A_23 = tpu.memref_squeeze %dma_start3A_22 : memref<1x128xi32, #tpu.memory_space<vmem>> -> memref<128xi32, #tpu.memory_space<vmem>>
    %dma_start3A_24 = arith.constant 0 : i32
    %dma_start3A_25 = arith.constant 0 : i32
    %dma_start3A_26 = tpu.memref_slice %arg20[%dma_start3A_24, %dma_start3A_25] : memref<10240x16xf32, #tpu.memory_space<vmem_shared>> -> memref<10240x16xf32, #tpu.memory_space<vmem_shared>>
    tpu.enqueue_indirect_dma source(%dma_start3A_26 : memref<10240x16xf32, #tpu.memory_space<vmem_shared>>) target(%arg12 : memref<128x16xf32, #tpu.memory_space<vmem>>) offsets(%dma_start3A_23 : memref<128xi32, #tpu.memory_space<vmem>>) semaphore(%arg24 : memref<!tpu.dma_semaphore, #tpu.memory_space<semaphore_mem>>)
    %dma_start3A_27 = arith.constant 3 : i32
    %dma_start3A_28 = arith.constant 0 : i32
    %dma_start3A_29 = tpu.memref_slice %arg8[%dma_start3A_27, %dma_start3A_28] : memref<80x128xi32, #tpu.memory_space<vmem>> -> memref<1x128xi32, #tpu.memory_space<vmem>>
    %dma_start3A_30 = tpu.memref_squeeze %dma_start3A_29 : memref<1x128xi32, #tpu.memory_space<vmem>> -> memref<128xi32, #tpu.memory_space<vmem>>
    %dma_start3A_31 = arith.constant 0 : i32
    %dma_start3A_32 = arith.constant 0 : i32
    %dma_start3A_33 = tpu.memref_slice %arg20[%dma_start3A_31, %dma_start3A_32] : memref<10240x16xf32, #tpu.memory_space<vmem_shared>> -> memref<10240x16xf32, #tpu.memory_space<vmem_shared>>
    tpu.enqueue_indirect_dma source(%dma_start3A_33 : memref<10240x16xf32, #tpu.memory_space<vmem_shared>>) target(%arg13 : memref<128x16xf32, #tpu.memory_space<vmem>>) offsets(%dma_start3A_30 : memref<128xi32, #tpu.memory_space<vmem>>) semaphore(%arg25 : memref<!tpu.dma_semaphore, #tpu.memory_space<semaphore_mem>>)
    %dma_start3A_34 = arith.constant 4 : i32
    %dma_start3A_35 = arith.constant 0 : i32
    %dma_start3A_36 = tpu.memref_slice %arg8[%dma_start3A_34, %dma_start3A_35] : memref<80x128xi32, #tpu.memory_space<vmem>> -> memref<1x128xi32, #tpu.memory_space<vmem>>
    %dma_start3A_37 = tpu.memref_squeeze %dma_start3A_36 : memref<1x128xi32, #tpu.memory_space<vmem>> -> memref<128xi32, #tpu.memory_space<vmem>>
    %dma_start3A_38 = arith.constant 0 : i32
    %dma_start3A_39 = arith.constant 0 : i32
    %dma_start3A_40 = tpu.memref_slice %arg20[%dma_start3A_38, %dma_start3A_39] : memref<10240x16xf32, #tpu.memory_space<vmem_shared>> -> memref<10240x16xf32, #tpu.memory_space<vmem_shared>>
    tpu.enqueue_indirect_dma source(%dma_start3A_40 : memref<10240x16xf32, #tpu.memory_space<vmem_shared>>) target(%arg14 : memref<128x16xf32, #tpu.memory_space<vmem>>) offsets(%dma_start3A_37 : memref<128xi32, #tpu.memory_space<vmem>>) semaphore(%arg26 : memref<!tpu.dma_semaphore, #tpu.memory_space<semaphore_mem>>)
    %dma_start3A_41 = arith.constant 5 : i32
    %dma_start3A_42 = arith.constant 0 : i32
    %dma_start3A_43 = tpu.memref_slice %arg8[%dma_start3A_41, %dma_start3A_42] : memref<80x128xi32, #tpu.memory_space<vmem>> -> memref<1x128xi32, #tpu.memory_space<vmem>>
    %dma_start3A_44 = tpu.memref_squeeze %dma_start3A_43 : memref<1x128xi32, #tpu.memory_space<vmem>> -> memref<128xi32, #tpu.memory_space<vmem>>
    %dma_start3A_45 = arith.constant 0 : i32
    %dma_start3A_46 = arith.constant 0 : i32
    %dma_start3A_47 = tpu.memref_slice %arg20[%dma_start3A_45, %dma_start3A_46] : memref<10240x16xf32, #tpu.memory_space<vmem_shared>> -> memref<10240x16xf32, #tpu.memory_space<vmem_shared>>
    tpu.enqueue_indirect_dma source(%dma_start3A_47 : memref<10240x16xf32, #tpu.memory_space<vmem_shared>>) target(%arg15 : memref<128x16xf32, #tpu.memory_space<vmem>>) offsets(%dma_start3A_44 : memref<128xi32, #tpu.memory_space<vmem>>) semaphore(%arg27 : memref<!tpu.dma_semaphore, #tpu.memory_space<semaphore_mem>>)
    %dma_start3A_48 = arith.constant 6 : i32
    %dma_start3A_49 = arith.constant 0 : i32
    %dma_start3A_50 = tpu.memref_slice %arg8[%dma_start3A_48, %dma_start3A_49] : memref<80x128xi32, #tpu.memory_space<vmem>> -> memref<1x128xi32, #tpu.memory_space<vmem>>
    %dma_start3A_51 = tpu.memref_squeeze %dma_start3A_50 : memref<1x128xi32, #tpu.memory_space<vmem>> -> memref<128xi32, #tpu.memory_space<vmem>>
    %dma_start3A_52 = arith.constant 0 : i32
    %dma_start3A_53 = arith.constant 0 : i32
    %dma_start3A_54 = tpu.memref_slice %arg20[%dma_start3A_52, %dma_start3A_53] : memref<10240x16xf32, #tpu.memory_space<vmem_shared>> -> memref<10240x16xf32, #tpu.memory_space<vmem_shared>>
    tpu.enqueue_indirect_dma source(%dma_start3A_54 : memref<10240x16xf32, #tpu.memory_space<vmem_shared>>) target(%arg16 : memref<128x16xf32, #tpu.memory_space<vmem>>) offsets(%dma_start3A_51 : memref<128xi32, #tpu.memory_space<vmem>>) semaphore(%arg28 : memref<!tpu.dma_semaphore, #tpu.memory_space<semaphore_mem>>)
    %dma_start3A_55 = arith.constant 7 : i32
    %dma_start3A_56 = arith.constant 0 : i32
    %dma_start3A_57 = tpu.memref_slice %arg8[%dma_start3A_55, %dma_start3A_56] : memref<80x128xi32, #tpu.memory_space<vmem>> -> memref<1x128xi32, #tpu.memory_space<vmem>>
    %dma_start3A_58 = tpu.memref_squeeze %dma_start3A_57 : memref<1x128xi32, #tpu.memory_space<vmem>> -> memref<128xi32, #tpu.memory_space<vmem>>
    %dma_start3A_59 = arith.constant 0 : i32
    %dma_start3A_60 = arith.constant 0 : i32
    %dma_start3A_61 = tpu.memref_slice %arg20[%dma_start3A_59, %dma_start3A_60] : memref<10240x16xf32, #tpu.memory_space<vmem_shared>> -> memref<10240x16xf32, #tpu.memory_space<vmem_shared>>
    tpu.enqueue_indirect_dma source(%dma_start3A_61 : memref<10240x16xf32, #tpu.memory_space<vmem_shared>>) target(%arg17 : memref<128x16xf32, #tpu.memory_space<vmem>>) offsets(%dma_start3A_58 : memref<128xi32, #tpu.memory_space<vmem>>) semaphore(%arg29 : memref<!tpu.dma_semaphore, #tpu.memory_space<semaphore_mem>>)
    %scan3A = arith.constant 0 : i32
    %scan3A_62 = arith.constant 0 : i32
    %scan3A_63 = arith.constant 10 : i32
    %scan3A_64 = arith.addi %scan3A_62, %scan3A_63 : i32
    %scan3A_65 = arith.constant 1 : i32
    scf.for %scan3A_68 = %scan3A_62 to %scan3A_64 step %scan3A_65  : i32 {
      %mul3A_69 = arith.constant 8 : i32
      %mul3A_70 = arith.muli %scan3A_68, %mul3A_69 : i32
      %add3A_71 = arith.constant 0 : i32
      %add3A_72 = arith.addi %mul3A_70, %add3A_71 : i32
      %dma_wait3A = arith.constant 0 : i32
      %dma_wait3A_73 = tpu.memref_slice %arg8[%add3A_72, %dma_wait3A] : memref<80x128xi32, #tpu.memory_space<vmem>> -> memref<1x128xi32, #tpu.memory_space<vmem>>
      %dma_wait3A_74 = tpu.memref_squeeze %dma_wait3A_73 : memref<1x128xi32, #tpu.memory_space<vmem>> -> memref<128xi32, #tpu.memory_space<vmem>>
      %dma_wait3A_75 = arith.constant 0 : i32
      %dma_wait3A_76 = arith.constant 0 : i32
      %dma_wait3A_77 = tpu.memref_slice %arg20[%dma_wait3A_75, %dma_wait3A_76] : memref<10240x16xf32, #tpu.memory_space<vmem_shared>> -> memref<10240x16xf32, #tpu.memory_space<vmem_shared>>
      tpu.wait_indirect_dma semaphore(%arg22 : memref<!tpu.dma_semaphore, #tpu.memory_space<semaphore_mem>>) src(%dma_wait3A_77 : memref<10240x16xf32, #tpu.memory_space<vmem_shared>>) dst(%arg10 : memref<128x16xf32, #tpu.memory_space<vmem>>)
      "tpu.region"() ({
        %run_scoped3A = tpu.sem_alloc : memref<!tpu.dma_semaphore, #tpu.memory_space<semaphore_mem>>
        %dma_start3A_203 = arith.constant 0 : i32
        %dma_start3A_204 = tpu.memref_slice %arg9[%add3A_72, %dma_start3A_203] : memref<80x128xi32, #tpu.memory_space<vmem>> -> memref<1x128xi32, #tpu.memory_space<vmem>>
        %dma_start3A_205 = tpu.memref_squeeze %dma_start3A_204 : memref<1x128xi32, #tpu.memory_space<vmem>> -> memref<128xi32, #tpu.memory_space<vmem>>
        %dma_start3A_206 = arith.constant 0 : i32
        %dma_start3A_207 = arith.constant 0 : i32
        %dma_start3A_208 = tpu.memref_slice %arg21[%dma_start3A_206, %dma_start3A_207] : memref<10240x16xf32, #tpu.memory_space<vmem_shared>> -> memref<10240x16xf32, #tpu.memory_space<vmem_shared>>
        tpu.enqueue_indirect_dma source(%arg10 : memref<128x16xf32, #tpu.memory_space<vmem>>) target(%dma_start3A_208 : memref<10240x16xf32, #tpu.memory_space<vmem_shared>>) offsets(%dma_start3A_205 : memref<128xi32, #tpu.memory_space<vmem>>) semaphore(%run_scoped3A : memref<!tpu.dma_semaphore, #tpu.memory_space<semaphore_mem>>) {add = true}
        %dma_wait3A_209 = arith.constant 0 : i32
        %dma_wait3A_210 = tpu.memref_slice %arg9[%add3A_72, %dma_wait3A_209] : memref<80x128xi32, #tpu.memory_space<vmem>> -> memref<1x128xi32, #tpu.memory_space<vmem>>
        %dma_wait3A_211 = tpu.memref_squeeze %dma_wait3A_210 : memref<1x128xi32, #tpu.memory_space<vmem>> -> memref<128xi32, #tpu.memory_space<vmem>>
        %dma_wait3A_212 = arith.constant 0 : i32
        %dma_wait3A_213 = arith.constant 0 : i32
        %dma_wait3A_214 = tpu.memref_slice %arg21[%dma_wait3A_212, %dma_wait3A_213] : memref<10240x16xf32, #tpu.memory_space<vmem_shared>> -> memref<10240x16xf32, #tpu.memory_space<vmem_shared>>
        tpu.wait_indirect_dma semaphore(%run_scoped3A : memref<!tpu.dma_semaphore, #tpu.memory_space<semaphore_mem>>) src(%arg10 : memref<128x16xf32, #tpu.memory_space<vmem>>) dst(%dma_wait3A_214 : memref<10240x16xf32, #tpu.memory_space<vmem_shared>>)
        tpu.yield
      }) : () -> ()
      %add3A_78 = arith.constant 8 : i32
      %add3A_79 = arith.addi %add3A_72, %add3A_78 : i32
      %lt3A = arith.constant 80 : i32
      %lt3A_80 = arith.cmpi slt, %add3A_79, %lt3A : i32
      %convert_element_type3A_81 = arith.extui %lt3A_80 : i1 to i32
      %cond3A_82 = arith.constant 0 : i32
      %cond3A_83 = arith.cmpi ne, %convert_element_type3A_81, %cond3A_82 : i32
      scf.if %cond3A_83 {
        %add3A_203 = arith.constant 8 : i32
        %add3A_204 = arith.addi %add3A_72, %add3A_203 : i32
        %dma_start3A_205 = arith.constant 0 : i32
        %dma_start3A_206 = tpu.memref_slice %arg8[%add3A_204, %dma_start3A_205] : memref<80x128xi32, #tpu.memory_space<vmem>> -> memref<1x128xi32, #tpu.memory_space<vmem>>
        %dma_start3A_207 = tpu.memref_squeeze %dma_start3A_206 : memref<1x128xi32, #tpu.memory_space<vmem>> -> memref<128xi32, #tpu.memory_space<vmem>>
        %dma_start3A_208 = arith.constant 0 : i32
        %dma_start3A_209 = arith.constant 0 : i32
        %dma_start3A_210 = tpu.memref_slice %arg20[%dma_start3A_208, %dma_start3A_209] : memref<10240x16xf32, #tpu.memory_space<vmem_shared>> -> memref<10240x16xf32, #tpu.memory_space<vmem_shared>>
        tpu.enqueue_indirect_dma source(%dma_start3A_210 : memref<10240x16xf32, #tpu.memory_space<vmem_shared>>) target(%arg10 : memref<128x16xf32, #tpu.memory_space<vmem>>) offsets(%dma_start3A_207 : memref<128xi32, #tpu.memory_space<vmem>>) semaphore(%arg22 : memref<!tpu.dma_semaphore, #tpu.memory_space<semaphore_mem>>)
      } else {
      }
      %mul3A_84 = arith.constant 8 : i32
      %mul3A_85 = arith.muli %scan3A_68, %mul3A_84 : i32
      %add3A_86 = arith.constant 1 : i32
      %add3A_87 = arith.addi %mul3A_85, %add3A_86 : i32
      %dma_wait3A_88 = arith.constant 0 : i32
      %dma_wait3A_89 = tpu.memref_slice %arg8[%add3A_87, %dma_wait3A_88] : memref<80x128xi32, #tpu.memory_space<vmem>> -> memref<1x128xi32, #tpu.memory_space<vmem>>
      %dma_wait3A_90 = tpu.memref_squeeze %dma_wait3A_89 : memref<1x128xi32, #tpu.memory_space<vmem>> -> memref<128xi32, #tpu.memory_space<vmem>>
      %dma_wait3A_91 = arith.constant 0 : i32
      %dma_wait3A_92 = arith.constant 0 : i32
      %dma_wait3A_93 = tpu.memref_slice %arg20[%dma_wait3A_91, %dma_wait3A_92] : memref<10240x16xf32, #tpu.memory_space<vmem_shared>> -> memref<10240x16xf32, #tpu.memory_space<vmem_shared>>
      tpu.wait_indirect_dma semaphore(%arg23 : memref<!tpu.dma_semaphore, #tpu.memory_space<semaphore_mem>>) src(%dma_wait3A_93 : memref<10240x16xf32, #tpu.memory_space<vmem_shared>>) dst(%arg11 : memref<128x16xf32, #tpu.memory_space<vmem>>)
      "tpu.region"() ({
        %run_scoped3A = tpu.sem_alloc : memref<!tpu.dma_semaphore, #tpu.memory_space<semaphore_mem>>
        %dma_start3A_203 = arith.constant 0 : i32
        %dma_start3A_204 = tpu.memref_slice %arg9[%add3A_87, %dma_start3A_203] : memref<80x128xi32, #tpu.memory_space<vmem>> -> memref<1x128xi32, #tpu.memory_space<vmem>>
        %dma_start3A_205 = tpu.memref_squeeze %dma_start3A_204 : memref<1x128xi32, #tpu.memory_space<vmem>> -> memref<128xi32, #tpu.memory_space<vmem>>
        %dma_start3A_206 = arith.constant 0 : i32
        %dma_start3A_207 = arith.constant 0 : i32
        %dma_start3A_208 = tpu.memref_slice %arg21[%dma_start3A_206, %dma_start3A_207] : memref<10240x16xf32, #tpu.memory_space<vmem_shared>> -> memref<10240x16xf32, #tpu.memory_space<vmem_shared>>
        tpu.enqueue_indirect_dma source(%arg11 : memref<128x16xf32, #tpu.memory_space<vmem>>) target(%dma_start3A_208 : memref<10240x16xf32, #tpu.memory_space<vmem_shared>>) offsets(%dma_start3A_205 : memref<128xi32, #tpu.memory_space<vmem>>) semaphore(%run_scoped3A : memref<!tpu.dma_semaphore, #tpu.memory_space<semaphore_mem>>) {add = true}
        %dma_wait3A_209 = arith.constant 0 : i32
        %dma_wait3A_210 = tpu.memref_slice %arg9[%add3A_87, %dma_wait3A_209] : memref<80x128xi32, #tpu.memory_space<vmem>> -> memref<1x128xi32, #tpu.memory_space<vmem>>
        %dma_wait3A_211 = tpu.memref_squeeze %dma_wait3A_210 : memref<1x128xi32, #tpu.memory_space<vmem>> -> memref<128xi32, #tpu.memory_space<vmem>>
        %dma_wait3A_212 = arith.constant 0 : i32
        %dma_wait3A_213 = arith.constant 0 : i32
        %dma_wait3A_214 = tpu.memref_slice %arg21[%dma_wait3A_212, %dma_wait3A_213] : memref<10240x16xf32, #tpu.memory_space<vmem_shared>> -> memref<10240x16xf32, #tpu.memory_space<vmem_shared>>
        tpu.wait_indirect_dma semaphore(%run_scoped3A : memref<!tpu.dma_semaphore, #tpu.memory_space<semaphore_mem>>) src(%arg11 : memref<128x16xf32, #tpu.memory_space<vmem>>) dst(%dma_wait3A_214 : memref<10240x16xf32, #tpu.memory_space<vmem_shared>>)
        tpu.yield
      }) : () -> ()
      %add3A_94 = arith.constant 8 : i32
      %add3A_95 = arith.addi %add3A_87, %add3A_94 : i32
      %lt3A_96 = arith.constant 80 : i32
      %lt3A_97 = arith.cmpi slt, %add3A_95, %lt3A_96 : i32
      %convert_element_type3A_98 = arith.extui %lt3A_97 : i1 to i32
      %cond3A_99 = arith.constant 0 : i32
      %cond3A_100 = arith.cmpi ne, %convert_element_type3A_98, %cond3A_99 : i32
      scf.if %cond3A_100 {
        %add3A_203 = arith.constant 8 : i32
        %add3A_204 = arith.addi %add3A_87, %add3A_203 : i32
        %dma_start3A_205 = arith.constant 0 : i32
        %dma_start3A_206 = tpu.memref_slice %arg8[%add3A_204, %dma_start3A_205] : memref<80x128xi32, #tpu.memory_space<vmem>> -> memref<1x128xi32, #tpu.memory_space<vmem>>
        %dma_start3A_207 = tpu.memref_squeeze %dma_start3A_206 : memref<1x128xi32, #tpu.memory_space<vmem>> -> memref<128xi32, #tpu.memory_space<vmem>>
        %dma_start3A_208 = arith.constant 0 : i32
        %dma_start3A_209 = arith.constant 0 : i32
        %dma_start3A_210 = tpu.memref_slice %arg20[%dma_start3A_208, %dma_start3A_209] : memref<10240x16xf32, #tpu.memory_space<vmem_shared>> -> memref<10240x16xf32, #tpu.memory_space<vmem_shared>>
        tpu.enqueue_indirect_dma source(%dma_start3A_210 : memref<10240x16xf32, #tpu.memory_space<vmem_shared>>) target(%arg11 : memref<128x16xf32, #tpu.memory_space<vmem>>) offsets(%dma_start3A_207 : memref<128xi32, #tpu.memory_space<vmem>>) semaphore(%arg23 : memref<!tpu.dma_semaphore, #tpu.memory_space<semaphore_mem>>)
      } else {
      }
      %mul3A_101 = arith.constant 8 : i32
      %mul3A_102 = arith.muli %scan3A_68, %mul3A_101 : i32
      %add3A_103 = arith.constant 2 : i32
      %add3A_104 = arith.addi %mul3A_102, %add3A_103 : i32
      %dma_wait3A_105 = arith.constant 0 : i32
      %dma_wait3A_106 = tpu.memref_slice %arg8[%add3A_104, %dma_wait3A_105] : memref<80x128xi32, #tpu.memory_space<vmem>> -> memref<1x128xi32, #tpu.memory_space<vmem>>
      %dma_wait3A_107 = tpu.memref_squeeze %dma_wait3A_106 : memref<1x128xi32, #tpu.memory_space<vmem>> -> memref<128xi32, #tpu.memory_space<vmem>>
      %dma_wait3A_108 = arith.constant 0 : i32
      %dma_wait3A_109 = arith.constant 0 : i32
      %dma_wait3A_110 = tpu.memref_slice %arg20[%dma_wait3A_108, %dma_wait3A_109] : memref<10240x16xf32, #tpu.memory_space<vmem_shared>> -> memref<10240x16xf32, #tpu.memory_space<vmem_shared>>
      tpu.wait_indirect_dma semaphore(%arg24 : memref<!tpu.dma_semaphore, #tpu.memory_space<semaphore_mem>>) src(%dma_wait3A_110 : memref<10240x16xf32, #tpu.memory_space<vmem_shared>>) dst(%arg12 : memref<128x16xf32, #tpu.memory_space<vmem>>)
      "tpu.region"() ({
        %run_scoped3A = tpu.sem_alloc : memref<!tpu.dma_semaphore, #tpu.memory_space<semaphore_mem>>
        %dma_start3A_203 = arith.constant 0 : i32
        %dma_start3A_204 = tpu.memref_slice %arg9[%add3A_104, %dma_start3A_203] : memref<80x128xi32, #tpu.memory_space<vmem>> -> memref<1x128xi32, #tpu.memory_space<vmem>>
        %dma_start3A_205 = tpu.memref_squeeze %dma_start3A_204 : memref<1x128xi32, #tpu.memory_space<vmem>> -> memref<128xi32, #tpu.memory_space<vmem>>
        %dma_start3A_206 = arith.constant 0 : i32
        %dma_start3A_207 = arith.constant 0 : i32
        %dma_start3A_208 = tpu.memref_slice %arg21[%dma_start3A_206, %dma_start3A_207] : memref<10240x16xf32, #tpu.memory_space<vmem_shared>> -> memref<10240x16xf32, #tpu.memory_space<vmem_shared>>
        tpu.enqueue_indirect_dma source(%arg12 : memref<128x16xf32, #tpu.memory_space<vmem>>) target(%dma_start3A_208 : memref<10240x16xf32, #tpu.memory_space<vmem_shared>>) offsets(%dma_start3A_205 : memref<128xi32, #tpu.memory_space<vmem>>) semaphore(%run_scoped3A : memref<!tpu.dma_semaphore, #tpu.memory_space<semaphore_mem>>) {add = true}
        %dma_wait3A_209 = arith.constant 0 : i32
        %dma_wait3A_210 = tpu.memref_slice %arg9[%add3A_104, %dma_wait3A_209] : memref<80x128xi32, #tpu.memory_space<vmem>> -> memref<1x128xi32, #tpu.memory_space<vmem>>
        %dma_wait3A_211 = tpu.memref_squeeze %dma_wait3A_210 : memref<1x128xi32, #tpu.memory_space<vmem>> -> memref<128xi32, #tpu.memory_space<vmem>>
        %dma_wait3A_212 = arith.constant 0 : i32
        %dma_wait3A_213 = arith.constant 0 : i32
        %dma_wait3A_214 = tpu.memref_slice %arg21[%dma_wait3A_212, %dma_wait3A_213] : memref<10240x16xf32, #tpu.memory_space<vmem_shared>> -> memref<10240x16xf32, #tpu.memory_space<vmem_shared>>
        tpu.wait_indirect_dma semaphore(%run_scoped3A : memref<!tpu.dma_semaphore, #tpu.memory_space<semaphore_mem>>) src(%arg12 : memref<128x16xf32, #tpu.memory_space<vmem>>) dst(%dma_wait3A_214 : memref<10240x16xf32, #tpu.memory_space<vmem_shared>>)
        tpu.yield
      }) : () -> ()
      %add3A_111 = arith.constant 8 : i32
      %add3A_112 = arith.addi %add3A_104, %add3A_111 : i32
      %lt3A_113 = arith.constant 80 : i32
      %lt3A_114 = arith.cmpi slt, %add3A_112, %lt3A_113 : i32
      %convert_element_type3A_115 = arith.extui %lt3A_114 : i1 to i32
      %cond3A_116 = arith.constant 0 : i32
      %cond3A_117 = arith.cmpi ne, %convert_element_type3A_115, %cond3A_116 : i32
      scf.if %cond3A_117 {
        %add3A_203 = arith.constant 8 : i32
        %add3A_204 = arith.addi %add3A_104, %add3A_203 : i32
        %dma_start3A_205 = arith.constant 0 : i32
        %dma_start3A_206 = tpu.memref_slice %arg8[%add3A_204, %dma_start3A_205] : memref<80x128xi32, #tpu.memory_space<vmem>> -> memref<1x128xi32, #tpu.memory_space<vmem>>
        %dma_start3A_207 = tpu.memref_squeeze %dma_start3A_206 : memref<1x128xi32, #tpu.memory_space<vmem>> -> memref<128xi32, #tpu.memory_space<vmem>>
        %dma_start3A_208 = arith.constant 0 : i32
        %dma_start3A_209 = arith.constant 0 : i32
        %dma_start3A_210 = tpu.memref_slice %arg20[%dma_start3A_208, %dma_start3A_209] : memref<10240x16xf32, #tpu.memory_space<vmem_shared>> -> memref<10240x16xf32, #tpu.memory_space<vmem_shared>>
        tpu.enqueue_indirect_dma source(%dma_start3A_210 : memref<10240x16xf32, #tpu.memory_space<vmem_shared>>) target(%arg12 : memref<128x16xf32, #tpu.memory_space<vmem>>) offsets(%dma_start3A_207 : memref<128xi32, #tpu.memory_space<vmem>>) semaphore(%arg24 : memref<!tpu.dma_semaphore, #tpu.memory_space<semaphore_mem>>)
      } else {
      }
      %mul3A_118 = arith.constant 8 : i32
      %mul3A_119 = arith.muli %scan3A_68, %mul3A_118 : i32
      %add3A_120 = arith.constant 3 : i32
      %add3A_121 = arith.addi %mul3A_119, %add3A_120 : i32
      %dma_wait3A_122 = arith.constant 0 : i32
      %dma_wait3A_123 = tpu.memref_slice %arg8[%add3A_121, %dma_wait3A_122] : memref<80x128xi32, #tpu.memory_space<vmem>> -> memref<1x128xi32, #tpu.memory_space<vmem>>
      %dma_wait3A_124 = tpu.memref_squeeze %dma_wait3A_123 : memref<1x128xi32, #tpu.memory_space<vmem>> -> memref<128xi32, #tpu.memory_space<vmem>>
      %dma_wait3A_125 = arith.constant 0 : i32
      %dma_wait3A_126 = arith.constant 0 : i32
      %dma_wait3A_127 = tpu.memref_slice %arg20[%dma_wait3A_125, %dma_wait3A_126] : memref<10240x16xf32, #tpu.memory_space<vmem_shared>> -> memref<10240x16xf32, #tpu.memory_space<vmem_shared>>
      tpu.wait_indirect_dma semaphore(%arg25 : memref<!tpu.dma_semaphore, #tpu.memory_space<semaphore_mem>>) src(%dma_wait3A_127 : memref<10240x16xf32, #tpu.memory_space<vmem_shared>>) dst(%arg13 : memref<128x16xf32, #tpu.memory_space<vmem>>)
      "tpu.region"() ({
        %run_scoped3A = tpu.sem_alloc : memref<!tpu.dma_semaphore, #tpu.memory_space<semaphore_mem>>
        %dma_start3A_203 = arith.constant 0 : i32
        %dma_start3A_204 = tpu.memref_slice %arg9[%add3A_121, %dma_start3A_203] : memref<80x128xi32, #tpu.memory_space<vmem>> -> memref<1x128xi32, #tpu.memory_space<vmem>>
        %dma_start3A_205 = tpu.memref_squeeze %dma_start3A_204 : memref<1x128xi32, #tpu.memory_space<vmem>> -> memref<128xi32, #tpu.memory_space<vmem>>
        %dma_start3A_206 = arith.constant 0 : i32
        %dma_start3A_207 = arith.constant 0 : i32
        %dma_start3A_208 = tpu.memref_slice %arg21[%dma_start3A_206, %dma_start3A_207] : memref<10240x16xf32, #tpu.memory_space<vmem_shared>> -> memref<10240x16xf32, #tpu.memory_space<vmem_shared>>
        tpu.enqueue_indirect_dma source(%arg13 : memref<128x16xf32, #tpu.memory_space<vmem>>) target(%dma_start3A_208 : memref<10240x16xf32, #tpu.memory_space<vmem_shared>>) offsets(%dma_start3A_205 : memref<128xi32, #tpu.memory_space<vmem>>) semaphore(%run_scoped3A : memref<!tpu.dma_semaphore, #tpu.memory_space<semaphore_mem>>) {add = true}
        %dma_wait3A_209 = arith.constant 0 : i32
        %dma_wait3A_210 = tpu.memref_slice %arg9[%add3A_121, %dma_wait3A_209] : memref<80x128xi32, #tpu.memory_space<vmem>> -> memref<1x128xi32, #tpu.memory_space<vmem>>
        %dma_wait3A_211 = tpu.memref_squeeze %dma_wait3A_210 : memref<1x128xi32, #tpu.memory_space<vmem>> -> memref<128xi32, #tpu.memory_space<vmem>>
        %dma_wait3A_212 = arith.constant 0 : i32
        %dma_wait3A_213 = arith.constant 0 : i32
        %dma_wait3A_214 = tpu.memref_slice %arg21[%dma_wait3A_212, %dma_wait3A_213] : memref<10240x16xf32, #tpu.memory_space<vmem_shared>> -> memref<10240x16xf32, #tpu.memory_space<vmem_shared>>
        tpu.wait_indirect_dma semaphore(%run_scoped3A : memref<!tpu.dma_semaphore, #tpu.memory_space<semaphore_mem>>) src(%arg13 : memref<128x16xf32, #tpu.memory_space<vmem>>) dst(%dma_wait3A_214 : memref<10240x16xf32, #tpu.memory_space<vmem_shared>>)
        tpu.yield
      }) : () -> ()
      %add3A_128 = arith.constant 8 : i32
      %add3A_129 = arith.addi %add3A_121, %add3A_128 : i32
      %lt3A_130 = arith.constant 80 : i32
      %lt3A_131 = arith.cmpi slt, %add3A_129, %lt3A_130 : i32
      %convert_element_type3A_132 = arith.extui %lt3A_131 : i1 to i32
      %cond3A_133 = arith.constant 0 : i32
      %cond3A_134 = arith.cmpi ne, %convert_element_type3A_132, %cond3A_133 : i32
      scf.if %cond3A_134 {
        %add3A_203 = arith.constant 8 : i32
        %add3A_204 = arith.addi %add3A_121, %add3A_203 : i32
        %dma_start3A_205 = arith.constant 0 : i32
        %dma_start3A_206 = tpu.memref_slice %arg8[%add3A_204, %dma_start3A_205] : memref<80x128xi32, #tpu.memory_space<vmem>> -> memref<1x128xi32, #tpu.memory_space<vmem>>
        %dma_start3A_207 = tpu.memref_squeeze %dma_start3A_206 : memref<1x128xi32, #tpu.memory_space<vmem>> -> memref<128xi32, #tpu.memory_space<vmem>>
        %dma_start3A_208 = arith.constant 0 : i32
        %dma_start3A_209 = arith.constant 0 : i32
        %dma_start3A_210 = tpu.memref_slice %arg20[%dma_start3A_208, %dma_start3A_209] : memref<10240x16xf32, #tpu.memory_space<vmem_shared>> -> memref<10240x16xf32, #tpu.memory_space<vmem_shared>>
        tpu.enqueue_indirect_dma source(%dma_start3A_210 : memref<10240x16xf32, #tpu.memory_space<vmem_shared>>) target(%arg13 : memref<128x16xf32, #tpu.memory_space<vmem>>) offsets(%dma_start3A_207 : memref<128xi32, #tpu.memory_space<vmem>>) semaphore(%arg25 : memref<!tpu.dma_semaphore, #tpu.memory_space<semaphore_mem>>)
      } else {
      }
      %mul3A_135 = arith.constant 8 : i32
      %mul3A_136 = arith.muli %scan3A_68, %mul3A_135 : i32
      %add3A_137 = arith.constant 4 : i32
      %add3A_138 = arith.addi %mul3A_136, %add3A_137 : i32
      %dma_wait3A_139 = arith.constant 0 : i32
      %dma_wait3A_140 = tpu.memref_slice %arg8[%add3A_138, %dma_wait3A_139] : memref<80x128xi32, #tpu.memory_space<vmem>> -> memref<1x128xi32, #tpu.memory_space<vmem>>
      %dma_wait3A_141 = tpu.memref_squeeze %dma_wait3A_140 : memref<1x128xi32, #tpu.memory_space<vmem>> -> memref<128xi32, #tpu.memory_space<vmem>>
      %dma_wait3A_142 = arith.constant 0 : i32
      %dma_wait3A_143 = arith.constant 0 : i32
      %dma_wait3A_144 = tpu.memref_slice %arg20[%dma_wait3A_142, %dma_wait3A_143] : memref<10240x16xf32, #tpu.memory_space<vmem_shared>> -> memref<10240x16xf32, #tpu.memory_space<vmem_shared>>
      tpu.wait_indirect_dma semaphore(%arg26 : memref<!tpu.dma_semaphore, #tpu.memory_space<semaphore_mem>>) src(%dma_wait3A_144 : memref<10240x16xf32, #tpu.memory_space<vmem_shared>>) dst(%arg14 : memref<128x16xf32, #tpu.memory_space<vmem>>)
      "tpu.region"() ({
        %run_scoped3A = tpu.sem_alloc : memref<!tpu.dma_semaphore, #tpu.memory_space<semaphore_mem>>
        %dma_start3A_203 = arith.constant 0 : i32
        %dma_start3A_204 = tpu.memref_slice %arg9[%add3A_138, %dma_start3A_203] : memref<80x128xi32, #tpu.memory_space<vmem>> -> memref<1x128xi32, #tpu.memory_space<vmem>>
        %dma_start3A_205 = tpu.memref_squeeze %dma_start3A_204 : memref<1x128xi32, #tpu.memory_space<vmem>> -> memref<128xi32, #tpu.memory_space<vmem>>
        %dma_start3A_206 = arith.constant 0 : i32
        %dma_start3A_207 = arith.constant 0 : i32
        %dma_start3A_208 = tpu.memref_slice %arg21[%dma_start3A_206, %dma_start3A_207] : memref<10240x16xf32, #tpu.memory_space<vmem_shared>> -> memref<10240x16xf32, #tpu.memory_space<vmem_shared>>
        tpu.enqueue_indirect_dma source(%arg14 : memref<128x16xf32, #tpu.memory_space<vmem>>) target(%dma_start3A_208 : memref<10240x16xf32, #tpu.memory_space<vmem_shared>>) offsets(%dma_start3A_205 : memref<128xi32, #tpu.memory_space<vmem>>) semaphore(%run_scoped3A : memref<!tpu.dma_semaphore, #tpu.memory_space<semaphore_mem>>) {add = true}
        %dma_wait3A_209 = arith.constant 0 : i32
        %dma_wait3A_210 = tpu.memref_slice %arg9[%add3A_138, %dma_wait3A_209] : memref<80x128xi32, #tpu.memory_space<vmem>> -> memref<1x128xi32, #tpu.memory_space<vmem>>
        %dma_wait3A_211 = tpu.memref_squeeze %dma_wait3A_210 : memref<1x128xi32, #tpu.memory_space<vmem>> -> memref<128xi32, #tpu.memory_space<vmem>>
        %dma_wait3A_212 = arith.constant 0 : i32
        %dma_wait3A_213 = arith.constant 0 : i32
        %dma_wait3A_214 = tpu.memref_slice %arg21[%dma_wait3A_212, %dma_wait3A_213] : memref<10240x16xf32, #tpu.memory_space<vmem_shared>> -> memref<10240x16xf32, #tpu.memory_space<vmem_shared>>
        tpu.wait_indirect_dma semaphore(%run_scoped3A : memref<!tpu.dma_semaphore, #tpu.memory_space<semaphore_mem>>) src(%arg14 : memref<128x16xf32, #tpu.memory_space<vmem>>) dst(%dma_wait3A_214 : memref<10240x16xf32, #tpu.memory_space<vmem_shared>>)
        tpu.yield
      }) : () -> ()
      %add3A_145 = arith.constant 8 : i32
      %add3A_146 = arith.addi %add3A_138, %add3A_145 : i32
      %lt3A_147 = arith.constant 80 : i32
      %lt3A_148 = arith.cmpi slt, %add3A_146, %lt3A_147 : i32
      %convert_element_type3A_149 = arith.extui %lt3A_148 : i1 to i32
      %cond3A_150 = arith.constant 0 : i32
      %cond3A_151 = arith.cmpi ne, %convert_element_type3A_149, %cond3A_150 : i32
      scf.if %cond3A_151 {
        %add3A_203 = arith.constant 8 : i32
        %add3A_204 = arith.addi %add3A_138, %add3A_203 : i32
        %dma_start3A_205 = arith.constant 0 : i32
        %dma_start3A_206 = tpu.memref_slice %arg8[%add3A_204, %dma_start3A_205] : memref<80x128xi32, #tpu.memory_space<vmem>> -> memref<1x128xi32, #tpu.memory_space<vmem>>
        %dma_start3A_207 = tpu.memref_squeeze %dma_start3A_206 : memref<1x128xi32, #tpu.memory_space<vmem>> -> memref<128xi32, #tpu.memory_space<vmem>>
        %dma_start3A_208 = arith.constant 0 : i32
        %dma_start3A_209 = arith.constant 0 : i32
        %dma_start3A_210 = tpu.memref_slice %arg20[%dma_start3A_208, %dma_start3A_209] : memref<10240x16xf32, #tpu.memory_space<vmem_shared>> -> memref<10240x16xf32, #tpu.memory_space<vmem_shared>>
        tpu.enqueue_indirect_dma source(%dma_start3A_210 : memref<10240x16xf32, #tpu.memory_space<vmem_shared>>) target(%arg14 : memref<128x16xf32, #tpu.memory_space<vmem>>) offsets(%dma_start3A_207 : memref<128xi32, #tpu.memory_space<vmem>>) semaphore(%arg26 : memref<!tpu.dma_semaphore, #tpu.memory_space<semaphore_mem>>)
      } else {
      }
      %mul3A_152 = arith.constant 8 : i32
      %mul3A_153 = arith.muli %scan3A_68, %mul3A_152 : i32
      %add3A_154 = arith.constant 5 : i32
      %add3A_155 = arith.addi %mul3A_153, %add3A_154 : i32
      %dma_wait3A_156 = arith.constant 0 : i32
      %dma_wait3A_157 = tpu.memref_slice %arg8[%add3A_155, %dma_wait3A_156] : memref<80x128xi32, #tpu.memory_space<vmem>> -> memref<1x128xi32, #tpu.memory_space<vmem>>
      %dma_wait3A_158 = tpu.memref_squeeze %dma_wait3A_157 : memref<1x128xi32, #tpu.memory_space<vmem>> -> memref<128xi32, #tpu.memory_space<vmem>>
      %dma_wait3A_159 = arith.constant 0 : i32
      %dma_wait3A_160 = arith.constant 0 : i32
      %dma_wait3A_161 = tpu.memref_slice %arg20[%dma_wait3A_159, %dma_wait3A_160] : memref<10240x16xf32, #tpu.memory_space<vmem_shared>> -> memref<10240x16xf32, #tpu.memory_space<vmem_shared>>
      tpu.wait_indirect_dma semaphore(%arg27 : memref<!tpu.dma_semaphore, #tpu.memory_space<semaphore_mem>>) src(%dma_wait3A_161 : memref<10240x16xf32, #tpu.memory_space<vmem_shared>>) dst(%arg15 : memref<128x16xf32, #tpu.memory_space<vmem>>)
      "tpu.region"() ({
        %run_scoped3A = tpu.sem_alloc : memref<!tpu.dma_semaphore, #tpu.memory_space<semaphore_mem>>
        %dma_start3A_203 = arith.constant 0 : i32
        %dma_start3A_204 = tpu.memref_slice %arg9[%add3A_155, %dma_start3A_203] : memref<80x128xi32, #tpu.memory_space<vmem>> -> memref<1x128xi32, #tpu.memory_space<vmem>>
        %dma_start3A_205 = tpu.memref_squeeze %dma_start3A_204 : memref<1x128xi32, #tpu.memory_space<vmem>> -> memref<128xi32, #tpu.memory_space<vmem>>
        %dma_start3A_206 = arith.constant 0 : i32
        %dma_start3A_207 = arith.constant 0 : i32
        %dma_start3A_208 = tpu.memref_slice %arg21[%dma_start3A_206, %dma_start3A_207] : memref<10240x16xf32, #tpu.memory_space<vmem_shared>> -> memref<10240x16xf32, #tpu.memory_space<vmem_shared>>
        tpu.enqueue_indirect_dma source(%arg15 : memref<128x16xf32, #tpu.memory_space<vmem>>) target(%dma_start3A_208 : memref<10240x16xf32, #tpu.memory_space<vmem_shared>>) offsets(%dma_start3A_205 : memref<128xi32, #tpu.memory_space<vmem>>) semaphore(%run_scoped3A : memref<!tpu.dma_semaphore, #tpu.memory_space<semaphore_mem>>) {add = true}
        %dma_wait3A_209 = arith.constant 0 : i32
        %dma_wait3A_210 = tpu.memref_slice %arg9[%add3A_155, %dma_wait3A_209] : memref<80x128xi32, #tpu.memory_space<vmem>> -> memref<1x128xi32, #tpu.memory_space<vmem>>
        %dma_wait3A_211 = tpu.memref_squeeze %dma_wait3A_210 : memref<1x128xi32, #tpu.memory_space<vmem>> -> memref<128xi32, #tpu.memory_space<vmem>>
        %dma_wait3A_212 = arith.constant 0 : i32
        %dma_wait3A_213 = arith.constant 0 : i32
        %dma_wait3A_214 = tpu.memref_slice %arg21[%dma_wait3A_212, %dma_wait3A_213] : memref<10240x16xf32, #tpu.memory_space<vmem_shared>> -> memref<10240x16xf32, #tpu.memory_space<vmem_shared>>
        tpu.wait_indirect_dma semaphore(%run_scoped3A : memref<!tpu.dma_semaphore, #tpu.memory_space<semaphore_mem>>) src(%arg15 : memref<128x16xf32, #tpu.memory_space<vmem>>) dst(%dma_wait3A_214 : memref<10240x16xf32, #tpu.memory_space<vmem_shared>>)
        tpu.yield
      }) : () -> ()
      %add3A_162 = arith.constant 8 : i32
      %add3A_163 = arith.addi %add3A_155, %add3A_162 : i32
      %lt3A_164 = arith.constant 80 : i32
      %lt3A_165 = arith.cmpi slt, %add3A_163, %lt3A_164 : i32
      %convert_element_type3A_166 = arith.extui %lt3A_165 : i1 to i32
      %cond3A_167 = arith.constant 0 : i32
      %cond3A_168 = arith.cmpi ne, %convert_element_type3A_166, %cond3A_167 : i32
      scf.if %cond3A_168 {
        %add3A_203 = arith.constant 8 : i32
        %add3A_204 = arith.addi %add3A_155, %add3A_203 : i32
        %dma_start3A_205 = arith.constant 0 : i32
        %dma_start3A_206 = tpu.memref_slice %arg8[%add3A_204, %dma_start3A_205] : memref<80x128xi32, #tpu.memory_space<vmem>> -> memref<1x128xi32, #tpu.memory_space<vmem>>
        %dma_start3A_207 = tpu.memref_squeeze %dma_start3A_206 : memref<1x128xi32, #tpu.memory_space<vmem>> -> memref<128xi32, #tpu.memory_space<vmem>>
        %dma_start3A_208 = arith.constant 0 : i32
        %dma_start3A_209 = arith.constant 0 : i32
        %dma_start3A_210 = tpu.memref_slice %arg20[%dma_start3A_208, %dma_start3A_209] : memref<10240x16xf32, #tpu.memory_space<vmem_shared>> -> memref<10240x16xf32, #tpu.memory_space<vmem_shared>>
        tpu.enqueue_indirect_dma source(%dma_start3A_210 : memref<10240x16xf32, #tpu.memory_space<vmem_shared>>) target(%arg15 : memref<128x16xf32, #tpu.memory_space<vmem>>) offsets(%dma_start3A_207 : memref<128xi32, #tpu.memory_space<vmem>>) semaphore(%arg27 : memref<!tpu.dma_semaphore, #tpu.memory_space<semaphore_mem>>)
      } else {
      }
      %mul3A_169 = arith.constant 8 : i32
      %mul3A_170 = arith.muli %scan3A_68, %mul3A_169 : i32
      %add3A_171 = arith.constant 6 : i32
      %add3A_172 = arith.addi %mul3A_170, %add3A_171 : i32
      %dma_wait3A_173 = arith.constant 0 : i32
      %dma_wait3A_174 = tpu.memref_slice %arg8[%add3A_172, %dma_wait3A_173] : memref<80x128xi32, #tpu.memory_space<vmem>> -> memref<1x128xi32, #tpu.memory_space<vmem>>
      %dma_wait3A_175 = tpu.memref_squeeze %dma_wait3A_174 : memref<1x128xi32, #tpu.memory_space<vmem>> -> memref<128xi32, #tpu.memory_space<vmem>>
      %dma_wait3A_176 = arith.constant 0 : i32
      %dma_wait3A_177 = arith.constant 0 : i32
      %dma_wait3A_178 = tpu.memref_slice %arg20[%dma_wait3A_176, %dma_wait3A_177] : memref<10240x16xf32, #tpu.memory_space<vmem_shared>> -> memref<10240x16xf32, #tpu.memory_space<vmem_shared>>
      tpu.wait_indirect_dma semaphore(%arg28 : memref<!tpu.dma_semaphore, #tpu.memory_space<semaphore_mem>>) src(%dma_wait3A_178 : memref<10240x16xf32, #tpu.memory_space<vmem_shared>>) dst(%arg16 : memref<128x16xf32, #tpu.memory_space<vmem>>)
      "tpu.region"() ({
        %run_scoped3A = tpu.sem_alloc : memref<!tpu.dma_semaphore, #tpu.memory_space<semaphore_mem>>
        %dma_start3A_203 = arith.constant 0 : i32
        %dma_start3A_204 = tpu.memref_slice %arg9[%add3A_172, %dma_start3A_203] : memref<80x128xi32, #tpu.memory_space<vmem>> -> memref<1x128xi32, #tpu.memory_space<vmem>>
        %dma_start3A_205 = tpu.memref_squeeze %dma_start3A_204 : memref<1x128xi32, #tpu.memory_space<vmem>> -> memref<128xi32, #tpu.memory_space<vmem>>
        %dma_start3A_206 = arith.constant 0 : i32
        %dma_start3A_207 = arith.constant 0 : i32
        %dma_start3A_208 = tpu.memref_slice %arg21[%dma_start3A_206, %dma_start3A_207] : memref<10240x16xf32, #tpu.memory_space<vmem_shared>> -> memref<10240x16xf32, #tpu.memory_space<vmem_shared>>
        tpu.enqueue_indirect_dma source(%arg16 : memref<128x16xf32, #tpu.memory_space<vmem>>) target(%dma_start3A_208 : memref<10240x16xf32, #tpu.memory_space<vmem_shared>>) offsets(%dma_start3A_205 : memref<128xi32, #tpu.memory_space<vmem>>) semaphore(%run_scoped3A : memref<!tpu.dma_semaphore, #tpu.memory_space<semaphore_mem>>) {add = true}
        %dma_wait3A_209 = arith.constant 0 : i32
        %dma_wait3A_210 = tpu.memref_slice %arg9[%add3A_172, %dma_wait3A_209] : memref<80x128xi32, #tpu.memory_space<vmem>> -> memref<1x128xi32, #tpu.memory_space<vmem>>
        %dma_wait3A_211 = tpu.memref_squeeze %dma_wait3A_210 : memref<1x128xi32, #tpu.memory_space<vmem>> -> memref<128xi32, #tpu.memory_space<vmem>>
        %dma_wait3A_212 = arith.constant 0 : i32
        %dma_wait3A_213 = arith.constant 0 : i32
        %dma_wait3A_214 = tpu.memref_slice %arg21[%dma_wait3A_212, %dma_wait3A_213] : memref<10240x16xf32, #tpu.memory_space<vmem_shared>> -> memref<10240x16xf32, #tpu.memory_space<vmem_shared>>
        tpu.wait_indirect_dma semaphore(%run_scoped3A : memref<!tpu.dma_semaphore, #tpu.memory_space<semaphore_mem>>) src(%arg16 : memref<128x16xf32, #tpu.memory_space<vmem>>) dst(%dma_wait3A_214 : memref<10240x16xf32, #tpu.memory_space<vmem_shared>>)
        tpu.yield
      }) : () -> ()
      %add3A_179 = arith.constant 8 : i32
      %add3A_180 = arith.addi %add3A_172, %add3A_179 : i32
      %lt3A_181 = arith.constant 80 : i32
      %lt3A_182 = arith.cmpi slt, %add3A_180, %lt3A_181 : i32
      %convert_element_type3A_183 = arith.extui %lt3A_182 : i1 to i32
      %cond3A_184 = arith.constant 0 : i32
      %cond3A_185 = arith.cmpi ne, %convert_element_type3A_183, %cond3A_184 : i32
      scf.if %cond3A_185 {
        %add3A_203 = arith.constant 8 : i32
        %add3A_204 = arith.addi %add3A_172, %add3A_203 : i32
        %dma_start3A_205 = arith.constant 0 : i32
        %dma_start3A_206 = tpu.memref_slice %arg8[%add3A_204, %dma_start3A_205] : memref<80x128xi32, #tpu.memory_space<vmem>> -> memref<1x128xi32, #tpu.memory_space<vmem>>
        %dma_start3A_207 = tpu.memref_squeeze %dma_start3A_206 : memref<1x128xi32, #tpu.memory_space<vmem>> -> memref<128xi32, #tpu.memory_space<vmem>>
        %dma_start3A_208 = arith.constant 0 : i32
        %dma_start3A_209 = arith.constant 0 : i32
        %dma_start3A_210 = tpu.memref_slice %arg20[%dma_start3A_208, %dma_start3A_209] : memref<10240x16xf32, #tpu.memory_space<vmem_shared>> -> memref<10240x16xf32, #tpu.memory_space<vmem_shared>>
        tpu.enqueue_indirect_dma source(%dma_start3A_210 : memref<10240x16xf32, #tpu.memory_space<vmem_shared>>) target(%arg16 : memref<128x16xf32, #tpu.memory_space<vmem>>) offsets(%dma_start3A_207 : memref<128xi32, #tpu.memory_space<vmem>>) semaphore(%arg28 : memref<!tpu.dma_semaphore, #tpu.memory_space<semaphore_mem>>)
      } else {
      }
      %mul3A_186 = arith.constant 8 : i32
      %mul3A_187 = arith.muli %scan3A_68, %mul3A_186 : i32
      %add3A_188 = arith.constant 7 : i32
      %add3A_189 = arith.addi %mul3A_187, %add3A_188 : i32
      %dma_wait3A_190 = arith.constant 0 : i32
      %dma_wait3A_191 = tpu.memref_slice %arg8[%add3A_189, %dma_wait3A_190] : memref<80x128xi32, #tpu.memory_space<vmem>> -> memref<1x128xi32, #tpu.memory_space<vmem>>
      %dma_wait3A_192 = tpu.memref_squeeze %dma_wait3A_191 : memref<1x128xi32, #tpu.memory_space<vmem>> -> memref<128xi32, #tpu.memory_space<vmem>>
      %dma_wait3A_193 = arith.constant 0 : i32
      %dma_wait3A_194 = arith.constant 0 : i32
      %dma_wait3A_195 = tpu.memref_slice %arg20[%dma_wait3A_193, %dma_wait3A_194] : memref<10240x16xf32, #tpu.memory_space<vmem_shared>> -> memref<10240x16xf32, #tpu.memory_space<vmem_shared>>
      tpu.wait_indirect_dma semaphore(%arg29 : memref<!tpu.dma_semaphore, #tpu.memory_space<semaphore_mem>>) src(%dma_wait3A_195 : memref<10240x16xf32, #tpu.memory_space<vmem_shared>>) dst(%arg17 : memref<128x16xf32, #tpu.memory_space<vmem>>)
      "tpu.region"() ({
        %run_scoped3A = tpu.sem_alloc : memref<!tpu.dma_semaphore, #tpu.memory_space<semaphore_mem>>
        %dma_start3A_203 = arith.constant 0 : i32
        %dma_start3A_204 = tpu.memref_slice %arg9[%add3A_189, %dma_start3A_203] : memref<80x128xi32, #tpu.memory_space<vmem>> -> memref<1x128xi32, #tpu.memory_space<vmem>>
        %dma_start3A_205 = tpu.memref_squeeze %dma_start3A_204 : memref<1x128xi32, #tpu.memory_space<vmem>> -> memref<128xi32, #tpu.memory_space<vmem>>
        %dma_start3A_206 = arith.constant 0 : i32
        %dma_start3A_207 = arith.constant 0 : i32
        %dma_start3A_208 = tpu.memref_slice %arg21[%dma_start3A_206, %dma_start3A_207] : memref<10240x16xf32, #tpu.memory_space<vmem_shared>> -> memref<10240x16xf32, #tpu.memory_space<vmem_shared>>
        tpu.enqueue_indirect_dma source(%arg17 : memref<128x16xf32, #tpu.memory_space<vmem>>) target(%dma_start3A_208 : memref<10240x16xf32, #tpu.memory_space<vmem_shared>>) offsets(%dma_start3A_205 : memref<128xi32, #tpu.memory_space<vmem>>) semaphore(%run_scoped3A : memref<!tpu.dma_semaphore, #tpu.memory_space<semaphore_mem>>) {add = true}
        %dma_wait3A_209 = arith.constant 0 : i32
        %dma_wait3A_210 = tpu.memref_slice %arg9[%add3A_189, %dma_wait3A_209] : memref<80x128xi32, #tpu.memory_space<vmem>> -> memref<1x128xi32, #tpu.memory_space<vmem>>
        %dma_wait3A_211 = tpu.memref_squeeze %dma_wait3A_210 : memref<1x128xi32, #tpu.memory_space<vmem>> -> memref<128xi32, #tpu.memory_space<vmem>>
        %dma_wait3A_212 = arith.constant 0 : i32
        %dma_wait3A_213 = arith.constant 0 : i32
        %dma_wait3A_214 = tpu.memref_slice %arg21[%dma_wait3A_212, %dma_wait3A_213] : memref<10240x16xf32, #tpu.memory_space<vmem_shared>> -> memref<10240x16xf32, #tpu.memory_space<vmem_shared>>
        tpu.wait_indirect_dma semaphore(%run_scoped3A : memref<!tpu.dma_semaphore, #tpu.memory_space<semaphore_mem>>) src(%arg17 : memref<128x16xf32, #tpu.memory_space<vmem>>) dst(%dma_wait3A_214 : memref<10240x16xf32, #tpu.memory_space<vmem_shared>>)
        tpu.yield
      }) : () -> ()
      %add3A_196 = arith.constant 8 : i32
      %add3A_197 = arith.addi %add3A_189, %add3A_196 : i32
      %lt3A_198 = arith.constant 80 : i32
      %lt3A_199 = arith.cmpi slt, %add3A_197, %lt3A_198 : i32
      %convert_element_type3A_200 = arith.extui %lt3A_199 : i1 to i32
      %cond3A_201 = arith.constant 0 : i32
      %cond3A_202 = arith.cmpi ne, %convert_element_type3A_200, %cond3A_201 : i32
      scf.if %cond3A_202 {
        %add3A_203 = arith.constant 8 : i32
        %add3A_204 = arith.addi %add3A_189, %add3A_203 : i32
        %dma_start3A_205 = arith.constant 0 : i32
        %dma_start3A_206 = tpu.memref_slice %arg8[%add3A_204, %dma_start3A_205] : memref<80x128xi32, #tpu.memory_space<vmem>> -> memref<1x128xi32, #tpu.memory_space<vmem>>
        %dma_start3A_207 = tpu.memref_squeeze %dma_start3A_206 : memref<1x128xi32, #tpu.memory_space<vmem>> -> memref<128xi32, #tpu.memory_space<vmem>>
        %dma_start3A_208 = arith.constant 0 : i32
        %dma_start3A_209 = arith.constant 0 : i32
        %dma_start3A_210 = tpu.memref_slice %arg20[%dma_start3A_208, %dma_start3A_209] : memref<10240x16xf32, #tpu.memory_space<vmem_shared>> -> memref<10240x16xf32, #tpu.memory_space<vmem_shared>>
        tpu.enqueue_indirect_dma source(%dma_start3A_210 : memref<10240x16xf32, #tpu.memory_space<vmem_shared>>) target(%arg17 : memref<128x16xf32, #tpu.memory_space<vmem>>) offsets(%dma_start3A_207 : memref<128xi32, #tpu.memory_space<vmem>>) semaphore(%arg29 : memref<!tpu.dma_semaphore, #tpu.memory_space<semaphore_mem>>)
      } else {
      }
    }
    %scan3A_66 = arith.constant 10 : i32
    %barrier3A_67 = arith.constant 0 : index
    tpu.barrier barrier_id(%barrier3A_67)
    "tpu.region"() ({
      %run_scoped3A = tpu.sem_alloc : memref<!tpu.dma_semaphore, #tpu.memory_space<semaphore_mem>>
      %dma_start3A_68 = arith.constant 0 : i32
      %dma_start3A_69 = tpu.memref_slice %arg7[%arg0, %mul3A_2, %dma_start3A_68] : memref<2x10240x16xf32, #tpu.memory_space<hbm>> -> memref<1x640x16xf32, #tpu.memory_space<hbm>>
      %dma_start3A_70 = tpu.memref_squeeze %dma_start3A_69 : memref<1x640x16xf32, #tpu.memory_space<hbm>> -> memref<640x16xf32, #tpu.memory_space<hbm>>
      %dma_start3A_71 = arith.constant 0 : i32
      %dma_start3A_72 = tpu.memref_slice %arg21[%mul3A_2, %dma_start3A_71] : memref<10240x16xf32, #tpu.memory_space<vmem_shared>> -> memref<640x16xf32, #tpu.memory_space<vmem_shared>>
      tpu.enqueue_dma source(%dma_start3A_72 : memref<640x16xf32, #tpu.memory_space<vmem_shared>>) target(%dma_start3A_70 : memref<640x16xf32, #tpu.memory_space<hbm>>) target_semaphore(%run_scoped3A : memref<!tpu.dma_semaphore, #tpu.memory_space<semaphore_mem>>)
      %dma_wait3A = arith.constant 0 : i32
      %dma_wait3A_73 = tpu.memref_slice %arg7[%arg0, %mul3A_2, %dma_wait3A] : memref<2x10240x16xf32, #tpu.memory_space<hbm>> -> memref<1x640x16xf32, #tpu.memory_space<hbm>>
      %dma_wait3A_74 = tpu.memref_squeeze %dma_wait3A_73 : memref<1x640x16xf32, #tpu.memory_space<hbm>> -> memref<640x16xf32, #tpu.memory_space<hbm>>
      %dma_wait3A_75 = arith.constant 0 : i32
      %dma_wait3A_76 = tpu.memref_slice %arg21[%mul3A_2, %dma_wait3A_75] : memref<10240x16xf32, #tpu.memory_space<vmem_shared>> -> memref<640x16xf32, #tpu.memory_space<vmem_shared>>
      tpu.wait_dma2 semaphore(%run_scoped3A : memref<!tpu.dma_semaphore, #tpu.memory_space<semaphore_mem>>) src(%dma_wait3A_76 : memref<640x16xf32, #tpu.memory_space<vmem_shared>>) dst(%dma_wait3A_74 : memref<640x16xf32, #tpu.memory_space<hbm>>)
      tpu.yield
    }) : () -> ()
    return
  }
}

#map = affine_map<(d0, d1) -> (0, 0, 0)>
#map1 = affine_map<(d0, d1) -> (0, 0)>
module attributes {stable_mosaic.version = 14 : i64} {
  func.func @edge_kernel(%arg0: i32, %arg1: i32, %arg2: memref<16x160x128xi32, #tpu.memory_space<hbm>>, %arg3: memref<16x160x128xi32, #tpu.memory_space<hbm>>, %arg4: memref<2x10240x32xf32, #tpu.memory_space<hbm>>, %arg5: memref<640x32xf32, #tpu.memory_space<hbm>>, %arg6: memref<2x10240x32xf32, #tpu.memory_space<hbm>>, %arg7: memref<160x128xi32, #tpu.memory_space<vmem>>, %arg8: memref<160x128xi32, #tpu.memory_space<vmem>>, %arg9: memref<128x32xf32, #tpu.memory_space<vmem>>, %arg10: memref<128x32xf32, #tpu.memory_space<vmem>>, %arg11: memref<128x32xf32, #tpu.memory_space<vmem>>, %arg12: memref<128x32xf32, #tpu.memory_space<vmem>>, %arg13: memref<128x32xf32, #tpu.memory_space<vmem>>, %arg14: memref<128x32xf32, #tpu.memory_space<vmem>>, %arg15: memref<128x32xf32, #tpu.memory_space<vmem>>, %arg16: memref<128x32xf32, #tpu.memory_space<vmem>>, %arg17: memref<10240x32xf32, #tpu.memory_space<vmem_shared>>, %arg18: memref<10240x32xf32, #tpu.memory_space<vmem_shared>>, %arg19: memref<!tpu.dma_semaphore, #tpu.memory_space<semaphore_mem>>, %arg20: memref<!tpu.dma_semaphore, #tpu.memory_space<semaphore_mem>>, %arg21: memref<!tpu.dma_semaphore, #tpu.memory_space<semaphore_mem>>, %arg22: memref<!tpu.dma_semaphore, #tpu.memory_space<semaphore_mem>>, %arg23: memref<!tpu.dma_semaphore, #tpu.memory_space<semaphore_mem>>, %arg24: memref<!tpu.dma_semaphore, #tpu.memory_space<semaphore_mem>>, %arg25: memref<!tpu.dma_semaphore, #tpu.memory_space<semaphore_mem>>, %arg26: memref<!tpu.dma_semaphore, #tpu.memory_space<semaphore_mem>>) attributes {dimension_semantics = [#tpu.dimension_semantics<core_parallel>, #tpu.dimension_semantics<subcore_parallel>], iteration_bounds = array<i64: 2, 16>, scalar_prefetch = 0 : i64, scratch_operands = 20 : i64, tpu.core_type = #tpu.core_type<sc_vector_subcore>, window_params = [{transform_indices = #map}, {transform_indices = #map}, {transform_indices = #map}, {transform_indices = #map1}, {transform_indices = #map}]} {
    %mul3A = arith.constant 640 : i32
    %mul3A_0 = arith.muli %arg1, %mul3A : i32
    "tpu.region"() ({
      %run_scoped3A = tpu.sem_alloc : memref<!tpu.dma_semaphore, #tpu.memory_space<semaphore_mem>>
      %dma_start3A_62 = arith.constant 0 : i32
      %dma_start3A_63 = tpu.memref_slice %arg18[%mul3A_0, %dma_start3A_62] : memref<10240x32xf32, #tpu.memory_space<vmem_shared>> -> memref<640x32xf32, #tpu.memory_space<vmem_shared>>
      tpu.enqueue_dma source(%arg5 : memref<640x32xf32, #tpu.memory_space<hbm>>) target(%dma_start3A_63 : memref<640x32xf32, #tpu.memory_space<vmem_shared>>) target_semaphore(%run_scoped3A : memref<!tpu.dma_semaphore, #tpu.memory_space<semaphore_mem>>)
      %dma_wait3A = arith.constant 0 : i32
      %dma_wait3A_64 = tpu.memref_slice %arg18[%mul3A_0, %dma_wait3A] : memref<10240x32xf32, #tpu.memory_space<vmem_shared>> -> memref<640x32xf32, #tpu.memory_space<vmem_shared>>
      tpu.wait_dma2 semaphore(%run_scoped3A : memref<!tpu.dma_semaphore, #tpu.memory_space<semaphore_mem>>) src(%arg5 : memref<640x32xf32, #tpu.memory_space<hbm>>) dst(%dma_wait3A_64 : memref<640x32xf32, #tpu.memory_space<vmem_shared>>)
      tpu.yield
    }) : () -> ()
    "tpu.region"() ({
      %run_scoped3A = tpu.sem_alloc : memref<!tpu.dma_semaphore, #tpu.memory_space<semaphore_mem>>
      %dma_start3A_62 = arith.constant 0 : i32
      %dma_start3A_63 = tpu.memref_slice %arg17[%mul3A_0, %dma_start3A_62] : memref<10240x32xf32, #tpu.memory_space<vmem_shared>> -> memref<640x32xf32, #tpu.memory_space<vmem_shared>>
      %dma_start3A_64 = arith.constant 0 : i32
      %dma_start3A_65 = tpu.memref_slice %arg4[%arg0, %mul3A_0, %dma_start3A_64] : memref<2x10240x32xf32, #tpu.memory_space<hbm>> -> memref<1x640x32xf32, #tpu.memory_space<hbm>>
      %dma_start3A_66 = tpu.memref_squeeze %dma_start3A_65 : memref<1x640x32xf32, #tpu.memory_space<hbm>> -> memref<640x32xf32, #tpu.memory_space<hbm>>
      tpu.enqueue_dma source(%dma_start3A_66 : memref<640x32xf32, #tpu.memory_space<hbm>>) target(%dma_start3A_63 : memref<640x32xf32, #tpu.memory_space<vmem_shared>>) target_semaphore(%run_scoped3A : memref<!tpu.dma_semaphore, #tpu.memory_space<semaphore_mem>>)
      %dma_wait3A = arith.constant 0 : i32
      %dma_wait3A_67 = tpu.memref_slice %arg17[%mul3A_0, %dma_wait3A] : memref<10240x32xf32, #tpu.memory_space<vmem_shared>> -> memref<640x32xf32, #tpu.memory_space<vmem_shared>>
      %dma_wait3A_68 = arith.constant 0 : i32
      %dma_wait3A_69 = tpu.memref_slice %arg4[%arg0, %mul3A_0, %dma_wait3A_68] : memref<2x10240x32xf32, #tpu.memory_space<hbm>> -> memref<1x640x32xf32, #tpu.memory_space<hbm>>
      %dma_wait3A_70 = tpu.memref_squeeze %dma_wait3A_69 : memref<1x640x32xf32, #tpu.memory_space<hbm>> -> memref<640x32xf32, #tpu.memory_space<hbm>>
      tpu.wait_dma2 semaphore(%run_scoped3A : memref<!tpu.dma_semaphore, #tpu.memory_space<semaphore_mem>>) src(%dma_wait3A_70 : memref<640x32xf32, #tpu.memory_space<hbm>>) dst(%dma_wait3A_67 : memref<640x32xf32, #tpu.memory_space<vmem_shared>>)
      tpu.yield
    }) : () -> ()
    "tpu.region"() ({
      %run_scoped3A = tpu.sem_alloc : memref<!tpu.dma_semaphore, #tpu.memory_space<semaphore_mem>>
      %dma_start3A_62 = arith.constant 0 : i32
      %dma_start3A_63 = arith.constant 0 : i32
      %dma_start3A_64 = tpu.memref_slice %arg2[%arg1, %dma_start3A_62, %dma_start3A_63] : memref<16x160x128xi32, #tpu.memory_space<hbm>> -> memref<1x160x128xi32, #tpu.memory_space<hbm>>
      %dma_start3A_65 = tpu.memref_squeeze %dma_start3A_64 : memref<1x160x128xi32, #tpu.memory_space<hbm>> -> memref<160x128xi32, #tpu.memory_space<hbm>>
      %dma_start3A_66 = arith.constant 0 : i32
      %dma_start3A_67 = arith.constant 0 : i32
      %dma_start3A_68 = tpu.memref_slice %arg2[%arg1, %dma_start3A_66, %dma_start3A_67] : memref<16x160x128xi32, #tpu.memory_space<hbm>> -> memref<1x160x128xi32, #tpu.memory_space<hbm>>
      %dma_start3A_69 = tpu.memref_squeeze %dma_start3A_68 : memref<1x160x128xi32, #tpu.memory_space<hbm>> -> memref<160x128xi32, #tpu.memory_space<hbm>>
      tpu.enqueue_dma source(%dma_start3A_69 : memref<160x128xi32, #tpu.memory_space<hbm>>) target(%arg7 : memref<160x128xi32, #tpu.memory_space<vmem>>) target_semaphore(%run_scoped3A : memref<!tpu.dma_semaphore, #tpu.memory_space<semaphore_mem>>)
      %dma_wait3A = arith.constant 0 : i32
      %dma_wait3A_70 = arith.constant 0 : i32
      %dma_wait3A_71 = tpu.memref_slice %arg2[%arg1, %dma_wait3A, %dma_wait3A_70] : memref<16x160x128xi32, #tpu.memory_space<hbm>> -> memref<1x160x128xi32, #tpu.memory_space<hbm>>
      %dma_wait3A_72 = tpu.memref_squeeze %dma_wait3A_71 : memref<1x160x128xi32, #tpu.memory_space<hbm>> -> memref<160x128xi32, #tpu.memory_space<hbm>>
      %dma_wait3A_73 = arith.constant 0 : i32
      %dma_wait3A_74 = arith.constant 0 : i32
      %dma_wait3A_75 = tpu.memref_slice %arg2[%arg1, %dma_wait3A_73, %dma_wait3A_74] : memref<16x160x128xi32, #tpu.memory_space<hbm>> -> memref<1x160x128xi32, #tpu.memory_space<hbm>>
      %dma_wait3A_76 = tpu.memref_squeeze %dma_wait3A_75 : memref<1x160x128xi32, #tpu.memory_space<hbm>> -> memref<160x128xi32, #tpu.memory_space<hbm>>
      tpu.wait_dma2 semaphore(%run_scoped3A : memref<!tpu.dma_semaphore, #tpu.memory_space<semaphore_mem>>) src(%dma_wait3A_76 : memref<160x128xi32, #tpu.memory_space<hbm>>) dst(%arg7 : memref<160x128xi32, #tpu.memory_space<vmem>>)
      tpu.yield
    }) : () -> ()
    "tpu.region"() ({
      %run_scoped3A = tpu.sem_alloc : memref<!tpu.dma_semaphore, #tpu.memory_space<semaphore_mem>>
      %dma_start3A_62 = arith.constant 0 : i32
      %dma_start3A_63 = arith.constant 0 : i32
      %dma_start3A_64 = tpu.memref_slice %arg3[%arg1, %dma_start3A_62, %dma_start3A_63] : memref<16x160x128xi32, #tpu.memory_space<hbm>> -> memref<1x160x128xi32, #tpu.memory_space<hbm>>
      %dma_start3A_65 = tpu.memref_squeeze %dma_start3A_64 : memref<1x160x128xi32, #tpu.memory_space<hbm>> -> memref<160x128xi32, #tpu.memory_space<hbm>>
      %dma_start3A_66 = arith.constant 0 : i32
      %dma_start3A_67 = arith.constant 0 : i32
      %dma_start3A_68 = tpu.memref_slice %arg3[%arg1, %dma_start3A_66, %dma_start3A_67] : memref<16x160x128xi32, #tpu.memory_space<hbm>> -> memref<1x160x128xi32, #tpu.memory_space<hbm>>
      %dma_start3A_69 = tpu.memref_squeeze %dma_start3A_68 : memref<1x160x128xi32, #tpu.memory_space<hbm>> -> memref<160x128xi32, #tpu.memory_space<hbm>>
      tpu.enqueue_dma source(%dma_start3A_69 : memref<160x128xi32, #tpu.memory_space<hbm>>) target(%arg8 : memref<160x128xi32, #tpu.memory_space<vmem>>) target_semaphore(%run_scoped3A : memref<!tpu.dma_semaphore, #tpu.memory_space<semaphore_mem>>)
      %dma_wait3A = arith.constant 0 : i32
      %dma_wait3A_70 = arith.constant 0 : i32
      %dma_wait3A_71 = tpu.memref_slice %arg3[%arg1, %dma_wait3A, %dma_wait3A_70] : memref<16x160x128xi32, #tpu.memory_space<hbm>> -> memref<1x160x128xi32, #tpu.memory_space<hbm>>
      %dma_wait3A_72 = tpu.memref_squeeze %dma_wait3A_71 : memref<1x160x128xi32, #tpu.memory_space<hbm>> -> memref<160x128xi32, #tpu.memory_space<hbm>>
      %dma_wait3A_73 = arith.constant 0 : i32
      %dma_wait3A_74 = arith.constant 0 : i32
      %dma_wait3A_75 = tpu.memref_slice %arg3[%arg1, %dma_wait3A_73, %dma_wait3A_74] : memref<16x160x128xi32, #tpu.memory_space<hbm>> -> memref<1x160x128xi32, #tpu.memory_space<hbm>>
      %dma_wait3A_76 = tpu.memref_squeeze %dma_wait3A_75 : memref<1x160x128xi32, #tpu.memory_space<hbm>> -> memref<160x128xi32, #tpu.memory_space<hbm>>
      tpu.wait_dma2 semaphore(%run_scoped3A : memref<!tpu.dma_semaphore, #tpu.memory_space<semaphore_mem>>) src(%dma_wait3A_76 : memref<160x128xi32, #tpu.memory_space<hbm>>) dst(%arg8 : memref<160x128xi32, #tpu.memory_space<vmem>>)
      tpu.yield
    }) : () -> ()
    %barrier3A = arith.constant 0 : index
    tpu.barrier barrier_id(%barrier3A)
    %dma_start3A = arith.constant 0 : i32
    %dma_start3A_1 = arith.constant 0 : i32
    %dma_start3A_2 = tpu.memref_slice %arg7[%dma_start3A, %dma_start3A_1] : memref<160x128xi32, #tpu.memory_space<vmem>> -> memref<1x128xi32, #tpu.memory_space<vmem>>
    %dma_start3A_3 = tpu.memref_squeeze %dma_start3A_2 : memref<1x128xi32, #tpu.memory_space<vmem>> -> memref<128xi32, #tpu.memory_space<vmem>>
    %dma_start3A_4 = arith.constant 0 : i32
    %dma_start3A_5 = arith.constant 0 : i32
    %dma_start3A_6 = tpu.memref_slice %arg17[%dma_start3A_4, %dma_start3A_5] : memref<10240x32xf32, #tpu.memory_space<vmem_shared>> -> memref<10240x32xf32, #tpu.memory_space<vmem_shared>>
    tpu.enqueue_indirect_dma source(%dma_start3A_6 : memref<10240x32xf32, #tpu.memory_space<vmem_shared>>) target(%arg9 : memref<128x32xf32, #tpu.memory_space<vmem>>) offsets(%dma_start3A_3 : memref<128xi32, #tpu.memory_space<vmem>>) semaphore(%arg19 : memref<!tpu.dma_semaphore, #tpu.memory_space<semaphore_mem>>)
    %dma_start3A_7 = arith.constant 1 : i32
    %dma_start3A_8 = arith.constant 0 : i32
    %dma_start3A_9 = tpu.memref_slice %arg7[%dma_start3A_7, %dma_start3A_8] : memref<160x128xi32, #tpu.memory_space<vmem>> -> memref<1x128xi32, #tpu.memory_space<vmem>>
    %dma_start3A_10 = tpu.memref_squeeze %dma_start3A_9 : memref<1x128xi32, #tpu.memory_space<vmem>> -> memref<128xi32, #tpu.memory_space<vmem>>
    %dma_start3A_11 = arith.constant 0 : i32
    %dma_start3A_12 = arith.constant 0 : i32
    %dma_start3A_13 = tpu.memref_slice %arg17[%dma_start3A_11, %dma_start3A_12] : memref<10240x32xf32, #tpu.memory_space<vmem_shared>> -> memref<10240x32xf32, #tpu.memory_space<vmem_shared>>
    tpu.enqueue_indirect_dma source(%dma_start3A_13 : memref<10240x32xf32, #tpu.memory_space<vmem_shared>>) target(%arg10 : memref<128x32xf32, #tpu.memory_space<vmem>>) offsets(%dma_start3A_10 : memref<128xi32, #tpu.memory_space<vmem>>) semaphore(%arg20 : memref<!tpu.dma_semaphore, #tpu.memory_space<semaphore_mem>>)
    %dma_start3A_14 = arith.constant 2 : i32
    %dma_start3A_15 = arith.constant 0 : i32
    %dma_start3A_16 = tpu.memref_slice %arg7[%dma_start3A_14, %dma_start3A_15] : memref<160x128xi32, #tpu.memory_space<vmem>> -> memref<1x128xi32, #tpu.memory_space<vmem>>
    %dma_start3A_17 = tpu.memref_squeeze %dma_start3A_16 : memref<1x128xi32, #tpu.memory_space<vmem>> -> memref<128xi32, #tpu.memory_space<vmem>>
    %dma_start3A_18 = arith.constant 0 : i32
    %dma_start3A_19 = arith.constant 0 : i32
    %dma_start3A_20 = tpu.memref_slice %arg17[%dma_start3A_18, %dma_start3A_19] : memref<10240x32xf32, #tpu.memory_space<vmem_shared>> -> memref<10240x32xf32, #tpu.memory_space<vmem_shared>>
    tpu.enqueue_indirect_dma source(%dma_start3A_20 : memref<10240x32xf32, #tpu.memory_space<vmem_shared>>) target(%arg11 : memref<128x32xf32, #tpu.memory_space<vmem>>) offsets(%dma_start3A_17 : memref<128xi32, #tpu.memory_space<vmem>>) semaphore(%arg21 : memref<!tpu.dma_semaphore, #tpu.memory_space<semaphore_mem>>)
    %dma_start3A_21 = arith.constant 3 : i32
    %dma_start3A_22 = arith.constant 0 : i32
    %dma_start3A_23 = tpu.memref_slice %arg7[%dma_start3A_21, %dma_start3A_22] : memref<160x128xi32, #tpu.memory_space<vmem>> -> memref<1x128xi32, #tpu.memory_space<vmem>>
    %dma_start3A_24 = tpu.memref_squeeze %dma_start3A_23 : memref<1x128xi32, #tpu.memory_space<vmem>> -> memref<128xi32, #tpu.memory_space<vmem>>
    %dma_start3A_25 = arith.constant 0 : i32
    %dma_start3A_26 = arith.constant 0 : i32
    %dma_start3A_27 = tpu.memref_slice %arg17[%dma_start3A_25, %dma_start3A_26] : memref<10240x32xf32, #tpu.memory_space<vmem_shared>> -> memref<10240x32xf32, #tpu.memory_space<vmem_shared>>
    tpu.enqueue_indirect_dma source(%dma_start3A_27 : memref<10240x32xf32, #tpu.memory_space<vmem_shared>>) target(%arg12 : memref<128x32xf32, #tpu.memory_space<vmem>>) offsets(%dma_start3A_24 : memref<128xi32, #tpu.memory_space<vmem>>) semaphore(%arg22 : memref<!tpu.dma_semaphore, #tpu.memory_space<semaphore_mem>>)
    %dma_start3A_28 = arith.constant 4 : i32
    %dma_start3A_29 = arith.constant 0 : i32
    %dma_start3A_30 = tpu.memref_slice %arg7[%dma_start3A_28, %dma_start3A_29] : memref<160x128xi32, #tpu.memory_space<vmem>> -> memref<1x128xi32, #tpu.memory_space<vmem>>
    %dma_start3A_31 = tpu.memref_squeeze %dma_start3A_30 : memref<1x128xi32, #tpu.memory_space<vmem>> -> memref<128xi32, #tpu.memory_space<vmem>>
    %dma_start3A_32 = arith.constant 0 : i32
    %dma_start3A_33 = arith.constant 0 : i32
    %dma_start3A_34 = tpu.memref_slice %arg17[%dma_start3A_32, %dma_start3A_33] : memref<10240x32xf32, #tpu.memory_space<vmem_shared>> -> memref<10240x32xf32, #tpu.memory_space<vmem_shared>>
    tpu.enqueue_indirect_dma source(%dma_start3A_34 : memref<10240x32xf32, #tpu.memory_space<vmem_shared>>) target(%arg13 : memref<128x32xf32, #tpu.memory_space<vmem>>) offsets(%dma_start3A_31 : memref<128xi32, #tpu.memory_space<vmem>>) semaphore(%arg23 : memref<!tpu.dma_semaphore, #tpu.memory_space<semaphore_mem>>)
    %dma_start3A_35 = arith.constant 5 : i32
    %dma_start3A_36 = arith.constant 0 : i32
    %dma_start3A_37 = tpu.memref_slice %arg7[%dma_start3A_35, %dma_start3A_36] : memref<160x128xi32, #tpu.memory_space<vmem>> -> memref<1x128xi32, #tpu.memory_space<vmem>>
    %dma_start3A_38 = tpu.memref_squeeze %dma_start3A_37 : memref<1x128xi32, #tpu.memory_space<vmem>> -> memref<128xi32, #tpu.memory_space<vmem>>
    %dma_start3A_39 = arith.constant 0 : i32
    %dma_start3A_40 = arith.constant 0 : i32
    %dma_start3A_41 = tpu.memref_slice %arg17[%dma_start3A_39, %dma_start3A_40] : memref<10240x32xf32, #tpu.memory_space<vmem_shared>> -> memref<10240x32xf32, #tpu.memory_space<vmem_shared>>
    tpu.enqueue_indirect_dma source(%dma_start3A_41 : memref<10240x32xf32, #tpu.memory_space<vmem_shared>>) target(%arg14 : memref<128x32xf32, #tpu.memory_space<vmem>>) offsets(%dma_start3A_38 : memref<128xi32, #tpu.memory_space<vmem>>) semaphore(%arg24 : memref<!tpu.dma_semaphore, #tpu.memory_space<semaphore_mem>>)
    %dma_start3A_42 = arith.constant 6 : i32
    %dma_start3A_43 = arith.constant 0 : i32
    %dma_start3A_44 = tpu.memref_slice %arg7[%dma_start3A_42, %dma_start3A_43] : memref<160x128xi32, #tpu.memory_space<vmem>> -> memref<1x128xi32, #tpu.memory_space<vmem>>
    %dma_start3A_45 = tpu.memref_squeeze %dma_start3A_44 : memref<1x128xi32, #tpu.memory_space<vmem>> -> memref<128xi32, #tpu.memory_space<vmem>>
    %dma_start3A_46 = arith.constant 0 : i32
    %dma_start3A_47 = arith.constant 0 : i32
    %dma_start3A_48 = tpu.memref_slice %arg17[%dma_start3A_46, %dma_start3A_47] : memref<10240x32xf32, #tpu.memory_space<vmem_shared>> -> memref<10240x32xf32, #tpu.memory_space<vmem_shared>>
    tpu.enqueue_indirect_dma source(%dma_start3A_48 : memref<10240x32xf32, #tpu.memory_space<vmem_shared>>) target(%arg15 : memref<128x32xf32, #tpu.memory_space<vmem>>) offsets(%dma_start3A_45 : memref<128xi32, #tpu.memory_space<vmem>>) semaphore(%arg25 : memref<!tpu.dma_semaphore, #tpu.memory_space<semaphore_mem>>)
    %dma_start3A_49 = arith.constant 7 : i32
    %dma_start3A_50 = arith.constant 0 : i32
    %dma_start3A_51 = tpu.memref_slice %arg7[%dma_start3A_49, %dma_start3A_50] : memref<160x128xi32, #tpu.memory_space<vmem>> -> memref<1x128xi32, #tpu.memory_space<vmem>>
    %dma_start3A_52 = tpu.memref_squeeze %dma_start3A_51 : memref<1x128xi32, #tpu.memory_space<vmem>> -> memref<128xi32, #tpu.memory_space<vmem>>
    %dma_start3A_53 = arith.constant 0 : i32
    %dma_start3A_54 = arith.constant 0 : i32
    %dma_start3A_55 = tpu.memref_slice %arg17[%dma_start3A_53, %dma_start3A_54] : memref<10240x32xf32, #tpu.memory_space<vmem_shared>> -> memref<10240x32xf32, #tpu.memory_space<vmem_shared>>
    tpu.enqueue_indirect_dma source(%dma_start3A_55 : memref<10240x32xf32, #tpu.memory_space<vmem_shared>>) target(%arg16 : memref<128x32xf32, #tpu.memory_space<vmem>>) offsets(%dma_start3A_52 : memref<128xi32, #tpu.memory_space<vmem>>) semaphore(%arg26 : memref<!tpu.dma_semaphore, #tpu.memory_space<semaphore_mem>>)
    %scan3A = arith.constant 0 : i32
    %scan3A_56 = arith.constant 0 : i32
    %scan3A_57 = arith.constant 20 : i32
    %scan3A_58 = arith.addi %scan3A_56, %scan3A_57 : i32
    %scan3A_59 = arith.constant 1 : i32
    scf.for %scan3A_62 = %scan3A_56 to %scan3A_58 step %scan3A_59  : i32 {
      %mul3A_63 = arith.constant 8 : i32
      %mul3A_64 = arith.muli %scan3A_62, %mul3A_63 : i32
      %add3A = arith.constant 0 : i32
      %add3A_65 = arith.addi %mul3A_64, %add3A : i32
      %dma_wait3A = arith.constant 0 : i32
      %dma_wait3A_66 = tpu.memref_slice %arg7[%add3A_65, %dma_wait3A] : memref<160x128xi32, #tpu.memory_space<vmem>> -> memref<1x128xi32, #tpu.memory_space<vmem>>
      %dma_wait3A_67 = tpu.memref_squeeze %dma_wait3A_66 : memref<1x128xi32, #tpu.memory_space<vmem>> -> memref<128xi32, #tpu.memory_space<vmem>>
      %dma_wait3A_68 = arith.constant 0 : i32
      %dma_wait3A_69 = arith.constant 0 : i32
      %dma_wait3A_70 = tpu.memref_slice %arg17[%dma_wait3A_68, %dma_wait3A_69] : memref<10240x32xf32, #tpu.memory_space<vmem_shared>> -> memref<10240x32xf32, #tpu.memory_space<vmem_shared>>
      tpu.wait_indirect_dma semaphore(%arg19 : memref<!tpu.dma_semaphore, #tpu.memory_space<semaphore_mem>>) src(%dma_wait3A_70 : memref<10240x32xf32, #tpu.memory_space<vmem_shared>>) dst(%arg9 : memref<128x32xf32, #tpu.memory_space<vmem>>)
      "tpu.region"() ({
        %run_scoped3A = tpu.sem_alloc : memref<!tpu.dma_semaphore, #tpu.memory_space<semaphore_mem>>
        %dma_start3A_194 = arith.constant 0 : i32
        %dma_start3A_195 = tpu.memref_slice %arg8[%add3A_65, %dma_start3A_194] : memref<160x128xi32, #tpu.memory_space<vmem>> -> memref<1x128xi32, #tpu.memory_space<vmem>>
        %dma_start3A_196 = tpu.memref_squeeze %dma_start3A_195 : memref<1x128xi32, #tpu.memory_space<vmem>> -> memref<128xi32, #tpu.memory_space<vmem>>
        %dma_start3A_197 = arith.constant 0 : i32
        %dma_start3A_198 = arith.constant 0 : i32
        %dma_start3A_199 = tpu.memref_slice %arg18[%dma_start3A_197, %dma_start3A_198] : memref<10240x32xf32, #tpu.memory_space<vmem_shared>> -> memref<10240x32xf32, #tpu.memory_space<vmem_shared>>
        tpu.enqueue_indirect_dma source(%arg9 : memref<128x32xf32, #tpu.memory_space<vmem>>) target(%dma_start3A_199 : memref<10240x32xf32, #tpu.memory_space<vmem_shared>>) offsets(%dma_start3A_196 : memref<128xi32, #tpu.memory_space<vmem>>) semaphore(%run_scoped3A : memref<!tpu.dma_semaphore, #tpu.memory_space<semaphore_mem>>) {add = true}
        %dma_wait3A_200 = arith.constant 0 : i32
        %dma_wait3A_201 = tpu.memref_slice %arg8[%add3A_65, %dma_wait3A_200] : memref<160x128xi32, #tpu.memory_space<vmem>> -> memref<1x128xi32, #tpu.memory_space<vmem>>
        %dma_wait3A_202 = tpu.memref_squeeze %dma_wait3A_201 : memref<1x128xi32, #tpu.memory_space<vmem>> -> memref<128xi32, #tpu.memory_space<vmem>>
        %dma_wait3A_203 = arith.constant 0 : i32
        %dma_wait3A_204 = arith.constant 0 : i32
        %dma_wait3A_205 = tpu.memref_slice %arg18[%dma_wait3A_203, %dma_wait3A_204] : memref<10240x32xf32, #tpu.memory_space<vmem_shared>> -> memref<10240x32xf32, #tpu.memory_space<vmem_shared>>
        tpu.wait_indirect_dma semaphore(%run_scoped3A : memref<!tpu.dma_semaphore, #tpu.memory_space<semaphore_mem>>) src(%arg9 : memref<128x32xf32, #tpu.memory_space<vmem>>) dst(%dma_wait3A_205 : memref<10240x32xf32, #tpu.memory_space<vmem_shared>>)
        tpu.yield
      }) : () -> ()
      %add3A_71 = arith.constant 8 : i32
      %add3A_72 = arith.addi %add3A_65, %add3A_71 : i32
      %lt3A = arith.constant 160 : i32
      %lt3A_73 = arith.cmpi slt, %add3A_72, %lt3A : i32
      %convert_element_type3A = arith.extui %lt3A_73 : i1 to i32
      %cond3A = arith.constant 0 : i32
      %cond3A_74 = arith.cmpi ne, %convert_element_type3A, %cond3A : i32
      scf.if %cond3A_74 {
        %add3A_194 = arith.constant 8 : i32
        %add3A_195 = arith.addi %add3A_65, %add3A_194 : i32
        %dma_start3A_196 = arith.constant 0 : i32
        %dma_start3A_197 = tpu.memref_slice %arg7[%add3A_195, %dma_start3A_196] : memref<160x128xi32, #tpu.memory_space<vmem>> -> memref<1x128xi32, #tpu.memory_space<vmem>>
        %dma_start3A_198 = tpu.memref_squeeze %dma_start3A_197 : memref<1x128xi32, #tpu.memory_space<vmem>> -> memref<128xi32, #tpu.memory_space<vmem>>
        %dma_start3A_199 = arith.constant 0 : i32
        %dma_start3A_200 = arith.constant 0 : i32
        %dma_start3A_201 = tpu.memref_slice %arg17[%dma_start3A_199, %dma_start3A_200] : memref<10240x32xf32, #tpu.memory_space<vmem_shared>> -> memref<10240x32xf32, #tpu.memory_space<vmem_shared>>
        tpu.enqueue_indirect_dma source(%dma_start3A_201 : memref<10240x32xf32, #tpu.memory_space<vmem_shared>>) target(%arg9 : memref<128x32xf32, #tpu.memory_space<vmem>>) offsets(%dma_start3A_198 : memref<128xi32, #tpu.memory_space<vmem>>) semaphore(%arg19 : memref<!tpu.dma_semaphore, #tpu.memory_space<semaphore_mem>>)
      } else {
      }
      %mul3A_75 = arith.constant 8 : i32
      %mul3A_76 = arith.muli %scan3A_62, %mul3A_75 : i32
      %add3A_77 = arith.constant 1 : i32
      %add3A_78 = arith.addi %mul3A_76, %add3A_77 : i32
      %dma_wait3A_79 = arith.constant 0 : i32
      %dma_wait3A_80 = tpu.memref_slice %arg7[%add3A_78, %dma_wait3A_79] : memref<160x128xi32, #tpu.memory_space<vmem>> -> memref<1x128xi32, #tpu.memory_space<vmem>>
      %dma_wait3A_81 = tpu.memref_squeeze %dma_wait3A_80 : memref<1x128xi32, #tpu.memory_space<vmem>> -> memref<128xi32, #tpu.memory_space<vmem>>
      %dma_wait3A_82 = arith.constant 0 : i32
      %dma_wait3A_83 = arith.constant 0 : i32
      %dma_wait3A_84 = tpu.memref_slice %arg17[%dma_wait3A_82, %dma_wait3A_83] : memref<10240x32xf32, #tpu.memory_space<vmem_shared>> -> memref<10240x32xf32, #tpu.memory_space<vmem_shared>>
      tpu.wait_indirect_dma semaphore(%arg20 : memref<!tpu.dma_semaphore, #tpu.memory_space<semaphore_mem>>) src(%dma_wait3A_84 : memref<10240x32xf32, #tpu.memory_space<vmem_shared>>) dst(%arg10 : memref<128x32xf32, #tpu.memory_space<vmem>>)
      "tpu.region"() ({
        %run_scoped3A = tpu.sem_alloc : memref<!tpu.dma_semaphore, #tpu.memory_space<semaphore_mem>>
        %dma_start3A_194 = arith.constant 0 : i32
        %dma_start3A_195 = tpu.memref_slice %arg8[%add3A_78, %dma_start3A_194] : memref<160x128xi32, #tpu.memory_space<vmem>> -> memref<1x128xi32, #tpu.memory_space<vmem>>
        %dma_start3A_196 = tpu.memref_squeeze %dma_start3A_195 : memref<1x128xi32, #tpu.memory_space<vmem>> -> memref<128xi32, #tpu.memory_space<vmem>>
        %dma_start3A_197 = arith.constant 0 : i32
        %dma_start3A_198 = arith.constant 0 : i32
        %dma_start3A_199 = tpu.memref_slice %arg18[%dma_start3A_197, %dma_start3A_198] : memref<10240x32xf32, #tpu.memory_space<vmem_shared>> -> memref<10240x32xf32, #tpu.memory_space<vmem_shared>>
        tpu.enqueue_indirect_dma source(%arg10 : memref<128x32xf32, #tpu.memory_space<vmem>>) target(%dma_start3A_199 : memref<10240x32xf32, #tpu.memory_space<vmem_shared>>) offsets(%dma_start3A_196 : memref<128xi32, #tpu.memory_space<vmem>>) semaphore(%run_scoped3A : memref<!tpu.dma_semaphore, #tpu.memory_space<semaphore_mem>>) {add = true}
        %dma_wait3A_200 = arith.constant 0 : i32
        %dma_wait3A_201 = tpu.memref_slice %arg8[%add3A_78, %dma_wait3A_200] : memref<160x128xi32, #tpu.memory_space<vmem>> -> memref<1x128xi32, #tpu.memory_space<vmem>>
        %dma_wait3A_202 = tpu.memref_squeeze %dma_wait3A_201 : memref<1x128xi32, #tpu.memory_space<vmem>> -> memref<128xi32, #tpu.memory_space<vmem>>
        %dma_wait3A_203 = arith.constant 0 : i32
        %dma_wait3A_204 = arith.constant 0 : i32
        %dma_wait3A_205 = tpu.memref_slice %arg18[%dma_wait3A_203, %dma_wait3A_204] : memref<10240x32xf32, #tpu.memory_space<vmem_shared>> -> memref<10240x32xf32, #tpu.memory_space<vmem_shared>>
        tpu.wait_indirect_dma semaphore(%run_scoped3A : memref<!tpu.dma_semaphore, #tpu.memory_space<semaphore_mem>>) src(%arg10 : memref<128x32xf32, #tpu.memory_space<vmem>>) dst(%dma_wait3A_205 : memref<10240x32xf32, #tpu.memory_space<vmem_shared>>)
        tpu.yield
      }) : () -> ()
      %add3A_85 = arith.constant 8 : i32
      %add3A_86 = arith.addi %add3A_78, %add3A_85 : i32
      %lt3A_87 = arith.constant 160 : i32
      %lt3A_88 = arith.cmpi slt, %add3A_86, %lt3A_87 : i32
      %convert_element_type3A_89 = arith.extui %lt3A_88 : i1 to i32
      %cond3A_90 = arith.constant 0 : i32
      %cond3A_91 = arith.cmpi ne, %convert_element_type3A_89, %cond3A_90 : i32
      scf.if %cond3A_91 {
        %add3A_194 = arith.constant 8 : i32
        %add3A_195 = arith.addi %add3A_78, %add3A_194 : i32
        %dma_start3A_196 = arith.constant 0 : i32
        %dma_start3A_197 = tpu.memref_slice %arg7[%add3A_195, %dma_start3A_196] : memref<160x128xi32, #tpu.memory_space<vmem>> -> memref<1x128xi32, #tpu.memory_space<vmem>>
        %dma_start3A_198 = tpu.memref_squeeze %dma_start3A_197 : memref<1x128xi32, #tpu.memory_space<vmem>> -> memref<128xi32, #tpu.memory_space<vmem>>
        %dma_start3A_199 = arith.constant 0 : i32
        %dma_start3A_200 = arith.constant 0 : i32
        %dma_start3A_201 = tpu.memref_slice %arg17[%dma_start3A_199, %dma_start3A_200] : memref<10240x32xf32, #tpu.memory_space<vmem_shared>> -> memref<10240x32xf32, #tpu.memory_space<vmem_shared>>
        tpu.enqueue_indirect_dma source(%dma_start3A_201 : memref<10240x32xf32, #tpu.memory_space<vmem_shared>>) target(%arg10 : memref<128x32xf32, #tpu.memory_space<vmem>>) offsets(%dma_start3A_198 : memref<128xi32, #tpu.memory_space<vmem>>) semaphore(%arg20 : memref<!tpu.dma_semaphore, #tpu.memory_space<semaphore_mem>>)
      } else {
      }
      %mul3A_92 = arith.constant 8 : i32
      %mul3A_93 = arith.muli %scan3A_62, %mul3A_92 : i32
      %add3A_94 = arith.constant 2 : i32
      %add3A_95 = arith.addi %mul3A_93, %add3A_94 : i32
      %dma_wait3A_96 = arith.constant 0 : i32
      %dma_wait3A_97 = tpu.memref_slice %arg7[%add3A_95, %dma_wait3A_96] : memref<160x128xi32, #tpu.memory_space<vmem>> -> memref<1x128xi32, #tpu.memory_space<vmem>>
      %dma_wait3A_98 = tpu.memref_squeeze %dma_wait3A_97 : memref<1x128xi32, #tpu.memory_space<vmem>> -> memref<128xi32, #tpu.memory_space<vmem>>
      %dma_wait3A_99 = arith.constant 0 : i32
      %dma_wait3A_100 = arith.constant 0 : i32
      %dma_wait3A_101 = tpu.memref_slice %arg17[%dma_wait3A_99, %dma_wait3A_100] : memref<10240x32xf32, #tpu.memory_space<vmem_shared>> -> memref<10240x32xf32, #tpu.memory_space<vmem_shared>>
      tpu.wait_indirect_dma semaphore(%arg21 : memref<!tpu.dma_semaphore, #tpu.memory_space<semaphore_mem>>) src(%dma_wait3A_101 : memref<10240x32xf32, #tpu.memory_space<vmem_shared>>) dst(%arg11 : memref<128x32xf32, #tpu.memory_space<vmem>>)
      "tpu.region"() ({
        %run_scoped3A = tpu.sem_alloc : memref<!tpu.dma_semaphore, #tpu.memory_space<semaphore_mem>>
        %dma_start3A_194 = arith.constant 0 : i32
        %dma_start3A_195 = tpu.memref_slice %arg8[%add3A_95, %dma_start3A_194] : memref<160x128xi32, #tpu.memory_space<vmem>> -> memref<1x128xi32, #tpu.memory_space<vmem>>
        %dma_start3A_196 = tpu.memref_squeeze %dma_start3A_195 : memref<1x128xi32, #tpu.memory_space<vmem>> -> memref<128xi32, #tpu.memory_space<vmem>>
        %dma_start3A_197 = arith.constant 0 : i32
        %dma_start3A_198 = arith.constant 0 : i32
        %dma_start3A_199 = tpu.memref_slice %arg18[%dma_start3A_197, %dma_start3A_198] : memref<10240x32xf32, #tpu.memory_space<vmem_shared>> -> memref<10240x32xf32, #tpu.memory_space<vmem_shared>>
        tpu.enqueue_indirect_dma source(%arg11 : memref<128x32xf32, #tpu.memory_space<vmem>>) target(%dma_start3A_199 : memref<10240x32xf32, #tpu.memory_space<vmem_shared>>) offsets(%dma_start3A_196 : memref<128xi32, #tpu.memory_space<vmem>>) semaphore(%run_scoped3A : memref<!tpu.dma_semaphore, #tpu.memory_space<semaphore_mem>>) {add = true}
        %dma_wait3A_200 = arith.constant 0 : i32
        %dma_wait3A_201 = tpu.memref_slice %arg8[%add3A_95, %dma_wait3A_200] : memref<160x128xi32, #tpu.memory_space<vmem>> -> memref<1x128xi32, #tpu.memory_space<vmem>>
        %dma_wait3A_202 = tpu.memref_squeeze %dma_wait3A_201 : memref<1x128xi32, #tpu.memory_space<vmem>> -> memref<128xi32, #tpu.memory_space<vmem>>
        %dma_wait3A_203 = arith.constant 0 : i32
        %dma_wait3A_204 = arith.constant 0 : i32
        %dma_wait3A_205 = tpu.memref_slice %arg18[%dma_wait3A_203, %dma_wait3A_204] : memref<10240x32xf32, #tpu.memory_space<vmem_shared>> -> memref<10240x32xf32, #tpu.memory_space<vmem_shared>>
        tpu.wait_indirect_dma semaphore(%run_scoped3A : memref<!tpu.dma_semaphore, #tpu.memory_space<semaphore_mem>>) src(%arg11 : memref<128x32xf32, #tpu.memory_space<vmem>>) dst(%dma_wait3A_205 : memref<10240x32xf32, #tpu.memory_space<vmem_shared>>)
        tpu.yield
      }) : () -> ()
      %add3A_102 = arith.constant 8 : i32
      %add3A_103 = arith.addi %add3A_95, %add3A_102 : i32
      %lt3A_104 = arith.constant 160 : i32
      %lt3A_105 = arith.cmpi slt, %add3A_103, %lt3A_104 : i32
      %convert_element_type3A_106 = arith.extui %lt3A_105 : i1 to i32
      %cond3A_107 = arith.constant 0 : i32
      %cond3A_108 = arith.cmpi ne, %convert_element_type3A_106, %cond3A_107 : i32
      scf.if %cond3A_108 {
        %add3A_194 = arith.constant 8 : i32
        %add3A_195 = arith.addi %add3A_95, %add3A_194 : i32
        %dma_start3A_196 = arith.constant 0 : i32
        %dma_start3A_197 = tpu.memref_slice %arg7[%add3A_195, %dma_start3A_196] : memref<160x128xi32, #tpu.memory_space<vmem>> -> memref<1x128xi32, #tpu.memory_space<vmem>>
        %dma_start3A_198 = tpu.memref_squeeze %dma_start3A_197 : memref<1x128xi32, #tpu.memory_space<vmem>> -> memref<128xi32, #tpu.memory_space<vmem>>
        %dma_start3A_199 = arith.constant 0 : i32
        %dma_start3A_200 = arith.constant 0 : i32
        %dma_start3A_201 = tpu.memref_slice %arg17[%dma_start3A_199, %dma_start3A_200] : memref<10240x32xf32, #tpu.memory_space<vmem_shared>> -> memref<10240x32xf32, #tpu.memory_space<vmem_shared>>
        tpu.enqueue_indirect_dma source(%dma_start3A_201 : memref<10240x32xf32, #tpu.memory_space<vmem_shared>>) target(%arg11 : memref<128x32xf32, #tpu.memory_space<vmem>>) offsets(%dma_start3A_198 : memref<128xi32, #tpu.memory_space<vmem>>) semaphore(%arg21 : memref<!tpu.dma_semaphore, #tpu.memory_space<semaphore_mem>>)
      } else {
      }
      %mul3A_109 = arith.constant 8 : i32
      %mul3A_110 = arith.muli %scan3A_62, %mul3A_109 : i32
      %add3A_111 = arith.constant 3 : i32
      %add3A_112 = arith.addi %mul3A_110, %add3A_111 : i32
      %dma_wait3A_113 = arith.constant 0 : i32
      %dma_wait3A_114 = tpu.memref_slice %arg7[%add3A_112, %dma_wait3A_113] : memref<160x128xi32, #tpu.memory_space<vmem>> -> memref<1x128xi32, #tpu.memory_space<vmem>>
      %dma_wait3A_115 = tpu.memref_squeeze %dma_wait3A_114 : memref<1x128xi32, #tpu.memory_space<vmem>> -> memref<128xi32, #tpu.memory_space<vmem>>
      %dma_wait3A_116 = arith.constant 0 : i32
      %dma_wait3A_117 = arith.constant 0 : i32
      %dma_wait3A_118 = tpu.memref_slice %arg17[%dma_wait3A_116, %dma_wait3A_117] : memref<10240x32xf32, #tpu.memory_space<vmem_shared>> -> memref<10240x32xf32, #tpu.memory_space<vmem_shared>>
      tpu.wait_indirect_dma semaphore(%arg22 : memref<!tpu.dma_semaphore, #tpu.memory_space<semaphore_mem>>) src(%dma_wait3A_118 : memref<10240x32xf32, #tpu.memory_space<vmem_shared>>) dst(%arg12 : memref<128x32xf32, #tpu.memory_space<vmem>>)
      "tpu.region"() ({
        %run_scoped3A = tpu.sem_alloc : memref<!tpu.dma_semaphore, #tpu.memory_space<semaphore_mem>>
        %dma_start3A_194 = arith.constant 0 : i32
        %dma_start3A_195 = tpu.memref_slice %arg8[%add3A_112, %dma_start3A_194] : memref<160x128xi32, #tpu.memory_space<vmem>> -> memref<1x128xi32, #tpu.memory_space<vmem>>
        %dma_start3A_196 = tpu.memref_squeeze %dma_start3A_195 : memref<1x128xi32, #tpu.memory_space<vmem>> -> memref<128xi32, #tpu.memory_space<vmem>>
        %dma_start3A_197 = arith.constant 0 : i32
        %dma_start3A_198 = arith.constant 0 : i32
        %dma_start3A_199 = tpu.memref_slice %arg18[%dma_start3A_197, %dma_start3A_198] : memref<10240x32xf32, #tpu.memory_space<vmem_shared>> -> memref<10240x32xf32, #tpu.memory_space<vmem_shared>>
        tpu.enqueue_indirect_dma source(%arg12 : memref<128x32xf32, #tpu.memory_space<vmem>>) target(%dma_start3A_199 : memref<10240x32xf32, #tpu.memory_space<vmem_shared>>) offsets(%dma_start3A_196 : memref<128xi32, #tpu.memory_space<vmem>>) semaphore(%run_scoped3A : memref<!tpu.dma_semaphore, #tpu.memory_space<semaphore_mem>>) {add = true}
        %dma_wait3A_200 = arith.constant 0 : i32
        %dma_wait3A_201 = tpu.memref_slice %arg8[%add3A_112, %dma_wait3A_200] : memref<160x128xi32, #tpu.memory_space<vmem>> -> memref<1x128xi32, #tpu.memory_space<vmem>>
        %dma_wait3A_202 = tpu.memref_squeeze %dma_wait3A_201 : memref<1x128xi32, #tpu.memory_space<vmem>> -> memref<128xi32, #tpu.memory_space<vmem>>
        %dma_wait3A_203 = arith.constant 0 : i32
        %dma_wait3A_204 = arith.constant 0 : i32
        %dma_wait3A_205 = tpu.memref_slice %arg18[%dma_wait3A_203, %dma_wait3A_204] : memref<10240x32xf32, #tpu.memory_space<vmem_shared>> -> memref<10240x32xf32, #tpu.memory_space<vmem_shared>>
        tpu.wait_indirect_dma semaphore(%run_scoped3A : memref<!tpu.dma_semaphore, #tpu.memory_space<semaphore_mem>>) src(%arg12 : memref<128x32xf32, #tpu.memory_space<vmem>>) dst(%dma_wait3A_205 : memref<10240x32xf32, #tpu.memory_space<vmem_shared>>)
        tpu.yield
      }) : () -> ()
      %add3A_119 = arith.constant 8 : i32
      %add3A_120 = arith.addi %add3A_112, %add3A_119 : i32
      %lt3A_121 = arith.constant 160 : i32
      %lt3A_122 = arith.cmpi slt, %add3A_120, %lt3A_121 : i32
      %convert_element_type3A_123 = arith.extui %lt3A_122 : i1 to i32
      %cond3A_124 = arith.constant 0 : i32
      %cond3A_125 = arith.cmpi ne, %convert_element_type3A_123, %cond3A_124 : i32
      scf.if %cond3A_125 {
        %add3A_194 = arith.constant 8 : i32
        %add3A_195 = arith.addi %add3A_112, %add3A_194 : i32
        %dma_start3A_196 = arith.constant 0 : i32
        %dma_start3A_197 = tpu.memref_slice %arg7[%add3A_195, %dma_start3A_196] : memref<160x128xi32, #tpu.memory_space<vmem>> -> memref<1x128xi32, #tpu.memory_space<vmem>>
        %dma_start3A_198 = tpu.memref_squeeze %dma_start3A_197 : memref<1x128xi32, #tpu.memory_space<vmem>> -> memref<128xi32, #tpu.memory_space<vmem>>
        %dma_start3A_199 = arith.constant 0 : i32
        %dma_start3A_200 = arith.constant 0 : i32
        %dma_start3A_201 = tpu.memref_slice %arg17[%dma_start3A_199, %dma_start3A_200] : memref<10240x32xf32, #tpu.memory_space<vmem_shared>> -> memref<10240x32xf32, #tpu.memory_space<vmem_shared>>
        tpu.enqueue_indirect_dma source(%dma_start3A_201 : memref<10240x32xf32, #tpu.memory_space<vmem_shared>>) target(%arg12 : memref<128x32xf32, #tpu.memory_space<vmem>>) offsets(%dma_start3A_198 : memref<128xi32, #tpu.memory_space<vmem>>) semaphore(%arg22 : memref<!tpu.dma_semaphore, #tpu.memory_space<semaphore_mem>>)
      } else {
      }
      %mul3A_126 = arith.constant 8 : i32
      %mul3A_127 = arith.muli %scan3A_62, %mul3A_126 : i32
      %add3A_128 = arith.constant 4 : i32
      %add3A_129 = arith.addi %mul3A_127, %add3A_128 : i32
      %dma_wait3A_130 = arith.constant 0 : i32
      %dma_wait3A_131 = tpu.memref_slice %arg7[%add3A_129, %dma_wait3A_130] : memref<160x128xi32, #tpu.memory_space<vmem>> -> memref<1x128xi32, #tpu.memory_space<vmem>>
      %dma_wait3A_132 = tpu.memref_squeeze %dma_wait3A_131 : memref<1x128xi32, #tpu.memory_space<vmem>> -> memref<128xi32, #tpu.memory_space<vmem>>
      %dma_wait3A_133 = arith.constant 0 : i32
      %dma_wait3A_134 = arith.constant 0 : i32
      %dma_wait3A_135 = tpu.memref_slice %arg17[%dma_wait3A_133, %dma_wait3A_134] : memref<10240x32xf32, #tpu.memory_space<vmem_shared>> -> memref<10240x32xf32, #tpu.memory_space<vmem_shared>>
      tpu.wait_indirect_dma semaphore(%arg23 : memref<!tpu.dma_semaphore, #tpu.memory_space<semaphore_mem>>) src(%dma_wait3A_135 : memref<10240x32xf32, #tpu.memory_space<vmem_shared>>) dst(%arg13 : memref<128x32xf32, #tpu.memory_space<vmem>>)
      "tpu.region"() ({
        %run_scoped3A = tpu.sem_alloc : memref<!tpu.dma_semaphore, #tpu.memory_space<semaphore_mem>>
        %dma_start3A_194 = arith.constant 0 : i32
        %dma_start3A_195 = tpu.memref_slice %arg8[%add3A_129, %dma_start3A_194] : memref<160x128xi32, #tpu.memory_space<vmem>> -> memref<1x128xi32, #tpu.memory_space<vmem>>
        %dma_start3A_196 = tpu.memref_squeeze %dma_start3A_195 : memref<1x128xi32, #tpu.memory_space<vmem>> -> memref<128xi32, #tpu.memory_space<vmem>>
        %dma_start3A_197 = arith.constant 0 : i32
        %dma_start3A_198 = arith.constant 0 : i32
        %dma_start3A_199 = tpu.memref_slice %arg18[%dma_start3A_197, %dma_start3A_198] : memref<10240x32xf32, #tpu.memory_space<vmem_shared>> -> memref<10240x32xf32, #tpu.memory_space<vmem_shared>>
        tpu.enqueue_indirect_dma source(%arg13 : memref<128x32xf32, #tpu.memory_space<vmem>>) target(%dma_start3A_199 : memref<10240x32xf32, #tpu.memory_space<vmem_shared>>) offsets(%dma_start3A_196 : memref<128xi32, #tpu.memory_space<vmem>>) semaphore(%run_scoped3A : memref<!tpu.dma_semaphore, #tpu.memory_space<semaphore_mem>>) {add = true}
        %dma_wait3A_200 = arith.constant 0 : i32
        %dma_wait3A_201 = tpu.memref_slice %arg8[%add3A_129, %dma_wait3A_200] : memref<160x128xi32, #tpu.memory_space<vmem>> -> memref<1x128xi32, #tpu.memory_space<vmem>>
        %dma_wait3A_202 = tpu.memref_squeeze %dma_wait3A_201 : memref<1x128xi32, #tpu.memory_space<vmem>> -> memref<128xi32, #tpu.memory_space<vmem>>
        %dma_wait3A_203 = arith.constant 0 : i32
        %dma_wait3A_204 = arith.constant 0 : i32
        %dma_wait3A_205 = tpu.memref_slice %arg18[%dma_wait3A_203, %dma_wait3A_204] : memref<10240x32xf32, #tpu.memory_space<vmem_shared>> -> memref<10240x32xf32, #tpu.memory_space<vmem_shared>>
        tpu.wait_indirect_dma semaphore(%run_scoped3A : memref<!tpu.dma_semaphore, #tpu.memory_space<semaphore_mem>>) src(%arg13 : memref<128x32xf32, #tpu.memory_space<vmem>>) dst(%dma_wait3A_205 : memref<10240x32xf32, #tpu.memory_space<vmem_shared>>)
        tpu.yield
      }) : () -> ()
      %add3A_136 = arith.constant 8 : i32
      %add3A_137 = arith.addi %add3A_129, %add3A_136 : i32
      %lt3A_138 = arith.constant 160 : i32
      %lt3A_139 = arith.cmpi slt, %add3A_137, %lt3A_138 : i32
      %convert_element_type3A_140 = arith.extui %lt3A_139 : i1 to i32
      %cond3A_141 = arith.constant 0 : i32
      %cond3A_142 = arith.cmpi ne, %convert_element_type3A_140, %cond3A_141 : i32
      scf.if %cond3A_142 {
        %add3A_194 = arith.constant 8 : i32
        %add3A_195 = arith.addi %add3A_129, %add3A_194 : i32
        %dma_start3A_196 = arith.constant 0 : i32
        %dma_start3A_197 = tpu.memref_slice %arg7[%add3A_195, %dma_start3A_196] : memref<160x128xi32, #tpu.memory_space<vmem>> -> memref<1x128xi32, #tpu.memory_space<vmem>>
        %dma_start3A_198 = tpu.memref_squeeze %dma_start3A_197 : memref<1x128xi32, #tpu.memory_space<vmem>> -> memref<128xi32, #tpu.memory_space<vmem>>
        %dma_start3A_199 = arith.constant 0 : i32
        %dma_start3A_200 = arith.constant 0 : i32
        %dma_start3A_201 = tpu.memref_slice %arg17[%dma_start3A_199, %dma_start3A_200] : memref<10240x32xf32, #tpu.memory_space<vmem_shared>> -> memref<10240x32xf32, #tpu.memory_space<vmem_shared>>
        tpu.enqueue_indirect_dma source(%dma_start3A_201 : memref<10240x32xf32, #tpu.memory_space<vmem_shared>>) target(%arg13 : memref<128x32xf32, #tpu.memory_space<vmem>>) offsets(%dma_start3A_198 : memref<128xi32, #tpu.memory_space<vmem>>) semaphore(%arg23 : memref<!tpu.dma_semaphore, #tpu.memory_space<semaphore_mem>>)
      } else {
      }
      %mul3A_143 = arith.constant 8 : i32
      %mul3A_144 = arith.muli %scan3A_62, %mul3A_143 : i32
      %add3A_145 = arith.constant 5 : i32
      %add3A_146 = arith.addi %mul3A_144, %add3A_145 : i32
      %dma_wait3A_147 = arith.constant 0 : i32
      %dma_wait3A_148 = tpu.memref_slice %arg7[%add3A_146, %dma_wait3A_147] : memref<160x128xi32, #tpu.memory_space<vmem>> -> memref<1x128xi32, #tpu.memory_space<vmem>>
      %dma_wait3A_149 = tpu.memref_squeeze %dma_wait3A_148 : memref<1x128xi32, #tpu.memory_space<vmem>> -> memref<128xi32, #tpu.memory_space<vmem>>
      %dma_wait3A_150 = arith.constant 0 : i32
      %dma_wait3A_151 = arith.constant 0 : i32
      %dma_wait3A_152 = tpu.memref_slice %arg17[%dma_wait3A_150, %dma_wait3A_151] : memref<10240x32xf32, #tpu.memory_space<vmem_shared>> -> memref<10240x32xf32, #tpu.memory_space<vmem_shared>>
      tpu.wait_indirect_dma semaphore(%arg24 : memref<!tpu.dma_semaphore, #tpu.memory_space<semaphore_mem>>) src(%dma_wait3A_152 : memref<10240x32xf32, #tpu.memory_space<vmem_shared>>) dst(%arg14 : memref<128x32xf32, #tpu.memory_space<vmem>>)
      "tpu.region"() ({
        %run_scoped3A = tpu.sem_alloc : memref<!tpu.dma_semaphore, #tpu.memory_space<semaphore_mem>>
        %dma_start3A_194 = arith.constant 0 : i32
        %dma_start3A_195 = tpu.memref_slice %arg8[%add3A_146, %dma_start3A_194] : memref<160x128xi32, #tpu.memory_space<vmem>> -> memref<1x128xi32, #tpu.memory_space<vmem>>
        %dma_start3A_196 = tpu.memref_squeeze %dma_start3A_195 : memref<1x128xi32, #tpu.memory_space<vmem>> -> memref<128xi32, #tpu.memory_space<vmem>>
        %dma_start3A_197 = arith.constant 0 : i32
        %dma_start3A_198 = arith.constant 0 : i32
        %dma_start3A_199 = tpu.memref_slice %arg18[%dma_start3A_197, %dma_start3A_198] : memref<10240x32xf32, #tpu.memory_space<vmem_shared>> -> memref<10240x32xf32, #tpu.memory_space<vmem_shared>>
        tpu.enqueue_indirect_dma source(%arg14 : memref<128x32xf32, #tpu.memory_space<vmem>>) target(%dma_start3A_199 : memref<10240x32xf32, #tpu.memory_space<vmem_shared>>) offsets(%dma_start3A_196 : memref<128xi32, #tpu.memory_space<vmem>>) semaphore(%run_scoped3A : memref<!tpu.dma_semaphore, #tpu.memory_space<semaphore_mem>>) {add = true}
        %dma_wait3A_200 = arith.constant 0 : i32
        %dma_wait3A_201 = tpu.memref_slice %arg8[%add3A_146, %dma_wait3A_200] : memref<160x128xi32, #tpu.memory_space<vmem>> -> memref<1x128xi32, #tpu.memory_space<vmem>>
        %dma_wait3A_202 = tpu.memref_squeeze %dma_wait3A_201 : memref<1x128xi32, #tpu.memory_space<vmem>> -> memref<128xi32, #tpu.memory_space<vmem>>
        %dma_wait3A_203 = arith.constant 0 : i32
        %dma_wait3A_204 = arith.constant 0 : i32
        %dma_wait3A_205 = tpu.memref_slice %arg18[%dma_wait3A_203, %dma_wait3A_204] : memref<10240x32xf32, #tpu.memory_space<vmem_shared>> -> memref<10240x32xf32, #tpu.memory_space<vmem_shared>>
        tpu.wait_indirect_dma semaphore(%run_scoped3A : memref<!tpu.dma_semaphore, #tpu.memory_space<semaphore_mem>>) src(%arg14 : memref<128x32xf32, #tpu.memory_space<vmem>>) dst(%dma_wait3A_205 : memref<10240x32xf32, #tpu.memory_space<vmem_shared>>)
        tpu.yield
      }) : () -> ()
      %add3A_153 = arith.constant 8 : i32
      %add3A_154 = arith.addi %add3A_146, %add3A_153 : i32
      %lt3A_155 = arith.constant 160 : i32
      %lt3A_156 = arith.cmpi slt, %add3A_154, %lt3A_155 : i32
      %convert_element_type3A_157 = arith.extui %lt3A_156 : i1 to i32
      %cond3A_158 = arith.constant 0 : i32
      %cond3A_159 = arith.cmpi ne, %convert_element_type3A_157, %cond3A_158 : i32
      scf.if %cond3A_159 {
        %add3A_194 = arith.constant 8 : i32
        %add3A_195 = arith.addi %add3A_146, %add3A_194 : i32
        %dma_start3A_196 = arith.constant 0 : i32
        %dma_start3A_197 = tpu.memref_slice %arg7[%add3A_195, %dma_start3A_196] : memref<160x128xi32, #tpu.memory_space<vmem>> -> memref<1x128xi32, #tpu.memory_space<vmem>>
        %dma_start3A_198 = tpu.memref_squeeze %dma_start3A_197 : memref<1x128xi32, #tpu.memory_space<vmem>> -> memref<128xi32, #tpu.memory_space<vmem>>
        %dma_start3A_199 = arith.constant 0 : i32
        %dma_start3A_200 = arith.constant 0 : i32
        %dma_start3A_201 = tpu.memref_slice %arg17[%dma_start3A_199, %dma_start3A_200] : memref<10240x32xf32, #tpu.memory_space<vmem_shared>> -> memref<10240x32xf32, #tpu.memory_space<vmem_shared>>
        tpu.enqueue_indirect_dma source(%dma_start3A_201 : memref<10240x32xf32, #tpu.memory_space<vmem_shared>>) target(%arg14 : memref<128x32xf32, #tpu.memory_space<vmem>>) offsets(%dma_start3A_198 : memref<128xi32, #tpu.memory_space<vmem>>) semaphore(%arg24 : memref<!tpu.dma_semaphore, #tpu.memory_space<semaphore_mem>>)
      } else {
      }
      %mul3A_160 = arith.constant 8 : i32
      %mul3A_161 = arith.muli %scan3A_62, %mul3A_160 : i32
      %add3A_162 = arith.constant 6 : i32
      %add3A_163 = arith.addi %mul3A_161, %add3A_162 : i32
      %dma_wait3A_164 = arith.constant 0 : i32
      %dma_wait3A_165 = tpu.memref_slice %arg7[%add3A_163, %dma_wait3A_164] : memref<160x128xi32, #tpu.memory_space<vmem>> -> memref<1x128xi32, #tpu.memory_space<vmem>>
      %dma_wait3A_166 = tpu.memref_squeeze %dma_wait3A_165 : memref<1x128xi32, #tpu.memory_space<vmem>> -> memref<128xi32, #tpu.memory_space<vmem>>
      %dma_wait3A_167 = arith.constant 0 : i32
      %dma_wait3A_168 = arith.constant 0 : i32
      %dma_wait3A_169 = tpu.memref_slice %arg17[%dma_wait3A_167, %dma_wait3A_168] : memref<10240x32xf32, #tpu.memory_space<vmem_shared>> -> memref<10240x32xf32, #tpu.memory_space<vmem_shared>>
      tpu.wait_indirect_dma semaphore(%arg25 : memref<!tpu.dma_semaphore, #tpu.memory_space<semaphore_mem>>) src(%dma_wait3A_169 : memref<10240x32xf32, #tpu.memory_space<vmem_shared>>) dst(%arg15 : memref<128x32xf32, #tpu.memory_space<vmem>>)
      "tpu.region"() ({
        %run_scoped3A = tpu.sem_alloc : memref<!tpu.dma_semaphore, #tpu.memory_space<semaphore_mem>>
        %dma_start3A_194 = arith.constant 0 : i32
        %dma_start3A_195 = tpu.memref_slice %arg8[%add3A_163, %dma_start3A_194] : memref<160x128xi32, #tpu.memory_space<vmem>> -> memref<1x128xi32, #tpu.memory_space<vmem>>
        %dma_start3A_196 = tpu.memref_squeeze %dma_start3A_195 : memref<1x128xi32, #tpu.memory_space<vmem>> -> memref<128xi32, #tpu.memory_space<vmem>>
        %dma_start3A_197 = arith.constant 0 : i32
        %dma_start3A_198 = arith.constant 0 : i32
        %dma_start3A_199 = tpu.memref_slice %arg18[%dma_start3A_197, %dma_start3A_198] : memref<10240x32xf32, #tpu.memory_space<vmem_shared>> -> memref<10240x32xf32, #tpu.memory_space<vmem_shared>>
        tpu.enqueue_indirect_dma source(%arg15 : memref<128x32xf32, #tpu.memory_space<vmem>>) target(%dma_start3A_199 : memref<10240x32xf32, #tpu.memory_space<vmem_shared>>) offsets(%dma_start3A_196 : memref<128xi32, #tpu.memory_space<vmem>>) semaphore(%run_scoped3A : memref<!tpu.dma_semaphore, #tpu.memory_space<semaphore_mem>>) {add = true}
        %dma_wait3A_200 = arith.constant 0 : i32
        %dma_wait3A_201 = tpu.memref_slice %arg8[%add3A_163, %dma_wait3A_200] : memref<160x128xi32, #tpu.memory_space<vmem>> -> memref<1x128xi32, #tpu.memory_space<vmem>>
        %dma_wait3A_202 = tpu.memref_squeeze %dma_wait3A_201 : memref<1x128xi32, #tpu.memory_space<vmem>> -> memref<128xi32, #tpu.memory_space<vmem>>
        %dma_wait3A_203 = arith.constant 0 : i32
        %dma_wait3A_204 = arith.constant 0 : i32
        %dma_wait3A_205 = tpu.memref_slice %arg18[%dma_wait3A_203, %dma_wait3A_204] : memref<10240x32xf32, #tpu.memory_space<vmem_shared>> -> memref<10240x32xf32, #tpu.memory_space<vmem_shared>>
        tpu.wait_indirect_dma semaphore(%run_scoped3A : memref<!tpu.dma_semaphore, #tpu.memory_space<semaphore_mem>>) src(%arg15 : memref<128x32xf32, #tpu.memory_space<vmem>>) dst(%dma_wait3A_205 : memref<10240x32xf32, #tpu.memory_space<vmem_shared>>)
        tpu.yield
      }) : () -> ()
      %add3A_170 = arith.constant 8 : i32
      %add3A_171 = arith.addi %add3A_163, %add3A_170 : i32
      %lt3A_172 = arith.constant 160 : i32
      %lt3A_173 = arith.cmpi slt, %add3A_171, %lt3A_172 : i32
      %convert_element_type3A_174 = arith.extui %lt3A_173 : i1 to i32
      %cond3A_175 = arith.constant 0 : i32
      %cond3A_176 = arith.cmpi ne, %convert_element_type3A_174, %cond3A_175 : i32
      scf.if %cond3A_176 {
        %add3A_194 = arith.constant 8 : i32
        %add3A_195 = arith.addi %add3A_163, %add3A_194 : i32
        %dma_start3A_196 = arith.constant 0 : i32
        %dma_start3A_197 = tpu.memref_slice %arg7[%add3A_195, %dma_start3A_196] : memref<160x128xi32, #tpu.memory_space<vmem>> -> memref<1x128xi32, #tpu.memory_space<vmem>>
        %dma_start3A_198 = tpu.memref_squeeze %dma_start3A_197 : memref<1x128xi32, #tpu.memory_space<vmem>> -> memref<128xi32, #tpu.memory_space<vmem>>
        %dma_start3A_199 = arith.constant 0 : i32
        %dma_start3A_200 = arith.constant 0 : i32
        %dma_start3A_201 = tpu.memref_slice %arg17[%dma_start3A_199, %dma_start3A_200] : memref<10240x32xf32, #tpu.memory_space<vmem_shared>> -> memref<10240x32xf32, #tpu.memory_space<vmem_shared>>
        tpu.enqueue_indirect_dma source(%dma_start3A_201 : memref<10240x32xf32, #tpu.memory_space<vmem_shared>>) target(%arg15 : memref<128x32xf32, #tpu.memory_space<vmem>>) offsets(%dma_start3A_198 : memref<128xi32, #tpu.memory_space<vmem>>) semaphore(%arg25 : memref<!tpu.dma_semaphore, #tpu.memory_space<semaphore_mem>>)
      } else {
      }
      %mul3A_177 = arith.constant 8 : i32
      %mul3A_178 = arith.muli %scan3A_62, %mul3A_177 : i32
      %add3A_179 = arith.constant 7 : i32
      %add3A_180 = arith.addi %mul3A_178, %add3A_179 : i32
      %dma_wait3A_181 = arith.constant 0 : i32
      %dma_wait3A_182 = tpu.memref_slice %arg7[%add3A_180, %dma_wait3A_181] : memref<160x128xi32, #tpu.memory_space<vmem>> -> memref<1x128xi32, #tpu.memory_space<vmem>>
      %dma_wait3A_183 = tpu.memref_squeeze %dma_wait3A_182 : memref<1x128xi32, #tpu.memory_space<vmem>> -> memref<128xi32, #tpu.memory_space<vmem>>
      %dma_wait3A_184 = arith.constant 0 : i32
      %dma_wait3A_185 = arith.constant 0 : i32
      %dma_wait3A_186 = tpu.memref_slice %arg17[%dma_wait3A_184, %dma_wait3A_185] : memref<10240x32xf32, #tpu.memory_space<vmem_shared>> -> memref<10240x32xf32, #tpu.memory_space<vmem_shared>>
      tpu.wait_indirect_dma semaphore(%arg26 : memref<!tpu.dma_semaphore, #tpu.memory_space<semaphore_mem>>) src(%dma_wait3A_186 : memref<10240x32xf32, #tpu.memory_space<vmem_shared>>) dst(%arg16 : memref<128x32xf32, #tpu.memory_space<vmem>>)
      "tpu.region"() ({
        %run_scoped3A = tpu.sem_alloc : memref<!tpu.dma_semaphore, #tpu.memory_space<semaphore_mem>>
        %dma_start3A_194 = arith.constant 0 : i32
        %dma_start3A_195 = tpu.memref_slice %arg8[%add3A_180, %dma_start3A_194] : memref<160x128xi32, #tpu.memory_space<vmem>> -> memref<1x128xi32, #tpu.memory_space<vmem>>
        %dma_start3A_196 = tpu.memref_squeeze %dma_start3A_195 : memref<1x128xi32, #tpu.memory_space<vmem>> -> memref<128xi32, #tpu.memory_space<vmem>>
        %dma_start3A_197 = arith.constant 0 : i32
        %dma_start3A_198 = arith.constant 0 : i32
        %dma_start3A_199 = tpu.memref_slice %arg18[%dma_start3A_197, %dma_start3A_198] : memref<10240x32xf32, #tpu.memory_space<vmem_shared>> -> memref<10240x32xf32, #tpu.memory_space<vmem_shared>>
        tpu.enqueue_indirect_dma source(%arg16 : memref<128x32xf32, #tpu.memory_space<vmem>>) target(%dma_start3A_199 : memref<10240x32xf32, #tpu.memory_space<vmem_shared>>) offsets(%dma_start3A_196 : memref<128xi32, #tpu.memory_space<vmem>>) semaphore(%run_scoped3A : memref<!tpu.dma_semaphore, #tpu.memory_space<semaphore_mem>>) {add = true}
        %dma_wait3A_200 = arith.constant 0 : i32
        %dma_wait3A_201 = tpu.memref_slice %arg8[%add3A_180, %dma_wait3A_200] : memref<160x128xi32, #tpu.memory_space<vmem>> -> memref<1x128xi32, #tpu.memory_space<vmem>>
        %dma_wait3A_202 = tpu.memref_squeeze %dma_wait3A_201 : memref<1x128xi32, #tpu.memory_space<vmem>> -> memref<128xi32, #tpu.memory_space<vmem>>
        %dma_wait3A_203 = arith.constant 0 : i32
        %dma_wait3A_204 = arith.constant 0 : i32
        %dma_wait3A_205 = tpu.memref_slice %arg18[%dma_wait3A_203, %dma_wait3A_204] : memref<10240x32xf32, #tpu.memory_space<vmem_shared>> -> memref<10240x32xf32, #tpu.memory_space<vmem_shared>>
        tpu.wait_indirect_dma semaphore(%run_scoped3A : memref<!tpu.dma_semaphore, #tpu.memory_space<semaphore_mem>>) src(%arg16 : memref<128x32xf32, #tpu.memory_space<vmem>>) dst(%dma_wait3A_205 : memref<10240x32xf32, #tpu.memory_space<vmem_shared>>)
        tpu.yield
      }) : () -> ()
      %add3A_187 = arith.constant 8 : i32
      %add3A_188 = arith.addi %add3A_180, %add3A_187 : i32
      %lt3A_189 = arith.constant 160 : i32
      %lt3A_190 = arith.cmpi slt, %add3A_188, %lt3A_189 : i32
      %convert_element_type3A_191 = arith.extui %lt3A_190 : i1 to i32
      %cond3A_192 = arith.constant 0 : i32
      %cond3A_193 = arith.cmpi ne, %convert_element_type3A_191, %cond3A_192 : i32
      scf.if %cond3A_193 {
        %add3A_194 = arith.constant 8 : i32
        %add3A_195 = arith.addi %add3A_180, %add3A_194 : i32
        %dma_start3A_196 = arith.constant 0 : i32
        %dma_start3A_197 = tpu.memref_slice %arg7[%add3A_195, %dma_start3A_196] : memref<160x128xi32, #tpu.memory_space<vmem>> -> memref<1x128xi32, #tpu.memory_space<vmem>>
        %dma_start3A_198 = tpu.memref_squeeze %dma_start3A_197 : memref<1x128xi32, #tpu.memory_space<vmem>> -> memref<128xi32, #tpu.memory_space<vmem>>
        %dma_start3A_199 = arith.constant 0 : i32
        %dma_start3A_200 = arith.constant 0 : i32
        %dma_start3A_201 = tpu.memref_slice %arg17[%dma_start3A_199, %dma_start3A_200] : memref<10240x32xf32, #tpu.memory_space<vmem_shared>> -> memref<10240x32xf32, #tpu.memory_space<vmem_shared>>
        tpu.enqueue_indirect_dma source(%dma_start3A_201 : memref<10240x32xf32, #tpu.memory_space<vmem_shared>>) target(%arg16 : memref<128x32xf32, #tpu.memory_space<vmem>>) offsets(%dma_start3A_198 : memref<128xi32, #tpu.memory_space<vmem>>) semaphore(%arg26 : memref<!tpu.dma_semaphore, #tpu.memory_space<semaphore_mem>>)
      } else {
      }
    }
    %scan3A_60 = arith.constant 20 : i32
    %barrier3A_61 = arith.constant 0 : index
    tpu.barrier barrier_id(%barrier3A_61)
    "tpu.region"() ({
      %run_scoped3A = tpu.sem_alloc : memref<!tpu.dma_semaphore, #tpu.memory_space<semaphore_mem>>
      %dma_start3A_62 = arith.constant 0 : i32
      %dma_start3A_63 = tpu.memref_slice %arg6[%arg0, %mul3A_0, %dma_start3A_62] : memref<2x10240x32xf32, #tpu.memory_space<hbm>> -> memref<1x640x32xf32, #tpu.memory_space<hbm>>
      %dma_start3A_64 = tpu.memref_squeeze %dma_start3A_63 : memref<1x640x32xf32, #tpu.memory_space<hbm>> -> memref<640x32xf32, #tpu.memory_space<hbm>>
      %dma_start3A_65 = arith.constant 0 : i32
      %dma_start3A_66 = tpu.memref_slice %arg18[%mul3A_0, %dma_start3A_65] : memref<10240x32xf32, #tpu.memory_space<vmem_shared>> -> memref<640x32xf32, #tpu.memory_space<vmem_shared>>
      tpu.enqueue_dma source(%dma_start3A_66 : memref<640x32xf32, #tpu.memory_space<vmem_shared>>) target(%dma_start3A_64 : memref<640x32xf32, #tpu.memory_space<hbm>>) target_semaphore(%run_scoped3A : memref<!tpu.dma_semaphore, #tpu.memory_space<semaphore_mem>>)
      %dma_wait3A = arith.constant 0 : i32
      %dma_wait3A_67 = tpu.memref_slice %arg6[%arg0, %mul3A_0, %dma_wait3A] : memref<2x10240x32xf32, #tpu.memory_space<hbm>> -> memref<1x640x32xf32, #tpu.memory_space<hbm>>
      %dma_wait3A_68 = tpu.memref_squeeze %dma_wait3A_67 : memref<1x640x32xf32, #tpu.memory_space<hbm>> -> memref<640x32xf32, #tpu.memory_space<hbm>>
      %dma_wait3A_69 = arith.constant 0 : i32
      %dma_wait3A_70 = tpu.memref_slice %arg18[%mul3A_0, %dma_wait3A_69] : memref<10240x32xf32, #tpu.memory_space<vmem_shared>> -> memref<640x32xf32, #tpu.memory_space<vmem_shared>>
      tpu.wait_dma2 semaphore(%run_scoped3A : memref<!tpu.dma_semaphore, #tpu.memory_space<semaphore_mem>>) src(%dma_wait3A_70 : memref<640x32xf32, #tpu.memory_space<vmem_shared>>) dst(%dma_wait3A_68 : memref<640x32xf32, #tpu.memory_space<hbm>>)
      tpu.yield
    }) : () -> ()
    return
  }
}

#map = affine_map<(d0, d1) -> (0, 0, 0)>
#map1 = affine_map<(d0, d1) -> (0, 0)>
module attributes {stable_mosaic.version = 14 : i64} {
  func.func @edge_kernel(%arg0: i32, %arg1: i32, %arg2: memref<32x80x128xi32, #tpu.memory_space<hbm>>, %arg3: memref<32x80x128xi32, #tpu.memory_space<hbm>>, %arg4: memref<10240x16xf32, #tpu.memory_space<hbm>>, %arg5: memref<640x16xf32, #tpu.memory_space<hbm>>, %arg6: memref<80x128xi32, #tpu.memory_space<hbm>>, %arg7: memref<2x10240x16xf32, #tpu.memory_space<hbm>>, %arg8: memref<80x128xi32, #tpu.memory_space<vmem>>, %arg9: memref<80x128xi32, #tpu.memory_space<vmem>>, %arg10: memref<128x16xf32, #tpu.memory_space<vmem>>, %arg11: memref<128x16xf32, #tpu.memory_space<vmem>>, %arg12: memref<128x16xf32, #tpu.memory_space<vmem>>, %arg13: memref<128x16xf32, #tpu.memory_space<vmem>>, %arg14: memref<128x16xf32, #tpu.memory_space<vmem>>, %arg15: memref<128x16xf32, #tpu.memory_space<vmem>>, %arg16: memref<128x16xf32, #tpu.memory_space<vmem>>, %arg17: memref<128x16xf32, #tpu.memory_space<vmem>>, %arg18: memref<640x16xf32, #tpu.memory_space<vmem>>, %arg19: memref<5x128xi32, #tpu.memory_space<vmem>>, %arg20: memref<10240x16xf32, #tpu.memory_space<vmem_shared>>, %arg21: memref<10240x16xf32, #tpu.memory_space<vmem_shared>>, %arg22: memref<!tpu.dma_semaphore, #tpu.memory_space<semaphore_mem>>, %arg23: memref<!tpu.dma_semaphore, #tpu.memory_space<semaphore_mem>>, %arg24: memref<!tpu.dma_semaphore, #tpu.memory_space<semaphore_mem>>, %arg25: memref<!tpu.dma_semaphore, #tpu.memory_space<semaphore_mem>>, %arg26: memref<!tpu.dma_semaphore, #tpu.memory_space<semaphore_mem>>, %arg27: memref<!tpu.dma_semaphore, #tpu.memory_space<semaphore_mem>>, %arg28: memref<!tpu.dma_semaphore, #tpu.memory_space<semaphore_mem>>, %arg29: memref<!tpu.dma_semaphore, #tpu.memory_space<semaphore_mem>>) attributes {dimension_semantics = [#tpu.dimension_semantics<core_parallel>, #tpu.dimension_semantics<subcore_parallel>], iteration_bounds = array<i64: 2, 16>, scalar_prefetch = 0 : i64, scratch_operands = 22 : i64, tpu.core_type = #tpu.core_type<sc_vector_subcore>, window_params = [{transform_indices = #map}, {transform_indices = #map}, {transform_indices = #map1}, {transform_indices = #map1}, {transform_indices = #map1}, {transform_indices = #map}]} {
    %mul3A = arith.constant 16 : i32
    %mul3A_0 = arith.muli %arg0, %mul3A : i32
    %add3A = arith.addi %mul3A_0, %arg1 : i32
    %mul3A_1 = arith.constant 640 : i32
    %mul3A_2 = arith.muli %arg1, %mul3A_1 : i32
    "tpu.region"() ({
      %run_scoped3A = tpu.sem_alloc : memref<!tpu.dma_semaphore, #tpu.memory_space<semaphore_mem>>
      %dma_start3A_68 = arith.constant 0 : i32
      %dma_start3A_69 = tpu.memref_slice %arg21[%mul3A_2, %dma_start3A_68] : memref<10240x16xf32, #tpu.memory_space<vmem_shared>> -> memref<640x16xf32, #tpu.memory_space<vmem_shared>>
      tpu.enqueue_dma source(%arg5 : memref<640x16xf32, #tpu.memory_space<hbm>>) target(%dma_start3A_69 : memref<640x16xf32, #tpu.memory_space<vmem_shared>>) target_semaphore(%run_scoped3A : memref<!tpu.dma_semaphore, #tpu.memory_space<semaphore_mem>>)
      %dma_wait3A = arith.constant 0 : i32
      %dma_wait3A_70 = tpu.memref_slice %arg21[%mul3A_2, %dma_wait3A] : memref<10240x16xf32, #tpu.memory_space<vmem_shared>> -> memref<640x16xf32, #tpu.memory_space<vmem_shared>>
      tpu.wait_dma2 semaphore(%run_scoped3A : memref<!tpu.dma_semaphore, #tpu.memory_space<semaphore_mem>>) src(%arg5 : memref<640x16xf32, #tpu.memory_space<hbm>>) dst(%dma_wait3A_70 : memref<640x16xf32, #tpu.memory_space<vmem_shared>>)
      tpu.yield
    }) : () -> ()
    "tpu.region"() ({
      %run_scoped3A = tpu.sem_alloc : memref<!tpu.dma_semaphore, #tpu.memory_space<semaphore_mem>>
      %dma_start3A_68 = arith.constant 0 : i32
      %dma_start3A_69 = tpu.memref_slice %arg4[%mul3A_2, %dma_start3A_68] : memref<10240x16xf32, #tpu.memory_space<hbm>> -> memref<640x16xf32, #tpu.memory_space<hbm>>
      %dma_start3A_70 = arith.constant 0 : i32
      %dma_start3A_71 = tpu.memref_slice %arg4[%mul3A_2, %dma_start3A_70] : memref<10240x16xf32, #tpu.memory_space<hbm>> -> memref<640x16xf32, #tpu.memory_space<hbm>>
      tpu.enqueue_dma source(%dma_start3A_71 : memref<640x16xf32, #tpu.memory_space<hbm>>) target(%arg18 : memref<640x16xf32, #tpu.memory_space<vmem>>) target_semaphore(%run_scoped3A : memref<!tpu.dma_semaphore, #tpu.memory_space<semaphore_mem>>)
      %dma_wait3A = arith.constant 0 : i32
      %dma_wait3A_72 = tpu.memref_slice %arg4[%mul3A_2, %dma_wait3A] : memref<10240x16xf32, #tpu.memory_space<hbm>> -> memref<640x16xf32, #tpu.memory_space<hbm>>
      %dma_wait3A_73 = arith.constant 0 : i32
      %dma_wait3A_74 = tpu.memref_slice %arg4[%mul3A_2, %dma_wait3A_73] : memref<10240x16xf32, #tpu.memory_space<hbm>> -> memref<640x16xf32, #tpu.memory_space<hbm>>
      tpu.wait_dma2 semaphore(%run_scoped3A : memref<!tpu.dma_semaphore, #tpu.memory_space<semaphore_mem>>) src(%dma_wait3A_74 : memref<640x16xf32, #tpu.memory_space<hbm>>) dst(%arg18 : memref<640x16xf32, #tpu.memory_space<vmem>>)
      tpu.yield
    }) : () -> ()
    "tpu.region"() ({
      %run_scoped3A = tpu.sem_alloc : memref<!tpu.dma_semaphore, #tpu.memory_space<semaphore_mem>>
      %dma_start3A_68 = arith.constant 0 : i32
      %dma_start3A_69 = arith.constant 0 : i32
      %dma_start3A_70 = tpu.memref_slice %arg2[%add3A, %dma_start3A_68, %dma_start3A_69] : memref<32x80x128xi32, #tpu.memory_space<hbm>> -> memref<1x80x128xi32, #tpu.memory_space<hbm>>
      %dma_start3A_71 = tpu.memref_squeeze %dma_start3A_70 : memref<1x80x128xi32, #tpu.memory_space<hbm>> -> memref<80x128xi32, #tpu.memory_space<hbm>>
      %dma_start3A_72 = arith.constant 0 : i32
      %dma_start3A_73 = arith.constant 0 : i32
      %dma_start3A_74 = tpu.memref_slice %arg2[%add3A, %dma_start3A_72, %dma_start3A_73] : memref<32x80x128xi32, #tpu.memory_space<hbm>> -> memref<1x80x128xi32, #tpu.memory_space<hbm>>
      %dma_start3A_75 = tpu.memref_squeeze %dma_start3A_74 : memref<1x80x128xi32, #tpu.memory_space<hbm>> -> memref<80x128xi32, #tpu.memory_space<hbm>>
      tpu.enqueue_dma source(%dma_start3A_75 : memref<80x128xi32, #tpu.memory_space<hbm>>) target(%arg8 : memref<80x128xi32, #tpu.memory_space<vmem>>) target_semaphore(%run_scoped3A : memref<!tpu.dma_semaphore, #tpu.memory_space<semaphore_mem>>)
      %dma_wait3A = arith.constant 0 : i32
      %dma_wait3A_76 = arith.constant 0 : i32
      %dma_wait3A_77 = tpu.memref_slice %arg2[%add3A, %dma_wait3A, %dma_wait3A_76] : memref<32x80x128xi32, #tpu.memory_space<hbm>> -> memref<1x80x128xi32, #tpu.memory_space<hbm>>
      %dma_wait3A_78 = tpu.memref_squeeze %dma_wait3A_77 : memref<1x80x128xi32, #tpu.memory_space<hbm>> -> memref<80x128xi32, #tpu.memory_space<hbm>>
      %dma_wait3A_79 = arith.constant 0 : i32
      %dma_wait3A_80 = arith.constant 0 : i32
      %dma_wait3A_81 = tpu.memref_slice %arg2[%add3A, %dma_wait3A_79, %dma_wait3A_80] : memref<32x80x128xi32, #tpu.memory_space<hbm>> -> memref<1x80x128xi32, #tpu.memory_space<hbm>>
      %dma_wait3A_82 = tpu.memref_squeeze %dma_wait3A_81 : memref<1x80x128xi32, #tpu.memory_space<hbm>> -> memref<80x128xi32, #tpu.memory_space<hbm>>
      tpu.wait_dma2 semaphore(%run_scoped3A : memref<!tpu.dma_semaphore, #tpu.memory_space<semaphore_mem>>) src(%dma_wait3A_82 : memref<80x128xi32, #tpu.memory_space<hbm>>) dst(%arg8 : memref<80x128xi32, #tpu.memory_space<vmem>>)
      tpu.yield
    }) : () -> ()
    "tpu.region"() ({
      %run_scoped3A = tpu.sem_alloc : memref<!tpu.dma_semaphore, #tpu.memory_space<semaphore_mem>>
      %dma_start3A_68 = arith.constant 0 : i32
      %dma_start3A_69 = arith.constant 0 : i32
      %dma_start3A_70 = tpu.memref_slice %arg3[%add3A, %dma_start3A_68, %dma_start3A_69] : memref<32x80x128xi32, #tpu.memory_space<hbm>> -> memref<1x80x128xi32, #tpu.memory_space<hbm>>
      %dma_start3A_71 = tpu.memref_squeeze %dma_start3A_70 : memref<1x80x128xi32, #tpu.memory_space<hbm>> -> memref<80x128xi32, #tpu.memory_space<hbm>>
      %dma_start3A_72 = arith.constant 0 : i32
      %dma_start3A_73 = arith.constant 0 : i32
      %dma_start3A_74 = tpu.memref_slice %arg3[%add3A, %dma_start3A_72, %dma_start3A_73] : memref<32x80x128xi32, #tpu.memory_space<hbm>> -> memref<1x80x128xi32, #tpu.memory_space<hbm>>
      %dma_start3A_75 = tpu.memref_squeeze %dma_start3A_74 : memref<1x80x128xi32, #tpu.memory_space<hbm>> -> memref<80x128xi32, #tpu.memory_space<hbm>>
      tpu.enqueue_dma source(%dma_start3A_75 : memref<80x128xi32, #tpu.memory_space<hbm>>) target(%arg9 : memref<80x128xi32, #tpu.memory_space<vmem>>) target_semaphore(%run_scoped3A : memref<!tpu.dma_semaphore, #tpu.memory_space<semaphore_mem>>)
      %dma_wait3A = arith.constant 0 : i32
      %dma_wait3A_76 = arith.constant 0 : i32
      %dma_wait3A_77 = tpu.memref_slice %arg3[%add3A, %dma_wait3A, %dma_wait3A_76] : memref<32x80x128xi32, #tpu.memory_space<hbm>> -> memref<1x80x128xi32, #tpu.memory_space<hbm>>
      %dma_wait3A_78 = tpu.memref_squeeze %dma_wait3A_77 : memref<1x80x128xi32, #tpu.memory_space<hbm>> -> memref<80x128xi32, #tpu.memory_space<hbm>>
      %dma_wait3A_79 = arith.constant 0 : i32
      %dma_wait3A_80 = arith.constant 0 : i32
      %dma_wait3A_81 = tpu.memref_slice %arg3[%add3A, %dma_wait3A_79, %dma_wait3A_80] : memref<32x80x128xi32, #tpu.memory_space<hbm>> -> memref<1x80x128xi32, #tpu.memory_space<hbm>>
      %dma_wait3A_82 = tpu.memref_squeeze %dma_wait3A_81 : memref<1x80x128xi32, #tpu.memory_space<hbm>> -> memref<80x128xi32, #tpu.memory_space<hbm>>
      tpu.wait_dma2 semaphore(%run_scoped3A : memref<!tpu.dma_semaphore, #tpu.memory_space<semaphore_mem>>) src(%dma_wait3A_82 : memref<80x128xi32, #tpu.memory_space<hbm>>) dst(%arg9 : memref<80x128xi32, #tpu.memory_space<vmem>>)
      tpu.yield
    }) : () -> ()
    %mul3A_3 = arith.constant 5 : i32
    %mul3A_4 = arith.muli %arg1, %mul3A_3 : i32
    "tpu.region"() ({
      %run_scoped3A = tpu.sem_alloc : memref<!tpu.dma_semaphore, #tpu.memory_space<semaphore_mem>>
      %dma_start3A_68 = arith.constant 0 : i32
      %dma_start3A_69 = tpu.memref_slice %arg6[%mul3A_4, %dma_start3A_68] : memref<80x128xi32, #tpu.memory_space<hbm>> -> memref<5x128xi32, #tpu.memory_space<hbm>>
      %dma_start3A_70 = arith.constant 0 : i32
      %dma_start3A_71 = tpu.memref_slice %arg6[%mul3A_4, %dma_start3A_70] : memref<80x128xi32, #tpu.memory_space<hbm>> -> memref<5x128xi32, #tpu.memory_space<hbm>>
      tpu.enqueue_dma source(%dma_start3A_71 : memref<5x128xi32, #tpu.memory_space<hbm>>) target(%arg19 : memref<5x128xi32, #tpu.memory_space<vmem>>) target_semaphore(%run_scoped3A : memref<!tpu.dma_semaphore, #tpu.memory_space<semaphore_mem>>)
      %dma_wait3A = arith.constant 0 : i32
      %dma_wait3A_72 = tpu.memref_slice %arg6[%mul3A_4, %dma_wait3A] : memref<80x128xi32, #tpu.memory_space<hbm>> -> memref<5x128xi32, #tpu.memory_space<hbm>>
      %dma_wait3A_73 = arith.constant 0 : i32
      %dma_wait3A_74 = tpu.memref_slice %arg6[%mul3A_4, %dma_wait3A_73] : memref<80x128xi32, #tpu.memory_space<hbm>> -> memref<5x128xi32, #tpu.memory_space<hbm>>
      tpu.wait_dma2 semaphore(%run_scoped3A : memref<!tpu.dma_semaphore, #tpu.memory_space<semaphore_mem>>) src(%dma_wait3A_74 : memref<5x128xi32, #tpu.memory_space<hbm>>) dst(%arg19 : memref<5x128xi32, #tpu.memory_space<vmem>>)
      tpu.yield
    }) : () -> ()
    "tpu.region"() ({
      %run_scoped3A = tpu.sem_alloc : memref<!tpu.dma_semaphore, #tpu.memory_space<semaphore_mem>>
      %dma_start3A_68 = arith.constant 0 : i32
      %dma_start3A_69 = tpu.memref_slice %arg20[%mul3A_2, %dma_start3A_68] : memref<10240x16xf32, #tpu.memory_space<vmem_shared>> -> memref<640x16xf32, #tpu.memory_space<vmem_shared>>
      %dma_start3A_70 = arith.constant 0 : i32
      %dma_start3A_71 = tpu.memref_slice %arg20[%mul3A_2, %dma_start3A_70] : memref<10240x16xf32, #tpu.memory_space<vmem_shared>> -> memref<640x16xf32, #tpu.memory_space<vmem_shared>>
      tpu.enqueue_dma source(%arg18 : memref<640x16xf32, #tpu.memory_space<vmem>>) target(%dma_start3A_71 : memref<640x16xf32, #tpu.memory_space<vmem_shared>>) target_semaphore(%run_scoped3A : memref<!tpu.dma_semaphore, #tpu.memory_space<semaphore_mem>>)
      %dma_wait3A = arith.constant 0 : i32
      %dma_wait3A_72 = tpu.memref_slice %arg20[%mul3A_2, %dma_wait3A] : memref<10240x16xf32, #tpu.memory_space<vmem_shared>> -> memref<640x16xf32, #tpu.memory_space<vmem_shared>>
      %dma_wait3A_73 = arith.constant 0 : i32
      %dma_wait3A_74 = tpu.memref_slice %arg20[%mul3A_2, %dma_wait3A_73] : memref<10240x16xf32, #tpu.memory_space<vmem_shared>> -> memref<640x16xf32, #tpu.memory_space<vmem_shared>>
      tpu.wait_dma2 semaphore(%run_scoped3A : memref<!tpu.dma_semaphore, #tpu.memory_space<semaphore_mem>>) src(%arg18 : memref<640x16xf32, #tpu.memory_space<vmem>>) dst(%dma_wait3A_74 : memref<640x16xf32, #tpu.memory_space<vmem_shared>>)
      tpu.yield
    }) : () -> ()
    %eq3A = arith.constant 0 : i32
    %eq3A_5 = arith.cmpi eq, %arg0, %eq3A : i32
    %convert_element_type3A = arith.extui %eq3A_5 : i1 to i32
    %cond3A = arith.constant 0 : i32
    %cond3A_6 = arith.cmpi ne, %convert_element_type3A, %cond3A : i32
    scf.if %cond3A_6 {
      %run_scoped3A = arith.constant 0 : i32
      "tpu.region"() ({
        %run_scoped3A_72 = tpu.sem_alloc : memref<!tpu.dma_semaphore, #tpu.memory_space<semaphore_mem>>
        %dma_start3A_73 = arith.constant 0 : i32
        %dma_start3A_74 = arith.constant 0 : i32
        %dma_start3A_75 = tpu.memref_slice %arg18[%dma_start3A_73, %dma_start3A_74] : memref<640x16xf32, #tpu.memory_space<vmem>> -> memref<128x16xf32, #tpu.memory_space<vmem>>
        %dma_start3A_76 = arith.constant 0 : i32
        %dma_start3A_77 = tpu.memref_slice %arg19[%run_scoped3A, %dma_start3A_76] : memref<5x128xi32, #tpu.memory_space<vmem>> -> memref<1x128xi32, #tpu.memory_space<vmem>>
        %dma_start3A_78 = tpu.memref_squeeze %dma_start3A_77 : memref<1x128xi32, #tpu.memory_space<vmem>> -> memref<128xi32, #tpu.memory_space<vmem>>
        %dma_start3A_79 = arith.constant 0 : i32
        %dma_start3A_80 = arith.constant 0 : i32
        %dma_start3A_81 = tpu.memref_slice %arg21[%dma_start3A_79, %dma_start3A_80] : memref<10240x16xf32, #tpu.memory_space<vmem_shared>> -> memref<10240x16xf32, #tpu.memory_space<vmem_shared>>
        tpu.enqueue_indirect_dma source(%dma_start3A_75 : memref<128x16xf32, #tpu.memory_space<vmem>>) target(%dma_start3A_81 : memref<10240x16xf32, #tpu.memory_space<vmem_shared>>) offsets(%dma_start3A_78 : memref<128xi32, #tpu.memory_space<vmem>>) semaphore(%run_scoped3A_72 : memref<!tpu.dma_semaphore, #tpu.memory_space<semaphore_mem>>) {add = true}
        %dma_wait3A = arith.constant 0 : i32
        %dma_wait3A_82 = arith.constant 0 : i32
        %dma_wait3A_83 = tpu.memref_slice %arg18[%dma_wait3A, %dma_wait3A_82] : memref<640x16xf32, #tpu.memory_space<vmem>> -> memref<128x16xf32, #tpu.memory_space<vmem>>
        %dma_wait3A_84 = arith.constant 0 : i32
        %dma_wait3A_85 = tpu.memref_slice %arg19[%run_scoped3A, %dma_wait3A_84] : memref<5x128xi32, #tpu.memory_space<vmem>> -> memref<1x128xi32, #tpu.memory_space<vmem>>
        %dma_wait3A_86 = tpu.memref_squeeze %dma_wait3A_85 : memref<1x128xi32, #tpu.memory_space<vmem>> -> memref<128xi32, #tpu.memory_space<vmem>>
        %dma_wait3A_87 = arith.constant 0 : i32
        %dma_wait3A_88 = arith.constant 0 : i32
        %dma_wait3A_89 = tpu.memref_slice %arg21[%dma_wait3A_87, %dma_wait3A_88] : memref<10240x16xf32, #tpu.memory_space<vmem_shared>> -> memref<10240x16xf32, #tpu.memory_space<vmem_shared>>
        tpu.wait_indirect_dma semaphore(%run_scoped3A_72 : memref<!tpu.dma_semaphore, #tpu.memory_space<semaphore_mem>>) src(%dma_wait3A_83 : memref<128x16xf32, #tpu.memory_space<vmem>>) dst(%dma_wait3A_89 : memref<10240x16xf32, #tpu.memory_space<vmem_shared>>)
        tpu.yield
      }) : () -> ()
      %run_scoped3A_68 = arith.constant 1 : i32
      "tpu.region"() ({
        %run_scoped3A_72 = tpu.sem_alloc : memref<!tpu.dma_semaphore, #tpu.memory_space<semaphore_mem>>
        %dma_start3A_73 = arith.constant 128 : i32
        %dma_start3A_74 = arith.constant 0 : i32
        %dma_start3A_75 = tpu.memref_slice %arg18[%dma_start3A_73, %dma_start3A_74] : memref<640x16xf32, #tpu.memory_space<vmem>> -> memref<128x16xf32, #tpu.memory_space<vmem>>
        %dma_start3A_76 = arith.constant 0 : i32
        %dma_start3A_77 = tpu.memref_slice %arg19[%run_scoped3A_68, %dma_start3A_76] : memref<5x128xi32, #tpu.memory_space<vmem>> -> memref<1x128xi32, #tpu.memory_space<vmem>>
        %dma_start3A_78 = tpu.memref_squeeze %dma_start3A_77 : memref<1x128xi32, #tpu.memory_space<vmem>> -> memref<128xi32, #tpu.memory_space<vmem>>
        %dma_start3A_79 = arith.constant 0 : i32
        %dma_start3A_80 = arith.constant 0 : i32
        %dma_start3A_81 = tpu.memref_slice %arg21[%dma_start3A_79, %dma_start3A_80] : memref<10240x16xf32, #tpu.memory_space<vmem_shared>> -> memref<10240x16xf32, #tpu.memory_space<vmem_shared>>
        tpu.enqueue_indirect_dma source(%dma_start3A_75 : memref<128x16xf32, #tpu.memory_space<vmem>>) target(%dma_start3A_81 : memref<10240x16xf32, #tpu.memory_space<vmem_shared>>) offsets(%dma_start3A_78 : memref<128xi32, #tpu.memory_space<vmem>>) semaphore(%run_scoped3A_72 : memref<!tpu.dma_semaphore, #tpu.memory_space<semaphore_mem>>) {add = true}
        %dma_wait3A = arith.constant 128 : i32
        %dma_wait3A_82 = arith.constant 0 : i32
        %dma_wait3A_83 = tpu.memref_slice %arg18[%dma_wait3A, %dma_wait3A_82] : memref<640x16xf32, #tpu.memory_space<vmem>> -> memref<128x16xf32, #tpu.memory_space<vmem>>
        %dma_wait3A_84 = arith.constant 0 : i32
        %dma_wait3A_85 = tpu.memref_slice %arg19[%run_scoped3A_68, %dma_wait3A_84] : memref<5x128xi32, #tpu.memory_space<vmem>> -> memref<1x128xi32, #tpu.memory_space<vmem>>
        %dma_wait3A_86 = tpu.memref_squeeze %dma_wait3A_85 : memref<1x128xi32, #tpu.memory_space<vmem>> -> memref<128xi32, #tpu.memory_space<vmem>>
        %dma_wait3A_87 = arith.constant 0 : i32
        %dma_wait3A_88 = arith.constant 0 : i32
        %dma_wait3A_89 = tpu.memref_slice %arg21[%dma_wait3A_87, %dma_wait3A_88] : memref<10240x16xf32, #tpu.memory_space<vmem_shared>> -> memref<10240x16xf32, #tpu.memory_space<vmem_shared>>
        tpu.wait_indirect_dma semaphore(%run_scoped3A_72 : memref<!tpu.dma_semaphore, #tpu.memory_space<semaphore_mem>>) src(%dma_wait3A_83 : memref<128x16xf32, #tpu.memory_space<vmem>>) dst(%dma_wait3A_89 : memref<10240x16xf32, #tpu.memory_space<vmem_shared>>)
        tpu.yield
      }) : () -> ()
      %run_scoped3A_69 = arith.constant 2 : i32
      "tpu.region"() ({
        %run_scoped3A_72 = tpu.sem_alloc : memref<!tpu.dma_semaphore, #tpu.memory_space<semaphore_mem>>
        %dma_start3A_73 = arith.constant 256 : i32
        %dma_start3A_74 = arith.constant 0 : i32
        %dma_start3A_75 = tpu.memref_slice %arg18[%dma_start3A_73, %dma_start3A_74] : memref<640x16xf32, #tpu.memory_space<vmem>> -> memref<128x16xf32, #tpu.memory_space<vmem>>
        %dma_start3A_76 = arith.constant 0 : i32
        %dma_start3A_77 = tpu.memref_slice %arg19[%run_scoped3A_69, %dma_start3A_76] : memref<5x128xi32, #tpu.memory_space<vmem>> -> memref<1x128xi32, #tpu.memory_space<vmem>>
        %dma_start3A_78 = tpu.memref_squeeze %dma_start3A_77 : memref<1x128xi32, #tpu.memory_space<vmem>> -> memref<128xi32, #tpu.memory_space<vmem>>
        %dma_start3A_79 = arith.constant 0 : i32
        %dma_start3A_80 = arith.constant 0 : i32
        %dma_start3A_81 = tpu.memref_slice %arg21[%dma_start3A_79, %dma_start3A_80] : memref<10240x16xf32, #tpu.memory_space<vmem_shared>> -> memref<10240x16xf32, #tpu.memory_space<vmem_shared>>
        tpu.enqueue_indirect_dma source(%dma_start3A_75 : memref<128x16xf32, #tpu.memory_space<vmem>>) target(%dma_start3A_81 : memref<10240x16xf32, #tpu.memory_space<vmem_shared>>) offsets(%dma_start3A_78 : memref<128xi32, #tpu.memory_space<vmem>>) semaphore(%run_scoped3A_72 : memref<!tpu.dma_semaphore, #tpu.memory_space<semaphore_mem>>) {add = true}
        %dma_wait3A = arith.constant 256 : i32
        %dma_wait3A_82 = arith.constant 0 : i32
        %dma_wait3A_83 = tpu.memref_slice %arg18[%dma_wait3A, %dma_wait3A_82] : memref<640x16xf32, #tpu.memory_space<vmem>> -> memref<128x16xf32, #tpu.memory_space<vmem>>
        %dma_wait3A_84 = arith.constant 0 : i32
        %dma_wait3A_85 = tpu.memref_slice %arg19[%run_scoped3A_69, %dma_wait3A_84] : memref<5x128xi32, #tpu.memory_space<vmem>> -> memref<1x128xi32, #tpu.memory_space<vmem>>
        %dma_wait3A_86 = tpu.memref_squeeze %dma_wait3A_85 : memref<1x128xi32, #tpu.memory_space<vmem>> -> memref<128xi32, #tpu.memory_space<vmem>>
        %dma_wait3A_87 = arith.constant 0 : i32
        %dma_wait3A_88 = arith.constant 0 : i32
        %dma_wait3A_89 = tpu.memref_slice %arg21[%dma_wait3A_87, %dma_wait3A_88] : memref<10240x16xf32, #tpu.memory_space<vmem_shared>> -> memref<10240x16xf32, #tpu.memory_space<vmem_shared>>
        tpu.wait_indirect_dma semaphore(%run_scoped3A_72 : memref<!tpu.dma_semaphore, #tpu.memory_space<semaphore_mem>>) src(%dma_wait3A_83 : memref<128x16xf32, #tpu.memory_space<vmem>>) dst(%dma_wait3A_89 : memref<10240x16xf32, #tpu.memory_space<vmem_shared>>)
        tpu.yield
      }) : () -> ()
      %run_scoped3A_70 = arith.constant 3 : i32
      "tpu.region"() ({
        %run_scoped3A_72 = tpu.sem_alloc : memref<!tpu.dma_semaphore, #tpu.memory_space<semaphore_mem>>
        %dma_start3A_73 = arith.constant 384 : i32
        %dma_start3A_74 = arith.constant 0 : i32
        %dma_start3A_75 = tpu.memref_slice %arg18[%dma_start3A_73, %dma_start3A_74] : memref<640x16xf32, #tpu.memory_space<vmem>> -> memref<128x16xf32, #tpu.memory_space<vmem>>
        %dma_start3A_76 = arith.constant 0 : i32
        %dma_start3A_77 = tpu.memref_slice %arg19[%run_scoped3A_70, %dma_start3A_76] : memref<5x128xi32, #tpu.memory_space<vmem>> -> memref<1x128xi32, #tpu.memory_space<vmem>>
        %dma_start3A_78 = tpu.memref_squeeze %dma_start3A_77 : memref<1x128xi32, #tpu.memory_space<vmem>> -> memref<128xi32, #tpu.memory_space<vmem>>
        %dma_start3A_79 = arith.constant 0 : i32
        %dma_start3A_80 = arith.constant 0 : i32
        %dma_start3A_81 = tpu.memref_slice %arg21[%dma_start3A_79, %dma_start3A_80] : memref<10240x16xf32, #tpu.memory_space<vmem_shared>> -> memref<10240x16xf32, #tpu.memory_space<vmem_shared>>
        tpu.enqueue_indirect_dma source(%dma_start3A_75 : memref<128x16xf32, #tpu.memory_space<vmem>>) target(%dma_start3A_81 : memref<10240x16xf32, #tpu.memory_space<vmem_shared>>) offsets(%dma_start3A_78 : memref<128xi32, #tpu.memory_space<vmem>>) semaphore(%run_scoped3A_72 : memref<!tpu.dma_semaphore, #tpu.memory_space<semaphore_mem>>) {add = true}
        %dma_wait3A = arith.constant 384 : i32
        %dma_wait3A_82 = arith.constant 0 : i32
        %dma_wait3A_83 = tpu.memref_slice %arg18[%dma_wait3A, %dma_wait3A_82] : memref<640x16xf32, #tpu.memory_space<vmem>> -> memref<128x16xf32, #tpu.memory_space<vmem>>
        %dma_wait3A_84 = arith.constant 0 : i32
        %dma_wait3A_85 = tpu.memref_slice %arg19[%run_scoped3A_70, %dma_wait3A_84] : memref<5x128xi32, #tpu.memory_space<vmem>> -> memref<1x128xi32, #tpu.memory_space<vmem>>
        %dma_wait3A_86 = tpu.memref_squeeze %dma_wait3A_85 : memref<1x128xi32, #tpu.memory_space<vmem>> -> memref<128xi32, #tpu.memory_space<vmem>>
        %dma_wait3A_87 = arith.constant 0 : i32
        %dma_wait3A_88 = arith.constant 0 : i32
        %dma_wait3A_89 = tpu.memref_slice %arg21[%dma_wait3A_87, %dma_wait3A_88] : memref<10240x16xf32, #tpu.memory_space<vmem_shared>> -> memref<10240x16xf32, #tpu.memory_space<vmem_shared>>
        tpu.wait_indirect_dma semaphore(%run_scoped3A_72 : memref<!tpu.dma_semaphore, #tpu.memory_space<semaphore_mem>>) src(%dma_wait3A_83 : memref<128x16xf32, #tpu.memory_space<vmem>>) dst(%dma_wait3A_89 : memref<10240x16xf32, #tpu.memory_space<vmem_shared>>)
        tpu.yield
      }) : () -> ()
      %run_scoped3A_71 = arith.constant 4 : i32
      "tpu.region"() ({
        %run_scoped3A_72 = tpu.sem_alloc : memref<!tpu.dma_semaphore, #tpu.memory_space<semaphore_mem>>
        %dma_start3A_73 = arith.constant 512 : i32
        %dma_start3A_74 = arith.constant 0 : i32
        %dma_start3A_75 = tpu.memref_slice %arg18[%dma_start3A_73, %dma_start3A_74] : memref<640x16xf32, #tpu.memory_space<vmem>> -> memref<128x16xf32, #tpu.memory_space<vmem>>
        %dma_start3A_76 = arith.constant 0 : i32
        %dma_start3A_77 = tpu.memref_slice %arg19[%run_scoped3A_71, %dma_start3A_76] : memref<5x128xi32, #tpu.memory_space<vmem>> -> memref<1x128xi32, #tpu.memory_space<vmem>>
        %dma_start3A_78 = tpu.memref_squeeze %dma_start3A_77 : memref<1x128xi32, #tpu.memory_space<vmem>> -> memref<128xi32, #tpu.memory_space<vmem>>
        %dma_start3A_79 = arith.constant 0 : i32
        %dma_start3A_80 = arith.constant 0 : i32
        %dma_start3A_81 = tpu.memref_slice %arg21[%dma_start3A_79, %dma_start3A_80] : memref<10240x16xf32, #tpu.memory_space<vmem_shared>> -> memref<10240x16xf32, #tpu.memory_space<vmem_shared>>
        tpu.enqueue_indirect_dma source(%dma_start3A_75 : memref<128x16xf32, #tpu.memory_space<vmem>>) target(%dma_start3A_81 : memref<10240x16xf32, #tpu.memory_space<vmem_shared>>) offsets(%dma_start3A_78 : memref<128xi32, #tpu.memory_space<vmem>>) semaphore(%run_scoped3A_72 : memref<!tpu.dma_semaphore, #tpu.memory_space<semaphore_mem>>) {add = true}
        %dma_wait3A = arith.constant 512 : i32
        %dma_wait3A_82 = arith.constant 0 : i32
        %dma_wait3A_83 = tpu.memref_slice %arg18[%dma_wait3A, %dma_wait3A_82] : memref<640x16xf32, #tpu.memory_space<vmem>> -> memref<128x16xf32, #tpu.memory_space<vmem>>
        %dma_wait3A_84 = arith.constant 0 : i32
        %dma_wait3A_85 = tpu.memref_slice %arg19[%run_scoped3A_71, %dma_wait3A_84] : memref<5x128xi32, #tpu.memory_space<vmem>> -> memref<1x128xi32, #tpu.memory_space<vmem>>
        %dma_wait3A_86 = tpu.memref_squeeze %dma_wait3A_85 : memref<1x128xi32, #tpu.memory_space<vmem>> -> memref<128xi32, #tpu.memory_space<vmem>>
        %dma_wait3A_87 = arith.constant 0 : i32
        %dma_wait3A_88 = arith.constant 0 : i32
        %dma_wait3A_89 = tpu.memref_slice %arg21[%dma_wait3A_87, %dma_wait3A_88] : memref<10240x16xf32, #tpu.memory_space<vmem_shared>> -> memref<10240x16xf32, #tpu.memory_space<vmem_shared>>
        tpu.wait_indirect_dma semaphore(%run_scoped3A_72 : memref<!tpu.dma_semaphore, #tpu.memory_space<semaphore_mem>>) src(%dma_wait3A_83 : memref<128x16xf32, #tpu.memory_space<vmem>>) dst(%dma_wait3A_89 : memref<10240x16xf32, #tpu.memory_space<vmem_shared>>)
        tpu.yield
      }) : () -> ()
    } else {
    }
    %barrier3A = arith.constant 0 : index
    tpu.barrier barrier_id(%barrier3A)
    %dma_start3A = arith.constant 0 : i32
    %dma_start3A_7 = arith.constant 0 : i32
    %dma_start3A_8 = tpu.memref_slice %arg8[%dma_start3A, %dma_start3A_7] : memref<80x128xi32, #tpu.memory_space<vmem>> -> memref<1x128xi32, #tpu.memory_space<vmem>>
    %dma_start3A_9 = tpu.memref_squeeze %dma_start3A_8 : memref<1x128xi32, #tpu.memory_space<vmem>> -> memref<128xi32, #tpu.memory_space<vmem>>
    %dma_start3A_10 = arith.constant 0 : i32
    %dma_start3A_11 = arith.constant 0 : i32
    %dma_start3A_12 = tpu.memref_slice %arg20[%dma_start3A_10, %dma_start3A_11] : memref<10240x16xf32, #tpu.memory_space<vmem_shared>> -> memref<10240x16xf32, #tpu.memory_space<vmem_shared>>
    tpu.enqueue_indirect_dma source(%dma_start3A_12 : memref<10240x16xf32, #tpu.memory_space<vmem_shared>>) target(%arg10 : memref<128x16xf32, #tpu.memory_space<vmem>>) offsets(%dma_start3A_9 : memref<128xi32, #tpu.memory_space<vmem>>) semaphore(%arg22 : memref<!tpu.dma_semaphore, #tpu.memory_space<semaphore_mem>>)
    %dma_start3A_13 = arith.constant 1 : i32
    %dma_start3A_14 = arith.constant 0 : i32
    %dma_start3A_15 = tpu.memref_slice %arg8[%dma_start3A_13, %dma_start3A_14] : memref<80x128xi32, #tpu.memory_space<vmem>> -> memref<1x128xi32, #tpu.memory_space<vmem>>
    %dma_start3A_16 = tpu.memref_squeeze %dma_start3A_15 : memref<1x128xi32, #tpu.memory_space<vmem>> -> memref<128xi32, #tpu.memory_space<vmem>>
    %dma_start3A_17 = arith.constant 0 : i32
    %dma_start3A_18 = arith.constant 0 : i32
    %dma_start3A_19 = tpu.memref_slice %arg20[%dma_start3A_17, %dma_start3A_18] : memref<10240x16xf32, #tpu.memory_space<vmem_shared>> -> memref<10240x16xf32, #tpu.memory_space<vmem_shared>>
    tpu.enqueue_indirect_dma source(%dma_start3A_19 : memref<10240x16xf32, #tpu.memory_space<vmem_shared>>) target(%arg11 : memref<128x16xf32, #tpu.memory_space<vmem>>) offsets(%dma_start3A_16 : memref<128xi32, #tpu.memory_space<vmem>>) semaphore(%arg23 : memref<!tpu.dma_semaphore, #tpu.memory_space<semaphore_mem>>)
    %dma_start3A_20 = arith.constant 2 : i32
    %dma_start3A_21 = arith.constant 0 : i32
    %dma_start3A_22 = tpu.memref_slice %arg8[%dma_start3A_20, %dma_start3A_21] : memref<80x128xi32, #tpu.memory_space<vmem>> -> memref<1x128xi32, #tpu.memory_space<vmem>>
    %dma_start3A_23 = tpu.memref_squeeze %dma_start3A_22 : memref<1x128xi32, #tpu.memory_space<vmem>> -> memref<128xi32, #tpu.memory_space<vmem>>
    %dma_start3A_24 = arith.constant 0 : i32
    %dma_start3A_25 = arith.constant 0 : i32
    %dma_start3A_26 = tpu.memref_slice %arg20[%dma_start3A_24, %dma_start3A_25] : memref<10240x16xf32, #tpu.memory_space<vmem_shared>> -> memref<10240x16xf32, #tpu.memory_space<vmem_shared>>
    tpu.enqueue_indirect_dma source(%dma_start3A_26 : memref<10240x16xf32, #tpu.memory_space<vmem_shared>>) target(%arg12 : memref<128x16xf32, #tpu.memory_space<vmem>>) offsets(%dma_start3A_23 : memref<128xi32, #tpu.memory_space<vmem>>) semaphore(%arg24 : memref<!tpu.dma_semaphore, #tpu.memory_space<semaphore_mem>>)
    %dma_start3A_27 = arith.constant 3 : i32
    %dma_start3A_28 = arith.constant 0 : i32
    %dma_start3A_29 = tpu.memref_slice %arg8[%dma_start3A_27, %dma_start3A_28] : memref<80x128xi32, #tpu.memory_space<vmem>> -> memref<1x128xi32, #tpu.memory_space<vmem>>
    %dma_start3A_30 = tpu.memref_squeeze %dma_start3A_29 : memref<1x128xi32, #tpu.memory_space<vmem>> -> memref<128xi32, #tpu.memory_space<vmem>>
    %dma_start3A_31 = arith.constant 0 : i32
    %dma_start3A_32 = arith.constant 0 : i32
    %dma_start3A_33 = tpu.memref_slice %arg20[%dma_start3A_31, %dma_start3A_32] : memref<10240x16xf32, #tpu.memory_space<vmem_shared>> -> memref<10240x16xf32, #tpu.memory_space<vmem_shared>>
    tpu.enqueue_indirect_dma source(%dma_start3A_33 : memref<10240x16xf32, #tpu.memory_space<vmem_shared>>) target(%arg13 : memref<128x16xf32, #tpu.memory_space<vmem>>) offsets(%dma_start3A_30 : memref<128xi32, #tpu.memory_space<vmem>>) semaphore(%arg25 : memref<!tpu.dma_semaphore, #tpu.memory_space<semaphore_mem>>)
    %dma_start3A_34 = arith.constant 4 : i32
    %dma_start3A_35 = arith.constant 0 : i32
    %dma_start3A_36 = tpu.memref_slice %arg8[%dma_start3A_34, %dma_start3A_35] : memref<80x128xi32, #tpu.memory_space<vmem>> -> memref<1x128xi32, #tpu.memory_space<vmem>>
    %dma_start3A_37 = tpu.memref_squeeze %dma_start3A_36 : memref<1x128xi32, #tpu.memory_space<vmem>> -> memref<128xi32, #tpu.memory_space<vmem>>
    %dma_start3A_38 = arith.constant 0 : i32
    %dma_start3A_39 = arith.constant 0 : i32
    %dma_start3A_40 = tpu.memref_slice %arg20[%dma_start3A_38, %dma_start3A_39] : memref<10240x16xf32, #tpu.memory_space<vmem_shared>> -> memref<10240x16xf32, #tpu.memory_space<vmem_shared>>
    tpu.enqueue_indirect_dma source(%dma_start3A_40 : memref<10240x16xf32, #tpu.memory_space<vmem_shared>>) target(%arg14 : memref<128x16xf32, #tpu.memory_space<vmem>>) offsets(%dma_start3A_37 : memref<128xi32, #tpu.memory_space<vmem>>) semaphore(%arg26 : memref<!tpu.dma_semaphore, #tpu.memory_space<semaphore_mem>>)
    %dma_start3A_41 = arith.constant 5 : i32
    %dma_start3A_42 = arith.constant 0 : i32
    %dma_start3A_43 = tpu.memref_slice %arg8[%dma_start3A_41, %dma_start3A_42] : memref<80x128xi32, #tpu.memory_space<vmem>> -> memref<1x128xi32, #tpu.memory_space<vmem>>
    %dma_start3A_44 = tpu.memref_squeeze %dma_start3A_43 : memref<1x128xi32, #tpu.memory_space<vmem>> -> memref<128xi32, #tpu.memory_space<vmem>>
    %dma_start3A_45 = arith.constant 0 : i32
    %dma_start3A_46 = arith.constant 0 : i32
    %dma_start3A_47 = tpu.memref_slice %arg20[%dma_start3A_45, %dma_start3A_46] : memref<10240x16xf32, #tpu.memory_space<vmem_shared>> -> memref<10240x16xf32, #tpu.memory_space<vmem_shared>>
    tpu.enqueue_indirect_dma source(%dma_start3A_47 : memref<10240x16xf32, #tpu.memory_space<vmem_shared>>) target(%arg15 : memref<128x16xf32, #tpu.memory_space<vmem>>) offsets(%dma_start3A_44 : memref<128xi32, #tpu.memory_space<vmem>>) semaphore(%arg27 : memref<!tpu.dma_semaphore, #tpu.memory_space<semaphore_mem>>)
    %dma_start3A_48 = arith.constant 6 : i32
    %dma_start3A_49 = arith.constant 0 : i32
    %dma_start3A_50 = tpu.memref_slice %arg8[%dma_start3A_48, %dma_start3A_49] : memref<80x128xi32, #tpu.memory_space<vmem>> -> memref<1x128xi32, #tpu.memory_space<vmem>>
    %dma_start3A_51 = tpu.memref_squeeze %dma_start3A_50 : memref<1x128xi32, #tpu.memory_space<vmem>> -> memref<128xi32, #tpu.memory_space<vmem>>
    %dma_start3A_52 = arith.constant 0 : i32
    %dma_start3A_53 = arith.constant 0 : i32
    %dma_start3A_54 = tpu.memref_slice %arg20[%dma_start3A_52, %dma_start3A_53] : memref<10240x16xf32, #tpu.memory_space<vmem_shared>> -> memref<10240x16xf32, #tpu.memory_space<vmem_shared>>
    tpu.enqueue_indirect_dma source(%dma_start3A_54 : memref<10240x16xf32, #tpu.memory_space<vmem_shared>>) target(%arg16 : memref<128x16xf32, #tpu.memory_space<vmem>>) offsets(%dma_start3A_51 : memref<128xi32, #tpu.memory_space<vmem>>) semaphore(%arg28 : memref<!tpu.dma_semaphore, #tpu.memory_space<semaphore_mem>>)
    %dma_start3A_55 = arith.constant 7 : i32
    %dma_start3A_56 = arith.constant 0 : i32
    %dma_start3A_57 = tpu.memref_slice %arg8[%dma_start3A_55, %dma_start3A_56] : memref<80x128xi32, #tpu.memory_space<vmem>> -> memref<1x128xi32, #tpu.memory_space<vmem>>
    %dma_start3A_58 = tpu.memref_squeeze %dma_start3A_57 : memref<1x128xi32, #tpu.memory_space<vmem>> -> memref<128xi32, #tpu.memory_space<vmem>>
    %dma_start3A_59 = arith.constant 0 : i32
    %dma_start3A_60 = arith.constant 0 : i32
    %dma_start3A_61 = tpu.memref_slice %arg20[%dma_start3A_59, %dma_start3A_60] : memref<10240x16xf32, #tpu.memory_space<vmem_shared>> -> memref<10240x16xf32, #tpu.memory_space<vmem_shared>>
    tpu.enqueue_indirect_dma source(%dma_start3A_61 : memref<10240x16xf32, #tpu.memory_space<vmem_shared>>) target(%arg17 : memref<128x16xf32, #tpu.memory_space<vmem>>) offsets(%dma_start3A_58 : memref<128xi32, #tpu.memory_space<vmem>>) semaphore(%arg29 : memref<!tpu.dma_semaphore, #tpu.memory_space<semaphore_mem>>)
    %scan3A = arith.constant 0 : i32
    %scan3A_62 = arith.constant 0 : i32
    %scan3A_63 = arith.constant 10 : i32
    %scan3A_64 = arith.addi %scan3A_62, %scan3A_63 : i32
    %scan3A_65 = arith.constant 1 : i32
    scf.for %scan3A_68 = %scan3A_62 to %scan3A_64 step %scan3A_65  : i32 {
      %mul3A_69 = arith.constant 8 : i32
      %mul3A_70 = arith.muli %scan3A_68, %mul3A_69 : i32
      %add3A_71 = arith.constant 0 : i32
      %add3A_72 = arith.addi %mul3A_70, %add3A_71 : i32
      %dma_wait3A = arith.constant 0 : i32
      %dma_wait3A_73 = tpu.memref_slice %arg8[%add3A_72, %dma_wait3A] : memref<80x128xi32, #tpu.memory_space<vmem>> -> memref<1x128xi32, #tpu.memory_space<vmem>>
      %dma_wait3A_74 = tpu.memref_squeeze %dma_wait3A_73 : memref<1x128xi32, #tpu.memory_space<vmem>> -> memref<128xi32, #tpu.memory_space<vmem>>
      %dma_wait3A_75 = arith.constant 0 : i32
      %dma_wait3A_76 = arith.constant 0 : i32
      %dma_wait3A_77 = tpu.memref_slice %arg20[%dma_wait3A_75, %dma_wait3A_76] : memref<10240x16xf32, #tpu.memory_space<vmem_shared>> -> memref<10240x16xf32, #tpu.memory_space<vmem_shared>>
      tpu.wait_indirect_dma semaphore(%arg22 : memref<!tpu.dma_semaphore, #tpu.memory_space<semaphore_mem>>) src(%dma_wait3A_77 : memref<10240x16xf32, #tpu.memory_space<vmem_shared>>) dst(%arg10 : memref<128x16xf32, #tpu.memory_space<vmem>>)
      "tpu.region"() ({
        %run_scoped3A = tpu.sem_alloc : memref<!tpu.dma_semaphore, #tpu.memory_space<semaphore_mem>>
        %dma_start3A_203 = arith.constant 0 : i32
        %dma_start3A_204 = tpu.memref_slice %arg9[%add3A_72, %dma_start3A_203] : memref<80x128xi32, #tpu.memory_space<vmem>> -> memref<1x128xi32, #tpu.memory_space<vmem>>
        %dma_start3A_205 = tpu.memref_squeeze %dma_start3A_204 : memref<1x128xi32, #tpu.memory_space<vmem>> -> memref<128xi32, #tpu.memory_space<vmem>>
        %dma_start3A_206 = arith.constant 0 : i32
        %dma_start3A_207 = arith.constant 0 : i32
        %dma_start3A_208 = tpu.memref_slice %arg21[%dma_start3A_206, %dma_start3A_207] : memref<10240x16xf32, #tpu.memory_space<vmem_shared>> -> memref<10240x16xf32, #tpu.memory_space<vmem_shared>>
        tpu.enqueue_indirect_dma source(%arg10 : memref<128x16xf32, #tpu.memory_space<vmem>>) target(%dma_start3A_208 : memref<10240x16xf32, #tpu.memory_space<vmem_shared>>) offsets(%dma_start3A_205 : memref<128xi32, #tpu.memory_space<vmem>>) semaphore(%run_scoped3A : memref<!tpu.dma_semaphore, #tpu.memory_space<semaphore_mem>>) {add = true}
        %dma_wait3A_209 = arith.constant 0 : i32
        %dma_wait3A_210 = tpu.memref_slice %arg9[%add3A_72, %dma_wait3A_209] : memref<80x128xi32, #tpu.memory_space<vmem>> -> memref<1x128xi32, #tpu.memory_space<vmem>>
        %dma_wait3A_211 = tpu.memref_squeeze %dma_wait3A_210 : memref<1x128xi32, #tpu.memory_space<vmem>> -> memref<128xi32, #tpu.memory_space<vmem>>
        %dma_wait3A_212 = arith.constant 0 : i32
        %dma_wait3A_213 = arith.constant 0 : i32
        %dma_wait3A_214 = tpu.memref_slice %arg21[%dma_wait3A_212, %dma_wait3A_213] : memref<10240x16xf32, #tpu.memory_space<vmem_shared>> -> memref<10240x16xf32, #tpu.memory_space<vmem_shared>>
        tpu.wait_indirect_dma semaphore(%run_scoped3A : memref<!tpu.dma_semaphore, #tpu.memory_space<semaphore_mem>>) src(%arg10 : memref<128x16xf32, #tpu.memory_space<vmem>>) dst(%dma_wait3A_214 : memref<10240x16xf32, #tpu.memory_space<vmem_shared>>)
        tpu.yield
      }) : () -> ()
      %add3A_78 = arith.constant 8 : i32
      %add3A_79 = arith.addi %add3A_72, %add3A_78 : i32
      %lt3A = arith.constant 80 : i32
      %lt3A_80 = arith.cmpi slt, %add3A_79, %lt3A : i32
      %convert_element_type3A_81 = arith.extui %lt3A_80 : i1 to i32
      %cond3A_82 = arith.constant 0 : i32
      %cond3A_83 = arith.cmpi ne, %convert_element_type3A_81, %cond3A_82 : i32
      scf.if %cond3A_83 {
        %add3A_203 = arith.constant 8 : i32
        %add3A_204 = arith.addi %add3A_72, %add3A_203 : i32
        %dma_start3A_205 = arith.constant 0 : i32
        %dma_start3A_206 = tpu.memref_slice %arg8[%add3A_204, %dma_start3A_205] : memref<80x128xi32, #tpu.memory_space<vmem>> -> memref<1x128xi32, #tpu.memory_space<vmem>>
        %dma_start3A_207 = tpu.memref_squeeze %dma_start3A_206 : memref<1x128xi32, #tpu.memory_space<vmem>> -> memref<128xi32, #tpu.memory_space<vmem>>
        %dma_start3A_208 = arith.constant 0 : i32
        %dma_start3A_209 = arith.constant 0 : i32
        %dma_start3A_210 = tpu.memref_slice %arg20[%dma_start3A_208, %dma_start3A_209] : memref<10240x16xf32, #tpu.memory_space<vmem_shared>> -> memref<10240x16xf32, #tpu.memory_space<vmem_shared>>
        tpu.enqueue_indirect_dma source(%dma_start3A_210 : memref<10240x16xf32, #tpu.memory_space<vmem_shared>>) target(%arg10 : memref<128x16xf32, #tpu.memory_space<vmem>>) offsets(%dma_start3A_207 : memref<128xi32, #tpu.memory_space<vmem>>) semaphore(%arg22 : memref<!tpu.dma_semaphore, #tpu.memory_space<semaphore_mem>>)
      } else {
      }
      %mul3A_84 = arith.constant 8 : i32
      %mul3A_85 = arith.muli %scan3A_68, %mul3A_84 : i32
      %add3A_86 = arith.constant 1 : i32
      %add3A_87 = arith.addi %mul3A_85, %add3A_86 : i32
      %dma_wait3A_88 = arith.constant 0 : i32
      %dma_wait3A_89 = tpu.memref_slice %arg8[%add3A_87, %dma_wait3A_88] : memref<80x128xi32, #tpu.memory_space<vmem>> -> memref<1x128xi32, #tpu.memory_space<vmem>>
      %dma_wait3A_90 = tpu.memref_squeeze %dma_wait3A_89 : memref<1x128xi32, #tpu.memory_space<vmem>> -> memref<128xi32, #tpu.memory_space<vmem>>
      %dma_wait3A_91 = arith.constant 0 : i32
      %dma_wait3A_92 = arith.constant 0 : i32
      %dma_wait3A_93 = tpu.memref_slice %arg20[%dma_wait3A_91, %dma_wait3A_92] : memref<10240x16xf32, #tpu.memory_space<vmem_shared>> -> memref<10240x16xf32, #tpu.memory_space<vmem_shared>>
      tpu.wait_indirect_dma semaphore(%arg23 : memref<!tpu.dma_semaphore, #tpu.memory_space<semaphore_mem>>) src(%dma_wait3A_93 : memref<10240x16xf32, #tpu.memory_space<vmem_shared>>) dst(%arg11 : memref<128x16xf32, #tpu.memory_space<vmem>>)
      "tpu.region"() ({
        %run_scoped3A = tpu.sem_alloc : memref<!tpu.dma_semaphore, #tpu.memory_space<semaphore_mem>>
        %dma_start3A_203 = arith.constant 0 : i32
        %dma_start3A_204 = tpu.memref_slice %arg9[%add3A_87, %dma_start3A_203] : memref<80x128xi32, #tpu.memory_space<vmem>> -> memref<1x128xi32, #tpu.memory_space<vmem>>
        %dma_start3A_205 = tpu.memref_squeeze %dma_start3A_204 : memref<1x128xi32, #tpu.memory_space<vmem>> -> memref<128xi32, #tpu.memory_space<vmem>>
        %dma_start3A_206 = arith.constant 0 : i32
        %dma_start3A_207 = arith.constant 0 : i32
        %dma_start3A_208 = tpu.memref_slice %arg21[%dma_start3A_206, %dma_start3A_207] : memref<10240x16xf32, #tpu.memory_space<vmem_shared>> -> memref<10240x16xf32, #tpu.memory_space<vmem_shared>>
        tpu.enqueue_indirect_dma source(%arg11 : memref<128x16xf32, #tpu.memory_space<vmem>>) target(%dma_start3A_208 : memref<10240x16xf32, #tpu.memory_space<vmem_shared>>) offsets(%dma_start3A_205 : memref<128xi32, #tpu.memory_space<vmem>>) semaphore(%run_scoped3A : memref<!tpu.dma_semaphore, #tpu.memory_space<semaphore_mem>>) {add = true}
        %dma_wait3A_209 = arith.constant 0 : i32
        %dma_wait3A_210 = tpu.memref_slice %arg9[%add3A_87, %dma_wait3A_209] : memref<80x128xi32, #tpu.memory_space<vmem>> -> memref<1x128xi32, #tpu.memory_space<vmem>>
        %dma_wait3A_211 = tpu.memref_squeeze %dma_wait3A_210 : memref<1x128xi32, #tpu.memory_space<vmem>> -> memref<128xi32, #tpu.memory_space<vmem>>
        %dma_wait3A_212 = arith.constant 0 : i32
        %dma_wait3A_213 = arith.constant 0 : i32
        %dma_wait3A_214 = tpu.memref_slice %arg21[%dma_wait3A_212, %dma_wait3A_213] : memref<10240x16xf32, #tpu.memory_space<vmem_shared>> -> memref<10240x16xf32, #tpu.memory_space<vmem_shared>>
        tpu.wait_indirect_dma semaphore(%run_scoped3A : memref<!tpu.dma_semaphore, #tpu.memory_space<semaphore_mem>>) src(%arg11 : memref<128x16xf32, #tpu.memory_space<vmem>>) dst(%dma_wait3A_214 : memref<10240x16xf32, #tpu.memory_space<vmem_shared>>)
        tpu.yield
      }) : () -> ()
      %add3A_94 = arith.constant 8 : i32
      %add3A_95 = arith.addi %add3A_87, %add3A_94 : i32
      %lt3A_96 = arith.constant 80 : i32
      %lt3A_97 = arith.cmpi slt, %add3A_95, %lt3A_96 : i32
      %convert_element_type3A_98 = arith.extui %lt3A_97 : i1 to i32
      %cond3A_99 = arith.constant 0 : i32
      %cond3A_100 = arith.cmpi ne, %convert_element_type3A_98, %cond3A_99 : i32
      scf.if %cond3A_100 {
        %add3A_203 = arith.constant 8 : i32
        %add3A_204 = arith.addi %add3A_87, %add3A_203 : i32
        %dma_start3A_205 = arith.constant 0 : i32
        %dma_start3A_206 = tpu.memref_slice %arg8[%add3A_204, %dma_start3A_205] : memref<80x128xi32, #tpu.memory_space<vmem>> -> memref<1x128xi32, #tpu.memory_space<vmem>>
        %dma_start3A_207 = tpu.memref_squeeze %dma_start3A_206 : memref<1x128xi32, #tpu.memory_space<vmem>> -> memref<128xi32, #tpu.memory_space<vmem>>
        %dma_start3A_208 = arith.constant 0 : i32
        %dma_start3A_209 = arith.constant 0 : i32
        %dma_start3A_210 = tpu.memref_slice %arg20[%dma_start3A_208, %dma_start3A_209] : memref<10240x16xf32, #tpu.memory_space<vmem_shared>> -> memref<10240x16xf32, #tpu.memory_space<vmem_shared>>
        tpu.enqueue_indirect_dma source(%dma_start3A_210 : memref<10240x16xf32, #tpu.memory_space<vmem_shared>>) target(%arg11 : memref<128x16xf32, #tpu.memory_space<vmem>>) offsets(%dma_start3A_207 : memref<128xi32, #tpu.memory_space<vmem>>) semaphore(%arg23 : memref<!tpu.dma_semaphore, #tpu.memory_space<semaphore_mem>>)
      } else {
      }
      %mul3A_101 = arith.constant 8 : i32
      %mul3A_102 = arith.muli %scan3A_68, %mul3A_101 : i32
      %add3A_103 = arith.constant 2 : i32
      %add3A_104 = arith.addi %mul3A_102, %add3A_103 : i32
      %dma_wait3A_105 = arith.constant 0 : i32
      %dma_wait3A_106 = tpu.memref_slice %arg8[%add3A_104, %dma_wait3A_105] : memref<80x128xi32, #tpu.memory_space<vmem>> -> memref<1x128xi32, #tpu.memory_space<vmem>>
      %dma_wait3A_107 = tpu.memref_squeeze %dma_wait3A_106 : memref<1x128xi32, #tpu.memory_space<vmem>> -> memref<128xi32, #tpu.memory_space<vmem>>
      %dma_wait3A_108 = arith.constant 0 : i32
      %dma_wait3A_109 = arith.constant 0 : i32
      %dma_wait3A_110 = tpu.memref_slice %arg20[%dma_wait3A_108, %dma_wait3A_109] : memref<10240x16xf32, #tpu.memory_space<vmem_shared>> -> memref<10240x16xf32, #tpu.memory_space<vmem_shared>>
      tpu.wait_indirect_dma semaphore(%arg24 : memref<!tpu.dma_semaphore, #tpu.memory_space<semaphore_mem>>) src(%dma_wait3A_110 : memref<10240x16xf32, #tpu.memory_space<vmem_shared>>) dst(%arg12 : memref<128x16xf32, #tpu.memory_space<vmem>>)
      "tpu.region"() ({
        %run_scoped3A = tpu.sem_alloc : memref<!tpu.dma_semaphore, #tpu.memory_space<semaphore_mem>>
        %dma_start3A_203 = arith.constant 0 : i32
        %dma_start3A_204 = tpu.memref_slice %arg9[%add3A_104, %dma_start3A_203] : memref<80x128xi32, #tpu.memory_space<vmem>> -> memref<1x128xi32, #tpu.memory_space<vmem>>
        %dma_start3A_205 = tpu.memref_squeeze %dma_start3A_204 : memref<1x128xi32, #tpu.memory_space<vmem>> -> memref<128xi32, #tpu.memory_space<vmem>>
        %dma_start3A_206 = arith.constant 0 : i32
        %dma_start3A_207 = arith.constant 0 : i32
        %dma_start3A_208 = tpu.memref_slice %arg21[%dma_start3A_206, %dma_start3A_207] : memref<10240x16xf32, #tpu.memory_space<vmem_shared>> -> memref<10240x16xf32, #tpu.memory_space<vmem_shared>>
        tpu.enqueue_indirect_dma source(%arg12 : memref<128x16xf32, #tpu.memory_space<vmem>>) target(%dma_start3A_208 : memref<10240x16xf32, #tpu.memory_space<vmem_shared>>) offsets(%dma_start3A_205 : memref<128xi32, #tpu.memory_space<vmem>>) semaphore(%run_scoped3A : memref<!tpu.dma_semaphore, #tpu.memory_space<semaphore_mem>>) {add = true}
        %dma_wait3A_209 = arith.constant 0 : i32
        %dma_wait3A_210 = tpu.memref_slice %arg9[%add3A_104, %dma_wait3A_209] : memref<80x128xi32, #tpu.memory_space<vmem>> -> memref<1x128xi32, #tpu.memory_space<vmem>>
        %dma_wait3A_211 = tpu.memref_squeeze %dma_wait3A_210 : memref<1x128xi32, #tpu.memory_space<vmem>> -> memref<128xi32, #tpu.memory_space<vmem>>
        %dma_wait3A_212 = arith.constant 0 : i32
        %dma_wait3A_213 = arith.constant 0 : i32
        %dma_wait3A_214 = tpu.memref_slice %arg21[%dma_wait3A_212, %dma_wait3A_213] : memref<10240x16xf32, #tpu.memory_space<vmem_shared>> -> memref<10240x16xf32, #tpu.memory_space<vmem_shared>>
        tpu.wait_indirect_dma semaphore(%run_scoped3A : memref<!tpu.dma_semaphore, #tpu.memory_space<semaphore_mem>>) src(%arg12 : memref<128x16xf32, #tpu.memory_space<vmem>>) dst(%dma_wait3A_214 : memref<10240x16xf32, #tpu.memory_space<vmem_shared>>)
        tpu.yield
      }) : () -> ()
      %add3A_111 = arith.constant 8 : i32
      %add3A_112 = arith.addi %add3A_104, %add3A_111 : i32
      %lt3A_113 = arith.constant 80 : i32
      %lt3A_114 = arith.cmpi slt, %add3A_112, %lt3A_113 : i32
      %convert_element_type3A_115 = arith.extui %lt3A_114 : i1 to i32
      %cond3A_116 = arith.constant 0 : i32
      %cond3A_117 = arith.cmpi ne, %convert_element_type3A_115, %cond3A_116 : i32
      scf.if %cond3A_117 {
        %add3A_203 = arith.constant 8 : i32
        %add3A_204 = arith.addi %add3A_104, %add3A_203 : i32
        %dma_start3A_205 = arith.constant 0 : i32
        %dma_start3A_206 = tpu.memref_slice %arg8[%add3A_204, %dma_start3A_205] : memref<80x128xi32, #tpu.memory_space<vmem>> -> memref<1x128xi32, #tpu.memory_space<vmem>>
        %dma_start3A_207 = tpu.memref_squeeze %dma_start3A_206 : memref<1x128xi32, #tpu.memory_space<vmem>> -> memref<128xi32, #tpu.memory_space<vmem>>
        %dma_start3A_208 = arith.constant 0 : i32
        %dma_start3A_209 = arith.constant 0 : i32
        %dma_start3A_210 = tpu.memref_slice %arg20[%dma_start3A_208, %dma_start3A_209] : memref<10240x16xf32, #tpu.memory_space<vmem_shared>> -> memref<10240x16xf32, #tpu.memory_space<vmem_shared>>
        tpu.enqueue_indirect_dma source(%dma_start3A_210 : memref<10240x16xf32, #tpu.memory_space<vmem_shared>>) target(%arg12 : memref<128x16xf32, #tpu.memory_space<vmem>>) offsets(%dma_start3A_207 : memref<128xi32, #tpu.memory_space<vmem>>) semaphore(%arg24 : memref<!tpu.dma_semaphore, #tpu.memory_space<semaphore_mem>>)
      } else {
      }
      %mul3A_118 = arith.constant 8 : i32
      %mul3A_119 = arith.muli %scan3A_68, %mul3A_118 : i32
      %add3A_120 = arith.constant 3 : i32
      %add3A_121 = arith.addi %mul3A_119, %add3A_120 : i32
      %dma_wait3A_122 = arith.constant 0 : i32
      %dma_wait3A_123 = tpu.memref_slice %arg8[%add3A_121, %dma_wait3A_122] : memref<80x128xi32, #tpu.memory_space<vmem>> -> memref<1x128xi32, #tpu.memory_space<vmem>>
      %dma_wait3A_124 = tpu.memref_squeeze %dma_wait3A_123 : memref<1x128xi32, #tpu.memory_space<vmem>> -> memref<128xi32, #tpu.memory_space<vmem>>
      %dma_wait3A_125 = arith.constant 0 : i32
      %dma_wait3A_126 = arith.constant 0 : i32
      %dma_wait3A_127 = tpu.memref_slice %arg20[%dma_wait3A_125, %dma_wait3A_126] : memref<10240x16xf32, #tpu.memory_space<vmem_shared>> -> memref<10240x16xf32, #tpu.memory_space<vmem_shared>>
      tpu.wait_indirect_dma semaphore(%arg25 : memref<!tpu.dma_semaphore, #tpu.memory_space<semaphore_mem>>) src(%dma_wait3A_127 : memref<10240x16xf32, #tpu.memory_space<vmem_shared>>) dst(%arg13 : memref<128x16xf32, #tpu.memory_space<vmem>>)
      "tpu.region"() ({
        %run_scoped3A = tpu.sem_alloc : memref<!tpu.dma_semaphore, #tpu.memory_space<semaphore_mem>>
        %dma_start3A_203 = arith.constant 0 : i32
        %dma_start3A_204 = tpu.memref_slice %arg9[%add3A_121, %dma_start3A_203] : memref<80x128xi32, #tpu.memory_space<vmem>> -> memref<1x128xi32, #tpu.memory_space<vmem>>
        %dma_start3A_205 = tpu.memref_squeeze %dma_start3A_204 : memref<1x128xi32, #tpu.memory_space<vmem>> -> memref<128xi32, #tpu.memory_space<vmem>>
        %dma_start3A_206 = arith.constant 0 : i32
        %dma_start3A_207 = arith.constant 0 : i32
        %dma_start3A_208 = tpu.memref_slice %arg21[%dma_start3A_206, %dma_start3A_207] : memref<10240x16xf32, #tpu.memory_space<vmem_shared>> -> memref<10240x16xf32, #tpu.memory_space<vmem_shared>>
        tpu.enqueue_indirect_dma source(%arg13 : memref<128x16xf32, #tpu.memory_space<vmem>>) target(%dma_start3A_208 : memref<10240x16xf32, #tpu.memory_space<vmem_shared>>) offsets(%dma_start3A_205 : memref<128xi32, #tpu.memory_space<vmem>>) semaphore(%run_scoped3A : memref<!tpu.dma_semaphore, #tpu.memory_space<semaphore_mem>>) {add = true}
        %dma_wait3A_209 = arith.constant 0 : i32
        %dma_wait3A_210 = tpu.memref_slice %arg9[%add3A_121, %dma_wait3A_209] : memref<80x128xi32, #tpu.memory_space<vmem>> -> memref<1x128xi32, #tpu.memory_space<vmem>>
        %dma_wait3A_211 = tpu.memref_squeeze %dma_wait3A_210 : memref<1x128xi32, #tpu.memory_space<vmem>> -> memref<128xi32, #tpu.memory_space<vmem>>
        %dma_wait3A_212 = arith.constant 0 : i32
        %dma_wait3A_213 = arith.constant 0 : i32
        %dma_wait3A_214 = tpu.memref_slice %arg21[%dma_wait3A_212, %dma_wait3A_213] : memref<10240x16xf32, #tpu.memory_space<vmem_shared>> -> memref<10240x16xf32, #tpu.memory_space<vmem_shared>>
        tpu.wait_indirect_dma semaphore(%run_scoped3A : memref<!tpu.dma_semaphore, #tpu.memory_space<semaphore_mem>>) src(%arg13 : memref<128x16xf32, #tpu.memory_space<vmem>>) dst(%dma_wait3A_214 : memref<10240x16xf32, #tpu.memory_space<vmem_shared>>)
        tpu.yield
      }) : () -> ()
      %add3A_128 = arith.constant 8 : i32
      %add3A_129 = arith.addi %add3A_121, %add3A_128 : i32
      %lt3A_130 = arith.constant 80 : i32
      %lt3A_131 = arith.cmpi slt, %add3A_129, %lt3A_130 : i32
      %convert_element_type3A_132 = arith.extui %lt3A_131 : i1 to i32
      %cond3A_133 = arith.constant 0 : i32
      %cond3A_134 = arith.cmpi ne, %convert_element_type3A_132, %cond3A_133 : i32
      scf.if %cond3A_134 {
        %add3A_203 = arith.constant 8 : i32
        %add3A_204 = arith.addi %add3A_121, %add3A_203 : i32
        %dma_start3A_205 = arith.constant 0 : i32
        %dma_start3A_206 = tpu.memref_slice %arg8[%add3A_204, %dma_start3A_205] : memref<80x128xi32, #tpu.memory_space<vmem>> -> memref<1x128xi32, #tpu.memory_space<vmem>>
        %dma_start3A_207 = tpu.memref_squeeze %dma_start3A_206 : memref<1x128xi32, #tpu.memory_space<vmem>> -> memref<128xi32, #tpu.memory_space<vmem>>
        %dma_start3A_208 = arith.constant 0 : i32
        %dma_start3A_209 = arith.constant 0 : i32
        %dma_start3A_210 = tpu.memref_slice %arg20[%dma_start3A_208, %dma_start3A_209] : memref<10240x16xf32, #tpu.memory_space<vmem_shared>> -> memref<10240x16xf32, #tpu.memory_space<vmem_shared>>
        tpu.enqueue_indirect_dma source(%dma_start3A_210 : memref<10240x16xf32, #tpu.memory_space<vmem_shared>>) target(%arg13 : memref<128x16xf32, #tpu.memory_space<vmem>>) offsets(%dma_start3A_207 : memref<128xi32, #tpu.memory_space<vmem>>) semaphore(%arg25 : memref<!tpu.dma_semaphore, #tpu.memory_space<semaphore_mem>>)
      } else {
      }
      %mul3A_135 = arith.constant 8 : i32
      %mul3A_136 = arith.muli %scan3A_68, %mul3A_135 : i32
      %add3A_137 = arith.constant 4 : i32
      %add3A_138 = arith.addi %mul3A_136, %add3A_137 : i32
      %dma_wait3A_139 = arith.constant 0 : i32
      %dma_wait3A_140 = tpu.memref_slice %arg8[%add3A_138, %dma_wait3A_139] : memref<80x128xi32, #tpu.memory_space<vmem>> -> memref<1x128xi32, #tpu.memory_space<vmem>>
      %dma_wait3A_141 = tpu.memref_squeeze %dma_wait3A_140 : memref<1x128xi32, #tpu.memory_space<vmem>> -> memref<128xi32, #tpu.memory_space<vmem>>
      %dma_wait3A_142 = arith.constant 0 : i32
      %dma_wait3A_143 = arith.constant 0 : i32
      %dma_wait3A_144 = tpu.memref_slice %arg20[%dma_wait3A_142, %dma_wait3A_143] : memref<10240x16xf32, #tpu.memory_space<vmem_shared>> -> memref<10240x16xf32, #tpu.memory_space<vmem_shared>>
      tpu.wait_indirect_dma semaphore(%arg26 : memref<!tpu.dma_semaphore, #tpu.memory_space<semaphore_mem>>) src(%dma_wait3A_144 : memref<10240x16xf32, #tpu.memory_space<vmem_shared>>) dst(%arg14 : memref<128x16xf32, #tpu.memory_space<vmem>>)
      "tpu.region"() ({
        %run_scoped3A = tpu.sem_alloc : memref<!tpu.dma_semaphore, #tpu.memory_space<semaphore_mem>>
        %dma_start3A_203 = arith.constant 0 : i32
        %dma_start3A_204 = tpu.memref_slice %arg9[%add3A_138, %dma_start3A_203] : memref<80x128xi32, #tpu.memory_space<vmem>> -> memref<1x128xi32, #tpu.memory_space<vmem>>
        %dma_start3A_205 = tpu.memref_squeeze %dma_start3A_204 : memref<1x128xi32, #tpu.memory_space<vmem>> -> memref<128xi32, #tpu.memory_space<vmem>>
        %dma_start3A_206 = arith.constant 0 : i32
        %dma_start3A_207 = arith.constant 0 : i32
        %dma_start3A_208 = tpu.memref_slice %arg21[%dma_start3A_206, %dma_start3A_207] : memref<10240x16xf32, #tpu.memory_space<vmem_shared>> -> memref<10240x16xf32, #tpu.memory_space<vmem_shared>>
        tpu.enqueue_indirect_dma source(%arg14 : memref<128x16xf32, #tpu.memory_space<vmem>>) target(%dma_start3A_208 : memref<10240x16xf32, #tpu.memory_space<vmem_shared>>) offsets(%dma_start3A_205 : memref<128xi32, #tpu.memory_space<vmem>>) semaphore(%run_scoped3A : memref<!tpu.dma_semaphore, #tpu.memory_space<semaphore_mem>>) {add = true}
        %dma_wait3A_209 = arith.constant 0 : i32
        %dma_wait3A_210 = tpu.memref_slice %arg9[%add3A_138, %dma_wait3A_209] : memref<80x128xi32, #tpu.memory_space<vmem>> -> memref<1x128xi32, #tpu.memory_space<vmem>>
        %dma_wait3A_211 = tpu.memref_squeeze %dma_wait3A_210 : memref<1x128xi32, #tpu.memory_space<vmem>> -> memref<128xi32, #tpu.memory_space<vmem>>
        %dma_wait3A_212 = arith.constant 0 : i32
        %dma_wait3A_213 = arith.constant 0 : i32
        %dma_wait3A_214 = tpu.memref_slice %arg21[%dma_wait3A_212, %dma_wait3A_213] : memref<10240x16xf32, #tpu.memory_space<vmem_shared>> -> memref<10240x16xf32, #tpu.memory_space<vmem_shared>>
        tpu.wait_indirect_dma semaphore(%run_scoped3A : memref<!tpu.dma_semaphore, #tpu.memory_space<semaphore_mem>>) src(%arg14 : memref<128x16xf32, #tpu.memory_space<vmem>>) dst(%dma_wait3A_214 : memref<10240x16xf32, #tpu.memory_space<vmem_shared>>)
        tpu.yield
      }) : () -> ()
      %add3A_145 = arith.constant 8 : i32
      %add3A_146 = arith.addi %add3A_138, %add3A_145 : i32
      %lt3A_147 = arith.constant 80 : i32
      %lt3A_148 = arith.cmpi slt, %add3A_146, %lt3A_147 : i32
      %convert_element_type3A_149 = arith.extui %lt3A_148 : i1 to i32
      %cond3A_150 = arith.constant 0 : i32
      %cond3A_151 = arith.cmpi ne, %convert_element_type3A_149, %cond3A_150 : i32
      scf.if %cond3A_151 {
        %add3A_203 = arith.constant 8 : i32
        %add3A_204 = arith.addi %add3A_138, %add3A_203 : i32
        %dma_start3A_205 = arith.constant 0 : i32
        %dma_start3A_206 = tpu.memref_slice %arg8[%add3A_204, %dma_start3A_205] : memref<80x128xi32, #tpu.memory_space<vmem>> -> memref<1x128xi32, #tpu.memory_space<vmem>>
        %dma_start3A_207 = tpu.memref_squeeze %dma_start3A_206 : memref<1x128xi32, #tpu.memory_space<vmem>> -> memref<128xi32, #tpu.memory_space<vmem>>
        %dma_start3A_208 = arith.constant 0 : i32
        %dma_start3A_209 = arith.constant 0 : i32
        %dma_start3A_210 = tpu.memref_slice %arg20[%dma_start3A_208, %dma_start3A_209] : memref<10240x16xf32, #tpu.memory_space<vmem_shared>> -> memref<10240x16xf32, #tpu.memory_space<vmem_shared>>
        tpu.enqueue_indirect_dma source(%dma_start3A_210 : memref<10240x16xf32, #tpu.memory_space<vmem_shared>>) target(%arg14 : memref<128x16xf32, #tpu.memory_space<vmem>>) offsets(%dma_start3A_207 : memref<128xi32, #tpu.memory_space<vmem>>) semaphore(%arg26 : memref<!tpu.dma_semaphore, #tpu.memory_space<semaphore_mem>>)
      } else {
      }
      %mul3A_152 = arith.constant 8 : i32
      %mul3A_153 = arith.muli %scan3A_68, %mul3A_152 : i32
      %add3A_154 = arith.constant 5 : i32
      %add3A_155 = arith.addi %mul3A_153, %add3A_154 : i32
      %dma_wait3A_156 = arith.constant 0 : i32
      %dma_wait3A_157 = tpu.memref_slice %arg8[%add3A_155, %dma_wait3A_156] : memref<80x128xi32, #tpu.memory_space<vmem>> -> memref<1x128xi32, #tpu.memory_space<vmem>>
      %dma_wait3A_158 = tpu.memref_squeeze %dma_wait3A_157 : memref<1x128xi32, #tpu.memory_space<vmem>> -> memref<128xi32, #tpu.memory_space<vmem>>
      %dma_wait3A_159 = arith.constant 0 : i32
      %dma_wait3A_160 = arith.constant 0 : i32
      %dma_wait3A_161 = tpu.memref_slice %arg20[%dma_wait3A_159, %dma_wait3A_160] : memref<10240x16xf32, #tpu.memory_space<vmem_shared>> -> memref<10240x16xf32, #tpu.memory_space<vmem_shared>>
      tpu.wait_indirect_dma semaphore(%arg27 : memref<!tpu.dma_semaphore, #tpu.memory_space<semaphore_mem>>) src(%dma_wait3A_161 : memref<10240x16xf32, #tpu.memory_space<vmem_shared>>) dst(%arg15 : memref<128x16xf32, #tpu.memory_space<vmem>>)
      "tpu.region"() ({
        %run_scoped3A = tpu.sem_alloc : memref<!tpu.dma_semaphore, #tpu.memory_space<semaphore_mem>>
        %dma_start3A_203 = arith.constant 0 : i32
        %dma_start3A_204 = tpu.memref_slice %arg9[%add3A_155, %dma_start3A_203] : memref<80x128xi32, #tpu.memory_space<vmem>> -> memref<1x128xi32, #tpu.memory_space<vmem>>
        %dma_start3A_205 = tpu.memref_squeeze %dma_start3A_204 : memref<1x128xi32, #tpu.memory_space<vmem>> -> memref<128xi32, #tpu.memory_space<vmem>>
        %dma_start3A_206 = arith.constant 0 : i32
        %dma_start3A_207 = arith.constant 0 : i32
        %dma_start3A_208 = tpu.memref_slice %arg21[%dma_start3A_206, %dma_start3A_207] : memref<10240x16xf32, #tpu.memory_space<vmem_shared>> -> memref<10240x16xf32, #tpu.memory_space<vmem_shared>>
        tpu.enqueue_indirect_dma source(%arg15 : memref<128x16xf32, #tpu.memory_space<vmem>>) target(%dma_start3A_208 : memref<10240x16xf32, #tpu.memory_space<vmem_shared>>) offsets(%dma_start3A_205 : memref<128xi32, #tpu.memory_space<vmem>>) semaphore(%run_scoped3A : memref<!tpu.dma_semaphore, #tpu.memory_space<semaphore_mem>>) {add = true}
        %dma_wait3A_209 = arith.constant 0 : i32
        %dma_wait3A_210 = tpu.memref_slice %arg9[%add3A_155, %dma_wait3A_209] : memref<80x128xi32, #tpu.memory_space<vmem>> -> memref<1x128xi32, #tpu.memory_space<vmem>>
        %dma_wait3A_211 = tpu.memref_squeeze %dma_wait3A_210 : memref<1x128xi32, #tpu.memory_space<vmem>> -> memref<128xi32, #tpu.memory_space<vmem>>
        %dma_wait3A_212 = arith.constant 0 : i32
        %dma_wait3A_213 = arith.constant 0 : i32
        %dma_wait3A_214 = tpu.memref_slice %arg21[%dma_wait3A_212, %dma_wait3A_213] : memref<10240x16xf32, #tpu.memory_space<vmem_shared>> -> memref<10240x16xf32, #tpu.memory_space<vmem_shared>>
        tpu.wait_indirect_dma semaphore(%run_scoped3A : memref<!tpu.dma_semaphore, #tpu.memory_space<semaphore_mem>>) src(%arg15 : memref<128x16xf32, #tpu.memory_space<vmem>>) dst(%dma_wait3A_214 : memref<10240x16xf32, #tpu.memory_space<vmem_shared>>)
        tpu.yield
      }) : () -> ()
      %add3A_162 = arith.constant 8 : i32
      %add3A_163 = arith.addi %add3A_155, %add3A_162 : i32
      %lt3A_164 = arith.constant 80 : i32
      %lt3A_165 = arith.cmpi slt, %add3A_163, %lt3A_164 : i32
      %convert_element_type3A_166 = arith.extui %lt3A_165 : i1 to i32
      %cond3A_167 = arith.constant 0 : i32
      %cond3A_168 = arith.cmpi ne, %convert_element_type3A_166, %cond3A_167 : i32
      scf.if %cond3A_168 {
        %add3A_203 = arith.constant 8 : i32
        %add3A_204 = arith.addi %add3A_155, %add3A_203 : i32
        %dma_start3A_205 = arith.constant 0 : i32
        %dma_start3A_206 = tpu.memref_slice %arg8[%add3A_204, %dma_start3A_205] : memref<80x128xi32, #tpu.memory_space<vmem>> -> memref<1x128xi32, #tpu.memory_space<vmem>>
        %dma_start3A_207 = tpu.memref_squeeze %dma_start3A_206 : memref<1x128xi32, #tpu.memory_space<vmem>> -> memref<128xi32, #tpu.memory_space<vmem>>
        %dma_start3A_208 = arith.constant 0 : i32
        %dma_start3A_209 = arith.constant 0 : i32
        %dma_start3A_210 = tpu.memref_slice %arg20[%dma_start3A_208, %dma_start3A_209] : memref<10240x16xf32, #tpu.memory_space<vmem_shared>> -> memref<10240x16xf32, #tpu.memory_space<vmem_shared>>
        tpu.enqueue_indirect_dma source(%dma_start3A_210 : memref<10240x16xf32, #tpu.memory_space<vmem_shared>>) target(%arg15 : memref<128x16xf32, #tpu.memory_space<vmem>>) offsets(%dma_start3A_207 : memref<128xi32, #tpu.memory_space<vmem>>) semaphore(%arg27 : memref<!tpu.dma_semaphore, #tpu.memory_space<semaphore_mem>>)
      } else {
      }
      %mul3A_169 = arith.constant 8 : i32
      %mul3A_170 = arith.muli %scan3A_68, %mul3A_169 : i32
      %add3A_171 = arith.constant 6 : i32
      %add3A_172 = arith.addi %mul3A_170, %add3A_171 : i32
      %dma_wait3A_173 = arith.constant 0 : i32
      %dma_wait3A_174 = tpu.memref_slice %arg8[%add3A_172, %dma_wait3A_173] : memref<80x128xi32, #tpu.memory_space<vmem>> -> memref<1x128xi32, #tpu.memory_space<vmem>>
      %dma_wait3A_175 = tpu.memref_squeeze %dma_wait3A_174 : memref<1x128xi32, #tpu.memory_space<vmem>> -> memref<128xi32, #tpu.memory_space<vmem>>
      %dma_wait3A_176 = arith.constant 0 : i32
      %dma_wait3A_177 = arith.constant 0 : i32
      %dma_wait3A_178 = tpu.memref_slice %arg20[%dma_wait3A_176, %dma_wait3A_177] : memref<10240x16xf32, #tpu.memory_space<vmem_shared>> -> memref<10240x16xf32, #tpu.memory_space<vmem_shared>>
      tpu.wait_indirect_dma semaphore(%arg28 : memref<!tpu.dma_semaphore, #tpu.memory_space<semaphore_mem>>) src(%dma_wait3A_178 : memref<10240x16xf32, #tpu.memory_space<vmem_shared>>) dst(%arg16 : memref<128x16xf32, #tpu.memory_space<vmem>>)
      "tpu.region"() ({
        %run_scoped3A = tpu.sem_alloc : memref<!tpu.dma_semaphore, #tpu.memory_space<semaphore_mem>>
        %dma_start3A_203 = arith.constant 0 : i32
        %dma_start3A_204 = tpu.memref_slice %arg9[%add3A_172, %dma_start3A_203] : memref<80x128xi32, #tpu.memory_space<vmem>> -> memref<1x128xi32, #tpu.memory_space<vmem>>
        %dma_start3A_205 = tpu.memref_squeeze %dma_start3A_204 : memref<1x128xi32, #tpu.memory_space<vmem>> -> memref<128xi32, #tpu.memory_space<vmem>>
        %dma_start3A_206 = arith.constant 0 : i32
        %dma_start3A_207 = arith.constant 0 : i32
        %dma_start3A_208 = tpu.memref_slice %arg21[%dma_start3A_206, %dma_start3A_207] : memref<10240x16xf32, #tpu.memory_space<vmem_shared>> -> memref<10240x16xf32, #tpu.memory_space<vmem_shared>>
        tpu.enqueue_indirect_dma source(%arg16 : memref<128x16xf32, #tpu.memory_space<vmem>>) target(%dma_start3A_208 : memref<10240x16xf32, #tpu.memory_space<vmem_shared>>) offsets(%dma_start3A_205 : memref<128xi32, #tpu.memory_space<vmem>>) semaphore(%run_scoped3A : memref<!tpu.dma_semaphore, #tpu.memory_space<semaphore_mem>>) {add = true}
        %dma_wait3A_209 = arith.constant 0 : i32
        %dma_wait3A_210 = tpu.memref_slice %arg9[%add3A_172, %dma_wait3A_209] : memref<80x128xi32, #tpu.memory_space<vmem>> -> memref<1x128xi32, #tpu.memory_space<vmem>>
        %dma_wait3A_211 = tpu.memref_squeeze %dma_wait3A_210 : memref<1x128xi32, #tpu.memory_space<vmem>> -> memref<128xi32, #tpu.memory_space<vmem>>
        %dma_wait3A_212 = arith.constant 0 : i32
        %dma_wait3A_213 = arith.constant 0 : i32
        %dma_wait3A_214 = tpu.memref_slice %arg21[%dma_wait3A_212, %dma_wait3A_213] : memref<10240x16xf32, #tpu.memory_space<vmem_shared>> -> memref<10240x16xf32, #tpu.memory_space<vmem_shared>>
        tpu.wait_indirect_dma semaphore(%run_scoped3A : memref<!tpu.dma_semaphore, #tpu.memory_space<semaphore_mem>>) src(%arg16 : memref<128x16xf32, #tpu.memory_space<vmem>>) dst(%dma_wait3A_214 : memref<10240x16xf32, #tpu.memory_space<vmem_shared>>)
        tpu.yield
      }) : () -> ()
      %add3A_179 = arith.constant 8 : i32
      %add3A_180 = arith.addi %add3A_172, %add3A_179 : i32
      %lt3A_181 = arith.constant 80 : i32
      %lt3A_182 = arith.cmpi slt, %add3A_180, %lt3A_181 : i32
      %convert_element_type3A_183 = arith.extui %lt3A_182 : i1 to i32
      %cond3A_184 = arith.constant 0 : i32
      %cond3A_185 = arith.cmpi ne, %convert_element_type3A_183, %cond3A_184 : i32
      scf.if %cond3A_185 {
        %add3A_203 = arith.constant 8 : i32
        %add3A_204 = arith.addi %add3A_172, %add3A_203 : i32
        %dma_start3A_205 = arith.constant 0 : i32
        %dma_start3A_206 = tpu.memref_slice %arg8[%add3A_204, %dma_start3A_205] : memref<80x128xi32, #tpu.memory_space<vmem>> -> memref<1x128xi32, #tpu.memory_space<vmem>>
        %dma_start3A_207 = tpu.memref_squeeze %dma_start3A_206 : memref<1x128xi32, #tpu.memory_space<vmem>> -> memref<128xi32, #tpu.memory_space<vmem>>
        %dma_start3A_208 = arith.constant 0 : i32
        %dma_start3A_209 = arith.constant 0 : i32
        %dma_start3A_210 = tpu.memref_slice %arg20[%dma_start3A_208, %dma_start3A_209] : memref<10240x16xf32, #tpu.memory_space<vmem_shared>> -> memref<10240x16xf32, #tpu.memory_space<vmem_shared>>
        tpu.enqueue_indirect_dma source(%dma_start3A_210 : memref<10240x16xf32, #tpu.memory_space<vmem_shared>>) target(%arg16 : memref<128x16xf32, #tpu.memory_space<vmem>>) offsets(%dma_start3A_207 : memref<128xi32, #tpu.memory_space<vmem>>) semaphore(%arg28 : memref<!tpu.dma_semaphore, #tpu.memory_space<semaphore_mem>>)
      } else {
      }
      %mul3A_186 = arith.constant 8 : i32
      %mul3A_187 = arith.muli %scan3A_68, %mul3A_186 : i32
      %add3A_188 = arith.constant 7 : i32
      %add3A_189 = arith.addi %mul3A_187, %add3A_188 : i32
      %dma_wait3A_190 = arith.constant 0 : i32
      %dma_wait3A_191 = tpu.memref_slice %arg8[%add3A_189, %dma_wait3A_190] : memref<80x128xi32, #tpu.memory_space<vmem>> -> memref<1x128xi32, #tpu.memory_space<vmem>>
      %dma_wait3A_192 = tpu.memref_squeeze %dma_wait3A_191 : memref<1x128xi32, #tpu.memory_space<vmem>> -> memref<128xi32, #tpu.memory_space<vmem>>
      %dma_wait3A_193 = arith.constant 0 : i32
      %dma_wait3A_194 = arith.constant 0 : i32
      %dma_wait3A_195 = tpu.memref_slice %arg20[%dma_wait3A_193, %dma_wait3A_194] : memref<10240x16xf32, #tpu.memory_space<vmem_shared>> -> memref<10240x16xf32, #tpu.memory_space<vmem_shared>>
      tpu.wait_indirect_dma semaphore(%arg29 : memref<!tpu.dma_semaphore, #tpu.memory_space<semaphore_mem>>) src(%dma_wait3A_195 : memref<10240x16xf32, #tpu.memory_space<vmem_shared>>) dst(%arg17 : memref<128x16xf32, #tpu.memory_space<vmem>>)
      "tpu.region"() ({
        %run_scoped3A = tpu.sem_alloc : memref<!tpu.dma_semaphore, #tpu.memory_space<semaphore_mem>>
        %dma_start3A_203 = arith.constant 0 : i32
        %dma_start3A_204 = tpu.memref_slice %arg9[%add3A_189, %dma_start3A_203] : memref<80x128xi32, #tpu.memory_space<vmem>> -> memref<1x128xi32, #tpu.memory_space<vmem>>
        %dma_start3A_205 = tpu.memref_squeeze %dma_start3A_204 : memref<1x128xi32, #tpu.memory_space<vmem>> -> memref<128xi32, #tpu.memory_space<vmem>>
        %dma_start3A_206 = arith.constant 0 : i32
        %dma_start3A_207 = arith.constant 0 : i32
        %dma_start3A_208 = tpu.memref_slice %arg21[%dma_start3A_206, %dma_start3A_207] : memref<10240x16xf32, #tpu.memory_space<vmem_shared>> -> memref<10240x16xf32, #tpu.memory_space<vmem_shared>>
        tpu.enqueue_indirect_dma source(%arg17 : memref<128x16xf32, #tpu.memory_space<vmem>>) target(%dma_start3A_208 : memref<10240x16xf32, #tpu.memory_space<vmem_shared>>) offsets(%dma_start3A_205 : memref<128xi32, #tpu.memory_space<vmem>>) semaphore(%run_scoped3A : memref<!tpu.dma_semaphore, #tpu.memory_space<semaphore_mem>>) {add = true}
        %dma_wait3A_209 = arith.constant 0 : i32
        %dma_wait3A_210 = tpu.memref_slice %arg9[%add3A_189, %dma_wait3A_209] : memref<80x128xi32, #tpu.memory_space<vmem>> -> memref<1x128xi32, #tpu.memory_space<vmem>>
        %dma_wait3A_211 = tpu.memref_squeeze %dma_wait3A_210 : memref<1x128xi32, #tpu.memory_space<vmem>> -> memref<128xi32, #tpu.memory_space<vmem>>
        %dma_wait3A_212 = arith.constant 0 : i32
        %dma_wait3A_213 = arith.constant 0 : i32
        %dma_wait3A_214 = tpu.memref_slice %arg21[%dma_wait3A_212, %dma_wait3A_213] : memref<10240x16xf32, #tpu.memory_space<vmem_shared>> -> memref<10240x16xf32, #tpu.memory_space<vmem_shared>>
        tpu.wait_indirect_dma semaphore(%run_scoped3A : memref<!tpu.dma_semaphore, #tpu.memory_space<semaphore_mem>>) src(%arg17 : memref<128x16xf32, #tpu.memory_space<vmem>>) dst(%dma_wait3A_214 : memref<10240x16xf32, #tpu.memory_space<vmem_shared>>)
        tpu.yield
      }) : () -> ()
      %add3A_196 = arith.constant 8 : i32
      %add3A_197 = arith.addi %add3A_189, %add3A_196 : i32
      %lt3A_198 = arith.constant 80 : i32
      %lt3A_199 = arith.cmpi slt, %add3A_197, %lt3A_198 : i32
      %convert_element_type3A_200 = arith.extui %lt3A_199 : i1 to i32
      %cond3A_201 = arith.constant 0 : i32
      %cond3A_202 = arith.cmpi ne, %convert_element_type3A_200, %cond3A_201 : i32
      scf.if %cond3A_202 {
        %add3A_203 = arith.constant 8 : i32
        %add3A_204 = arith.addi %add3A_189, %add3A_203 : i32
        %dma_start3A_205 = arith.constant 0 : i32
        %dma_start3A_206 = tpu.memref_slice %arg8[%add3A_204, %dma_start3A_205] : memref<80x128xi32, #tpu.memory_space<vmem>> -> memref<1x128xi32, #tpu.memory_space<vmem>>
        %dma_start3A_207 = tpu.memref_squeeze %dma_start3A_206 : memref<1x128xi32, #tpu.memory_space<vmem>> -> memref<128xi32, #tpu.memory_space<vmem>>
        %dma_start3A_208 = arith.constant 0 : i32
        %dma_start3A_209 = arith.constant 0 : i32
        %dma_start3A_210 = tpu.memref_slice %arg20[%dma_start3A_208, %dma_start3A_209] : memref<10240x16xf32, #tpu.memory_space<vmem_shared>> -> memref<10240x16xf32, #tpu.memory_space<vmem_shared>>
        tpu.enqueue_indirect_dma source(%dma_start3A_210 : memref<10240x16xf32, #tpu.memory_space<vmem_shared>>) target(%arg17 : memref<128x16xf32, #tpu.memory_space<vmem>>) offsets(%dma_start3A_207 : memref<128xi32, #tpu.memory_space<vmem>>) semaphore(%arg29 : memref<!tpu.dma_semaphore, #tpu.memory_space<semaphore_mem>>)
      } else {
      }
    }
    %scan3A_66 = arith.constant 10 : i32
    %barrier3A_67 = arith.constant 0 : index
    tpu.barrier barrier_id(%barrier3A_67)
    "tpu.region"() ({
      %run_scoped3A = tpu.sem_alloc : memref<!tpu.dma_semaphore, #tpu.memory_space<semaphore_mem>>
      %dma_start3A_68 = arith.constant 0 : i32
      %dma_start3A_69 = tpu.memref_slice %arg7[%arg0, %mul3A_2, %dma_start3A_68] : memref<2x10240x16xf32, #tpu.memory_space<hbm>> -> memref<1x640x16xf32, #tpu.memory_space<hbm>>
      %dma_start3A_70 = tpu.memref_squeeze %dma_start3A_69 : memref<1x640x16xf32, #tpu.memory_space<hbm>> -> memref<640x16xf32, #tpu.memory_space<hbm>>
      %dma_start3A_71 = arith.constant 0 : i32
      %dma_start3A_72 = tpu.memref_slice %arg21[%mul3A_2, %dma_start3A_71] : memref<10240x16xf32, #tpu.memory_space<vmem_shared>> -> memref<640x16xf32, #tpu.memory_space<vmem_shared>>
      tpu.enqueue_dma source(%dma_start3A_72 : memref<640x16xf32, #tpu.memory_space<vmem_shared>>) target(%dma_start3A_70 : memref<640x16xf32, #tpu.memory_space<hbm>>) target_semaphore(%run_scoped3A : memref<!tpu.dma_semaphore, #tpu.memory_space<semaphore_mem>>)
      %dma_wait3A = arith.constant 0 : i32
      %dma_wait3A_73 = tpu.memref_slice %arg7[%arg0, %mul3A_2, %dma_wait3A] : memref<2x10240x16xf32, #tpu.memory_space<hbm>> -> memref<1x640x16xf32, #tpu.memory_space<hbm>>
      %dma_wait3A_74 = tpu.memref_squeeze %dma_wait3A_73 : memref<1x640x16xf32, #tpu.memory_space<hbm>> -> memref<640x16xf32, #tpu.memory_space<hbm>>
      %dma_wait3A_75 = arith.constant 0 : i32
      %dma_wait3A_76 = tpu.memref_slice %arg21[%mul3A_2, %dma_wait3A_75] : memref<10240x16xf32, #tpu.memory_space<vmem_shared>> -> memref<640x16xf32, #tpu.memory_space<vmem_shared>>
      tpu.wait_dma2 semaphore(%run_scoped3A : memref<!tpu.dma_semaphore, #tpu.memory_space<semaphore_mem>>) src(%dma_wait3A_76 : memref<640x16xf32, #tpu.memory_space<vmem_shared>>) dst(%dma_wait3A_74 : memref<640x16xf32, #tpu.memory_space<hbm>>)
      tpu.yield
    }) : () -> ()
    return
  }
}

module attributes {stable_mosaic.version = 14 : i64} {
  func.func @body(%arg0: i32, %arg1: memref<2048x128xf32, #tpu.memory_space<vmem>>, %arg2: memref<128x64xf32, #tpu.memory_space<vmem>>, %arg3: memref<2x2048x16xf32, #tpu.memory_space<vmem>>, %arg4: memref<2x2048x32xf32, #tpu.memory_space<vmem>>, %arg5: memref<2048x16xf32, #tpu.memory_space<vmem>>) attributes {dimension_semantics = [#tpu.dimension_semantics<arbitrary>], iteration_bounds = array<i64: 5>, scalar_prefetch = 0 : i64, scratch_operands = 0 : i64, tpu.core_type = #tpu.core_type<tc>, window_params = [{transform_indices = @transform_0, window_bounds = array<i64: 2048, 128>}, {pipeline_mode = #tpu.pipeline_mode<synchronous>, transform_indices = @transform_1, window_bounds = array<i64: 128, 64>}, {transform_indices = @transform_2, window_bounds = array<i64: 2, 2048, 16>}, {transform_indices = @transform_3, window_bounds = array<i64: 2, 2048, 32>}, {transform_indices = @transform_4, window_bounds = array<i64: 2048, 16>}]} {
    %get3A = arith.constant 0 : index
    %get3A_0 = arith.constant 0 : index
    %get3A_1 = arith.constant 0 : index
    %get3A_2 = vector.load %arg3[%get3A, %get3A_0, %get3A_1] : memref<2x2048x16xf32, #tpu.memory_space<vmem>>, vector<1x2048x16xf32>
    %get3A_3 = vector.shape_cast %get3A_2 : vector<1x2048x16xf32> to vector<2048x16xf32>
    %get3A_4 = arith.constant 1 : index
    %get3A_5 = arith.constant 0 : index
    %get3A_6 = arith.constant 0 : index
    %get3A_7 = vector.load %arg3[%get3A_4, %get3A_5, %get3A_6] : memref<2x2048x16xf32, #tpu.memory_space<vmem>>, vector<1x2048x16xf32>
    %get3A_8 = vector.shape_cast %get3A_7 : vector<1x2048x16xf32> to vector<2048x16xf32>
    %add3A = arith.addf %get3A_3, %get3A_8 : vector<2048x16xf32>
    %add3A_9 = arith.constant 1.000000e+00 : f32
    %add3A_10 = vector.broadcast %add3A_9 : f32 to vector<2048x16xf32>
    %add3A_11 = arith.addf %add3A, %add3A_10 : vector<2048x16xf32>
    %mul3A = arith.constant 2048 : i32
    %mul3A_12 = arith.muli %arg0, %mul3A : i32
    %iota3A = tpu.iota {dimensions = array<i32: 0>} : vector<2048x16xi32>
    %add3A_13 = vector.broadcast %mul3A_12 : i32 to vector<2048x16xi32>
    %add3A_14 = arith.addi %add3A_13, %iota3A : vector<2048x16xi32>
    %lt3A = arith.constant 10000 : i32
    %lt3A_15 = vector.broadcast %lt3A : i32 to vector<2048x16xi32>
    %lt3A_16 = arith.cmpi slt, %add3A_14, %lt3A_15 : vector<2048x16xi32>
    %rsqrt3A = math.rsqrt %add3A_11 : vector<2048x16xf32>
    %jit3A = arith.constant 0.000000e+00 : f32
    %broadcast_in_dim3A = vector.broadcast %jit3A : f32 to vector<2048x16xf32>
    %select_n3A = arith.select %lt3A_16, %rsqrt3A, %broadcast_in_dim3A : vector<2048x16xi1>, vector<2048x16xf32>
    %swap3A = arith.constant 0 : index
    %swap3A_17 = arith.constant 0 : index
    %swap3A_18 = vector.load %arg5[%swap3A, %swap3A_17] : memref<2048x16xf32, #tpu.memory_space<vmem>>, vector<2048x16xf32>
    tpu.vector_store %arg5[%swap3A, %swap3A_17], %select_n3A {strides = array<i32>} : memref<2048x16xf32, #tpu.memory_space<vmem>>, vector<2048x16xf32>,
    %get3A_19 = arith.constant 0 : index
    %get3A_20 = arith.constant 0 : index
    %get3A_21 = vector.load %arg1[%get3A_19, %get3A_20] : memref<2048x128xf32, #tpu.memory_space<vmem>>, vector<2048x128xf32>
    %get3A_22 = arith.constant 0 : index
    %get3A_23 = arith.constant 0 : index
    %get3A_24 = vector.load %arg2[%get3A_22, %get3A_23] : memref<128x64xf32, #tpu.memory_space<vmem>>, vector<128x64xf32>
    %dot_general3A = arith.constant dense<0.000000e+00> : vector<2048x64xf32>
    %dot_general3A_25 = tpu.matmul %get3A_21, %get3A_24, %dot_general3A {dimension_numbers = #tpu.dot_dimension_numbers<[1], [0], [0], [1], [0, 0, 1, 1], [], []>, transpose_lhs_hint = false} : vector<2048x128xf32>, vector<128x64xf32>, vector<2048x64xf32> -> vector<2048x64xf32>
    %slice3A = vector.extract_strided_slice %select_n3A {offsets = [0, 0], sizes = [2048, 1], strides = [1, 1]} : vector<2048x16xf32> to vector<2048x1xf32>
    %mul3A_26 = vector.broadcast %slice3A : vector<2048x1xf32> to vector<2048x64xf32>
    %mul3A_27 = arith.mulf %dot_general3A_25, %mul3A_26 : vector<2048x64xf32>
    %slice3A_28 = vector.extract_strided_slice %mul3A_27 {offsets = [0, 0], sizes = [2048, 32], strides = [1, 1]} : vector<2048x64xf32> to vector<2048x32xf32>
    %swap3A_29 = arith.constant 0 : index
    %swap3A_30 = arith.constant 0 : index
    %swap3A_31 = arith.constant 0 : index
    %swap3A_32 = vector.load %arg4[%swap3A_29, %swap3A_30, %swap3A_31] : memref<2x2048x32xf32, #tpu.memory_space<vmem>>, vector<1x2048x32xf32>
    %swap3A_33 = vector.shape_cast %swap3A_32 : vector<1x2048x32xf32> to vector<2048x32xf32>
    %swap3A_34 = vector.shape_cast %slice3A_28 : vector<2048x32xf32> to vector<1x2048x32xf32>
    tpu.vector_store %arg4[%swap3A_29, %swap3A_30, %swap3A_31], %swap3A_34 {strides = array<i32>} : memref<2x2048x32xf32, #tpu.memory_space<vmem>>, vector<1x2048x32xf32>,
    %slice3A_35 = vector.extract_strided_slice %mul3A_27 {offsets = [0, 32], sizes = [2048, 32], strides = [1, 1]} : vector<2048x64xf32> to vector<2048x32xf32>
    %swap3A_36 = arith.constant 1 : index
    %swap3A_37 = arith.constant 0 : index
    %swap3A_38 = arith.constant 0 : index
    %swap3A_39 = vector.load %arg4[%swap3A_36, %swap3A_37, %swap3A_38] : memref<2x2048x32xf32, #tpu.memory_space<vmem>>, vector<1x2048x32xf32>
    %swap3A_40 = vector.shape_cast %swap3A_39 : vector<1x2048x32xf32> to vector<2048x32xf32>
    %swap3A_41 = vector.shape_cast %slice3A_35 : vector<2048x32xf32> to vector<1x2048x32xf32>
    tpu.vector_store %arg4[%swap3A_36, %swap3A_37, %swap3A_38], %swap3A_41 {strides = array<i32>} : memref<2x2048x32xf32, #tpu.memory_space<vmem>>, vector<1x2048x32xf32>,
    return
  }
  func.func @transform_0(%arg0: i32) -> (i32, i32) {
    %c0_i32 = arith.constant 0 : i32
    %c0_i32_0 = arith.constant 0 : i32
    return %arg0, %c0_i32 : i32, i32
  }
  func.func @transform_1(%arg0: i32) -> (i32, i32) {
    %c0_i32 = arith.constant 0 : i32
    %c0_i32_0 = arith.constant 0 : i32
    %c0_i32_1 = arith.constant 0 : i32
    return %c0_i32, %c0_i32_0 : i32, i32
  }
  func.func @transform_2(%arg0: i32) -> (i32, i32, i32) {
    %c0_i32 = arith.constant 0 : i32
    %c0_i32_0 = arith.constant 0 : i32
    %c0_i32_1 = arith.constant 0 : i32
    return %c0_i32, %arg0, %c0_i32_0 : i32, i32, i32
  }
  func.func @transform_3(%arg0: i32) -> (i32, i32, i32) {
    %c0_i32 = arith.constant 0 : i32
    %c0_i32_0 = arith.constant 0 : i32
    %c0_i32_1 = arith.constant 0 : i32
    return %c0_i32, %arg0, %c0_i32_0 : i32, i32, i32
  }
  func.func @transform_4(%arg0: i32) -> (i32, i32) {
    %c0_i32 = arith.constant 0 : i32
    %c0_i32_0 = arith.constant 0 : i32
    return %arg0, %c0_i32 : i32, i32
  }
}

module attributes {stable_mosaic.version = 14 : i64} {
  func.func @body(%arg0: i32, %arg1: memref<2x2048x32xf32, #tpu.memory_space<vmem>>, %arg2: memref<2x2048x32xf32, #tpu.memory_space<vmem>>, %arg3: memref<2048x16xf32, #tpu.memory_space<vmem>>, %arg4: memref<1x64xf32, #tpu.memory_space<vmem>>, %arg5: memref<64x16xf32, #tpu.memory_space<vmem>>, %arg6: memref<2048x16xf32, #tpu.memory_space<vmem>>) attributes {dimension_semantics = [#tpu.dimension_semantics<arbitrary>], iteration_bounds = array<i64: 5>, scalar_prefetch = 0 : i64, scratch_operands = 0 : i64, tpu.core_type = #tpu.core_type<tc>, window_params = [{transform_indices = @transform_0, window_bounds = array<i64: 2, 2048, 32>}, {transform_indices = @transform_1, window_bounds = array<i64: 2, 2048, 32>}, {transform_indices = @transform_2, window_bounds = array<i64: 2048, 16>}, {pipeline_mode = #tpu.pipeline_mode<synchronous>, transform_indices = @transform_3, window_bounds = array<i64: 1, 64>}, {pipeline_mode = #tpu.pipeline_mode<synchronous>, transform_indices = @transform_4, window_bounds = array<i64: 64, 16>}, {transform_indices = @transform_5, window_bounds = array<i64: 2048, 16>}]} {
    %get3A = arith.constant 0 : index
    %get3A_0 = arith.constant 0 : index
    %get3A_1 = arith.constant 0 : index
    %get3A_2 = vector.load %arg1[%get3A, %get3A_0, %get3A_1] : memref<2x2048x32xf32, #tpu.memory_space<vmem>>, vector<1x2048x32xf32>
    %get3A_3 = vector.shape_cast %get3A_2 : vector<1x2048x32xf32> to vector<2048x32xf32>
    %get3A_4 = arith.constant 1 : index
    %get3A_5 = arith.constant 0 : index
    %get3A_6 = arith.constant 0 : index
    %get3A_7 = vector.load %arg1[%get3A_4, %get3A_5, %get3A_6] : memref<2x2048x32xf32, #tpu.memory_space<vmem>>, vector<1x2048x32xf32>
    %get3A_8 = vector.shape_cast %get3A_7 : vector<1x2048x32xf32> to vector<2048x32xf32>
    %concatenate3A = tpu.concatenate %get3A_3, %get3A_8 in 1 : vector<2048x32xf32>, vector<2048x32xf32> -> vector<2048x64xf32>
    %get3A_9 = arith.constant 0 : index
    %get3A_10 = arith.constant 0 : index
    %get3A_11 = arith.constant 0 : index
    %get3A_12 = vector.load %arg2[%get3A_9, %get3A_10, %get3A_11] : memref<2x2048x32xf32, #tpu.memory_space<vmem>>, vector<1x2048x32xf32>
    %get3A_13 = vector.shape_cast %get3A_12 : vector<1x2048x32xf32> to vector<2048x32xf32>
    %get3A_14 = arith.constant 1 : index
    %get3A_15 = arith.constant 0 : index
    %get3A_16 = arith.constant 0 : index
    %get3A_17 = vector.load %arg2[%get3A_14, %get3A_15, %get3A_16] : memref<2x2048x32xf32, #tpu.memory_space<vmem>>, vector<1x2048x32xf32>
    %get3A_18 = vector.shape_cast %get3A_17 : vector<1x2048x32xf32> to vector<2048x32xf32>
    %concatenate3A_19 = tpu.concatenate %get3A_13, %get3A_18 in 1 : vector<2048x32xf32>, vector<2048x32xf32> -> vector<2048x64xf32>
    %add3A = arith.addf %concatenate3A, %concatenate3A_19 : vector<2048x64xf32>
    %get3A_20 = arith.constant 0 : index
    %get3A_21 = arith.constant 0 : index
    %get3A_22 = vector.load %arg3[%get3A_20, %get3A_21] : memref<2048x16xf32, #tpu.memory_space<vmem>>, vector<2048x16xf32>
    %slice3A = vector.extract_strided_slice %get3A_22 {offsets = [0, 0], sizes = [2048, 1], strides = [1, 1]} : vector<2048x16xf32> to vector<2048x1xf32>
    %mul3A = vector.broadcast %slice3A : vector<2048x1xf32> to vector<2048x64xf32>
    %mul3A_23 = arith.mulf %add3A, %mul3A : vector<2048x64xf32>
    %get3A_24 = arith.constant 0 : index
    %get3A_25 = arith.constant 0 : index
    %get3A_26 = vector.load %arg4[%get3A_24, %get3A_25] : memref<1x64xf32, #tpu.memory_space<vmem>>, vector<1x64xf32>
    %add3A_27 = vector.broadcast %get3A_26 : vector<1x64xf32> to vector<2048x64xf32>
    %add3A_28 = arith.addf %mul3A_23, %add3A_27 : vector<2048x64xf32>
    %max3A = arith.constant 0.000000e+00 : f32
    %max3A_29 = vector.broadcast %max3A : f32 to vector<2048x64xf32>
    %max3A_30 = arith.maximumf %add3A_28, %max3A_29 : vector<2048x64xf32>
    %get3A_31 = arith.constant 0 : index
    %get3A_32 = arith.constant 0 : index
    %get3A_33 = vector.load %arg5[%get3A_31, %get3A_32] : memref<64x16xf32, #tpu.memory_space<vmem>>, vector<64x16xf32>
    %dot_general3A = arith.constant dense<0.000000e+00> : vector<2048x16xf32>
    %dot_general3A_34 = tpu.matmul %max3A_30, %get3A_33, %dot_general3A {dimension_numbers = #tpu.dot_dimension_numbers<[1], [0], [0], [1], [0, 0, 1, 1], [], []>, transpose_lhs_hint = false} : vector<2048x64xf32>, vector<64x16xf32>, vector<2048x16xf32> -> vector<2048x16xf32>
    %mul3A_35 = vector.broadcast %slice3A : vector<2048x1xf32> to vector<2048x16xf32>
    %mul3A_36 = arith.mulf %dot_general3A_34, %mul3A_35 : vector<2048x16xf32>
    %swap3A = arith.constant 0 : index
    %swap3A_37 = arith.constant 0 : index
    %swap3A_38 = vector.load %arg6[%swap3A, %swap3A_37] : memref<2048x16xf32, #tpu.memory_space<vmem>>, vector<2048x16xf32>
    tpu.vector_store %arg6[%swap3A, %swap3A_37], %mul3A_36 {strides = array<i32>} : memref<2048x16xf32, #tpu.memory_space<vmem>>, vector<2048x16xf32>,
    return
  }
  func.func @transform_0(%arg0: i32) -> (i32, i32, i32) {
    %c0_i32 = arith.constant 0 : i32
    %c0_i32_0 = arith.constant 0 : i32
    %c0_i32_1 = arith.constant 0 : i32
    return %c0_i32, %arg0, %c0_i32_0 : i32, i32, i32
  }
  func.func @transform_1(%arg0: i32) -> (i32, i32, i32) {
    %c0_i32 = arith.constant 0 : i32
    %c0_i32_0 = arith.constant 0 : i32
    %c0_i32_1 = arith.constant 0 : i32
    return %c0_i32, %arg0, %c0_i32_0 : i32, i32, i32
  }
  func.func @transform_2(%arg0: i32) -> (i32, i32) {
    %c0_i32 = arith.constant 0 : i32
    %c0_i32_0 = arith.constant 0 : i32
    return %arg0, %c0_i32 : i32, i32
  }
  func.func @transform_3(%arg0: i32) -> (i32, i32) {
    %c0_i32 = arith.constant 0 : i32
    %c0_i32_0 = arith.constant 0 : i32
    %c0_i32_1 = arith.constant 0 : i32
    return %c0_i32, %c0_i32_0 : i32, i32
  }
  func.func @transform_4(%arg0: i32) -> (i32, i32) {
    %c0_i32 = arith.constant 0 : i32
    %c0_i32_0 = arith.constant 0 : i32
    %c0_i32_1 = arith.constant 0 : i32
    return %c0_i32, %c0_i32_0 : i32, i32
  }
  func.func @transform_5(%arg0: i32) -> (i32, i32) {
    %c0_i32 = arith.constant 0 : i32
    %c0_i32_0 = arith.constant 0 : i32
    return %arg0, %c0_i32 : i32, i32
  }
}

module attributes {stable_mosaic.version = 14 : i64} {
  func.func @body(%arg0: i32, %arg1: memref<2x2048x16xf32, #tpu.memory_space<vmem>>, %arg2: memref<2048x16xf32, #tpu.memory_space<vmem>>, %arg3: memref<1x16xf32, #tpu.memory_space<vmem>>, %arg4: memref<16x16xf32, #tpu.memory_space<vmem>>, %arg5: memref<2048x16xf32, #tpu.memory_space<vmem>>) attributes {dimension_semantics = [#tpu.dimension_semantics<arbitrary>], iteration_bounds = array<i64: 5>, scalar_prefetch = 0 : i64, scratch_operands = 0 : i64, tpu.core_type = #tpu.core_type<tc>, window_params = [{transform_indices = @transform_0, window_bounds = array<i64: 2, 2048, 16>}, {transform_indices = @transform_1, window_bounds = array<i64: 2048, 16>}, {pipeline_mode = #tpu.pipeline_mode<synchronous>, transform_indices = @transform_2, window_bounds = array<i64: 1, 16>}, {pipeline_mode = #tpu.pipeline_mode<synchronous>, transform_indices = @transform_3, window_bounds = array<i64: 16, 16>}, {transform_indices = @transform_4, window_bounds = array<i64: 2048, 16>}]} {
    %get3A = arith.constant 0 : index
    %get3A_0 = arith.constant 0 : index
    %get3A_1 = arith.constant 0 : index
    %get3A_2 = vector.load %arg1[%get3A, %get3A_0, %get3A_1] : memref<2x2048x16xf32, #tpu.memory_space<vmem>>, vector<1x2048x16xf32>
    %get3A_3 = vector.shape_cast %get3A_2 : vector<1x2048x16xf32> to vector<2048x16xf32>
    %get3A_4 = arith.constant 1 : index
    %get3A_5 = arith.constant 0 : index
    %get3A_6 = arith.constant 0 : index
    %get3A_7 = vector.load %arg1[%get3A_4, %get3A_5, %get3A_6] : memref<2x2048x16xf32, #tpu.memory_space<vmem>>, vector<1x2048x16xf32>
    %get3A_8 = vector.shape_cast %get3A_7 : vector<1x2048x16xf32> to vector<2048x16xf32>
    %add3A = arith.addf %get3A_3, %get3A_8 : vector<2048x16xf32>
    %get3A_9 = arith.constant 0 : index
    %get3A_10 = arith.constant 0 : index
    %get3A_11 = vector.load %arg2[%get3A_9, %get3A_10] : memref<2048x16xf32, #tpu.memory_space<vmem>>, vector<2048x16xf32>
    %slice3A = vector.extract_strided_slice %get3A_11 {offsets = [0, 0], sizes = [2048, 1], strides = [1, 1]} : vector<2048x16xf32> to vector<2048x1xf32>
    %mul3A = vector.broadcast %slice3A : vector<2048x1xf32> to vector<2048x16xf32>
    %mul3A_12 = arith.mulf %add3A, %mul3A : vector<2048x16xf32>
    %get3A_13 = arith.constant 0 : index
    %get3A_14 = arith.constant 0 : index
    %get3A_15 = vector.load %arg3[%get3A_13, %get3A_14] : memref<1x16xf32, #tpu.memory_space<vmem>>, vector<1x16xf32>
    %add3A_16 = vector.broadcast %get3A_15 : vector<1x16xf32> to vector<2048x16xf32>
    %add3A_17 = arith.addf %mul3A_12, %add3A_16 : vector<2048x16xf32>
    %max3A = arith.constant 0.000000e+00 : f32
    %max3A_18 = vector.broadcast %max3A : f32 to vector<2048x16xf32>
    %max3A_19 = arith.maximumf %add3A_17, %max3A_18 : vector<2048x16xf32>
    %get3A_20 = arith.constant 0 : index
    %get3A_21 = arith.constant 0 : index
    %get3A_22 = vector.load %arg4[%get3A_20, %get3A_21] : memref<16x16xf32, #tpu.memory_space<vmem>>, vector<16x16xf32>
    %dot_general3A = arith.constant dense<0.000000e+00> : vector<2048x16xf32>
    %dot_general3A_23 = tpu.matmul %max3A_19, %get3A_22, %dot_general3A {dimension_numbers = #tpu.dot_dimension_numbers<[1], [0], [0], [1], [0, 0, 1, 1], [], []>, transpose_lhs_hint = false} : vector<2048x16xf32>, vector<16x16xf32>, vector<2048x16xf32> -> vector<2048x16xf32>
    %mul3A_24 = vector.broadcast %slice3A : vector<2048x1xf32> to vector<2048x16xf32>
    %mul3A_25 = arith.mulf %dot_general3A_23, %mul3A_24 : vector<2048x16xf32>
    %swap3A = arith.constant 0 : index
    %swap3A_26 = arith.constant 0 : index
    %swap3A_27 = vector.load %arg5[%swap3A, %swap3A_26] : memref<2048x16xf32, #tpu.memory_space<vmem>>, vector<2048x16xf32>
    tpu.vector_store %arg5[%swap3A, %swap3A_26], %mul3A_25 {strides = array<i32>} : memref<2048x16xf32, #tpu.memory_space<vmem>>, vector<2048x16xf32>,
    return
  }
  func.func @transform_0(%arg0: i32) -> (i32, i32, i32) {
    %c0_i32 = arith.constant 0 : i32
    %c0_i32_0 = arith.constant 0 : i32
    %c0_i32_1 = arith.constant 0 : i32
    return %c0_i32, %arg0, %c0_i32_0 : i32, i32, i32
  }
  func.func @transform_1(%arg0: i32) -> (i32, i32) {
    %c0_i32 = arith.constant 0 : i32
    %c0_i32_0 = arith.constant 0 : i32
    return %arg0, %c0_i32 : i32, i32
  }
  func.func @transform_2(%arg0: i32) -> (i32, i32) {
    %c0_i32 = arith.constant 0 : i32
    %c0_i32_0 = arith.constant 0 : i32
    %c0_i32_1 = arith.constant 0 : i32
    return %c0_i32, %c0_i32_0 : i32, i32
  }
  func.func @transform_3(%arg0: i32) -> (i32, i32) {
    %c0_i32 = arith.constant 0 : i32
    %c0_i32_0 = arith.constant 0 : i32
    %c0_i32_1 = arith.constant 0 : i32
    return %c0_i32, %c0_i32_0 : i32, i32
  }
  func.func @transform_4(%arg0: i32) -> (i32, i32) {
    %c0_i32 = arith.constant 0 : i32
    %c0_i32_0 = arith.constant 0 : i32
    return %arg0, %c0_i32 : i32, i32
  }
}

module attributes {stable_mosaic.version = 14 : i64} {
  func.func @body(%arg0: i32, %arg1: memref<2x2048x16xf32, #tpu.memory_space<vmem>>, %arg2: memref<2048x16xf32, #tpu.memory_space<vmem>>, %arg3: memref<1x16xf32, #tpu.memory_space<vmem>>, %arg4: memref<2048x2xf32, #tpu.memory_space<vmem>>) attributes {dimension_semantics = [#tpu.dimension_semantics<arbitrary>], iteration_bounds = array<i64: 5>, scalar_prefetch = 0 : i64, scratch_operands = 0 : i64, tpu.core_type = #tpu.core_type<tc>, window_params = [{transform_indices = @transform_0, window_bounds = array<i64: 2, 2048, 16>}, {transform_indices = @transform_1, window_bounds = array<i64: 2048, 16>}, {pipeline_mode = #tpu.pipeline_mode<synchronous>, transform_indices = @transform_2, window_bounds = array<i64: 1, 16>}, {transform_indices = @transform_3, window_bounds = array<i64: 2048, 2>}]} {
    %get3A = arith.constant 0 : index
    %get3A_0 = arith.constant 0 : index
    %get3A_1 = arith.constant 0 : index
    %get3A_2 = vector.load %arg1[%get3A, %get3A_0, %get3A_1] : memref<2x2048x16xf32, #tpu.memory_space<vmem>>, vector<1x2048x16xf32>
    %get3A_3 = vector.shape_cast %get3A_2 : vector<1x2048x16xf32> to vector<2048x16xf32>
    %get3A_4 = arith.constant 1 : index
    %get3A_5 = arith.constant 0 : index
    %get3A_6 = arith.constant 0 : index
    %get3A_7 = vector.load %arg1[%get3A_4, %get3A_5, %get3A_6] : memref<2x2048x16xf32, #tpu.memory_space<vmem>>, vector<1x2048x16xf32>
    %get3A_8 = vector.shape_cast %get3A_7 : vector<1x2048x16xf32> to vector<2048x16xf32>
    %add3A = arith.addf %get3A_3, %get3A_8 : vector<2048x16xf32>
    %get3A_9 = arith.constant 0 : index
    %get3A_10 = arith.constant 0 : index
    %get3A_11 = vector.load %arg2[%get3A_9, %get3A_10] : memref<2048x16xf32, #tpu.memory_space<vmem>>, vector<2048x16xf32>
    %slice3A = vector.extract_strided_slice %get3A_11 {offsets = [0, 0], sizes = [2048, 1], strides = [1, 1]} : vector<2048x16xf32> to vector<2048x1xf32>
    %mul3A = vector.broadcast %slice3A : vector<2048x1xf32> to vector<2048x16xf32>
    %mul3A_12 = arith.mulf %add3A, %mul3A : vector<2048x16xf32>
    %get3A_13 = arith.constant 0 : index
    %get3A_14 = arith.constant 0 : index
    %get3A_15 = vector.load %arg3[%get3A_13, %get3A_14] : memref<1x16xf32, #tpu.memory_space<vmem>>, vector<1x16xf32>
    %add3A_16 = vector.broadcast %get3A_15 : vector<1x16xf32> to vector<2048x16xf32>
    %add3A_17 = arith.addf %mul3A_12, %add3A_16 : vector<2048x16xf32>
    %slice3A_18 = vector.extract_strided_slice %add3A_17 {offsets = [0, 0], sizes = [2048, 1], strides = [1, 1]} : vector<2048x16xf32> to vector<2048x1xf32>
    %slice3A_19 = vector.extract_strided_slice %add3A_17 {offsets = [0, 1], sizes = [2048, 1], strides = [1, 1]} : vector<2048x16xf32> to vector<2048x1xf32>
    %max3A = arith.maximumf %slice3A_18, %slice3A_19 : vector<2048x1xf32>
    %sub3A = arith.subf %slice3A_18, %max3A : vector<2048x1xf32>
    %exp3A = math.exp %sub3A : vector<2048x1xf32>
    %sub3A_20 = arith.subf %slice3A_19, %max3A : vector<2048x1xf32>
    %exp3A_21 = math.exp %sub3A_20 : vector<2048x1xf32>
    %add3A_22 = arith.addf %exp3A, %exp3A_21 : vector<2048x1xf32>
    %log3A = math.log %add3A_22 : vector<2048x1xf32>
    %add3A_23 = arith.addf %max3A, %log3A : vector<2048x1xf32>
    %sub3A_24 = arith.subf %slice3A_18, %add3A_23 : vector<2048x1xf32>
    %sub3A_25 = arith.subf %slice3A_19, %add3A_23 : vector<2048x1xf32>
    %concatenate3A = tpu.concatenate %sub3A_24, %sub3A_25 in 1 : vector<2048x1xf32>, vector<2048x1xf32> -> vector<2048x2xf32>
    %swap3A = arith.constant 0 : index
    %swap3A_26 = arith.constant 0 : index
    %swap3A_27 = vector.load %arg4[%swap3A, %swap3A_26] : memref<2048x2xf32, #tpu.memory_space<vmem>>, vector<2048x2xf32>
    tpu.vector_store %arg4[%swap3A, %swap3A_26], %concatenate3A {strides = array<i32>} : memref<2048x2xf32, #tpu.memory_space<vmem>>, vector<2048x2xf32>,
    return
  }
  func.func @transform_0(%arg0: i32) -> (i32, i32, i32) {
    %c0_i32 = arith.constant 0 : i32
    %c0_i32_0 = arith.constant 0 : i32
    %c0_i32_1 = arith.constant 0 : i32
    return %c0_i32, %arg0, %c0_i32_0 : i32, i32, i32
  }
  func.func @transform_1(%arg0: i32) -> (i32, i32) {
    %c0_i32 = arith.constant 0 : i32
    %c0_i32_0 = arith.constant 0 : i32
    return %arg0, %c0_i32 : i32, i32
  }
  func.func @transform_2(%arg0: i32) -> (i32, i32) {
    %c0_i32 = arith.constant 0 : i32
    %c0_i32_0 = arith.constant 0 : i32
    %c0_i32_1 = arith.constant 0 : i32
    return %c0_i32, %c0_i32_0 : i32, i32
  }
  func.func @transform_3(%arg0: i32) -> (i32, i32) {
    %c0_i32 = arith.constant 0 : i32
    %c0_i32_0 = arith.constant 0 : i32
    return %arg0, %c0_i32 : i32, i32
  }
}

</mosaic_0001>

<sc_bundles>
// kernel: kernel.10.cloned.1.call-start
scs
__scs_entry_jumppad:
0x0: {  	(pc) =	sbr.rel $0x88, $3  }
0x1: {  	(tag) =	ssettag $0x0;
	lr =	simm.s32 $0x1  }
0x2: {  	[smem:$0x3F99] =	sst lr;
	_ =	strace $0xD0000000  }
0x3: {  	_ = 	snop  }
0x4: {  	_ = 	snop  }
0x5: {  	_ = 	snop  }
0x6: {  	_ = 	snop  }
0x7: {  	_ = 	snop  }
__scs_overlays_trampoline_lowered:
0x8: {  	[smem:$0x3FA8] =	sst s0  }
0x9: {  	[smem:$0x3FA9] =	sst s1  }
0xa: {  	[smem:$0x3FAA] =	sst s2  }
0xb: {  	[smem:$0x3FAB] =	sst s3  }
0xc: {  	[smem:$0x3FAC] =	sst s4  }
0xd: {  	[smem:$0x3FAD] =	sst s5  }
0xe: {  	[smem:$0x3FAE] =	sst s6  }
0xf: {  	[smem:$0x3FAF] =	sst s7  }
0x10: {  	[smem:$0x3FB0] =	sst s8  }
0x11: {  	[smem:$0x3FB1] =	sst s9;
	s0 =	simm.s32 @!p0 $0x0  }
0x12: {  	s1 =	sld [smem:$0x3F97];
	s0 =	simm.s32 @p0 $0x1  }
0x13: {  	[smem:$0x3FB2] =	sst s0;
	s0 =	simm.s32 @!p1 $0x0  }
0x14: {  	s2 =	sld [smem:$0x3F96];
	s0 =	simm.s32 @p1 $0x1  }
0x15: {  	[smem:$0x3FB3] =	sst s0;
	s0 =	simm.s32 @!p2 $0x0  }
0x16: {  	s3 =	sld [smem:$0x3FDB];
	s0 =	simm.s32 @p2 $0x1  }
0x17: {  	s4 =	simm.s32 $0x1BF5;
	[smem:$0x3FB5] =	sst s0  }
0x18: {  	s0 =	sld [smem:$0x3F98];
	_ =	swait.ge [sflag:s4], $0x0  }
0x19: {  	s7 =	sld [smem:$0x3F99]  }
0x1a: {  	s8 =	sadd.s32 $0xFFFFE003, lr  }
0x1b: {  	s9 =	sadd.s32 $0xFFFFFEF7, lr;
	s5 =	simm.s32 $0xFFFFFFFF;
	p2 =	slt.u32 s8, $0xFFFFF086  }
0x1c: {  	p1 =	slt.u32 s9, $0xF7A;
	s5 =	simm.s32 @!p2 $0x0  }
0x1d: {  	s5 =	simm.s32 @p1 $0x1;
	p0 =	seq.s32 s7, s2  }
0x1e: {  	s7 =	smul.u32 @!p0 $0xF7A, s2;
	p2 =	seq.s32 @!p0 s5, $0x0  }
0x1f: {  	s9 =	smul.u32 $0xF7A, s1;
	s8 =	simm.s32 @!p0 $0x1BF5;
	p2 =	por !p2, p0  }
0x20: {  	[sflag:s8] =	ssyncset.s32 @!p0 $0xFFFFF086;
	s6 =	sadd.s32 @!p0 s3, s7;
	s7 =	simm.s32 @!p0 $0x108  }
0x21: {  	s3 =	sadd.s32 s3, s9;
	s6 =	sadd.s32 @!p0 $0x88, s6;
	s7 =	simm.s32 @p2 $0x1082  }
0x22: {  	[simem:s7], [sflag:s8] =	dma.local @!p0 [hbm:s6], $0xF7A  }
0x23: {  	s9 =	sor.u32 $0xD0000000, s2;
	s6 =	simm.s32 $0x108;
	_ =	swait.ge @!p0 [sflag:s8], $0x0  }
0x24: {  	s3 =	sadd.s32 $0x88, s3;
	s6 =	simm.s32 @!p1 $0x1082;
	[sflag:s4] =	ssyncset.s32 $0xFFFFF086  }
0x25: {  	[simem:s6], [sflag:s4] =	dma.local [hbm:s3], $0xF7A  }
0x26: {  	[smem:$0x3F99] =	sst s1;
	(tag) =	ssettag s2;
	_ =	strace s9  }
0x27: {  	s1 =	sld [smem:$0x3FA9]  }
0x28: {  	s2 =	sld [smem:$0x3FAA]  }
0x29: {  	s4 =	sld [smem:$0x3FAC]  }
0x2a: {  	p0 =	seq.s32 s5, $0x0;
	s5 =	sld [smem:$0x3FAD]  }
0x2b: {  	s6 =	sld [smem:$0x3FAE]  }
0x2c: {  	s7 =	sld [smem:$0x3FAF]  }
0x2d: {  	s3 =	simm.s32 $0x108;
	s8 =	sld [smem:$0x3FB0]  }
0x2e: {  	s3 =	simm.s32 @!p0 $0x1082;
	s9 =	sld [smem:$0x3FB1]  }
0x2f: {  	lr =	sadd.s32 s0, s3;
	s0 =	sld [smem:$0x3FA8]  }
0x30: {  	s3 =	sld [smem:$0x3FAB]  }
0x31: {  	[smem:$0x3FB4] =	sst s10  }
0x32: {  	s10 =	sld [smem:$0x3FB2];
	_ =	sdelay $0x3  }
0x33: {  	p0 =	seq.s32 s10, $0x1;
	s10 =	sld [smem:$0x3FB4];
	_ =	sdelay $0x3  }
0x34: {  	[smem:$0x3FB4] =	sst s10  }
0x35: {  	s10 =	sld [smem:$0x3FB3];
	_ =	sdelay $0x3  }
0x36: {  	p1 =	seq.s32 s10, $0x1;
	s10 =	sld [smem:$0x3FB4];
	_ =	sdelay $0x3  }
0x37: {  	[smem:$0x3FB4] =	sst s10  }
0x38: {  	s10 =	sld [smem:$0x3FB5]  }
0x39: {  	_ = 	snop;
	(pc) =	sbr.ind lr, $3  }
0x3a: {  	_ = 	snop  }
0x3b: {  	_ = 	snop  }
0x3c: {  	p2 =	seq.s32 s10, $0x1;
	s10 =	sld [smem:$0x3FB4]  }
0x3d: {  	_ =	shalt  }
0x3e: {  	_ =	shalt  }
0x3f: {  	_ =	shalt  }
0x40: {  	_ =	shalt  }
0x41: {  	_ =	shalt  }
0x42: {  	_ =	shalt  }
0x43: {  	_ =	shalt  }
0x44: {  	_ =	shalt  }
0x45: {  	_ =	shalt  }
0x46: {  	_ =	shalt  }
0x47: {  	_ =	shalt  }
0x48: {  	_ =	shalt  }
0x49: {  	_ =	shalt  }
0x4a: {  	_ =	shalt  }
0x4b: {  	_ =	shalt  }
0x4c: {  	_ =	shalt  }
0x4d: {  	_ =	shalt  }
0x4e: {  	_ =	shalt  }
0x4f: {  	_ =	shalt  }
0x50: {  	_ =	shalt  }
0x51: {  	_ =	shalt  }
0x52: {  	_ =	shalt  }
0x53: {  	_ =	shalt  }
0x54: {  	_ =	shalt  }
0x55: {  	_ =	shalt  }
0x56: {  	_ =	shalt  }
0x57: {  	_ =	shalt  }
0x58: {  	_ =	shalt  }
0x59: {  	_ =	shalt  }
0x5a: {  	_ =	shalt  }
0x5b: {  	_ =	shalt  }
0x5c: {  	_ =	shalt  }
0x5d: {  	_ =	shalt  }
0x5e: {  	_ =	shalt  }
0x5f: {  	_ =	shalt  }
0x60: {  	_ =	shalt  }
0x61: {  	_ =	shalt  }
0x62: {  	_ =	shalt  }
0x63: {  	_ =	shalt  }
0x64: {  	_ =	shalt  }
0x65: {  	_ =	shalt  }
0x66: {  	_ =	shalt  }
0x67: {  	_ =	shalt  }
0x68: {  	_ =	shalt  }
0x69: {  	_ =	shalt  }
0x6a: {  	_ =	shalt  }
0x6b: {  	_ =	shalt  }
0x6c: {  	_ =	shalt  }
0x6d: {  	_ =	shalt  }
0x6e: {  	_ =	shalt  }
0x6f: {  	_ =	shalt  }
0x70: {  	_ =	shalt  }
0x71: {  	_ =	shalt  }
0x72: {  	_ =	shalt  }
0x73: {  	_ =	shalt  }
0x74: {  	_ =	shalt  }
0x75: {  	_ =	shalt  }
0x76: {  	_ =	shalt  }
0x77: {  	_ =	shalt  }
0x78: {  	_ =	shalt  }
0x79: {  	_ =	shalt  }
0x7a: {  	_ =	shalt  }
0x7b: {  	_ =	shalt  }
0x7c: {  	_ =	shalt  }
0x7d: {  	_ =	shalt  }
0x7e: {  	_ =	shalt  }
0x7f: {  	_ =	shalt  }
0x80: {  	_ =	shalt  }
0x81: {  	_ =	shalt  }
0x82: {  	_ =	shalt  }
0x83: {  	_ =	shalt  }
0x84: {  	_ =	shalt  }
0x85: {  	_ =	shalt  }
0x86: {  	_ =	shalt  }
0x87: {  	_ =	shalt  }
.Lfunc_end0:
.L_simem_size_0:
called_computation_lowered:
.L_overlay_start_0:
0x88: {  	s2 =	sld [smem:$0x3FD9]  }
0x89: {  	s3 =	sld [smem:$0x3FFE];
	_ =	sdelay $0x1  }
0x8a: {  	s1 =	srdreg.scid  }
0x8b: {  	s0 =	sand.u32 $0x1, s1  }
0x8c: {  	s17 =	sshll.u32 s0, $0xA;
	s2 =	sadd.s32 s3, s2  }
0x8d: {  	s2 =	sadd.s32 s2, s17  }
0x8e: {  	[smem:$0x3FC0] =	sst s2  }
0x8f: {  	_ = 	snop  }
0x90: {  	s2 =	sld [smem:$0x3FD0];
	(tm) =	ssettm $0x1  }
0x91: {  	s18 =	sld [smem:$0x3FFB];
	_ =	sdelay $0x3  }
0x92: {  	_ =	strace s18  }
0x93: {  	s3 =	sld [smem:$0x3FFC];
	_ =	sdelay $0x3  }
0x94: {  	_ =	strace s3  }
0x95: {  	s3 =	sld [smem:$0x3FFD];
	_ =	sdelay $0x3  }
0x96: {  	_ =	strace s3  }
0x97: {  	_ =	strace $0x8FFFFFFF  }
0x98: {  	s19 =	sld [smem:$0x3FDB];
	_ =	sdelay $0x1  }
0x99: {  	s4 =	simm.s32 $_scs_section_size  }
0x9a: {  	s5 =	simm.s32 $_size__tile_overlayer_lowered;
	s6 =	simm.s32 $_tile_overlayer_lowered  }
0x9b: {  	s22 =	simm.s32 $0x1BFF;
	s21 =	sshll.u32 s6, $0x1;
	s3 =	sadd.s32 s4, s19  }
0x9c: {  	s7 =	simm.s32 $0x0;
	s20 =	sshll.u32 s5, $0x1;
	s5 =	sadd.s32 s21, s3  }
0x9d: {  	[timem:s7], [sflag:s22] =	dma.local [hbm:s5], s20  }
0x9e: {  	_ =	swait.ge [sflag:s22], s20  }
0x9f: {  	s4 =	ssub.s32 $0x0, s20;
	[sflag:s22] =	ssyncset.done $0x0  }
0xa0: {  	[sflag:s22] =	ssyncadd.s32 s4;
	_ =	sdelay $0x1  }
0xa1: {  	s23 =	simm.s32 $0x1B8B  }
0xa2: {  	_ =	swait.ge [sflag:s23], $0x1  }
0xa3: {  	[sflag:s23] =	ssyncset.done $0x0  }
0xa4: {  	s25 =	simm.s32 $0x1B8E;
	s24 =	sld [smem:$0x3FFE];
	[sflag:s23] =	ssyncadd.s32 $0xFFFFFFFF  }
0xa5: {  	s26 =	simm.s32 $execute0_lowered;
	[smem:$0x3FD2] =	sst s25  }
0xa6: {  	s5 =	sshll.u32 s26, $0x1;
	_ =	strace $0x80000046;
	[dreg:$0x1] =	wrdreg $0xFFFFFFFF  }
0xa7: {  	s28 =	simm.s32 $_size_execute0_lowered;
	s3 =	sadd.s32 s3, s5;
	[dreg:$0x0] =	wrdreg $0x0  }
0xa8: {  	s5 =	sshll.u32 s28, $0x1;
	[dreg:$0x2] =	wrdreg s3  }
0xa9: {  	[dreg:$0x3] =	wrdreg s5  }
0xaa: {  	[dreg:$0x4] =	wrdreg $0xC0  }
0xab: {  	_ =	task [dreg:s7], $0x5FFFF  }
0xac: {  	[dreg:$0x1] =	wrdreg $0xFFFFFFFF  }
0xad: {  	[dreg:$0x0] =	wrdreg $0x60  }
0xae: {  	[dreg:$0x2] =	wrdreg s24  }
0xaf: {  	[dreg:$0x3] =	wrdreg s2  }
0xb0: {  	[dreg:$0x4] =	wrdreg $0x30000  }
0xb1: {  	[dreg:$0x5] =	wrdreg $0x9  }
0xb2: {  	_ =	task.clear_ibuf [dreg:s7], $0x6FFFF;
	_ =	strace $0x90000046  }
0xb3: {  	s29 =	simm.s32 $0x9;
	_ =	strace $0x80000048  }
0xb4: {  	_ =	swait.ge [sflag:s29], $0x1  }
0xb5: {  	[sflag:s29] =	ssyncadd.s32 $0xFFFFFFFF  }
0xb6: {  	_ =	strace $0x90000048  }
0xb7: {  	_ =	sfence  }
0xb8: {  	s30 =	sld [smem:$0x0];
	_ =	sdelay $0x2  }
0xb9: {  	s31 =	sshll.u32 s1, $0xD;
	s1 =	sshrl.u32 s1, $0x2  }
0xba: {  	s3 =	sand.u32 $0x4000, s31;
	s1 =	sadd.s32 s1, s30  }
0xbb: {  	s0 =	sor.u32 s3, s0;
	s1 =	sshll.u32 s1, $0x11  }
0xbc: {  	s0 =	sor.u32 s1, s0  }
0xbd: {  	s0 =	sadd.s32 $0x8F2B, s0  }
0xbe: {  	[sflag:s0] =	ssyncadd.remote.s32 $0x1  }
0xbf: {  	_ =	sfence.sel $0xFFFF  }
0xc0: {  	[dreg:$0x0] =	wrdreg $0xFFFFFFFF;
	(pc) =	sbr.abs _section_cstart, $3  }
0xc1: {  	[dreg:$0x1] =	wrdreg $0xFFFFFFFF  }
0xc2: {  	_ =	task.clear_ibuf [dreg:s7], $0x2FFFF;
	_ =	strace $0x9FFFFFFF  }
0xc3: {  	(tm) =	ssettm $0x7FFFFFFF  }
tec
execute0_lowered:
.L_overlay_start_1:
0x0: {  	(tag) =	ssettag $0x1  }
0x1: {  	s6 =	rddreg [dreg:$0x0]  }
0x2: {  	s2 =	rddreg [dreg:$0x1]  }
0x3: {  	s0 =	srdreg.scid;
	s3 =	rddreg [dreg:$0x2]  }
0x4: {  	s1 =	stileid.u32;
	s4 =	simm.s32 $0x0;
	s12 =	simm.s32 $0x2800  }
0x5: {  	s13 =	simm.s32 $0x80;
	s5 =	sand.u32 $0x1, s0;
	s0 =	rddreg [dreg:$0x3]  }
0x6: {  	s14 =	simm.s32 $0x0;
	s8 =	smul.u32 $0x2800, s1;
	[smem:$0x7FF] =	sst s4  }
0x7: {  	s31 =	sshll.u32 s1, $0x6;
	s7 =	sshll.u32 s5, $0x4;
	s9 =	smul.u32 $0x28000, s5  }
0x8: {  	_ =	strace $0x80000047;
	s10 =	ssub.s32 $0x2, s5;
	s7 =	sor.u32 s1, s7  }
0x9: {  	s5 =	sadd.s32 $0xC000, s6;
	s7 =	smul.u32 $0x500, s7;
	s9 =	sadd.s32 s8, s9  }
0xa: {  	s30 =	sshrl.u32 s10, $0x1;
	s11 =	sadd.s32 s8, s3;
	s9 =	sshrl.u32 s9, $0x3  }
0xb: {  	s10 =	ssub.s32 s10, s30;
	s7 =	sadd.s32 s7, s6;
	s9 =	sadd.s32 s9, s6  }
0xc: {  	s6 =	sor.u32 $0x1C01, s31;
	s7 =	sadd.s32 $0x2000, s7;
	s8 =	sadd.s32 $0xC200, s9  }
0xd: {  	s9 =	smax.u32 s10, $0x1;
	s10 =	sshrl.u32 s11, $0x3;
	s11 =	simm.s32 $0x1  }
.LBB2_1:
0xe: {  	[spmem:s10], [sflag:s6] =	dma.local [hbm:s2], $0x500  }
0xf: {  	_ =	swait.ge [sflag:s11], $0x500  }
0x10: {  	[sflag:s11] =	ssyncset.done $0x0  }
0x11: {  	[sflag:s11] =	ssyncadd.s32 $0xFFFFFB00  }
0x12: {  	[tilespmem:s4], [sflag:$0x1] =	stream.linear.gather [hbm4b:s7+s4], $0x2800, $0x38;
	[tilespmem:$0x5800] =	vst v63  }
0x13: {  	_ =	swait.ge [sflag:s11], $0x2800  }
0x14: {  	[sflag:s11] =	ssyncset.done $0x0  }
0x15: {  	[sflag:s11] =	ssyncadd.s32 $0xFFFFD800  }
0x16: {  	[tilespmem:s12], [sflag:$0x1] =	stream.linear.gather [hbm4b:s5+s4], $0x800, $0x38;
	[tilespmem:$0x5800] =	vst v63  }
0x17: {  	_ =	swait.ge [sflag:s11], $0x800  }
0x18: {  	[sflag:s11] =	ssyncset.done $0x0  }
0x19: {  	[sflag:s11] =	ssyncadd.s32 $0xFFFFF800  }
0x1a: {  	s15 =	simm.s32 $0x0;
	[bflag:$0x0] =	sbarrier.arrive $0xFFFF  }
0x1b: {  	[spmem:s3] =	stream.indirect.scatter.add.f32 [tilespmem:s12], [sflag:$0x1], $0x10, s15, s13, $0xb8;
	[tilespmem:$0x5800] =	vst v63  }
0x1c: {  	_ =	swait.ge [sflag:s11], $0x800  }
0x1d: {  	s15 =	simm.s32 $0x200;
	[sflag:s11] =	ssyncset.done $0x0  }
.LBB2_2:
0x1e: {  	s16 =	sshra.s32 s15, $0x2;
	[sflag:s11] =	ssyncadd.s32 $0xFFFFF800;
	p0 =	sne.s32 s15, $0x9E00  }
0x1f: {  	[spmem:s3] =	stream.indirect.scatter.add.f32 [tilespmem:s12], [sflag:$0x1], $0x10, s16, s13, $0xb8;
	[tilespmem:$0x5800] =	vst v63  }
.Ltmp0:
0x20: {  	_ = 	snop;
	(pc) =	sbr.rel @p0 .LBB2_2-.Ltmp0, $4  }
0x21: {  	_ = 	snop  }
0x22: {  	s15 =	sadd.s32 $0x200, s15  }
0x23: {  	_ =	swait.ge [sflag:s11], $0x800  }
0x24: {  	[sflag:s11] =	ssyncset.done $0x0  }
0x25: {  	s14 =	sadd.s32 $0x1, s14  }
0x26: {  	[sflag:s11] =	ssyncadd.s32 $0xFFFFF800;
	p0 =	sne.s32 s14, s9  }
.Ltmp1:
0x27: {  	[bflag:$0x0] =	sbarrier.arrive $0xFFFF;
	(pc) =	sbr.rel @p0 .LBB2_1-.Ltmp1, $4  }
0x28: {  	[hbm:s8], [sflag:s6] =	dma.local [spmem:s10], $0x500  }
0x29: {  	_ =	swait.ge [sflag:s11], $0x500  }
0x2a: {  	[sflag:s11] =	ssyncset.done $0x0  }
0x2b: {  	[sflag:s11] =	ssyncadd.s32 $0xFFFFFB00  }
0x2c: {  	_ =	sfence.sel $0x180000  }
0x2d: {  	[bflag:$0x0] =	sbarrier.arrive $0xFFFF  }
0x2e: {  	p0 =	sne.s32 s1, $0x0;
	_ =	strace $0x90000047  }
0x2f: {  	s0 =	sadd.s32 @!p0 $0x100000, s0;
	[bflag:$0x2] =	sbarrier.arrive $0xFFFF  }
0x30: {  	[sflag:s0] =	ssyncadd.tile.s32 @!p0 $0x1;
	_ =	shalt  }
.Lfunc_end2:
_tile_overlayer_lowered:
.L_overlay_start_2:
0x31: {  	(tag) =	ssettag $0x2  }
0x32: {  	s0 =	rddreg [dreg:$0x0];
	s2 =	stileid.u32  }
0x33: {  	s1 =	rddreg [dreg:$0x1];
	p0 =	sne.s32 s2, $0x0  }
0x34: {  	s3 =	rddreg [dreg:$0x2];
	[bflag:$0x3] =	sbarrier.arrive $0xFFFF;
	s2 =	simm.s32 @!p0 $0x1C01  }
0x35: {  	[timem:s3], [sflag:s2] =	dma.local @!p0 [hbm:s0], s1  }
0x36: {  	s0 =	simm.s32 @!p0 $0x1  }
0x37: {  	_ =	swait.ge @!p0 [sflag:s0], s1  }
0x38: {  	s1 =	ssub.s32 @!p0 $0x0, s1;
	[sflag:s0] =	ssyncset.done @!p0 $0x0  }
0x39: {  	[sflag:s0] =	ssyncadd.s32 @!p0 s1  }
0x3a: {  	[bflag:$0x3] =	sbarrier.arrive $0xFFFF  }
0x3b: {  	_ =	shalt  }

// kernel: kernel.13.cloned.1.call-start
scs
__scs_entry_jumppad:
0x0: {  	(pc) =	sbr.rel $0x88, $3  }
0x1: {  	(tag) =	ssettag $0x0;
	lr =	simm.s32 $0x1  }
0x2: {  	[smem:$0x3F99] =	sst lr;
	_ =	strace $0xD0000000  }
0x3: {  	_ = 	snop  }
0x4: {  	_ = 	snop  }
0x5: {  	_ = 	snop  }
0x6: {  	_ = 	snop  }
0x7: {  	_ = 	snop  }
__scs_overlays_trampoline_lowered:
0x8: {  	[smem:$0x3FA8] =	sst s0  }
0x9: {  	[smem:$0x3FA9] =	sst s1  }
0xa: {  	[smem:$0x3FAA] =	sst s2  }
0xb: {  	[smem:$0x3FAB] =	sst s3  }
0xc: {  	[smem:$0x3FAC] =	sst s4  }
0xd: {  	[smem:$0x3FAD] =	sst s5  }
0xe: {  	[smem:$0x3FAE] =	sst s6  }
0xf: {  	[smem:$0x3FAF] =	sst s7  }
0x10: {  	[smem:$0x3FB0] =	sst s8  }
0x11: {  	[smem:$0x3FB1] =	sst s9;
	s0 =	simm.s32 @!p0 $0x0  }
0x12: {  	s1 =	sld [smem:$0x3F97];
	s0 =	simm.s32 @p0 $0x1  }
0x13: {  	[smem:$0x3FB2] =	sst s0;
	s0 =	simm.s32 @!p1 $0x0  }
0x14: {  	s2 =	sld [smem:$0x3F96];
	s0 =	simm.s32 @p1 $0x1  }
0x15: {  	[smem:$0x3FB3] =	sst s0;
	s0 =	simm.s32 @!p2 $0x0  }
0x16: {  	s3 =	sld [smem:$0x3FDB];
	s0 =	simm.s32 @p2 $0x1  }
0x17: {  	s4 =	simm.s32 $0x1BF5;
	[smem:$0x3FB5] =	sst s0  }
0x18: {  	s0 =	sld [smem:$0x3F98];
	_ =	swait.ge [sflag:s4], $0x0  }
0x19: {  	s7 =	sld [smem:$0x3F99]  }
0x1a: {  	s8 =	sadd.s32 $0xFFFFE003, lr  }
0x1b: {  	s9 =	sadd.s32 $0xFFFFFEF7, lr;
	s5 =	simm.s32 $0xFFFFFFFF;
	p2 =	slt.u32 s8, $0xFFFFF086  }
0x1c: {  	p1 =	slt.u32 s9, $0xF7A;
	s5 =	simm.s32 @!p2 $0x0  }
0x1d: {  	s5 =	simm.s32 @p1 $0x1;
	p0 =	seq.s32 s7, s2  }
0x1e: {  	s7 =	smul.u32 @!p0 $0xF7A, s2;
	p2 =	seq.s32 @!p0 s5, $0x0  }
0x1f: {  	s9 =	smul.u32 $0xF7A, s1;
	s8 =	simm.s32 @!p0 $0x1BF5;
	p2 =	por !p2, p0  }
0x20: {  	[sflag:s8] =	ssyncset.s32 @!p0 $0xFFFFF086;
	s6 =	sadd.s32 @!p0 s3, s7;
	s7 =	simm.s32 @!p0 $0x108  }
0x21: {  	s3 =	sadd.s32 s3, s9;
	s6 =	sadd.s32 @!p0 $0x88, s6;
	s7 =	simm.s32 @p2 $0x1082  }
0x22: {  	[simem:s7], [sflag:s8] =	dma.local @!p0 [hbm:s6], $0xF7A  }
0x23: {  	s9 =	sor.u32 $0xD0000000, s2;
	s6 =	simm.s32 $0x108;
	_ =	swait.ge @!p0 [sflag:s8], $0x0  }
0x24: {  	s3 =	sadd.s32 $0x88, s3;
	s6 =	simm.s32 @!p1 $0x1082;
	[sflag:s4] =	ssyncset.s32 $0xFFFFF086  }
0x25: {  	[simem:s6], [sflag:s4] =	dma.local [hbm:s3], $0xF7A  }
0x26: {  	[smem:$0x3F99] =	sst s1;
	(tag) =	ssettag s2;
	_ =	strace s9  }
0x27: {  	s1 =	sld [smem:$0x3FA9]  }
0x28: {  	s2 =	sld [smem:$0x3FAA]  }
0x29: {  	s4 =	sld [smem:$0x3FAC]  }
0x2a: {  	p0 =	seq.s32 s5, $0x0;
	s5 =	sld [smem:$0x3FAD]  }
0x2b: {  	s6 =	sld [smem:$0x3FAE]  }
0x2c: {  	s7 =	sld [smem:$0x3FAF]  }
0x2d: {  	s3 =	simm.s32 $0x108;
	s8 =	sld [smem:$0x3FB0]  }
0x2e: {  	s3 =	simm.s32 @!p0 $0x1082;
	s9 =	sld [smem:$0x3FB1]  }
0x2f: {  	lr =	sadd.s32 s0, s3;
	s0 =	sld [smem:$0x3FA8]  }
0x30: {  	s3 =	sld [smem:$0x3FAB]  }
0x31: {  	[smem:$0x3FB4] =	sst s10  }
0x32: {  	s10 =	sld [smem:$0x3FB2];
	_ =	sdelay $0x3  }
0x33: {  	p0 =	seq.s32 s10, $0x1;
	s10 =	sld [smem:$0x3FB4];
	_ =	sdelay $0x3  }
0x34: {  	[smem:$0x3FB4] =	sst s10  }
0x35: {  	s10 =	sld [smem:$0x3FB3];
	_ =	sdelay $0x3  }
0x36: {  	p1 =	seq.s32 s10, $0x1;
	s10 =	sld [smem:$0x3FB4];
	_ =	sdelay $0x3  }
0x37: {  	[smem:$0x3FB4] =	sst s10  }
0x38: {  	s10 =	sld [smem:$0x3FB5]  }
0x39: {  	_ = 	snop;
	(pc) =	sbr.ind lr, $3  }
0x3a: {  	_ = 	snop  }
0x3b: {  	_ = 	snop  }
0x3c: {  	p2 =	seq.s32 s10, $0x1;
	s10 =	sld [smem:$0x3FB4]  }
0x3d: {  	_ =	shalt  }
0x3e: {  	_ =	shalt  }
0x3f: {  	_ =	shalt  }
0x40: {  	_ =	shalt  }
0x41: {  	_ =	shalt  }
0x42: {  	_ =	shalt  }
0x43: {  	_ =	shalt  }
0x44: {  	_ =	shalt  }
0x45: {  	_ =	shalt  }
0x46: {  	_ =	shalt  }
0x47: {  	_ =	shalt  }
0x48: {  	_ =	shalt  }
0x49: {  	_ =	shalt  }
0x4a: {  	_ =	shalt  }
0x4b: {  	_ =	shalt  }
0x4c: {  	_ =	shalt  }
0x4d: {  	_ =	shalt  }
0x4e: {  	_ =	shalt  }
0x4f: {  	_ =	shalt  }
0x50: {  	_ =	shalt  }
0x51: {  	_ =	shalt  }
0x52: {  	_ =	shalt  }
0x53: {  	_ =	shalt  }
0x54: {  	_ =	shalt  }
0x55: {  	_ =	shalt  }
0x56: {  	_ =	shalt  }
0x57: {  	_ =	shalt  }
0x58: {  	_ =	shalt  }
0x59: {  	_ =	shalt  }
0x5a: {  	_ =	shalt  }
0x5b: {  	_ =	shalt  }
0x5c: {  	_ =	shalt  }
0x5d: {  	_ =	shalt  }
0x5e: {  	_ =	shalt  }
0x5f: {  	_ =	shalt  }
0x60: {  	_ =	shalt  }
0x61: {  	_ =	shalt  }
0x62: {  	_ =	shalt  }
0x63: {  	_ =	shalt  }
0x64: {  	_ =	shalt  }
0x65: {  	_ =	shalt  }
0x66: {  	_ =	shalt  }
0x67: {  	_ =	shalt  }
0x68: {  	_ =	shalt  }
0x69: {  	_ =	shalt  }
0x6a: {  	_ =	shalt  }
0x6b: {  	_ =	shalt  }
0x6c: {  	_ =	shalt  }
0x6d: {  	_ =	shalt  }
0x6e: {  	_ =	shalt  }
0x6f: {  	_ =	shalt  }
0x70: {  	_ =	shalt  }
0x71: {  	_ =	shalt  }
0x72: {  	_ =	shalt  }
0x73: {  	_ =	shalt  }
0x74: {  	_ =	shalt  }
0x75: {  	_ =	shalt  }
0x76: {  	_ =	shalt  }
0x77: {  	_ =	shalt  }
0x78: {  	_ =	shalt  }
0x79: {  	_ =	shalt  }
0x7a: {  	_ =	shalt  }
0x7b: {  	_ =	shalt  }
0x7c: {  	_ =	shalt  }
0x7d: {  	_ =	shalt  }
0x7e: {  	_ =	shalt  }
0x7f: {  	_ =	shalt  }
0x80: {  	_ =	shalt  }
0x81: {  	_ =	shalt  }
0x82: {  	_ =	shalt  }
0x83: {  	_ =	shalt  }
0x84: {  	_ =	shalt  }
0x85: {  	_ =	shalt  }
0x86: {  	_ =	shalt  }
0x87: {  	_ =	shalt  }
.Lfunc_end0:
.L_simem_size_0:
called_computation.1_lowered:
.L_overlay_start_0:
0x88: {  	s2 =	sld [smem:$0x3FD9]  }
0x89: {  	s3 =	sld [smem:$0x3FFE];
	_ =	sdelay $0x1  }
0x8a: {  	s1 =	srdreg.scid  }
0x8b: {  	s0 =	sand.u32 $0x1, s1  }
0x8c: {  	s16 =	sshll.u32 s0, $0xA;
	s2 =	sadd.s32 s3, s2  }
0x8d: {  	s2 =	sadd.s32 s2, s16  }
0x8e: {  	[smem:$0x3FC0] =	sst s2  }
0x8f: {  	_ = 	snop  }
0x90: {  	(tm) =	ssettm $0x1  }
0x91: {  	s17 =	sld [smem:$0x3FFB];
	_ =	sdelay $0x3  }
0x92: {  	_ =	strace s17  }
0x93: {  	s2 =	sld [smem:$0x3FFC];
	_ =	sdelay $0x3  }
0x94: {  	_ =	strace s2  }
0x95: {  	s2 =	sld [smem:$0x3FFD];
	_ =	sdelay $0x3  }
0x96: {  	_ =	strace s2  }
0x97: {  	_ =	strace $0x8FFFFFFF  }
0x98: {  	s18 =	sld [smem:$0x3FDB];
	_ =	sdelay $0x1  }
0x99: {  	s19 =	simm.s32 $_scs_section_size  }
0x9a: {  	s4 =	simm.s32 $_size__tile_overlayer_lowered;
	s5 =	simm.s32 $_tile_overlayer_lowered  }
0x9b: {  	s22 =	simm.s32 $0x1BFF;
	s21 =	sshll.u32 s5, $0x1;
	s2 =	sadd.s32 s19, s18  }
0x9c: {  	s6 =	simm.s32 $0x0;
	s20 =	sshll.u32 s4, $0x1;
	s4 =	sadd.s32 s21, s2  }
0x9d: {  	[timem:s6], [sflag:s22] =	dma.local [hbm:s4], s20  }
0x9e: {  	_ =	swait.ge [sflag:s22], s20  }
0x9f: {  	s3 =	ssub.s32 $0x0, s20;
	[sflag:s22] =	ssyncset.done $0x0  }
0xa0: {  	[sflag:s22] =	ssyncadd.s32 s3;
	_ =	sdelay $0x1  }
0xa1: {  	s23 =	simm.s32 $0x1B8B  }
0xa2: {  	_ =	swait.ge [sflag:s23], $0x1  }
0xa3: {  	[sflag:s23] =	ssyncset.done $0x0  }
0xa4: {  	s25 =	simm.s32 $0x1B8E;
	s24 =	sld [smem:$0x3FFE];
	[sflag:s23] =	ssyncadd.s32 $0xFFFFFFFF  }
0xa5: {  	s26 =	simm.s32 $execute0_lowered;
	[smem:$0x3FD2] =	sst s25  }
0xa6: {  	s4 =	sshll.u32 s26, $0x1;
	_ =	strace $0x80000049;
	[dreg:$0x1] =	wrdreg $0xFFFFFFFF  }
0xa7: {  	s28 =	simm.s32 $_size_execute0_lowered;
	s2 =	sadd.s32 s2, s4;
	[dreg:$0x0] =	wrdreg $0x0  }
0xa8: {  	s4 =	sshll.u32 s28, $0x1;
	[dreg:$0x2] =	wrdreg s2  }
0xa9: {  	[dreg:$0x3] =	wrdreg s4  }
0xaa: {  	[dreg:$0x4] =	wrdreg $0xC0  }
0xab: {  	_ =	task [dreg:s6], $0x5FFFF  }
0xac: {  	[dreg:$0x1] =	wrdreg $0xFFFFFFFF  }
0xad: {  	[dreg:$0x0] =	wrdreg $0x60  }
0xae: {  	[dreg:$0x2] =	wrdreg s24  }
0xaf: {  	[dreg:$0x3] =	wrdreg $0x170000  }
0xb0: {  	[dreg:$0x4] =	wrdreg $0x120000  }
0xb1: {  	[dreg:$0x5] =	wrdreg $0x9  }
0xb2: {  	_ =	task.clear_ibuf [dreg:s6], $0x6FFFF;
	_ =	strace $0x90000049  }
0xb3: {  	s29 =	simm.s32 $0x9;
	_ =	strace $0x8000004B  }
0xb4: {  	_ =	swait.ge [sflag:s29], $0x1  }
0xb5: {  	[sflag:s29] =	ssyncadd.s32 $0xFFFFFFFF  }
0xb6: {  	_ =	strace $0x9000004B  }
0xb7: {  	_ =	sfence  }
0xb8: {  	s30 =	sld [smem:$0x0];
	_ =	sdelay $0x2  }
0xb9: {  	s31 =	sshll.u32 s1, $0xD;
	s1 =	sshrl.u32 s1, $0x2  }
0xba: {  	s3 =	sand.u32 $0x4000, s31;
	s1 =	sadd.s32 s1, s30  }
0xbb: {  	s0 =	sor.u32 s3, s0;
	s1 =	sshll.u32 s1, $0x11  }
0xbc: {  	s0 =	sor.u32 s1, s0  }
0xbd: {  	s0 =	sadd.s32 $0x8F2B, s0  }
0xbe: {  	[sflag:s0] =	ssyncadd.remote.s32 $0x1  }
0xbf: {  	_ =	sfence.sel $0xFFFF  }
0xc0: {  	[dreg:$0x0] =	wrdreg $0xFFFFFFFF;
	(pc) =	sbr.abs _section_cstart, $3  }
0xc1: {  	[dreg:$0x1] =	wrdreg $0xFFFFFFFF  }
0xc2: {  	_ =	task.clear_ibuf [dreg:s6], $0x2FFFF;
	_ =	strace $0x9FFFFFFF  }
0xc3: {  	(tm) =	ssettm $0x7FFFFFFF  }
tec
execute0_lowered:
.L_overlay_start_1:
0x0: {  	(tag) =	ssettag $0x1  }
0x1: {  	s0 =	rddreg [dreg:$0x0]  }
0x2: {  	s2 =	rddreg [dreg:$0x1]  }
0x3: {  	s3 =	rddreg [dreg:$0x2];
	s9 =	stileid.u32  }
0x4: {  	s5 =	srdreg.scid;
	s4 =	simm.s32 $0x0;
	s13 =	simm.s32 $0x9  }
0x5: {  	s16 =	simm.s32 $0x80;
	s17 =	simm.s32 $0xA000;
	s20 =	simm.s32 $0xC000  }
0x6: {  	s24 =	simm.s32 $0xE000;
	s29 =	simm.s32 $0x10000;
	s31 =	simm.s32 $0x11000  }
0x7: {  	s15 =	simm.s32 $0x5;
	s18 =	simm.s32 $0x7;
	s19 =	simm.s32 $0x8  }
0x8: {  	s21 =	simm.s32 $0x0;
	s1 =	smul.u32 $0xA00, s9;
	s5 =	sand.u32 $0x1, s5  }
0x9: {  	s7 =	smul.u32 $0x5000, s9;
	[smem:$0x7FF] =	sst s4;
	s8 =	sadd.s32 $0xC000, s0  }
0xa: {  	s26 =	sshll.u32 s9, $0x6;
	s6 =	smul.u32 $0x50000, s5;
	_ =	strace $0x8000004A  }
0xb: {  	s5 =	ssub.s32 $0x2, s5;
	[dreg:$0x4] =	wrdreg s8;
	s1 =	sadd.s32 s1, s0  }
0xc: {  	s25 =	sshrl.u32 s5, $0x1;
	s12 =	sadd.s32 s7, s2;
	s6 =	sadd.s32 s7, s6  }
0xd: {  	s5 =	ssub.s32 s5, s25;
	s7 =	sadd.s32 s7, s3;
	s30 =	sadd.s32 $0x16200, s1  }
.Ltmp0:
0xe: {  	s1 =	sadd.s32 $0x2000, s1;
	[dreg:$0x6] =	wrdreg s30;
	(pc) =	sbr.rel .LBB2_1-.Ltmp0, $4  }
0xf: {  	s12 =	sshrl.u32 s12, $0x3;
	s6 =	sshrl.u32 s6, $0x3;
	[dreg:$0x7] =	wrdreg s1  }
0x10: {  	s11 =	smax.u32 s5, $0x1;
	s14 =	sshrl.u32 s7, $0x3;
	s0 =	sadd.s32 s6, s0  }
0x11: {  	s1 =	simm.s32 $0x3;
	s6 =	sor.u32 $0x1C09, s26;
	s28 =	sadd.s32 $0x70200, s0  }
0x12: {  	s10 =	sadd.s32 $0x84200, s0;
	s0 =	simm.s32 $0x1;
	[dreg:$0x5] =	wrdreg s28  }
.LBB2_4:
0x13: {  	_ =	swait.ge [sflag:s19], $0x1000  }
0x14: {  	[sflag:s19] =	ssyncset.done $0x0  }
0x15: {  	[sflag:s19] =	ssyncadd.s32 $0xFFFFF000  }
0x16: {  	[spmem:s2] =	stream.indirect.scatter.add.f32 [tilespmem:s31], [sflag:$0x9], $0x20, s5, s16, $0xb8;
	[tilespmem:$0x1C000] =	vst v63  }
0x17: {  	_ =	swait.ge [sflag:s13], $0x1000  }
0x18: {  	s21 =	sadd.s32 $0x1, s21;
	[sflag:s13] =	ssyncset.done $0x0  }
0x19: {  	p0 =	sne.s32 s21, s11;
	[sflag:s13] =	ssyncadd.s32 $0xFFFFF000  }
.Ltmp1:
0x1a: {  	[bflag:$0x0] =	sbarrier.arrive $0xFFFF;
	(pc) =	sbr.rel @!p0 .LBB2_5-.Ltmp1, $4  }
0x1b: {  	[hbm:s10], [sflag:s6] =	dma.local [spmem:s12], $0xA00  }
0x1c: {  	_ =	swait.ge [sflag:s13], $0xA00  }
0x1d: {  	[sflag:s13] =	ssyncset.done $0x0  }
0x1e: {  	[sflag:s13] =	ssyncadd.s32 $0xFFFFF600  }
.LBB2_1:
0x1f: {  	s5 =	rddreg [dreg:$0x4]  }
0x20: {  	[spmem:s12], [sflag:s6] =	dma.local [hbm:s5], $0xA00  }
0x21: {  	_ =	swait.ge [sflag:s13], $0xA00  }
0x22: {  	[sflag:s13] =	ssyncset.done $0x0  }
0x23: {  	s26 =	rddreg [dreg:$0x5];
	[sflag:s13] =	ssyncadd.s32 $0xFFFFF600  }
0x24: {  	[spmem:s14], [sflag:s6] =	dma.local [hbm:s26], $0xA00  }
0x25: {  	_ =	swait.ge [sflag:s13], $0xA00  }
0x26: {  	[sflag:s13] =	ssyncset.done $0x0  }
0x27: {  	s28 =	rddreg [dreg:$0x6];
	[sflag:s13] =	ssyncadd.s32 $0xFFFFF600  }
0x28: {  	[tilespmem:s4], [sflag:$0x9] =	stream.linear.gather [hbm4b:s28+s4], $0x5000, $0x38;
	[tilespmem:$0x1C000] =	vst v63  }
0x29: {  	_ =	swait.ge [sflag:s13], $0x5000  }
0x2a: {  	[sflag:s13] =	ssyncset.done $0x0  }
0x2b: {  	s7 =	simm.s32 $0x5000;
	s30 =	rddreg [dreg:$0x7];
	[sflag:s13] =	ssyncadd.s32 $0xFFFFB000  }
0x2c: {  	[tilespmem:s7], [sflag:$0x9] =	stream.linear.gather [hbm4b:s30+s4], $0x5000, $0x38;
	[tilespmem:$0x1C000] =	vst v63  }
0x2d: {  	_ =	swait.ge [sflag:s13], $0x5000  }
0x2e: {  	[sflag:s13] =	ssyncset.done $0x0  }
0x2f: {  	[sflag:s13] =	ssyncadd.s32 $0xFFFFB000  }
0x30: {  	[bflag:$0x0] =	sbarrier.arrive $0xFFFF  }
0x31: {  	[tilespmem:s17], [sflag:$0x1] =	stream.indirect.gather [spmem:s3], $0x20, s4, s16, $0xb8;
	[tilespmem:$0x1C000] =	vst v63  }
0x32: {  	s7 =	simm.s32 $0xB000  }
0x33: {  	[tilespmem:s7], [sflag:$0x2] =	stream.indirect.gather [spmem:s3], $0x20, s16, s16, $0xb8;
	[tilespmem:$0x1C000] =	vst v63  }
0x34: {  	s8 =	simm.s32 $0x100  }
0x35: {  	[tilespmem:s20], [sflag:$0x3] =	stream.indirect.gather [spmem:s3], $0x20, s8, s16, $0xb8;
	[tilespmem:$0x1C000] =	vst v63  }
0x36: {  	s9 =	simm.s32 $0x180;
	s22 =	simm.s32 $0xD000  }
0x37: {  	[tilespmem:s22], [sflag:$0x4] =	stream.indirect.gather [spmem:s3], $0x20, s9, s16, $0xb8;
	[tilespmem:$0x1C000] =	vst v63  }
0x38: {  	s23 =	simm.s32 $0x200  }
0x39: {  	[tilespmem:s24], [sflag:$0x5] =	stream.indirect.gather [spmem:s3], $0x20, s23, s16, $0xb8;
	[tilespmem:$0x1C000] =	vst v63  }
0x3a: {  	s25 =	simm.s32 $0x280;
	s26 =	simm.s32 $0xF000  }
0x3b: {  	[tilespmem:s26], [sflag:$0x6] =	stream.indirect.gather [spmem:s3], $0x20, s25, s16, $0xb8;
	[tilespmem:$0x1C000] =	vst v63  }
0x3c: {  	s28 =	simm.s32 $0x300  }
0x3d: {  	[tilespmem:s29], [sflag:$0x7] =	stream.indirect.gather [spmem:s3], $0x20, s28, s16, $0xb8;
	[tilespmem:$0x1C000] =	vst v63  }
0x3e: {  	s30 =	simm.s32 $0x380;
	s22 =	simm.s32 $0x0  }
0x3f: {  	[tilespmem:s31], [sflag:$0x8] =	stream.indirect.gather [spmem:s3], $0x20, s30, s16, $0xb8;
	[tilespmem:$0x1C000] =	vst v63  }
.LBB2_2:
0x40: {  	_ =	swait.ge [sflag:s0], $0x1000  }
0x41: {  	s23 =	sshra.s32 s22, $0x2;
	[sflag:s0] =	ssyncset.done $0x0  }
0x42: {  	s5 =	sadd.s32 $0x5000, s23;
	[sflag:s0] =	ssyncadd.s32 $0xFFFFF000  }
0x43: {  	[spmem:s2] =	stream.indirect.scatter.add.f32 [tilespmem:s17], [sflag:$0x9], $0x20, s5, s16, $0xb8;
	[tilespmem:$0x1C000] =	vst v63  }
0x44: {  	_ =	swait.ge [sflag:s13], $0x1000  }
0x45: {  	p0 =	seq.s32 s22, $0x13000;
	[sflag:s13] =	ssyncset.done $0x0  }
0x46: {  	s5 =	simm.s32 @p0 $0x2;
	[sflag:s13] =	ssyncadd.s32 $0xFFFFF000  }
0x47: {  	_ =	swait.ge @p0 [sflag:s5], $0x1000  }
0x48: {  	s28 =	sshra.s32 @p0 s22, $0x2;
	s30 =	simm.s32 @p0 $0x80;
	[sflag:s5] =	ssyncset.done @p0 $0x0  }
0x49: {  	s7 =	simm.s32 @p0 $0xB000;
	[sflag:s5] =	ssyncadd.s32 @p0 $0xFFFFF000;
	s5 =	sadd.s32 @p0 $0x5080, s28  }
0x4a: {  	[spmem:s2] =	stream.indirect.scatter.add.f32 @p0 [tilespmem:s7], [sflag:$0x9], $0x20, s5, s30, $0xb8;
	[tilespmem:$0x1C000] =	vst v63  }
0x4b: {  	s5 =	simm.s32 @p0 $0x9  }
0x4c: {  	_ =	swait.ge @p0 [sflag:s5], $0x1000  }
0x4d: {  	s25 =	sshra.s32 @!p0 s22, $0x2;
	s26 =	simm.s32 @!p0 $0x80;
	[sflag:s5] =	ssyncset.done @p0 $0x0  }
0x4e: {  	s8 =	simm.s32 @!p0 $0xA000;
	s7 =	sadd.s32 @!p0 $0x400, s25;
	[sflag:s5] =	ssyncadd.s32 @p0 $0xFFFFF000  }
0x4f: {  	[tilespmem:s8], [sflag:$0x1] =	stream.indirect.gather @!p0 [spmem:s3], $0x20, s7, s26, $0xb8;
	[tilespmem:$0x1C000] =	vst v63  }
0x50: {  	s7 =	simm.s32 @!p0 $0x2  }
0x51: {  	_ =	swait.ge @!p0 [sflag:s7], $0x1000  }
0x52: {  	[sflag:s7] =	ssyncset.done @!p0 $0x0  }
0x53: {  	s8 =	simm.s32 @!p0 $0xB000;
	[sflag:s7] =	ssyncadd.s32 @!p0 $0xFFFFF000;
	s7 =	sadd.s32 @!p0 $0x5080, s25  }
0x54: {  	[spmem:s2] =	stream.indirect.scatter.add.f32 @!p0 [tilespmem:s8], [sflag:$0x9], $0x20, s7, s26, $0xb8;
	[tilespmem:$0x1C000] =	vst v63  }
0x55: {  	s7 =	simm.s32 @!p0 $0x9  }
0x56: {  	_ =	swait.ge @!p0 [sflag:s7], $0x1000  }
0x57: {  	[sflag:s7] =	ssyncset.done @!p0 $0x0  }
0x58: {  	s9 =	sadd.s32 @!p0 $0x480, s25;
	[sflag:s7] =	ssyncadd.s32 @!p0 $0xFFFFF000  }
0x59: {  	[tilespmem:s8], [sflag:$0x2] =	stream.indirect.gather @!p0 [spmem:s3], $0x20, s9, s26, $0xb8;
	[tilespmem:$0x1C000] =	vst v63  }
0x5a: {  	_ =	swait.ge [sflag:s1], $0x1000  }
0x5b: {  	[sflag:s1] =	ssyncset.done $0x0  }
0x5c: {  	s9 =	sadd.s32 $0x5100, s23;
	[sflag:s1] =	ssyncadd.s32 $0xFFFFF000  }
0x5d: {  	[spmem:s2] =	stream.indirect.scatter.add.f32 [tilespmem:s20], [sflag:$0x9], $0x20, s9, s16, $0xb8;
	[tilespmem:$0x1C000] =	vst v63  }
0x5e: {  	_ =	swait.ge [sflag:s13], $0x1000  }
0x5f: {  	[sflag:s13] =	ssyncset.done $0x0  }
0x60: {  	s8 =	simm.s32 @p0 $0x4;
	[sflag:s13] =	ssyncadd.s32 $0xFFFFF000  }
0x61: {  	_ =	swait.ge @p0 [sflag:s8], $0x1000  }
0x62: {  	[sflag:s8] =	ssyncset.done @p0 $0x0  }
0x63: {  	s9 =	simm.s32 @p0 $0xD000;
	[sflag:s8] =	ssyncadd.s32 @p0 $0xFFFFF000;
	s8 =	sadd.s32 @p0 $0x5180, s28  }
0x64: {  	[spmem:s2] =	stream.indirect.scatter.add.f32 @p0 [tilespmem:s9], [sflag:$0x9], $0x20, s8, s30, $0xb8;
	[tilespmem:$0x1C000] =	vst v63  }
0x65: {  	_ =	swait.ge @p0 [sflag:s5], $0x1000  }
0x66: {  	[sflag:s5] =	ssyncset.done @p0 $0x0  }
0x67: {  	s8 =	sadd.s32 @!p0 $0x500, s25;
	s9 =	simm.s32 @!p0 $0xC000;
	[sflag:s5] =	ssyncadd.s32 @p0 $0xFFFFF000  }
0x68: {  	[tilespmem:s9], [sflag:$0x3] =	stream.indirect.gather @!p0 [spmem:s3], $0x20, s8, s26, $0xb8;
	[tilespmem:$0x1C000] =	vst v63  }
0x69: {  	s8 =	simm.s32 @!p0 $0x4  }
0x6a: {  	_ =	swait.ge @!p0 [sflag:s8], $0x1000  }
0x6b: {  	[sflag:s8] =	ssyncset.done @!p0 $0x0  }
0x6c: {  	s9 =	simm.s32 @!p0 $0xD000;
	[sflag:s8] =	ssyncadd.s32 @!p0 $0xFFFFF000;
	s8 =	sadd.s32 @!p0 $0x5180, s25  }
0x6d: {  	[spmem:s2] =	stream.indirect.scatter.add.f32 @!p0 [tilespmem:s9], [sflag:$0x9], $0x20, s8, s26, $0xb8;
	[tilespmem:$0x1C000] =	vst v63  }
0x6e: {  	_ =	swait.ge @!p0 [sflag:s7], $0x1000  }
0x6f: {  	[sflag:s7] =	ssyncset.done @!p0 $0x0  }
0x70: {  	s8 =	sadd.s32 @!p0 $0x580, s25;
	[sflag:s7] =	ssyncadd.s32 @!p0 $0xFFFFF000  }
0x71: {  	[tilespmem:s9], [sflag:$0x4] =	stream.indirect.gather @!p0 [spmem:s3], $0x20, s8, s26, $0xb8;
	[tilespmem:$0x1C000] =	vst v63  }
0x72: {  	_ =	swait.ge [sflag:s15], $0x1000  }
0x73: {  	[sflag:s15] =	ssyncset.done $0x0  }
0x74: {  	s9 =	sadd.s32 $0x5200, s23;
	[sflag:s15] =	ssyncadd.s32 $0xFFFFF000  }
0x75: {  	[spmem:s2] =	stream.indirect.scatter.add.f32 [tilespmem:s24], [sflag:$0x9], $0x20, s9, s16, $0xb8;
	[tilespmem:$0x1C000] =	vst v63  }
0x76: {  	_ =	swait.ge [sflag:s13], $0x1000  }
0x77: {  	[sflag:s13] =	ssyncset.done $0x0  }
0x78: {  	s8 =	simm.s32 @p0 $0x6;
	[sflag:s13] =	ssyncadd.s32 $0xFFFFF000  }
0x79: {  	_ =	swait.ge @p0 [sflag:s8], $0x1000  }
0x7a: {  	[sflag:s8] =	ssyncset.done @p0 $0x0  }
0x7b: {  	s9 =	simm.s32 @p0 $0xF000;
	[sflag:s8] =	ssyncadd.s32 @p0 $0xFFFFF000;
	s8 =	sadd.s32 @p0 $0x5280, s28  }
0x7c: {  	[spmem:s2] =	stream.indirect.scatter.add.f32 @p0 [tilespmem:s9], [sflag:$0x9], $0x20, s8, s30, $0xb8;
	[tilespmem:$0x1C000] =	vst v63  }
0x7d: {  	_ =	swait.ge @p0 [sflag:s5], $0x1000  }
0x7e: {  	[sflag:s5] =	ssyncset.done @p0 $0x0  }
0x7f: {  	s8 =	simm.s32 @!p0 $0xE000;
	[sflag:s5] =	ssyncadd.s32 @p0 $0xFFFFF000;
	s5 =	sadd.s32 @!p0 $0x600, s25  }
0x80: {  	[tilespmem:s8], [sflag:$0x5] =	stream.indirect.gather @!p0 [spmem:s3], $0x20, s5, s26, $0xb8;
	[tilespmem:$0x1C000] =	vst v63  }
0x81: {  	s5 =	simm.s32 @!p0 $0x6  }
0x82: {  	_ =	swait.ge @!p0 [sflag:s5], $0x1000  }
0x83: {  	[sflag:s5] =	ssyncset.done @!p0 $0x0  }
0x84: {  	s8 =	simm.s32 @!p0 $0xF000;
	[sflag:s5] =	ssyncadd.s32 @!p0 $0xFFFFF000;
	s5 =	sadd.s32 @!p0 $0x5280, s25  }
0x85: {  	[spmem:s2] =	stream.indirect.scatter.add.f32 @!p0 [tilespmem:s8], [sflag:$0x9], $0x20, s5, s26, $0xb8;
	[tilespmem:$0x1C000] =	vst v63  }
0x86: {  	_ =	swait.ge @!p0 [sflag:s7], $0x1000  }
0x87: {  	[sflag:s7] =	ssyncset.done @!p0 $0x0  }
0x88: {  	s5 =	sadd.s32 @!p0 $0x680, s25;
	[sflag:s7] =	ssyncadd.s32 @!p0 $0xFFFFF000  }
0x89: {  	[tilespmem:s8], [sflag:$0x6] =	stream.indirect.gather @!p0 [spmem:s3], $0x20, s5, s26, $0xb8;
	[tilespmem:$0x1C000] =	vst v63  }
0x8a: {  	_ =	swait.ge [sflag:s18], $0x1000  }
0x8b: {  	[sflag:s18] =	ssyncset.done $0x0  }
.Ltmp2:
0x8c: {  	s30 =	sadd.s32 $0x5300, s23;
	[sflag:s18] =	ssyncadd.s32 $0xFFFFF000;
	(pc) =	sbr.rel @p0 .LBB2_4-.Ltmp2, $4  }
0x8d: {  	[spmem:s2] =	stream.indirect.scatter.add.f32 [tilespmem:s29], [sflag:$0x9], $0x20, s30, s16, $0xb8;
	[tilespmem:$0x1C000] =	vst v63  }
0x8e: {  	_ =	swait.ge [sflag:s13], $0x1000  }
0x8f: {  	[sflag:s13] =	ssyncset.done $0x0  }
0x90: {  	s5 =	sadd.s32 $0x5380, s23;
	[sflag:s13] =	ssyncadd.s32 $0xFFFFF000  }
0x91: {  	s7 =	sadd.s32 $0x700, s23  }
0x92: {  	[tilespmem:s29], [sflag:$0x7] =	stream.indirect.gather [spmem:s3], $0x20, s7, s16, $0xb8;
	[tilespmem:$0x1C000] =	vst v63  }
0x93: {  	_ =	swait.ge [sflag:s19], $0x1000  }
0x94: {  	[sflag:s19] =	ssyncset.done $0x0  }
0x95: {  	[sflag:s19] =	ssyncadd.s32 $0xFFFFF000  }
0x96: {  	[spmem:s2] =	stream.indirect.scatter.add.f32 [tilespmem:s31], [sflag:$0x9], $0x20, s5, s16, $0xb8;
	[tilespmem:$0x1C000] =	vst v63  }
.Ltmp3:
0x97: {  	_ = 	snop;
	(pc) =	sbr.rel .LBB2_2-.Ltmp3, $4  }
0x98: {  	_ =	swait.ge [sflag:s13], $0x1000  }
0x99: {  	[sflag:s13] =	ssyncset.done $0x0  }
0x9a: {  	s30 =	sadd.s32 $0x780, s23;
	s22 =	sadd.s32 $0x1000, s22;
	[sflag:s13] =	ssyncadd.s32 $0xFFFFF000  }
0x9b: {  	[tilespmem:s31], [sflag:$0x8] =	stream.indirect.gather [spmem:s3], $0x20, s30, s16, $0xb8;
	[tilespmem:$0x1C000] =	vst v63  }
.LBB2_5:
0x9c: {  	_ =	sfence.sel $0x180000  }
0x9d: {  	[bflag:$0x0] =	sbarrier.arrive $0xFFFF  }
0x9e: {  	_ =	strace $0x9000004A  }
0x9f: {  	s0 =	stileid.u32;
	[bflag:$0x2] =	sbarrier.arrive $0xFFFF  }
0xa0: {  	p0 =	sne.s32 s0, $0x0;
	s0 =	rddreg [dreg:$0x3]  }
0xa1: {  	s0 =	sadd.s32 @!p0 $0x100000, s0  }
0xa2: {  	[sflag:s0] =	ssyncadd.tile.s32 @!p0 $0x1;
	_ =	shalt  }
.Lfunc_end2:
_tile_overlayer_lowered:
.L_overlay_start_2:
0xa3: {  	(tag) =	ssettag $0x2  }
0xa4: {  	s0 =	rddreg [dreg:$0x0];
	s2 =	stileid.u32  }
0xa5: {  	s1 =	rddreg [dreg:$0x1];
	p0 =	sne.s32 s2, $0x0  }
0xa6: {  	s3 =	rddreg [dreg:$0x2];
	[bflag:$0x3] =	sbarrier.arrive $0xFFFF;
	s2 =	simm.s32 @!p0 $0x1C09  }
0xa7: {  	[timem:s3], [sflag:s2] =	dma.local @!p0 [hbm:s0], s1  }
0xa8: {  	s0 =	simm.s32 @!p0 $0x9  }
0xa9: {  	_ =	swait.ge @!p0 [sflag:s0], s1  }
0xaa: {  	s1 =	ssub.s32 @!p0 $0x0, s1;
	[sflag:s0] =	ssyncset.done @!p0 $0x0  }
0xab: {  	[sflag:s0] =	ssyncadd.s32 @!p0 s1  }
0xac: {  	[bflag:$0x3] =	sbarrier.arrive $0xFFFF  }
0xad: {  	_ =	shalt  }

// kernel: kernel.16.cloned.1.call-start
scs
__scs_entry_jumppad:
0x0: {  	(pc) =	sbr.rel $0x88, $3  }
0x1: {  	(tag) =	ssettag $0x0;
	lr =	simm.s32 $0x1  }
0x2: {  	[smem:$0x3F99] =	sst lr;
	_ =	strace $0xD0000000  }
0x3: {  	_ = 	snop  }
0x4: {  	_ = 	snop  }
0x5: {  	_ = 	snop  }
0x6: {  	_ = 	snop  }
0x7: {  	_ = 	snop  }
__scs_overlays_trampoline_lowered:
0x8: {  	[smem:$0x3FA8] =	sst s0  }
0x9: {  	[smem:$0x3FA9] =	sst s1  }
0xa: {  	[smem:$0x3FAA] =	sst s2  }
0xb: {  	[smem:$0x3FAB] =	sst s3  }
0xc: {  	[smem:$0x3FAC] =	sst s4  }
0xd: {  	[smem:$0x3FAD] =	sst s5  }
0xe: {  	[smem:$0x3FAE] =	sst s6  }
0xf: {  	[smem:$0x3FAF] =	sst s7  }
0x10: {  	[smem:$0x3FB0] =	sst s8  }
0x11: {  	[smem:$0x3FB1] =	sst s9;
	s0 =	simm.s32 @!p0 $0x0  }
0x12: {  	s1 =	sld [smem:$0x3F97];
	s0 =	simm.s32 @p0 $0x1  }
0x13: {  	[smem:$0x3FB2] =	sst s0;
	s0 =	simm.s32 @!p1 $0x0  }
0x14: {  	s2 =	sld [smem:$0x3F96];
	s0 =	simm.s32 @p1 $0x1  }
0x15: {  	[smem:$0x3FB3] =	sst s0;
	s0 =	simm.s32 @!p2 $0x0  }
0x16: {  	s3 =	sld [smem:$0x3FDB];
	s0 =	simm.s32 @p2 $0x1  }
0x17: {  	s4 =	simm.s32 $0x1BF5;
	[smem:$0x3FB5] =	sst s0  }
0x18: {  	s0 =	sld [smem:$0x3F98];
	_ =	swait.ge [sflag:s4], $0x0  }
0x19: {  	s7 =	sld [smem:$0x3F99]  }
0x1a: {  	s8 =	sadd.s32 $0xFFFFE003, lr  }
0x1b: {  	s9 =	sadd.s32 $0xFFFFFEF7, lr;
	s5 =	simm.s32 $0xFFFFFFFF;
	p2 =	slt.u32 s8, $0xFFFFF086  }
0x1c: {  	p1 =	slt.u32 s9, $0xF7A;
	s5 =	simm.s32 @!p2 $0x0  }
0x1d: {  	s5 =	simm.s32 @p1 $0x1;
	p0 =	seq.s32 s7, s2  }
0x1e: {  	s7 =	smul.u32 @!p0 $0xF7A, s2;
	p2 =	seq.s32 @!p0 s5, $0x0  }
0x1f: {  	s9 =	smul.u32 $0xF7A, s1;
	s8 =	simm.s32 @!p0 $0x1BF5;
	p2 =	por !p2, p0  }
0x20: {  	[sflag:s8] =	ssyncset.s32 @!p0 $0xFFFFF086;
	s6 =	sadd.s32 @!p0 s3, s7;
	s7 =	simm.s32 @!p0 $0x108  }
0x21: {  	s3 =	sadd.s32 s3, s9;
	s6 =	sadd.s32 @!p0 $0x88, s6;
	s7 =	simm.s32 @p2 $0x1082  }
0x22: {  	[simem:s7], [sflag:s8] =	dma.local @!p0 [hbm:s6], $0xF7A  }
0x23: {  	s9 =	sor.u32 $0xD0000000, s2;
	s6 =	simm.s32 $0x108;
	_ =	swait.ge @!p0 [sflag:s8], $0x0  }
0x24: {  	s3 =	sadd.s32 $0x88, s3;
	s6 =	simm.s32 @!p1 $0x1082;
	[sflag:s4] =	ssyncset.s32 $0xFFFFF086  }
0x25: {  	[simem:s6], [sflag:s4] =	dma.local [hbm:s3], $0xF7A  }
0x26: {  	[smem:$0x3F99] =	sst s1;
	(tag) =	ssettag s2;
	_ =	strace s9  }
0x27: {  	s1 =	sld [smem:$0x3FA9]  }
0x28: {  	s2 =	sld [smem:$0x3FAA]  }
0x29: {  	s4 =	sld [smem:$0x3FAC]  }
0x2a: {  	p0 =	seq.s32 s5, $0x0;
	s5 =	sld [smem:$0x3FAD]  }
0x2b: {  	s6 =	sld [smem:$0x3FAE]  }
0x2c: {  	s7 =	sld [smem:$0x3FAF]  }
0x2d: {  	s3 =	simm.s32 $0x108;
	s8 =	sld [smem:$0x3FB0]  }
0x2e: {  	s3 =	simm.s32 @!p0 $0x1082;
	s9 =	sld [smem:$0x3FB1]  }
0x2f: {  	lr =	sadd.s32 s0, s3;
	s0 =	sld [smem:$0x3FA8]  }
0x30: {  	s3 =	sld [smem:$0x3FAB]  }
0x31: {  	[smem:$0x3FB4] =	sst s10  }
0x32: {  	s10 =	sld [smem:$0x3FB2];
	_ =	sdelay $0x3  }
0x33: {  	p0 =	seq.s32 s10, $0x1;
	s10 =	sld [smem:$0x3FB4];
	_ =	sdelay $0x3  }
0x34: {  	[smem:$0x3FB4] =	sst s10  }
0x35: {  	s10 =	sld [smem:$0x3FB3];
	_ =	sdelay $0x3  }
0x36: {  	p1 =	seq.s32 s10, $0x1;
	s10 =	sld [smem:$0x3FB4];
	_ =	sdelay $0x3  }
0x37: {  	[smem:$0x3FB4] =	sst s10  }
0x38: {  	s10 =	sld [smem:$0x3FB5]  }
0x39: {  	_ = 	snop;
	(pc) =	sbr.ind lr, $3  }
0x3a: {  	_ = 	snop  }
0x3b: {  	_ = 	snop  }
0x3c: {  	p2 =	seq.s32 s10, $0x1;
	s10 =	sld [smem:$0x3FB4]  }
0x3d: {  	_ =	shalt  }
0x3e: {  	_ =	shalt  }
0x3f: {  	_ =	shalt  }
0x40: {  	_ =	shalt  }
0x41: {  	_ =	shalt  }
0x42: {  	_ =	shalt  }
0x43: {  	_ =	shalt  }
0x44: {  	_ =	shalt  }
0x45: {  	_ =	shalt  }
0x46: {  	_ =	shalt  }
0x47: {  	_ =	shalt  }
0x48: {  	_ =	shalt  }
0x49: {  	_ =	shalt  }
0x4a: {  	_ =	shalt  }
0x4b: {  	_ =	shalt  }
0x4c: {  	_ =	shalt  }
0x4d: {  	_ =	shalt  }
0x4e: {  	_ =	shalt  }
0x4f: {  	_ =	shalt  }
0x50: {  	_ =	shalt  }
0x51: {  	_ =	shalt  }
0x52: {  	_ =	shalt  }
0x53: {  	_ =	shalt  }
0x54: {  	_ =	shalt  }
0x55: {  	_ =	shalt  }
0x56: {  	_ =	shalt  }
0x57: {  	_ =	shalt  }
0x58: {  	_ =	shalt  }
0x59: {  	_ =	shalt  }
0x5a: {  	_ =	shalt  }
0x5b: {  	_ =	shalt  }
0x5c: {  	_ =	shalt  }
0x5d: {  	_ =	shalt  }
0x5e: {  	_ =	shalt  }
0x5f: {  	_ =	shalt  }
0x60: {  	_ =	shalt  }
0x61: {  	_ =	shalt  }
0x62: {  	_ =	shalt  }
0x63: {  	_ =	shalt  }
0x64: {  	_ =	shalt  }
0x65: {  	_ =	shalt  }
0x66: {  	_ =	shalt  }
0x67: {  	_ =	shalt  }
0x68: {  	_ =	shalt  }
0x69: {  	_ =	shalt  }
0x6a: {  	_ =	shalt  }
0x6b: {  	_ =	shalt  }
0x6c: {  	_ =	shalt  }
0x6d: {  	_ =	shalt  }
0x6e: {  	_ =	shalt  }
0x6f: {  	_ =	shalt  }
0x70: {  	_ =	shalt  }
0x71: {  	_ =	shalt  }
0x72: {  	_ =	shalt  }
0x73: {  	_ =	shalt  }
0x74: {  	_ =	shalt  }
0x75: {  	_ =	shalt  }
0x76: {  	_ =	shalt  }
0x77: {  	_ =	shalt  }
0x78: {  	_ =	shalt  }
0x79: {  	_ =	shalt  }
0x7a: {  	_ =	shalt  }
0x7b: {  	_ =	shalt  }
0x7c: {  	_ =	shalt  }
0x7d: {  	_ =	shalt  }
0x7e: {  	_ =	shalt  }
0x7f: {  	_ =	shalt  }
0x80: {  	_ =	shalt  }
0x81: {  	_ =	shalt  }
0x82: {  	_ =	shalt  }
0x83: {  	_ =	shalt  }
0x84: {  	_ =	shalt  }
0x85: {  	_ =	shalt  }
0x86: {  	_ =	shalt  }
0x87: {  	_ =	shalt  }
.Lfunc_end0:
.L_simem_size_0:
called_computation.2_lowered:
.L_overlay_start_0:
0x88: {  	s2 =	sld [smem:$0x3FD9]  }
0x89: {  	s3 =	sld [smem:$0x3FFE];
	_ =	sdelay $0x1  }
0x8a: {  	s1 =	srdreg.scid  }
0x8b: {  	s0 =	sand.u32 $0x1, s1  }
0x8c: {  	s17 =	sshll.u32 s0, $0xA;
	s2 =	sadd.s32 s3, s2  }
0x8d: {  	s2 =	sadd.s32 s2, s17  }
0x8e: {  	[smem:$0x3FC0] =	sst s2  }
0x8f: {  	_ = 	snop  }
0x90: {  	s2 =	sld [smem:$0x3FD0];
	(tm) =	ssettm $0x1  }
0x91: {  	s18 =	sld [smem:$0x3FFB];
	_ =	sdelay $0x3  }
0x92: {  	_ =	strace s18  }
0x93: {  	s3 =	sld [smem:$0x3FFC];
	_ =	sdelay $0x3  }
0x94: {  	_ =	strace s3  }
0x95: {  	s3 =	sld [smem:$0x3FFD];
	_ =	sdelay $0x3  }
0x96: {  	_ =	strace s3  }
0x97: {  	_ =	strace $0x8FFFFFFF  }
0x98: {  	s19 =	sld [smem:$0x3FDB];
	_ =	sdelay $0x1  }
0x99: {  	s4 =	simm.s32 $_scs_section_size  }
0x9a: {  	s5 =	simm.s32 $_size__tile_overlayer_lowered;
	s6 =	simm.s32 $_tile_overlayer_lowered  }
0x9b: {  	s22 =	simm.s32 $0x1BFF;
	s21 =	sshll.u32 s6, $0x1;
	s3 =	sadd.s32 s4, s19  }
0x9c: {  	s7 =	simm.s32 $0x0;
	s20 =	sshll.u32 s5, $0x1;
	s5 =	sadd.s32 s21, s3  }
0x9d: {  	[timem:s7], [sflag:s22] =	dma.local [hbm:s5], s20  }
0x9e: {  	_ =	swait.ge [sflag:s22], s20  }
0x9f: {  	s4 =	ssub.s32 $0x0, s20;
	[sflag:s22] =	ssyncset.done $0x0  }
0xa0: {  	[sflag:s22] =	ssyncadd.s32 s4;
	_ =	sdelay $0x1  }
0xa1: {  	s23 =	simm.s32 $0x1B8B  }
0xa2: {  	_ =	swait.ge [sflag:s23], $0x1  }
0xa3: {  	[sflag:s23] =	ssyncset.done $0x0  }
0xa4: {  	s25 =	simm.s32 $0x1B8E;
	s24 =	sld [smem:$0x3FFE];
	[sflag:s23] =	ssyncadd.s32 $0xFFFFFFFF  }
0xa5: {  	s26 =	simm.s32 $execute0_lowered;
	[smem:$0x3FD2] =	sst s25  }
0xa6: {  	s5 =	sshll.u32 s26, $0x1;
	_ =	strace $0x8000004C;
	[dreg:$0x1] =	wrdreg $0xFFFFFFFF  }
0xa7: {  	s28 =	simm.s32 $_size_execute0_lowered;
	s3 =	sadd.s32 s3, s5;
	[dreg:$0x0] =	wrdreg $0x0  }
0xa8: {  	s5 =	sshll.u32 s28, $0x1;
	[dreg:$0x2] =	wrdreg s3  }
0xa9: {  	[dreg:$0x3] =	wrdreg s5  }
0xaa: {  	[dreg:$0x4] =	wrdreg $0xC0  }
0xab: {  	_ =	task [dreg:s7], $0x5FFFF  }
0xac: {  	[dreg:$0x1] =	wrdreg $0xFFFFFFFF  }
0xad: {  	[dreg:$0x0] =	wrdreg $0x60  }
0xae: {  	[dreg:$0x2] =	wrdreg s24  }
0xaf: {  	[dreg:$0x3] =	wrdreg s2  }
0xb0: {  	[dreg:$0x4] =	wrdreg $0xE2800  }
0xb1: {  	[dreg:$0x5] =	wrdreg $0xBA800  }
0xb2: {  	[dreg:$0x6] =	wrdreg $0x9  }
0xb3: {  	_ =	task.clear_ibuf [dreg:s7], $0x7FFFF;
	_ =	strace $0x9000004C  }
0xb4: {  	s29 =	simm.s32 $0x9;
	_ =	strace $0x8000004E  }
0xb5: {  	_ =	swait.ge [sflag:s29], $0x1  }
0xb6: {  	[sflag:s29] =	ssyncadd.s32 $0xFFFFFFFF  }
0xb7: {  	_ =	strace $0x9000004E  }
0xb8: {  	_ =	sfence  }
0xb9: {  	s30 =	sld [smem:$0x0];
	_ =	sdelay $0x2  }
0xba: {  	s31 =	sshll.u32 s1, $0xD;
	s1 =	sshrl.u32 s1, $0x2  }
0xbb: {  	s3 =	sand.u32 $0x4000, s31;
	s1 =	sadd.s32 s1, s30  }
0xbc: {  	s0 =	sor.u32 s3, s0;
	s1 =	sshll.u32 s1, $0x11  }
0xbd: {  	s0 =	sor.u32 s1, s0  }
0xbe: {  	s0 =	sadd.s32 $0x8F2B, s0  }
0xbf: {  	[sflag:s0] =	ssyncadd.remote.s32 $0x1  }
0xc0: {  	_ =	sfence.sel $0xFFFF  }
0xc1: {  	[dreg:$0x0] =	wrdreg $0xFFFFFFFF;
	(pc) =	sbr.abs _section_cstart, $3  }
0xc2: {  	[dreg:$0x1] =	wrdreg $0xFFFFFFFF  }
0xc3: {  	_ =	task.clear_ibuf [dreg:s7], $0x2FFFF;
	_ =	strace $0x9FFFFFFF  }
0xc4: {  	(tm) =	ssettm $0x7FFFFFFF  }
0xc5: {  	_ =	shalt  }
tec
execute0_lowered:
.L_overlay_start_1:
0x0: {  	(tag) =	ssettag $0x1  }
0x1: {  	s0 =	rddreg [dreg:$0x0]  }
0x2: {  	s1 =	srdreg.scid;
	s3 =	rddreg [dreg:$0x2]  }
0x3: {  	s12 =	stileid.u32;
	s4 =	rddreg [dreg:$0x3];
	s5 =	simm.s32 $0x0  }
0x4: {  	s15 =	simm.s32 $0x9;
	s16 =	simm.s32 $0x9000;
	s19 =	simm.s32 $0x80  }
0x5: {  	s20 =	simm.s32 $0x5000;
	s23 =	simm.s32 $0x6000;
	s28 =	simm.s32 $0x7000  }
0x6: {  	s17 =	simm.s32 $0x1;
	s18 =	simm.s32 $0x3;
	s21 =	simm.s32 $0x5  }
0x7: {  	s22 =	simm.s32 $0x7;
	s24 =	simm.s32 $0x8;
	s25 =	simm.s32 $0x0  }
0x8: {  	s1 =	sand.u32 $0x1, s1;
	[smem:$0x7FF] =	sst s5;
	s7 =	smul.u32 $0x2800, s12  }
0x9: {  	s9 =	smul.u32 $0x50, s12;
	s26 =	sshll.u32 s12, $0x6;
	s2 =	sshll.u32 s1, $0x4  }
0xa: {  	_ =	strace $0x8000004D;
	s6 =	smul.u32 $0x28000, s1;
	s10 =	ssub.s32 $0x2, s1  }
0xb: {  	p0 =	sne.s32 s1, $0x0;
	s1 =	simm.s32 $0x8800;
	s2 =	sor.u32 s12, s2  }
0xc: {  	s8 =	sshrl.u32 s7, $0x3;
	s9 =	sadd.s32 s9, s0;
	s11 =	sshrl.u32 s10, $0x1  }
0xd: {  	s14 =	sadd.s32 s7, s3;
	s31 =	sadd.s32 s7, s4;
	s2 =	smul.u32 $0x500, s2  }
0xe: {  	s8 =	sadd.s32 s8, s0;
	s6 =	sadd.s32 s7, s6;
	s13 =	ssub.s32 s10, s11  }
0xf: {  	s30 =	sadd.s32 $0xCA00, s9;
	[dreg:$0x9] =	wrdreg s31;
	s14 =	sshrl.u32 s14, $0x3  }
.Ltmp0:
0x10: {  	s6 =	sshrl.u32 s6, $0x3;
	s8 =	sadd.s32 $0xD000, s8;
	(pc) =	sbr.rel .LBB2_1-.Ltmp0, $4  }
0x11: {  	[dreg:$0x8] =	wrdreg s30;
	s13 =	smax.u32 s13, $0x1;
	s2 =	sadd.s32 s2, s0  }
0x12: {  	s0 =	sadd.s32 s6, s0;
	[dreg:$0x5] =	wrdreg s8;
	s29 =	sadd.s32 $0x16200, s2  }
0x13: {  	s6 =	sor.u32 $0x1C09, s26;
	s2 =	sadd.s32 $0x2000, s2;
	[dreg:$0x6] =	wrdreg s29  }
0x14: {  	s12 =	sadd.s32 $0x20200, s0;
	[dreg:$0x7] =	wrdreg s2;
	s2 =	simm.s32 $0x8000  }
.LBB2_4:
0x15: {  	_ =	swait.ge [sflag:s24], $0x800  }
0x16: {  	[sflag:s24] =	ssyncset.done $0x0  }
0x17: {  	[sflag:s24] =	ssyncadd.s32 $0xFFFFF800  }
0x18: {  	[spmem:s3] =	stream.indirect.scatter.add.f32 [tilespmem:s1], [sflag:$0x9], $0x10, s0, s19, $0xb8;
	[tilespmem:$0x10A80] =	vst v63  }
0x19: {  	_ =	swait.ge [sflag:s15], $0x800  }
0x1a: {  	s25 =	sadd.s32 $0x1, s25;
	[sflag:s15] =	ssyncset.done $0x0  }
0x1b: {  	p1 =	sne.s32 s25, s13;
	[sflag:s15] =	ssyncadd.s32 $0xFFFFF800  }
.Ltmp1:
0x1c: {  	[bflag:$0x0] =	sbarrier.arrive $0xFFFF;
	(pc) =	sbr.rel @!p1 .LBB2_5-.Ltmp1, $4  }
0x1d: {  	[hbm:s12], [sflag:s6] =	dma.local [spmem:s14], $0x500  }
0x1e: {  	_ =	swait.ge [sflag:s15], $0x500  }
0x1f: {  	[sflag:s15] =	ssyncset.done $0x0  }
0x20: {  	[sflag:s15] =	ssyncadd.s32 $0xFFFFFB00  }
.LBB2_1:
0x21: {  	s0 =	rddreg [dreg:$0x1]  }
0x22: {  	[spmem:s14], [sflag:s6] =	dma.local [hbm:s0], $0x500  }
0x23: {  	_ =	swait.ge [sflag:s15], $0x500  }
0x24: {  	[sflag:s15] =	ssyncset.done $0x0  }
0x25: {  	s10 =	rddreg [dreg:$0x5];
	[sflag:s15] =	ssyncadd.s32 $0xFFFFFB00  }
0x26: {  	[tilespmem:s16], [sflag:$0x9] =	stream.linear.gather [hbm4b:s10+s5], $0x2800, $0x38;
	[tilespmem:$0x10A80] =	vst v63  }
0x27: {  	_ =	swait.ge [sflag:s15], $0x2800  }
0x28: {  	[sflag:s15] =	ssyncset.done $0x0  }
0x29: {  	s11 =	rddreg [dreg:$0x6];
	[sflag:s15] =	ssyncadd.s32 $0xFFFFD800  }
0x2a: {  	[tilespmem:s5], [sflag:$0x9] =	stream.linear.gather [hbm4b:s11+s5], $0x2800, $0x38;
	[tilespmem:$0x10A80] =	vst v63  }
0x2b: {  	_ =	swait.ge [sflag:s15], $0x2800  }
0x2c: {  	[sflag:s15] =	ssyncset.done $0x0  }
0x2d: {  	s7 =	simm.s32 $0x2800;
	s26 =	rddreg [dreg:$0x7];
	[sflag:s15] =	ssyncadd.s32 $0xFFFFD800  }
0x2e: {  	[tilespmem:s7], [sflag:$0x9] =	stream.linear.gather [hbm4b:s26+s5], $0x2800, $0x38;
	[tilespmem:$0x10A80] =	vst v63  }
0x2f: {  	_ =	swait.ge [sflag:s15], $0x2800  }
0x30: {  	[sflag:s15] =	ssyncset.done $0x0  }
0x31: {  	s30 =	simm.s32 $0xB800;
	s29 =	rddreg [dreg:$0x8];
	[sflag:s15] =	ssyncadd.s32 $0xFFFFD800  }
0x32: {  	[tilespmem:s30], [sflag:$0x9] =	stream.linear.gather [hbm4b:s29+s5], $0x280, $0x38;
	[tilespmem:$0x10A80] =	vst v63  }
0x33: {  	_ =	swait.ge [sflag:s15], $0x280  }
0x34: {  	[sflag:s15] =	ssyncset.done $0x0  }
0x35: {  	s31 =	rddreg [dreg:$0x9];
	[sflag:s15] =	ssyncadd.s32 $0xFFFFFD80  }
0x36: {  	[spmem:s31] =	stream.linear.scatter [tilespmem:s16], [sflag:$0x9], $0x2800, $0x38;
	[tilespmem:$0x10A80] =	vst v63  }
0x37: {  	_ =	swait.ge [sflag:s15], $0x2800  }
0x38: {  	s8 =	simm.s32 @!p0 $0x9000;
	[sflag:s15] =	ssyncset.done $0x0  }
0x39: {  	s0 =	simm.s32 @!p0 $0x80;
	s7 =	simm.s32 @!p0 $0xB800;
	[sflag:s15] =	ssyncadd.s32 $0xFFFFD800  }
0x3a: {  	[spmem:s3] =	stream.indirect.scatter.add.f32 @!p0 [tilespmem:s8], [sflag:$0x9], $0x10, s7, s0, $0xb8;
	[tilespmem:$0x10A80] =	vst v63  }
0x3b: {  	s7 =	simm.s32 @!p0 $0x9  }
0x3c: {  	_ =	swait.ge @!p0 [sflag:s7], $0x800  }
0x3d: {  	[sflag:s7] =	ssyncset.done @!p0 $0x0  }
0x3e: {  	s9 =	simm.s32 @!p0 $0x9800;
	s8 =	simm.s32 @!p0 $0xB880;
	[sflag:s7] =	ssyncadd.s32 @!p0 $0xFFFFF800  }
0x3f: {  	[spmem:s3] =	stream.indirect.scatter.add.f32 @!p0 [tilespmem:s9], [sflag:$0x9], $0x10, s8, s0, $0xb8;
	[tilespmem:$0x10A80] =	vst v63  }
0x40: {  	_ =	swait.ge @!p0 [sflag:s7], $0x800  }
0x41: {  	[sflag:s7] =	ssyncset.done @!p0 $0x0  }
0x42: {  	s8 =	simm.s32 @!p0 $0xB900;
	s9 =	simm.s32 @!p0 $0xA000;
	[sflag:s7] =	ssyncadd.s32 @!p0 $0xFFFFF800  }
0x43: {  	[spmem:s3] =	stream.indirect.scatter.add.f32 @!p0 [tilespmem:s9], [sflag:$0x9], $0x10, s8, s0, $0xb8;
	[tilespmem:$0x10A80] =	vst v63  }
0x44: {  	_ =	swait.ge @!p0 [sflag:s7], $0x800  }
0x45: {  	[sflag:s7] =	ssyncset.done @!p0 $0x0  }
0x46: {  	s8 =	simm.s32 @!p0 $0xB980;
	s9 =	simm.s32 @!p0 $0xA800;
	[sflag:s7] =	ssyncadd.s32 @!p0 $0xFFFFF800  }
0x47: {  	[spmem:s3] =	stream.indirect.scatter.add.f32 @!p0 [tilespmem:s9], [sflag:$0x9], $0x10, s8, s0, $0xb8;
	[tilespmem:$0x10A80] =	vst v63  }
0x48: {  	_ =	swait.ge @!p0 [sflag:s7], $0x800  }
0x49: {  	[sflag:s7] =	ssyncset.done @!p0 $0x0  }
0x4a: {  	s8 =	simm.s32 @!p0 $0xBA00;
	s9 =	simm.s32 @!p0 $0xB000;
	[sflag:s7] =	ssyncadd.s32 @!p0 $0xFFFFF800  }
0x4b: {  	[spmem:s3] =	stream.indirect.scatter.add.f32 @!p0 [tilespmem:s9], [sflag:$0x9], $0x10, s8, s0, $0xb8;
	[tilespmem:$0x10A80] =	vst v63  }
0x4c: {  	_ =	swait.ge @!p0 [sflag:s7], $0x800  }
0x4d: {  	[sflag:s7] =	ssyncset.done @!p0 $0x0  }
0x4e: {  	[sflag:s7] =	ssyncadd.s32 @!p0 $0xFFFFF800  }
0x4f: {  	[bflag:$0x0] =	sbarrier.arrive $0xFFFF  }
0x50: {  	[tilespmem:s20], [sflag:$0x1] =	stream.indirect.gather [spmem:s4], $0x10, s5, s19, $0xb8;
	[tilespmem:$0x10A80] =	vst v63  }
0x51: {  	s7 =	simm.s32 $0x5800  }
0x52: {  	[tilespmem:s7], [sflag:$0x2] =	stream.indirect.gather [spmem:s4], $0x10, s19, s19, $0xb8;
	[tilespmem:$0x10A80] =	vst v63  }
0x53: {  	s8 =	simm.s32 $0x100  }
0x54: {  	[tilespmem:s23], [sflag:$0x3] =	stream.indirect.gather [spmem:s4], $0x10, s8, s19, $0xb8;
	[tilespmem:$0x10A80] =	vst v63  }
0x55: {  	s10 =	simm.s32 $0x6800;
	s9 =	simm.s32 $0x180  }
0x56: {  	[tilespmem:s10], [sflag:$0x4] =	stream.indirect.gather [spmem:s4], $0x10, s9, s19, $0xb8;
	[tilespmem:$0x10A80] =	vst v63  }
0x57: {  	s11 =	simm.s32 $0x200  }
0x58: {  	[tilespmem:s28], [sflag:$0x5] =	stream.indirect.gather [spmem:s4], $0x10, s11, s19, $0xb8;
	[tilespmem:$0x10A80] =	vst v63  }
0x59: {  	s26 =	simm.s32 $0x280;
	s29 =	simm.s32 $0x7800  }
0x5a: {  	[tilespmem:s29], [sflag:$0x6] =	stream.indirect.gather [spmem:s4], $0x10, s26, s19, $0xb8;
	[tilespmem:$0x10A80] =	vst v63  }
0x5b: {  	s30 =	simm.s32 $0x300  }
0x5c: {  	[tilespmem:s2], [sflag:$0x7] =	stream.indirect.gather [spmem:s4], $0x10, s30, s19, $0xb8;
	[tilespmem:$0x10A80] =	vst v63  }
0x5d: {  	s31 =	simm.s32 $0x380;
	s26 =	simm.s32 $0x0  }
0x5e: {  	[tilespmem:s1], [sflag:$0x8] =	stream.indirect.gather [spmem:s4], $0x10, s31, s19, $0xb8;
	[tilespmem:$0x10A80] =	vst v63  }
.LBB2_2:
0x5f: {  	_ =	swait.ge [sflag:s17], $0x800  }
0x60: {  	s29 =	sshra.s32 s26, $0x2;
	[sflag:s17] =	ssyncset.done $0x0  }
0x61: {  	s0 =	sadd.s32 $0x2800, s29;
	[sflag:s17] =	ssyncadd.s32 $0xFFFFF800  }
0x62: {  	[spmem:s3] =	stream.indirect.scatter.add.f32 [tilespmem:s20], [sflag:$0x9], $0x10, s0, s19, $0xb8;
	[tilespmem:$0x10A80] =	vst v63  }
0x63: {  	_ =	swait.ge [sflag:s15], $0x800  }
0x64: {  	p1 =	seq.s32 s26, $0x9000;
	[sflag:s15] =	ssyncset.done $0x0  }
0x65: {  	s0 =	simm.s32 @p1 $0x2;
	[sflag:s15] =	ssyncadd.s32 $0xFFFFF800  }
0x66: {  	_ =	swait.ge @p1 [sflag:s0], $0x800  }
0x67: {  	[sflag:s0] =	ssyncset.done @p1 $0x0  }
0x68: {  	[sflag:s0] =	ssyncadd.s32 @p1 $0xFFFFF800;
	s0 =	sshra.s32 @p1 s26, $0x2  }
0x69: {  	s7 =	simm.s32 @p1 $0x80;
	s9 =	simm.s32 @p1 $0x5800;
	s8 =	sadd.s32 @p1 $0x2880, s0  }
0x6a: {  	[spmem:s3] =	stream.indirect.scatter.add.f32 @p1 [tilespmem:s9], [sflag:$0x9], $0x10, s8, s7, $0xb8;
	[tilespmem:$0x10A80] =	vst v63  }
0x6b: {  	s8 =	simm.s32 @p1 $0x9  }
0x6c: {  	_ =	swait.ge @p1 [sflag:s8], $0x800  }
0x6d: {  	s30 =	sshra.s32 @!p1 s26, $0x2;
	s31 =	simm.s32 @!p1 $0x80;
	[sflag:s8] =	ssyncset.done @p1 $0x0  }
0x6e: {  	s10 =	simm.s32 @!p1 $0x5000;
	s9 =	sadd.s32 @!p1 $0x400, s30;
	[sflag:s8] =	ssyncadd.s32 @p1 $0xFFFFF800  }
0x6f: {  	[tilespmem:s10], [sflag:$0x1] =	stream.indirect.gather @!p1 [spmem:s4], $0x10, s9, s31, $0xb8;
	[tilespmem:$0x10A80] =	vst v63  }
0x70: {  	s9 =	simm.s32 @!p1 $0x2  }
0x71: {  	_ =	swait.ge @!p1 [sflag:s9], $0x800  }
0x72: {  	[sflag:s9] =	ssyncset.done @!p1 $0x0  }
0x73: {  	s10 =	simm.s32 @!p1 $0x5800;
	[sflag:s9] =	ssyncadd.s32 @!p1 $0xFFFFF800;
	s9 =	sadd.s32 @!p1 $0x2880, s30  }
0x74: {  	[spmem:s3] =	stream.indirect.scatter.add.f32 @!p1 [tilespmem:s10], [sflag:$0x9], $0x10, s9, s31, $0xb8;
	[tilespmem:$0x10A80] =	vst v63  }
0x75: {  	s9 =	simm.s32 @!p1 $0x9  }
0x76: {  	_ =	swait.ge @!p1 [sflag:s9], $0x800  }
0x77: {  	[sflag:s9] =	ssyncset.done @!p1 $0x0  }
0x78: {  	s11 =	sadd.s32 @!p1 $0x480, s30;
	[sflag:s9] =	ssyncadd.s32 @!p1 $0xFFFFF800  }
0x79: {  	[tilespmem:s10], [sflag:$0x2] =	stream.indirect.gather @!p1 [spmem:s4], $0x10, s11, s31, $0xb8;
	[tilespmem:$0x10A80] =	vst v63  }
0x7a: {  	_ =	swait.ge [sflag:s18], $0x800  }
0x7b: {  	[sflag:s18] =	ssyncset.done $0x0  }
0x7c: {  	s11 =	sadd.s32 $0x2900, s29;
	[sflag:s18] =	ssyncadd.s32 $0xFFFFF800  }
0x7d: {  	[spmem:s3] =	stream.indirect.scatter.add.f32 [tilespmem:s23], [sflag:$0x9], $0x10, s11, s19, $0xb8;
	[tilespmem:$0x10A80] =	vst v63  }
0x7e: {  	_ =	swait.ge [sflag:s15], $0x800  }
0x7f: {  	[sflag:s15] =	ssyncset.done $0x0  }
0x80: {  	s10 =	simm.s32 @p1 $0x4;
	[sflag:s15] =	ssyncadd.s32 $0xFFFFF800  }
0x81: {  	_ =	swait.ge @p1 [sflag:s10], $0x800  }
0x82: {  	[sflag:s10] =	ssyncset.done @p1 $0x0  }
0x83: {  	s11 =	simm.s32 @p1 $0x6800;
	[sflag:s10] =	ssyncadd.s32 @p1 $0xFFFFF800;
	s10 =	sadd.s32 @p1 $0x2980, s0  }
0x84: {  	[spmem:s3] =	stream.indirect.scatter.add.f32 @p1 [tilespmem:s11], [sflag:$0x9], $0x10, s10, s7, $0xb8;
	[tilespmem:$0x10A80] =	vst v63  }
0x85: {  	_ =	swait.ge @p1 [sflag:s8], $0x800  }
0x86: {  	[sflag:s8] =	ssyncset.done @p1 $0x0  }
0x87: {  	s10 =	sadd.s32 @!p1 $0x500, s30;
	s11 =	simm.s32 @!p1 $0x6000;
	[sflag:s8] =	ssyncadd.s32 @p1 $0xFFFFF800  }
0x88: {  	[tilespmem:s11], [sflag:$0x3] =	stream.indirect.gather @!p1 [spmem:s4], $0x10, s10, s31, $0xb8;
	[tilespmem:$0x10A80] =	vst v63  }
0x89: {  	s10 =	simm.s32 @!p1 $0x4  }
0x8a: {  	_ =	swait.ge @!p1 [sflag:s10], $0x800  }
0x8b: {  	[sflag:s10] =	ssyncset.done @!p1 $0x0  }
0x8c: {  	s11 =	simm.s32 @!p1 $0x6800;
	[sflag:s10] =	ssyncadd.s32 @!p1 $0xFFFFF800;
	s10 =	sadd.s32 @!p1 $0x2980, s30  }
0x8d: {  	[spmem:s3] =	stream.indirect.scatter.add.f32 @!p1 [tilespmem:s11], [sflag:$0x9], $0x10, s10, s31, $0xb8;
	[tilespmem:$0x10A80] =	vst v63  }
0x8e: {  	_ =	swait.ge @!p1 [sflag:s9], $0x800  }
0x8f: {  	[sflag:s9] =	ssyncset.done @!p1 $0x0  }
0x90: {  	s10 =	sadd.s32 @!p1 $0x580, s30;
	[sflag:s9] =	ssyncadd.s32 @!p1 $0xFFFFF800  }
0x91: {  	[tilespmem:s11], [sflag:$0x4] =	stream.indirect.gather @!p1 [spmem:s4], $0x10, s10, s31, $0xb8;
	[tilespmem:$0x10A80] =	vst v63  }
0x92: {  	_ =	swait.ge [sflag:s21], $0x800  }
0x93: {  	[sflag:s21] =	ssyncset.done $0x0  }
0x94: {  	s11 =	sadd.s32 $0x2A00, s29;
	[sflag:s21] =	ssyncadd.s32 $0xFFFFF800  }
0x95: {  	[spmem:s3] =	stream.indirect.scatter.add.f32 [tilespmem:s28], [sflag:$0x9], $0x10, s11, s19, $0xb8;
	[tilespmem:$0x10A80] =	vst v63  }
0x96: {  	_ =	swait.ge [sflag:s15], $0x800  }
0x97: {  	[sflag:s15] =	ssyncset.done $0x0  }
0x98: {  	s10 =	simm.s32 @p1 $0x6;
	[sflag:s15] =	ssyncadd.s32 $0xFFFFF800  }
0x99: {  	_ =	swait.ge @p1 [sflag:s10], $0x800  }
0x9a: {  	[sflag:s10] =	ssyncset.done @p1 $0x0  }
0x9b: {  	s0 =	sadd.s32 @p1 $0x2A80, s0;
	[sflag:s10] =	ssyncadd.s32 @p1 $0xFFFFF800;
	s10 =	simm.s32 @p1 $0x7800  }
0x9c: {  	[spmem:s3] =	stream.indirect.scatter.add.f32 @p1 [tilespmem:s10], [sflag:$0x9], $0x10, s0, s7, $0xb8;
	[tilespmem:$0x10A80] =	vst v63  }
0x9d: {  	_ =	swait.ge @p1 [sflag:s8], $0x800  }
0x9e: {  	[sflag:s8] =	ssyncset.done @p1 $0x0  }
0x9f: {  	s0 =	sadd.s32 @!p1 $0x600, s30;
	s7 =	simm.s32 @!p1 $0x7000;
	[sflag:s8] =	ssyncadd.s32 @p1 $0xFFFFF800  }
0xa0: {  	[tilespmem:s7], [sflag:$0x5] =	stream.indirect.gather @!p1 [spmem:s4], $0x10, s0, s31, $0xb8;
	[tilespmem:$0x10A80] =	vst v63  }
0xa1: {  	s0 =	simm.s32 @!p1 $0x6  }
0xa2: {  	_ =	swait.ge @!p1 [sflag:s0], $0x800  }
0xa3: {  	[sflag:s0] =	ssyncset.done @!p1 $0x0  }
0xa4: {  	s7 =	simm.s32 @!p1 $0x7800;
	[sflag:s0] =	ssyncadd.s32 @!p1 $0xFFFFF800;
	s0 =	sadd.s32 @!p1 $0x2A80, s30  }
0xa5: {  	[spmem:s3] =	stream.indirect.scatter.add.f32 @!p1 [tilespmem:s7], [sflag:$0x9], $0x10, s0, s31, $0xb8;
	[tilespmem:$0x10A80] =	vst v63  }
0xa6: {  	_ =	swait.ge @!p1 [sflag:s9], $0x800  }
0xa7: {  	[sflag:s9] =	ssyncset.done @!p1 $0x0  }
0xa8: {  	s0 =	sadd.s32 @!p1 $0x680, s30;
	[sflag:s9] =	ssyncadd.s32 @!p1 $0xFFFFF800  }
0xa9: {  	[tilespmem:s7], [sflag:$0x6] =	stream.indirect.gather @!p1 [spmem:s4], $0x10, s0, s31, $0xb8;
	[tilespmem:$0x10A80] =	vst v63  }
0xaa: {  	_ =	swait.ge [sflag:s22], $0x800  }
0xab: {  	[sflag:s22] =	ssyncset.done $0x0  }
.Ltmp2:
0xac: {  	s31 =	sadd.s32 $0x2B00, s29;
	[sflag:s22] =	ssyncadd.s32 $0xFFFFF800;
	(pc) =	sbr.rel @p1 .LBB2_4-.Ltmp2, $4  }
0xad: {  	[spmem:s3] =	stream.indirect.scatter.add.f32 [tilespmem:s2], [sflag:$0x9], $0x10, s31, s19, $0xb8;
	[tilespmem:$0x10A80] =	vst v63  }
0xae: {  	_ =	swait.ge [sflag:s15], $0x800  }
0xaf: {  	[sflag:s15] =	ssyncset.done $0x0  }
0xb0: {  	s0 =	sadd.s32 $0x2B80, s29;
	[sflag:s15] =	ssyncadd.s32 $0xFFFFF800  }
0xb1: {  	s7 =	sadd.s32 $0x700, s29  }
0xb2: {  	[tilespmem:s2], [sflag:$0x7] =	stream.indirect.gather [spmem:s4], $0x10, s7, s19, $0xb8;
	[tilespmem:$0x10A80] =	vst v63  }
0xb3: {  	_ =	swait.ge [sflag:s24], $0x800  }
0xb4: {  	[sflag:s24] =	ssyncset.done $0x0  }
0xb5: {  	[sflag:s24] =	ssyncadd.s32 $0xFFFFF800  }
0xb6: {  	[spmem:s3] =	stream.indirect.scatter.add.f32 [tilespmem:s1], [sflag:$0x9], $0x10, s0, s19, $0xb8;
	[tilespmem:$0x10A80] =	vst v63  }
.Ltmp3:
0xb7: {  	_ = 	snop;
	(pc) =	sbr.rel .LBB2_2-.Ltmp3, $4  }
0xb8: {  	_ =	swait.ge [sflag:s15], $0x800  }
0xb9: {  	[sflag:s15] =	ssyncset.done $0x0  }
0xba: {  	s31 =	sadd.s32 $0x780, s29;
	s26 =	sadd.s32 $0x1000, s26;
	[sflag:s15] =	ssyncadd.s32 $0xFFFFF800  }
0xbb: {  	[tilespmem:s1], [sflag:$0x8] =	stream.indirect.gather [spmem:s4], $0x10, s31, s19, $0xb8;
	[tilespmem:$0x10A80] =	vst v63  }
.LBB2_5:
0xbc: {  	_ =	sfence.sel $0x180000  }
0xbd: {  	[bflag:$0x0] =	sbarrier.arrive $0xFFFF  }
0xbe: {  	_ =	strace $0x9000004D  }
0xbf: {  	s0 =	stileid.u32;
	[bflag:$0x2] =	sbarrier.arrive $0xFFFF  }
0xc0: {  	p0 =	sne.s32 s0, $0x0;
	s0 =	rddreg [dreg:$0x4]  }
0xc1: {  	s0 =	sadd.s32 @!p0 $0x100000, s0  }
0xc2: {  	[sflag:s0] =	ssyncadd.tile.s32 @!p0 $0x1;
	_ =	shalt  }
.Lfunc_end2:
_tile_overlayer_lowered:
.L_overlay_start_2:
0xc3: {  	(tag) =	ssettag $0x2  }
0xc4: {  	s0 =	rddreg [dreg:$0x0];
	s2 =	stileid.u32  }
0xc5: {  	s1 =	rddreg [dreg:$0x1];
	p0 =	sne.s32 s2, $0x0  }
0xc6: {  	s3 =	rddreg [dreg:$0x2];
	[bflag:$0x3] =	sbarrier.arrive $0xFFFF;
	s2 =	simm.s32 @!p0 $0x1C09  }
0xc7: {  	[timem:s3], [sflag:s2] =	dma.local @!p0 [hbm:s0], s1  }
0xc8: {  	s0 =	simm.s32 @!p0 $0x9  }
0xc9: {  	_ =	swait.ge @!p0 [sflag:s0], s1  }
0xca: {  	s1 =	ssub.s32 @!p0 $0x0, s1;
	[sflag:s0] =	ssyncset.done @!p0 $0x0  }
0xcb: {  	[sflag:s0] =	ssyncadd.s32 @!p0 s1  }
0xcc: {  	[bflag:$0x3] =	sbarrier.arrive $0xFFFF  }
0xcd: {  	_ =	shalt  }

// kernel: kernel.19.cloned.1.call-start
scs
__scs_entry_jumppad:
0x0: {  	(pc) =	sbr.rel $0x88, $3  }
0x1: {  	(tag) =	ssettag $0x0;
	lr =	simm.s32 $0x1  }
0x2: {  	[smem:$0x3F99] =	sst lr;
	_ =	strace $0xD0000000  }
0x3: {  	_ = 	snop  }
0x4: {  	_ = 	snop  }
0x5: {  	_ = 	snop  }
0x6: {  	_ = 	snop  }
0x7: {  	_ = 	snop  }
__scs_overlays_trampoline_lowered:
0x8: {  	[smem:$0x3FA8] =	sst s0  }
0x9: {  	[smem:$0x3FA9] =	sst s1  }
0xa: {  	[smem:$0x3FAA] =	sst s2  }
0xb: {  	[smem:$0x3FAB] =	sst s3  }
0xc: {  	[smem:$0x3FAC] =	sst s4  }
0xd: {  	[smem:$0x3FAD] =	sst s5  }
0xe: {  	[smem:$0x3FAE] =	sst s6  }
0xf: {  	[smem:$0x3FAF] =	sst s7  }
0x10: {  	[smem:$0x3FB0] =	sst s8  }
0x11: {  	[smem:$0x3FB1] =	sst s9;
	s0 =	simm.s32 @!p0 $0x0  }
0x12: {  	s1 =	sld [smem:$0x3F97];
	s0 =	simm.s32 @p0 $0x1  }
0x13: {  	[smem:$0x3FB2] =	sst s0;
	s0 =	simm.s32 @!p1 $0x0  }
0x14: {  	s2 =	sld [smem:$0x3F96];
	s0 =	simm.s32 @p1 $0x1  }
0x15: {  	[smem:$0x3FB3] =	sst s0;
	s0 =	simm.s32 @!p2 $0x0  }
0x16: {  	s3 =	sld [smem:$0x3FDB];
	s0 =	simm.s32 @p2 $0x1  }
0x17: {  	s4 =	simm.s32 $0x1BF5;
	[smem:$0x3FB5] =	sst s0  }
0x18: {  	s0 =	sld [smem:$0x3F98];
	_ =	swait.ge [sflag:s4], $0x0  }
0x19: {  	s7 =	sld [smem:$0x3F99]  }
0x1a: {  	s8 =	sadd.s32 $0xFFFFE003, lr  }
0x1b: {  	s9 =	sadd.s32 $0xFFFFFEF7, lr;
	s5 =	simm.s32 $0xFFFFFFFF;
	p2 =	slt.u32 s8, $0xFFFFF086  }
0x1c: {  	p1 =	slt.u32 s9, $0xF7A;
	s5 =	simm.s32 @!p2 $0x0  }
0x1d: {  	s5 =	simm.s32 @p1 $0x1;
	p0 =	seq.s32 s7, s2  }
0x1e: {  	s7 =	smul.u32 @!p0 $0xF7A, s2;
	p2 =	seq.s32 @!p0 s5, $0x0  }
0x1f: {  	s9 =	smul.u32 $0xF7A, s1;
	s8 =	simm.s32 @!p0 $0x1BF5;
	p2 =	por !p2, p0  }
0x20: {  	[sflag:s8] =	ssyncset.s32 @!p0 $0xFFFFF086;
	s6 =	sadd.s32 @!p0 s3, s7;
	s7 =	simm.s32 @!p0 $0x108  }
0x21: {  	s3 =	sadd.s32 s3, s9;
	s6 =	sadd.s32 @!p0 $0x88, s6;
	s7 =	simm.s32 @p2 $0x1082  }
0x22: {  	[simem:s7], [sflag:s8] =	dma.local @!p0 [hbm:s6], $0xF7A  }
0x23: {  	s9 =	sor.u32 $0xD0000000, s2;
	s6 =	simm.s32 $0x108;
	_ =	swait.ge @!p0 [sflag:s8], $0x0  }
0x24: {  	s3 =	sadd.s32 $0x88, s3;
	s6 =	simm.s32 @!p1 $0x1082;
	[sflag:s4] =	ssyncset.s32 $0xFFFFF086  }
0x25: {  	[simem:s6], [sflag:s4] =	dma.local [hbm:s3], $0xF7A  }
0x26: {  	[smem:$0x3F99] =	sst s1;
	(tag) =	ssettag s2;
	_ =	strace s9  }
0x27: {  	s1 =	sld [smem:$0x3FA9]  }
0x28: {  	s2 =	sld [smem:$0x3FAA]  }
0x29: {  	s4 =	sld [smem:$0x3FAC]  }
0x2a: {  	p0 =	seq.s32 s5, $0x0;
	s5 =	sld [smem:$0x3FAD]  }
0x2b: {  	s6 =	sld [smem:$0x3FAE]  }
0x2c: {  	s7 =	sld [smem:$0x3FAF]  }
0x2d: {  	s3 =	simm.s32 $0x108;
	s8 =	sld [smem:$0x3FB0]  }
0x2e: {  	s3 =	simm.s32 @!p0 $0x1082;
	s9 =	sld [smem:$0x3FB1]  }
0x2f: {  	lr =	sadd.s32 s0, s3;
	s0 =	sld [smem:$0x3FA8]  }
0x30: {  	s3 =	sld [smem:$0x3FAB]  }
0x31: {  	[smem:$0x3FB4] =	sst s10  }
0x32: {  	s10 =	sld [smem:$0x3FB2];
	_ =	sdelay $0x3  }
0x33: {  	p0 =	seq.s32 s10, $0x1;
	s10 =	sld [smem:$0x3FB4];
	_ =	sdelay $0x3  }
0x34: {  	[smem:$0x3FB4] =	sst s10  }
0x35: {  	s10 =	sld [smem:$0x3FB3];
	_ =	sdelay $0x3  }
0x36: {  	p1 =	seq.s32 s10, $0x1;
	s10 =	sld [smem:$0x3FB4];
	_ =	sdelay $0x3  }
0x37: {  	[smem:$0x3FB4] =	sst s10  }
0x38: {  	s10 =	sld [smem:$0x3FB5]  }
0x39: {  	_ = 	snop;
	(pc) =	sbr.ind lr, $3  }
0x3a: {  	_ = 	snop  }
0x3b: {  	_ = 	snop  }
0x3c: {  	p2 =	seq.s32 s10, $0x1;
	s10 =	sld [smem:$0x3FB4]  }
0x3d: {  	_ =	shalt  }
0x3e: {  	_ =	shalt  }
0x3f: {  	_ =	shalt  }
0x40: {  	_ =	shalt  }
0x41: {  	_ =	shalt  }
0x42: {  	_ =	shalt  }
0x43: {  	_ =	shalt  }
0x44: {  	_ =	shalt  }
0x45: {  	_ =	shalt  }
0x46: {  	_ =	shalt  }
0x47: {  	_ =	shalt  }
0x48: {  	_ =	shalt  }
0x49: {  	_ =	shalt  }
0x4a: {  	_ =	shalt  }
0x4b: {  	_ =	shalt  }
0x4c: {  	_ =	shalt  }
0x4d: {  	_ =	shalt  }
0x4e: {  	_ =	shalt  }
0x4f: {  	_ =	shalt  }
0x50: {  	_ =	shalt  }
0x51: {  	_ =	shalt  }
0x52: {  	_ =	shalt  }
0x53: {  	_ =	shalt  }
0x54: {  	_ =	shalt  }
0x55: {  	_ =	shalt  }
0x56: {  	_ =	shalt  }
0x57: {  	_ =	shalt  }
0x58: {  	_ =	shalt  }
0x59: {  	_ =	shalt  }
0x5a: {  	_ =	shalt  }
0x5b: {  	_ =	shalt  }
0x5c: {  	_ =	shalt  }
0x5d: {  	_ =	shalt  }
0x5e: {  	_ =	shalt  }
0x5f: {  	_ =	shalt  }
0x60: {  	_ =	shalt  }
0x61: {  	_ =	shalt  }
0x62: {  	_ =	shalt  }
0x63: {  	_ =	shalt  }
0x64: {  	_ =	shalt  }
0x65: {  	_ =	shalt  }
0x66: {  	_ =	shalt  }
0x67: {  	_ =	shalt  }
0x68: {  	_ =	shalt  }
0x69: {  	_ =	shalt  }
0x6a: {  	_ =	shalt  }
0x6b: {  	_ =	shalt  }
0x6c: {  	_ =	shalt  }
0x6d: {  	_ =	shalt  }
0x6e: {  	_ =	shalt  }
0x6f: {  	_ =	shalt  }
0x70: {  	_ =	shalt  }
0x71: {  	_ =	shalt  }
0x72: {  	_ =	shalt  }
0x73: {  	_ =	shalt  }
0x74: {  	_ =	shalt  }
0x75: {  	_ =	shalt  }
0x76: {  	_ =	shalt  }
0x77: {  	_ =	shalt  }
0x78: {  	_ =	shalt  }
0x79: {  	_ =	shalt  }
0x7a: {  	_ =	shalt  }
0x7b: {  	_ =	shalt  }
0x7c: {  	_ =	shalt  }
0x7d: {  	_ =	shalt  }
0x7e: {  	_ =	shalt  }
0x7f: {  	_ =	shalt  }
0x80: {  	_ =	shalt  }
0x81: {  	_ =	shalt  }
0x82: {  	_ =	shalt  }
0x83: {  	_ =	shalt  }
0x84: {  	_ =	shalt  }
0x85: {  	_ =	shalt  }
0x86: {  	_ =	shalt  }
0x87: {  	_ =	shalt  }
.Lfunc_end0:
.L_simem_size_0:
called_computation.3_lowered:
.L_overlay_start_0:
0x88: {  	s2 =	sld [smem:$0x3FD9]  }
0x89: {  	s3 =	sld [smem:$0x3FFE];
	_ =	sdelay $0x1  }
0x8a: {  	s1 =	srdreg.scid  }
0x8b: {  	s0 =	sand.u32 $0x1, s1  }
0x8c: {  	s17 =	sshll.u32 s0, $0xA;
	s2 =	sadd.s32 s3, s2  }
0x8d: {  	s2 =	sadd.s32 s2, s17  }
0x8e: {  	[smem:$0x3FC0] =	sst s2  }
0x8f: {  	_ = 	snop  }
0x90: {  	s2 =	sld [smem:$0x3FD0];
	(tm) =	ssettm $0x1  }
0x91: {  	s18 =	sld [smem:$0x3FFB];
	_ =	sdelay $0x3  }
0x92: {  	_ =	strace s18  }
0x93: {  	s3 =	sld [smem:$0x3FFC];
	_ =	sdelay $0x3  }
0x94: {  	_ =	strace s3  }
0x95: {  	s3 =	sld [smem:$0x3FFD];
	_ =	sdelay $0x3  }
0x96: {  	_ =	strace s3  }
0x97: {  	_ =	strace $0x8FFFFFFF  }
0x98: {  	s19 =	sld [smem:$0x3FDB];
	_ =	sdelay $0x1  }
0x99: {  	s4 =	simm.s32 $_scs_section_size  }
0x9a: {  	s5 =	simm.s32 $_size__tile_overlayer_lowered;
	s6 =	simm.s32 $_tile_overlayer_lowered  }
0x9b: {  	s22 =	simm.s32 $0x1BFF;
	s21 =	sshll.u32 s6, $0x1;
	s3 =	sadd.s32 s4, s19  }
0x9c: {  	s7 =	simm.s32 $0x0;
	s20 =	sshll.u32 s5, $0x1;
	s5 =	sadd.s32 s21, s3  }
0x9d: {  	[timem:s7], [sflag:s22] =	dma.local [hbm:s5], s20  }
0x9e: {  	_ =	swait.ge [sflag:s22], s20  }
0x9f: {  	s4 =	ssub.s32 $0x0, s20;
	[sflag:s22] =	ssyncset.done $0x0  }
0xa0: {  	[sflag:s22] =	ssyncadd.s32 s4;
	_ =	sdelay $0x1  }
0xa1: {  	s23 =	simm.s32 $0x1B8B  }
0xa2: {  	_ =	swait.ge [sflag:s23], $0x1  }
0xa3: {  	[sflag:s23] =	ssyncset.done $0x0  }
0xa4: {  	s25 =	simm.s32 $0x1B8E;
	s24 =	sld [smem:$0x3FFE];
	[sflag:s23] =	ssyncadd.s32 $0xFFFFFFFF  }
0xa5: {  	s26 =	simm.s32 $execute0_lowered;
	[smem:$0x3FD2] =	sst s25  }
0xa6: {  	s5 =	sshll.u32 s26, $0x1;
	_ =	strace $0x8000004F;
	[dreg:$0x1] =	wrdreg $0xFFFFFFFF  }
0xa7: {  	s28 =	simm.s32 $_size_execute0_lowered;
	s3 =	sadd.s32 s3, s5;
	[dreg:$0x0] =	wrdreg $0x0  }
0xa8: {  	s5 =	sshll.u32 s28, $0x1;
	[dreg:$0x2] =	wrdreg s3  }
0xa9: {  	[dreg:$0x3] =	wrdreg s5  }
0xaa: {  	[dreg:$0x4] =	wrdreg $0xC0  }
0xab: {  	_ =	task [dreg:s7], $0x5FFFF  }
0xac: {  	[dreg:$0x1] =	wrdreg $0xFFFFFFFF  }
0xad: {  	[dreg:$0x0] =	wrdreg $0x60  }
0xae: {  	[dreg:$0x2] =	wrdreg s24  }
0xaf: {  	[dreg:$0x3] =	wrdreg s2  }
0xb0: {  	[dreg:$0x4] =	wrdreg $0xE2800  }
0xb1: {  	[dreg:$0x5] =	wrdreg $0xBA800  }
0xb2: {  	[dreg:$0x6] =	wrdreg $0x9  }
0xb3: {  	_ =	task.clear_ibuf [dreg:s7], $0x7FFFF;
	_ =	strace $0x9000004F  }
0xb4: {  	s29 =	simm.s32 $0x9;
	_ =	strace $0x80000051  }
0xb5: {  	_ =	swait.ge [sflag:s29], $0x1  }
0xb6: {  	[sflag:s29] =	ssyncadd.s32 $0xFFFFFFFF  }
0xb7: {  	_ =	strace $0x90000051  }
0xb8: {  	_ =	sfence  }
0xb9: {  	s30 =	sld [smem:$0x0];
	_ =	sdelay $0x2  }
0xba: {  	s31 =	sshll.u32 s1, $0xD;
	s1 =	sshrl.u32 s1, $0x2  }
0xbb: {  	s3 =	sand.u32 $0x4000, s31;
	s1 =	sadd.s32 s1, s30  }
0xbc: {  	s0 =	sor.u32 s3, s0;
	s1 =	sshll.u32 s1, $0x11  }
0xbd: {  	s0 =	sor.u32 s1, s0  }
0xbe: {  	s0 =	sadd.s32 $0x8F2B, s0  }
0xbf: {  	[sflag:s0] =	ssyncadd.remote.s32 $0x1  }
0xc0: {  	_ =	sfence.sel $0xFFFF  }
0xc1: {  	[dreg:$0x0] =	wrdreg $0xFFFFFFFF;
	(pc) =	sbr.abs _section_cstart, $3  }
0xc2: {  	[dreg:$0x1] =	wrdreg $0xFFFFFFFF  }
0xc3: {  	_ =	task.clear_ibuf [dreg:s7], $0x2FFFF;
	_ =	strace $0x9FFFFFFF  }
0xc4: {  	(tm) =	ssettm $0x7FFFFFFF  }
0xc5: {  	_ =	shalt  }
tec
execute0_lowered:
.L_overlay_start_1:
0x0: {  	(tag) =	ssettag $0x1  }
0x1: {  	s0 =	rddreg [dreg:$0x0]  }
0x2: {  	s1 =	srdreg.scid;
	s3 =	rddreg [dreg:$0x2]  }
0x3: {  	s12 =	stileid.u32;
	s4 =	rddreg [dreg:$0x3];
	s5 =	simm.s32 $0x0  }
0x4: {  	s15 =	simm.s32 $0x9;
	s16 =	simm.s32 $0x9000;
	s19 =	simm.s32 $0x80  }
0x5: {  	s20 =	simm.s32 $0x5000;
	s23 =	simm.s32 $0x6000;
	s28 =	simm.s32 $0x7000  }
0x6: {  	s17 =	simm.s32 $0x1;
	s18 =	simm.s32 $0x3;
	s21 =	simm.s32 $0x5  }
0x7: {  	s22 =	simm.s32 $0x7;
	s24 =	simm.s32 $0x8;
	s25 =	simm.s32 $0x0  }
0x8: {  	s1 =	sand.u32 $0x1, s1;
	[smem:$0x7FF] =	sst s5;
	s7 =	smul.u32 $0x2800, s12  }
0x9: {  	s9 =	smul.u32 $0x50, s12;
	s26 =	sshll.u32 s12, $0x6;
	s2 =	sshll.u32 s1, $0x4  }
0xa: {  	_ =	strace $0x80000050;
	s6 =	smul.u32 $0x28000, s1;
	s10 =	ssub.s32 $0x2, s1  }
0xb: {  	p0 =	sne.s32 s1, $0x0;
	s1 =	simm.s32 $0x8800;
	s2 =	sor.u32 s12, s2  }
0xc: {  	s8 =	sshrl.u32 s7, $0x3;
	s9 =	sadd.s32 s9, s0;
	s11 =	sshrl.u32 s10, $0x1  }
0xd: {  	s14 =	sadd.s32 s7, s3;
	s31 =	sadd.s32 s7, s4;
	s2 =	smul.u32 $0x500, s2  }
0xe: {  	s8 =	sadd.s32 s8, s0;
	s6 =	sadd.s32 s7, s6;
	s13 =	ssub.s32 s10, s11  }
0xf: {  	s30 =	sadd.s32 $0xCA00, s9;
	[dreg:$0x9] =	wrdreg s31;
	s14 =	sshrl.u32 s14, $0x3  }
.Ltmp0:
0x10: {  	s6 =	sshrl.u32 s6, $0x3;
	s8 =	sadd.s32 $0xD000, s8;
	(pc) =	sbr.rel .LBB2_1-.Ltmp0, $4  }
0x11: {  	[dreg:$0x8] =	wrdreg s30;
	s13 =	smax.u32 s13, $0x1;
	s2 =	sadd.s32 s2, s0  }
0x12: {  	s0 =	sadd.s32 s6, s0;
	[dreg:$0x5] =	wrdreg s8;
	s29 =	sadd.s32 $0x16200, s2  }
0x13: {  	s6 =	sor.u32 $0x1C09, s26;
	s2 =	sadd.s32 $0x2000, s2;
	[dreg:$0x6] =	wrdreg s29  }
0x14: {  	s12 =	sadd.s32 $0x20200, s0;
	[dreg:$0x7] =	wrdreg s2;
	s2 =	simm.s32 $0x8000  }
.LBB2_4:
0x15: {  	_ =	swait.ge [sflag:s24], $0x800  }
0x16: {  	[sflag:s24] =	ssyncset.done $0x0  }
0x17: {  	[sflag:s24] =	ssyncadd.s32 $0xFFFFF800  }
0x18: {  	[spmem:s3] =	stream.indirect.scatter.add.f32 [tilespmem:s1], [sflag:$0x9], $0x10, s0, s19, $0xb8;
	[tilespmem:$0x10A80] =	vst v63  }
0x19: {  	_ =	swait.ge [sflag:s15], $0x800  }
0x1a: {  	s25 =	sadd.s32 $0x1, s25;
	[sflag:s15] =	ssyncset.done $0x0  }
0x1b: {  	p1 =	sne.s32 s25, s13;
	[sflag:s15] =	ssyncadd.s32 $0xFFFFF800  }
.Ltmp1:
0x1c: {  	[bflag:$0x0] =	sbarrier.arrive $0xFFFF;
	(pc) =	sbr.rel @!p1 .LBB2_5-.Ltmp1, $4  }
0x1d: {  	[hbm:s12], [sflag:s6] =	dma.local [spmem:s14], $0x500  }
0x1e: {  	_ =	swait.ge [sflag:s15], $0x500  }
0x1f: {  	[sflag:s15] =	ssyncset.done $0x0  }
0x20: {  	[sflag:s15] =	ssyncadd.s32 $0xFFFFFB00  }
.LBB2_1:
0x21: {  	s0 =	rddreg [dreg:$0x1]  }
0x22: {  	[spmem:s14], [sflag:s6] =	dma.local [hbm:s0], $0x500  }
0x23: {  	_ =	swait.ge [sflag:s15], $0x500  }
0x24: {  	[sflag:s15] =	ssyncset.done $0x0  }
0x25: {  	s10 =	rddreg [dreg:$0x5];
	[sflag:s15] =	ssyncadd.s32 $0xFFFFFB00  }
0x26: {  	[tilespmem:s16], [sflag:$0x9] =	stream.linear.gather [hbm4b:s10+s5], $0x2800, $0x38;
	[tilespmem:$0x10A80] =	vst v63  }
0x27: {  	_ =	swait.ge [sflag:s15], $0x2800  }
0x28: {  	[sflag:s15] =	ssyncset.done $0x0  }
0x29: {  	s11 =	rddreg [dreg:$0x6];
	[sflag:s15] =	ssyncadd.s32 $0xFFFFD800  }
0x2a: {  	[tilespmem:s5], [sflag:$0x9] =	stream.linear.gather [hbm4b:s11+s5], $0x2800, $0x38;
	[tilespmem:$0x10A80] =	vst v63  }
0x2b: {  	_ =	swait.ge [sflag:s15], $0x2800  }
0x2c: {  	[sflag:s15] =	ssyncset.done $0x0  }
0x2d: {  	s7 =	simm.s32 $0x2800;
	s26 =	rddreg [dreg:$0x7];
	[sflag:s15] =	ssyncadd.s32 $0xFFFFD800  }
0x2e: {  	[tilespmem:s7], [sflag:$0x9] =	stream.linear.gather [hbm4b:s26+s5], $0x2800, $0x38;
	[tilespmem:$0x10A80] =	vst v63  }
0x2f: {  	_ =	swait.ge [sflag:s15], $0x2800  }
0x30: {  	[sflag:s15] =	ssyncset.done $0x0  }
0x31: {  	s30 =	simm.s32 $0xB800;
	s29 =	rddreg [dreg:$0x8];
	[sflag:s15] =	ssyncadd.s32 $0xFFFFD800  }
0x32: {  	[tilespmem:s30], [sflag:$0x9] =	stream.linear.gather [hbm4b:s29+s5], $0x280, $0x38;
	[tilespmem:$0x10A80] =	vst v63  }
0x33: {  	_ =	swait.ge [sflag:s15], $0x280  }
0x34: {  	[sflag:s15] =	ssyncset.done $0x0  }
0x35: {  	s31 =	rddreg [dreg:$0x9];
	[sflag:s15] =	ssyncadd.s32 $0xFFFFFD80  }
0x36: {  	[spmem:s31] =	stream.linear.scatter [tilespmem:s16], [sflag:$0x9], $0x2800, $0x38;
	[tilespmem:$0x10A80] =	vst v63  }
0x37: {  	_ =	swait.ge [sflag:s15], $0x2800  }
0x38: {  	s8 =	simm.s32 @!p0 $0x9000;
	[sflag:s15] =	ssyncset.done $0x0  }
0x39: {  	s0 =	simm.s32 @!p0 $0x80;
	s7 =	simm.s32 @!p0 $0xB800;
	[sflag:s15] =	ssyncadd.s32 $0xFFFFD800  }
0x3a: {  	[spmem:s3] =	stream.indirect.scatter.add.f32 @!p0 [tilespmem:s8], [sflag:$0x9], $0x10, s7, s0, $0xb8;
	[tilespmem:$0x10A80] =	vst v63  }
0x3b: {  	s7 =	simm.s32 @!p0 $0x9  }
0x3c: {  	_ =	swait.ge @!p0 [sflag:s7], $0x800  }
0x3d: {  	[sflag:s7] =	ssyncset.done @!p0 $0x0  }
0x3e: {  	s9 =	simm.s32 @!p0 $0x9800;
	s8 =	simm.s32 @!p0 $0xB880;
	[sflag:s7] =	ssyncadd.s32 @!p0 $0xFFFFF800  }
0x3f: {  	[spmem:s3] =	stream.indirect.scatter.add.f32 @!p0 [tilespmem:s9], [sflag:$0x9], $0x10, s8, s0, $0xb8;
	[tilespmem:$0x10A80] =	vst v63  }
0x40: {  	_ =	swait.ge @!p0 [sflag:s7], $0x800  }
0x41: {  	[sflag:s7] =	ssyncset.done @!p0 $0x0  }
0x42: {  	s8 =	simm.s32 @!p0 $0xB900;
	s9 =	simm.s32 @!p0 $0xA000;
	[sflag:s7] =	ssyncadd.s32 @!p0 $0xFFFFF800  }
0x43: {  	[spmem:s3] =	stream.indirect.scatter.add.f32 @!p0 [tilespmem:s9], [sflag:$0x9], $0x10, s8, s0, $0xb8;
	[tilespmem:$0x10A80] =	vst v63  }
0x44: {  	_ =	swait.ge @!p0 [sflag:s7], $0x800  }
0x45: {  	[sflag:s7] =	ssyncset.done @!p0 $0x0  }
0x46: {  	s8 =	simm.s32 @!p0 $0xB980;
	s9 =	simm.s32 @!p0 $0xA800;
	[sflag:s7] =	ssyncadd.s32 @!p0 $0xFFFFF800  }
0x47: {  	[spmem:s3] =	stream.indirect.scatter.add.f32 @!p0 [tilespmem:s9], [sflag:$0x9], $0x10, s8, s0, $0xb8;
	[tilespmem:$0x10A80] =	vst v63  }
0x48: {  	_ =	swait.ge @!p0 [sflag:s7], $0x800  }
0x49: {  	[sflag:s7] =	ssyncset.done @!p0 $0x0  }
0x4a: {  	s8 =	simm.s32 @!p0 $0xBA00;
	s9 =	simm.s32 @!p0 $0xB000;
	[sflag:s7] =	ssyncadd.s32 @!p0 $0xFFFFF800  }
0x4b: {  	[spmem:s3] =	stream.indirect.scatter.add.f32 @!p0 [tilespmem:s9], [sflag:$0x9], $0x10, s8, s0, $0xb8;
	[tilespmem:$0x10A80] =	vst v63  }
0x4c: {  	_ =	swait.ge @!p0 [sflag:s7], $0x800  }
0x4d: {  	[sflag:s7] =	ssyncset.done @!p0 $0x0  }
0x4e: {  	[sflag:s7] =	ssyncadd.s32 @!p0 $0xFFFFF800  }
0x4f: {  	[bflag:$0x0] =	sbarrier.arrive $0xFFFF  }
0x50: {  	[tilespmem:s20], [sflag:$0x1] =	stream.indirect.gather [spmem:s4], $0x10, s5, s19, $0xb8;
	[tilespmem:$0x10A80] =	vst v63  }
0x51: {  	s7 =	simm.s32 $0x5800  }
0x52: {  	[tilespmem:s7], [sflag:$0x2] =	stream.indirect.gather [spmem:s4], $0x10, s19, s19, $0xb8;
	[tilespmem:$0x10A80] =	vst v63  }
0x53: {  	s8 =	simm.s32 $0x100  }
0x54: {  	[tilespmem:s23], [sflag:$0x3] =	stream.indirect.gather [spmem:s4], $0x10, s8, s19, $0xb8;
	[tilespmem:$0x10A80] =	vst v63  }
0x55: {  	s10 =	simm.s32 $0x6800;
	s9 =	simm.s32 $0x180  }
0x56: {  	[tilespmem:s10], [sflag:$0x4] =	stream.indirect.gather [spmem:s4], $0x10, s9, s19, $0xb8;
	[tilespmem:$0x10A80] =	vst v63  }
0x57: {  	s11 =	simm.s32 $0x200  }
0x58: {  	[tilespmem:s28], [sflag:$0x5] =	stream.indirect.gather [spmem:s4], $0x10, s11, s19, $0xb8;
	[tilespmem:$0x10A80] =	vst v63  }
0x59: {  	s26 =	simm.s32 $0x280;
	s29 =	simm.s32 $0x7800  }
0x5a: {  	[tilespmem:s29], [sflag:$0x6] =	stream.indirect.gather [spmem:s4], $0x10, s26, s19, $0xb8;
	[tilespmem:$0x10A80] =	vst v63  }
0x5b: {  	s30 =	simm.s32 $0x300  }
0x5c: {  	[tilespmem:s2], [sflag:$0x7] =	stream.indirect.gather [spmem:s4], $0x10, s30, s19, $0xb8;
	[tilespmem:$0x10A80] =	vst v63  }
0x5d: {  	s31 =	simm.s32 $0x380;
	s26 =	simm.s32 $0x0  }
0x5e: {  	[tilespmem:s1], [sflag:$0x8] =	stream.indirect.gather [spmem:s4], $0x10, s31, s19, $0xb8;
	[tilespmem:$0x10A80] =	vst v63  }
.LBB2_2:
0x5f: {  	_ =	swait.ge [sflag:s17], $0x800  }
0x60: {  	s29 =	sshra.s32 s26, $0x2;
	[sflag:s17] =	ssyncset.done $0x0  }
0x61: {  	s0 =	sadd.s32 $0x2800, s29;
	[sflag:s17] =	ssyncadd.s32 $0xFFFFF800  }
0x62: {  	[spmem:s3] =	stream.indirect.scatter.add.f32 [tilespmem:s20], [sflag:$0x9], $0x10, s0, s19, $0xb8;
	[tilespmem:$0x10A80] =	vst v63  }
0x63: {  	_ =	swait.ge [sflag:s15], $0x800  }
0x64: {  	p1 =	seq.s32 s26, $0x9000;
	[sflag:s15] =	ssyncset.done $0x0  }
0x65: {  	s0 =	simm.s32 @p1 $0x2;
	[sflag:s15] =	ssyncadd.s32 $0xFFFFF800  }
0x66: {  	_ =	swait.ge @p1 [sflag:s0], $0x800  }
0x67: {  	[sflag:s0] =	ssyncset.done @p1 $0x0  }
0x68: {  	[sflag:s0] =	ssyncadd.s32 @p1 $0xFFFFF800;
	s0 =	sshra.s32 @p1 s26, $0x2  }
0x69: {  	s7 =	simm.s32 @p1 $0x80;
	s9 =	simm.s32 @p1 $0x5800;
	s8 =	sadd.s32 @p1 $0x2880, s0  }
0x6a: {  	[spmem:s3] =	stream.indirect.scatter.add.f32 @p1 [tilespmem:s9], [sflag:$0x9], $0x10, s8, s7, $0xb8;
	[tilespmem:$0x10A80] =	vst v63  }
0x6b: {  	s8 =	simm.s32 @p1 $0x9  }
0x6c: {  	_ =	swait.ge @p1 [sflag:s8], $0x800  }
0x6d: {  	s30 =	sshra.s32 @!p1 s26, $0x2;
	s31 =	simm.s32 @!p1 $0x80;
	[sflag:s8] =	ssyncset.done @p1 $0x0  }
0x6e: {  	s10 =	simm.s32 @!p1 $0x5000;
	s9 =	sadd.s32 @!p1 $0x400, s30;
	[sflag:s8] =	ssyncadd.s32 @p1 $0xFFFFF800  }
0x6f: {  	[tilespmem:s10], [sflag:$0x1] =	stream.indirect.gather @!p1 [spmem:s4], $0x10, s9, s31, $0xb8;
	[tilespmem:$0x10A80] =	vst v63  }
0x70: {  	s9 =	simm.s32 @!p1 $0x2  }
0x71: {  	_ =	swait.ge @!p1 [sflag:s9], $0x800  }
0x72: {  	[sflag:s9] =	ssyncset.done @!p1 $0x0  }
0x73: {  	s10 =	simm.s32 @!p1 $0x5800;
	[sflag:s9] =	ssyncadd.s32 @!p1 $0xFFFFF800;
	s9 =	sadd.s32 @!p1 $0x2880, s30  }
0x74: {  	[spmem:s3] =	stream.indirect.scatter.add.f32 @!p1 [tilespmem:s10], [sflag:$0x9], $0x10, s9, s31, $0xb8;
	[tilespmem:$0x10A80] =	vst v63  }
0x75: {  	s9 =	simm.s32 @!p1 $0x9  }
0x76: {  	_ =	swait.ge @!p1 [sflag:s9], $0x800  }
0x77: {  	[sflag:s9] =	ssyncset.done @!p1 $0x0  }
0x78: {  	s11 =	sadd.s32 @!p1 $0x480, s30;
	[sflag:s9] =	ssyncadd.s32 @!p1 $0xFFFFF800  }
0x79: {  	[tilespmem:s10], [sflag:$0x2] =	stream.indirect.gather @!p1 [spmem:s4], $0x10, s11, s31, $0xb8;
	[tilespmem:$0x10A80] =	vst v63  }
0x7a: {  	_ =	swait.ge [sflag:s18], $0x800  }
0x7b: {  	[sflag:s18] =	ssyncset.done $0x0  }
0x7c: {  	s11 =	sadd.s32 $0x2900, s29;
	[sflag:s18] =	ssyncadd.s32 $0xFFFFF800  }
0x7d: {  	[spmem:s3] =	stream.indirect.scatter.add.f32 [tilespmem:s23], [sflag:$0x9], $0x10, s11, s19, $0xb8;
	[tilespmem:$0x10A80] =	vst v63  }
0x7e: {  	_ =	swait.ge [sflag:s15], $0x800  }
0x7f: {  	[sflag:s15] =	ssyncset.done $0x0  }
0x80: {  	s10 =	simm.s32 @p1 $0x4;
	[sflag:s15] =	ssyncadd.s32 $0xFFFFF800  }
0x81: {  	_ =	swait.ge @p1 [sflag:s10], $0x800  }
0x82: {  	[sflag:s10] =	ssyncset.done @p1 $0x0  }
0x83: {  	s11 =	simm.s32 @p1 $0x6800;
	[sflag:s10] =	ssyncadd.s32 @p1 $0xFFFFF800;
	s10 =	sadd.s32 @p1 $0x2980, s0  }
0x84: {  	[spmem:s3] =	stream.indirect.scatter.add.f32 @p1 [tilespmem:s11], [sflag:$0x9], $0x10, s10, s7, $0xb8;
	[tilespmem:$0x10A80] =	vst v63  }
0x85: {  	_ =	swait.ge @p1 [sflag:s8], $0x800  }
0x86: {  	[sflag:s8] =	ssyncset.done @p1 $0x0  }
0x87: {  	s10 =	sadd.s32 @!p1 $0x500, s30;
	s11 =	simm.s32 @!p1 $0x6000;
	[sflag:s8] =	ssyncadd.s32 @p1 $0xFFFFF800  }
0x88: {  	[tilespmem:s11], [sflag:$0x3] =	stream.indirect.gather @!p1 [spmem:s4], $0x10, s10, s31, $0xb8;
	[tilespmem:$0x10A80] =	vst v63  }
0x89: {  	s10 =	simm.s32 @!p1 $0x4  }
0x8a: {  	_ =	swait.ge @!p1 [sflag:s10], $0x800  }
0x8b: {  	[sflag:s10] =	ssyncset.done @!p1 $0x0  }
0x8c: {  	s11 =	simm.s32 @!p1 $0x6800;
	[sflag:s10] =	ssyncadd.s32 @!p1 $0xFFFFF800;
	s10 =	sadd.s32 @!p1 $0x2980, s30  }
0x8d: {  	[spmem:s3] =	stream.indirect.scatter.add.f32 @!p1 [tilespmem:s11], [sflag:$0x9], $0x10, s10, s31, $0xb8;
	[tilespmem:$0x10A80] =	vst v63  }
0x8e: {  	_ =	swait.ge @!p1 [sflag:s9], $0x800  }
0x8f: {  	[sflag:s9] =	ssyncset.done @!p1 $0x0  }
0x90: {  	s10 =	sadd.s32 @!p1 $0x580, s30;
	[sflag:s9] =	ssyncadd.s32 @!p1 $0xFFFFF800  }
0x91: {  	[tilespmem:s11], [sflag:$0x4] =	stream.indirect.gather @!p1 [spmem:s4], $0x10, s10, s31, $0xb8;
	[tilespmem:$0x10A80] =	vst v63  }
0x92: {  	_ =	swait.ge [sflag:s21], $0x800  }
0x93: {  	[sflag:s21] =	ssyncset.done $0x0  }
0x94: {  	s11 =	sadd.s32 $0x2A00, s29;
	[sflag:s21] =	ssyncadd.s32 $0xFFFFF800  }
0x95: {  	[spmem:s3] =	stream.indirect.scatter.add.f32 [tilespmem:s28], [sflag:$0x9], $0x10, s11, s19, $0xb8;
	[tilespmem:$0x10A80] =	vst v63  }
0x96: {  	_ =	swait.ge [sflag:s15], $0x800  }
0x97: {  	[sflag:s15] =	ssyncset.done $0x0  }
0x98: {  	s10 =	simm.s32 @p1 $0x6;
	[sflag:s15] =	ssyncadd.s32 $0xFFFFF800  }
0x99: {  	_ =	swait.ge @p1 [sflag:s10], $0x800  }
0x9a: {  	[sflag:s10] =	ssyncset.done @p1 $0x0  }
0x9b: {  	s0 =	sadd.s32 @p1 $0x2A80, s0;
	[sflag:s10] =	ssyncadd.s32 @p1 $0xFFFFF800;
	s10 =	simm.s32 @p1 $0x7800  }
0x9c: {  	[spmem:s3] =	stream.indirect.scatter.add.f32 @p1 [tilespmem:s10], [sflag:$0x9], $0x10, s0, s7, $0xb8;
	[tilespmem:$0x10A80] =	vst v63  }
0x9d: {  	_ =	swait.ge @p1 [sflag:s8], $0x800  }
0x9e: {  	[sflag:s8] =	ssyncset.done @p1 $0x0  }
0x9f: {  	s0 =	sadd.s32 @!p1 $0x600, s30;
	s7 =	simm.s32 @!p1 $0x7000;
	[sflag:s8] =	ssyncadd.s32 @p1 $0xFFFFF800  }
0xa0: {  	[tilespmem:s7], [sflag:$0x5] =	stream.indirect.gather @!p1 [spmem:s4], $0x10, s0, s31, $0xb8;
	[tilespmem:$0x10A80] =	vst v63  }
0xa1: {  	s0 =	simm.s32 @!p1 $0x6  }
0xa2: {  	_ =	swait.ge @!p1 [sflag:s0], $0x800  }
0xa3: {  	[sflag:s0] =	ssyncset.done @!p1 $0x0  }
0xa4: {  	s7 =	simm.s32 @!p1 $0x7800;
	[sflag:s0] =	ssyncadd.s32 @!p1 $0xFFFFF800;
	s0 =	sadd.s32 @!p1 $0x2A80, s30  }
0xa5: {  	[spmem:s3] =	stream.indirect.scatter.add.f32 @!p1 [tilespmem:s7], [sflag:$0x9], $0x10, s0, s31, $0xb8;
	[tilespmem:$0x10A80] =	vst v63  }
0xa6: {  	_ =	swait.ge @!p1 [sflag:s9], $0x800  }
0xa7: {  	[sflag:s9] =	ssyncset.done @!p1 $0x0  }
0xa8: {  	s0 =	sadd.s32 @!p1 $0x680, s30;
	[sflag:s9] =	ssyncadd.s32 @!p1 $0xFFFFF800  }
0xa9: {  	[tilespmem:s7], [sflag:$0x6] =	stream.indirect.gather @!p1 [spmem:s4], $0x10, s0, s31, $0xb8;
	[tilespmem:$0x10A80] =	vst v63  }
0xaa: {  	_ =	swait.ge [sflag:s22], $0x800  }
0xab: {  	[sflag:s22] =	ssyncset.done $0x0  }
.Ltmp2:
0xac: {  	s31 =	sadd.s32 $0x2B00, s29;
	[sflag:s22] =	ssyncadd.s32 $0xFFFFF800;
	(pc) =	sbr.rel @p1 .LBB2_4-.Ltmp2, $4  }
0xad: {  	[spmem:s3] =	stream.indirect.scatter.add.f32 [tilespmem:s2], [sflag:$0x9], $0x10, s31, s19, $0xb8;
	[tilespmem:$0x10A80] =	vst v63  }
0xae: {  	_ =	swait.ge [sflag:s15], $0x800  }
0xaf: {  	[sflag:s15] =	ssyncset.done $0x0  }
0xb0: {  	s0 =	sadd.s32 $0x2B80, s29;
	[sflag:s15] =	ssyncadd.s32 $0xFFFFF800  }
0xb1: {  	s7 =	sadd.s32 $0x700, s29  }
0xb2: {  	[tilespmem:s2], [sflag:$0x7] =	stream.indirect.gather [spmem:s4], $0x10, s7, s19, $0xb8;
	[tilespmem:$0x10A80] =	vst v63  }
0xb3: {  	_ =	swait.ge [sflag:s24], $0x800  }
0xb4: {  	[sflag:s24] =	ssyncset.done $0x0  }
0xb5: {  	[sflag:s24] =	ssyncadd.s32 $0xFFFFF800  }
0xb6: {  	[spmem:s3] =	stream.indirect.scatter.add.f32 [tilespmem:s1], [sflag:$0x9], $0x10, s0, s19, $0xb8;
	[tilespmem:$0x10A80] =	vst v63  }
.Ltmp3:
0xb7: {  	_ = 	snop;
	(pc) =	sbr.rel .LBB2_2-.Ltmp3, $4  }
0xb8: {  	_ =	swait.ge [sflag:s15], $0x800  }
0xb9: {  	[sflag:s15] =	ssyncset.done $0x0  }
0xba: {  	s31 =	sadd.s32 $0x780, s29;
	s26 =	sadd.s32 $0x1000, s26;
	[sflag:s15] =	ssyncadd.s32 $0xFFFFF800  }
0xbb: {  	[tilespmem:s1], [sflag:$0x8] =	stream.indirect.gather [spmem:s4], $0x10, s31, s19, $0xb8;
	[tilespmem:$0x10A80] =	vst v63  }
.LBB2_5:
0xbc: {  	_ =	sfence.sel $0x180000  }
0xbd: {  	[bflag:$0x0] =	sbarrier.arrive $0xFFFF  }
0xbe: {  	_ =	strace $0x90000050  }
0xbf: {  	s0 =	stileid.u32;
	[bflag:$0x2] =	sbarrier.arrive $0xFFFF  }
0xc0: {  	p0 =	sne.s32 s0, $0x0;
	s0 =	rddreg [dreg:$0x4]  }
0xc1: {  	s0 =	sadd.s32 @!p0 $0x100000, s0  }
0xc2: {  	[sflag:s0] =	ssyncadd.tile.s32 @!p0 $0x1;
	_ =	shalt  }
.Lfunc_end2:
_tile_overlayer_lowered:
.L_overlay_start_2:
0xc3: {  	(tag) =	ssettag $0x2  }
0xc4: {  	s0 =	rddreg [dreg:$0x0];
	s2 =	stileid.u32  }
0xc5: {  	s1 =	rddreg [dreg:$0x1];
	p0 =	sne.s32 s2, $0x0  }
0xc6: {  	s3 =	rddreg [dreg:$0x2];
	[bflag:$0x3] =	sbarrier.arrive $0xFFFF;
	s2 =	simm.s32 @!p0 $0x1C09  }
0xc7: {  	[timem:s3], [sflag:s2] =	dma.local @!p0 [hbm:s0], s1  }
0xc8: {  	s0 =	simm.s32 @!p0 $0x9  }
0xc9: {  	_ =	swait.ge @!p0 [sflag:s0], s1  }
0xca: {  	s1 =	ssub.s32 @!p0 $0x0, s1;
	[sflag:s0] =	ssyncset.done @!p0 $0x0  }
0xcb: {  	[sflag:s0] =	ssyncadd.s32 @!p0 s1  }
0xcc: {  	[bflag:$0x3] =	sbarrier.arrive $0xFFFF  }
0xcd: {  	_ =	shalt  }

</sc_bundles>
